<compile_context>
chip_gen: v7x
topology: tpu7x:2x2x1
jax: 0.10.2.dev20260603
libtpu: 0.0.44.dev20260713+nightly
codegen_flags: <defaults>
</compile_context>

<pallas_src>
import functools

import jax
import jax.numpy as jnp
from jax import lax
from jax.experimental import pallas as pl
from jax.experimental.pallas import tpu as pltpu
from jax.experimental.pallas import tpu_sc as plsc

N = 10000
E = 320000
D = 128

NC = 2
NS = 16
LANES = 16

CHUNK = 128
CHUNKS_PER_TILE = 80
EDGES_PER_TILE = CHUNK * CHUNKS_PER_TILE
E_PAD = EDGES_PER_TILE * NC * NS
EDGES_PER_CORE = EDGES_PER_TILE * NS

GCH = 64
GNB = 5
SPLIT0 = 310
SPLIT1 = 10
CORE1_CHUNK_OFF = NS * SPLIT0
E_ALLOC = E_PAD + (GNB - 1) * GCH

TRASH = N
NP_ACC = 10240
ROWS_PER_TILE = NP_ACC // NS

_mesh = plsc.VectorSubcoreMesh(core_axis_name="c", subcore_axis_name="s")


def _pre_body(src_hbm, dst_hbm, sredir_hbm, dredir_hbm,
              sbuf, dbuf, sredir, dredir):
    c = lax.axis_index("c")
    t = lax.axis_index("s")
    tile_base = c * EDGES_PER_CORE + t * EDGES_PER_TILE

    def chunk_body(j, _):
        base = tile_base + j * CHUNK
        pltpu.sync_copy(src_hbm.at[pl.ds(base, CHUNK)], sbuf)
        pltpu.sync_copy(dst_hbm.at[pl.ds(base, CHUNK)], dbuf)
        for i in range(CHUNK // LANES):
            sl = pl.ds(i * LANES, LANES)
            s = sbuf[sl]
            d = dbuf[sl]
            m = s == d
            trash = jnp.full((LANES,), TRASH, jnp.int32)
            sredir[sl] = jnp.where(m, trash, s)
            dredir[sl] = jnp.where(m, trash, d)
        pltpu.sync_copy(sredir, sredir_hbm.at[pl.ds(base, CHUNK)])
        pltpu.sync_copy(dredir, dredir_hbm.at[pl.ds(base, CHUNK)])
        return 0

    lax.fori_loop(0, CHUNKS_PER_TILE, chunk_body, 0)


_preprocess = functools.partial(
    pl.kernel,
    out_type=(
        jax.ShapeDtypeStruct((E_ALLOC,), jnp.int32),
        jax.ShapeDtypeStruct((E_ALLOC,), jnp.int32),
    ),
    mesh=_mesh,
    scratch_types=[
        pltpu.VMEM((CHUNK,), jnp.int32),
        pltpu.VMEM((CHUNK,), jnp.int32),
        pltpu.VMEM((CHUNK,), jnp.int32),
        pltpu.VMEM((CHUNK,), jnp.int32),
    ],
)(_pre_body)


def _spmm_body(h_hbm, src_hbm, dstr_hbm, zrows_hbm, out_hbm,
               sbufs, dbufs, rowbufs, acc, isems, gsems):
    c = lax.axis_index("c")
    t = lax.axis_index("s")

    rsl = pl.ds(t * ROWS_PER_TILE, ROWS_PER_TILE)
    pltpu.sync_copy(zrows_hbm, acc.at[rsl])

    chunk_base = jnp.where(c == 0, t * SPLIT0, CORE1_CHUNK_OFF + t * SPLIT1)
    n_outer = jnp.where(c == 0, SPLIT0 // GNB, SPLIT1 // GNB)
    plsc.subcore_barrier()

    def idx_start(j, b):
        base = (chunk_base + j) * GCH
        cs = pltpu.async_copy(src_hbm.at[pl.ds(base, GCH)], sbufs[b], isems[b])
        cd = pltpu.async_copy(dstr_hbm.at[pl.ds(base, GCH)], dbufs[b], isems[b])
        return cs, cd

    def idx_wait(b):
        pltpu.make_async_copy(src_hbm.at[pl.ds(0, GCH)], sbufs[b], isems[b]).wait()
        pltpu.make_async_copy(dstr_hbm.at[pl.ds(0, GCH)], dbufs[b], isems[b]).wait()

    def gather_start(b):
        pltpu.async_copy(h_hbm.at[sbufs[b]], rowbufs[b], gsems[b])

    def gather_wait(b):
        pltpu.make_async_copy(h_hbm.at[sbufs[b]], rowbufs[b], gsems[b]).wait()

    for k in range(GNB - 1):
        idx_start(k, k)
    for k in range(GNB - 2):
        idx_wait(k)
        gather_start(k)

    def outer(o, _):
        j0 = o * GNB
        for b in range(GNB):
            ib = (b + GNB - 1) % GNB
            gb = (b + GNB - 2) % GNB
            idx_start(j0 + b + GNB - 1, ib)
            idx_wait(gb)
            gather_start(gb)
            gather_wait(b)
            pltpu.sync_copy(rowbufs[b], acc.at[dbufs[b]], add=True)
        return 0

    lax.fori_loop(0, n_outer, outer, 0)
    idx_wait(GNB - 2)
    for b in range(GNB - 2):
        gather_wait(b)
    plsc.subcore_barrier()

    pltpu.sync_copy(acc.at[rsl], out_hbm.at[c, rsl])


def _spmm_entry(h_hbm, src_hbm, dstr_hbm, zrows_hbm, out_hbm, *scratch):
    sbufs = scratch[0:GNB]
    dbufs = scratch[GNB:2 * GNB]
    rowbufs = scratch[2 * GNB:3 * GNB]
    acc = scratch[3 * GNB]
    isems = scratch[3 * GNB + 1:4 * GNB + 1]
    gsems = scratch[4 * GNB + 1:5 * GNB + 1]
    _spmm_body(h_hbm, src_hbm, dstr_hbm, zrows_hbm, out_hbm,
               sbufs, dbufs, rowbufs, acc, isems, gsems)


_spmm = functools.partial(
    pl.kernel,
    out_type=jax.ShapeDtypeStruct((NC, NP_ACC, D), jnp.float32),
    mesh=_mesh,
    scratch_types=(
        [pltpu.VMEM((GCH,), jnp.int32)] * GNB
        + [pltpu.VMEM((GCH,), jnp.int32)] * GNB
        + [pltpu.VMEM((GCH, D), jnp.float32)] * GNB
        + [pltpu.VMEM_SHARED((NP_ACC, D), jnp.float32)]
        + [pltpu.SemaphoreType.DMA] * GNB
        + [pltpu.SemaphoreType.DMA] * GNB
    ),
)(_spmm_entry)


def _deg_body(sredir_hbm, dredir_hbm, ones_hbm, zrows_hbm, cnts_hbm, cntd_hbm,
              ibuf, ones_v, acc):
    c = lax.axis_index("c")
    t = lax.axis_index("s")
    rsl = pl.ds(t * ROWS_PER_TILE, ROWS_PER_TILE)
    tile_base = c * EDGES_PER_CORE + t * EDGES_PER_TILE

    pltpu.sync_copy(ones_hbm, ones_v)

    for idx_hbm, out_hbm in ((dredir_hbm, cntd_hbm), (sredir_hbm, cnts_hbm)):
        pltpu.sync_copy(zrows_hbm, acc.at[rsl])
        plsc.subcore_barrier()

        def chunk_body(j, _):
            pltpu.sync_copy(idx_hbm.at[pl.ds(tile_base + j * CHUNK, CHUNK)], ibuf)
            pltpu.sync_copy(ones_v, acc.at[ibuf], add=True)
            return 0

        lax.fori_loop(0, CHUNKS_PER_TILE, chunk_body, 0)
        plsc.subcore_barrier()
        pltpu.sync_copy(acc.at[rsl], out_hbm.at[c, rsl])
        plsc.subcore_barrier()


_degrees = functools.partial(
    pl.kernel,
    out_type=(
        jax.ShapeDtypeStruct((NC, NP_ACC, D), jnp.float32),
        jax.ShapeDtypeStruct((NC, NP_ACC, D), jnp.float32),
    ),
    mesh=_mesh,
    scratch_types=[
        pltpu.VMEM((CHUNK,), jnp.int32),
        pltpu.VMEM((CHUNK, D), jnp.float32),
        pltpu.VMEM_SHARED((NP_ACC, D), jnp.float32),
    ],
)(_deg_body)


ROW_BLK = 1000


def _finalize_body(cnt_ref, o_ref):
    cnt = cnt_ref[0] + cnt_ref[1]
    o_ref[...] = lax.rsqrt(cnt + 1.0)


def _tc_finalize(cnt):
    return pl.pallas_call(
        _finalize_body,
        grid=(N // ROW_BLK,),
        in_specs=[pl.BlockSpec((NC, ROW_BLK, D), lambda i: (0, i, 0))],
        out_specs=pl.BlockSpec((ROW_BLK, D), lambda i: (i, 0)),
        out_shape=jax.ShapeDtypeStruct((N, D), jnp.float32),
    )(cnt)


def _prologue_body(x_ref, ns_ref, o_ref):
    o_ref[...] = x_ref[...] * ns_ref[...]


def _tc_prologue(x, ns):
    return pl.pallas_call(
        _prologue_body,
        grid=(N // ROW_BLK,),
        in_specs=[
            pl.BlockSpec((ROW_BLK, D), lambda i: (i, 0)),
            pl.BlockSpec((ROW_BLK, D), lambda i: (i, 0)),
        ],
        out_specs=pl.BlockSpec((ROW_BLK, D), lambda i: (i, 0)),
        out_shape=jax.ShapeDtypeStruct((N, D), jnp.float32),
    )(x, ns)


def _layer_body(agg_ref, hs_ref, ns_ref, nd_ref, w_ref, b_ref, o_ref,
                *, relu, scale_out):
    agg = agg_ref[0] + agg_ref[1] + hs_ref[...]
    z = agg * nd_ref[...]
    y = jnp.dot(z, w_ref[...], preferred_element_type=jnp.float32) + b_ref[...]
    if relu:
        y = jnp.maximum(y, 0.0)
    if scale_out:
        y = y * ns_ref[...]
    o_ref[...] = y


def _tc_layer(agg, hs, ns, nd, w, b, relu, scale_out):
    body = functools.partial(_layer_body, relu=relu, scale_out=scale_out)
    return pl.pallas_call(
        body,
        grid=(N // ROW_BLK,),
        in_specs=[
            pl.BlockSpec((NC, ROW_BLK, D), lambda i: (0, i, 0)),
            pl.BlockSpec((ROW_BLK, D), lambda i: (i, 0)),
            pl.BlockSpec((ROW_BLK, D), lambda i: (i, 0)),
            pl.BlockSpec((ROW_BLK, D), lambda i: (i, 0)),
            pl.BlockSpec((D, D), lambda i: (0, 0)),
            pl.BlockSpec((1, D), lambda i: (0, 0)),
        ],
        out_specs=pl.BlockSpec((ROW_BLK, D), lambda i: (i, 0)),
        out_shape=jax.ShapeDtypeStruct((N, D), jnp.float32),
    )(agg, hs, ns, nd, w, b)


def kernel(x, edge_index, W0, b0, W1, b1, W2, b2):
    src = edge_index[0]
    dst = edge_index[1]
    pad = jnp.zeros((E_ALLOC - E,), jnp.int32)
    srcp = jnp.concatenate([src, pad])
    dstp = jnp.concatenate([dst, pad])
    zrows = jnp.zeros((ROWS_PER_TILE, D), jnp.float32)
    ones_blk = jnp.ones((CHUNK, D), jnp.float32)

    sredir, dredir = _preprocess(srcp, dstp)

    cnt_s, cnt_d = _degrees(sredir, dredir, ones_blk, zrows)
    nd = _tc_finalize(cnt_d)
    ns = _tc_finalize(cnt_s)

    h0s = _tc_prologue(x, ns)
    agg0 = _spmm(h0s, srcp, dredir, zrows)
    h1s = _tc_layer(agg0, h0s, ns, nd, W0, b0.reshape(1, D), True, True)
    agg1 = _spmm(h1s, srcp, dredir, zrows)
    h2s = _tc_layer(agg1, h1s, ns, nd, W1, b1.reshape(1, D), True, True)
    agg2 = _spmm(h2s, srcp, dredir, zrows)
    out = _tc_layer(agg2, h2s, ns, nd, W2, b2.reshape(1, D), False, False)
    return out

# --- scband reference (transcript-rebuilt; emitter-appended) ---
"""Pipeline reference for scband-gcn-36507222016013 (READ-ONLY COPY).

The authoritative reference and input builder live on the scoring server;
editing this copy changes nothing except your own understanding.
"""

import jax, jax.numpy as jnp
import numpy as np

N = 10000
E = 320000
D = 128
H = 128

def _glorot(key, fan_in, fan_out):
    std = np.sqrt(2.0 / (fan_in + fan_out))
    return jax.random.normal(key, (fan_in, fan_out), dtype=jnp.float32) * std

def setup_inputs(seed: int = 0) -> dict:
    key = jax.random.key(seed)
    ks = jax.random.split(key, 8)
    x = jax.random.normal(ks[0], (N, D), dtype=jnp.float32)
    edge_index = jax.random.randint(ks[1], (2, E), 0, N, dtype=jnp.int32)
    W0 = _glorot(ks[2], D, H)
    b0 = jnp.zeros((H,), jnp.float32)
    W1 = _glorot(ks[3], H, H)
    b1 = jnp.zeros((H,), jnp.float32)
    W2 = _glorot(ks[4], H, H)
    b2 = jnp.zeros((H,), jnp.float32)
    return {"x": x, "edge_index": edge_index, "W0": W0, "b0": b0, "W1": W1, "b1": b1, "W2": W2, "b2": b2}

def _gcn_layer(x, W, b, src, dst, ew):
    # DGL GraphConv with norm='both': out = D_in^{-1/2} A D_out^{-1/2} x W + b
    deg_out = jnp.zeros((N,), jnp.float32).at[src].add(ew)
    deg_in = jnp.zeros((N,), jnp.float32).at[dst].add(ew)
    ns = jnp.where(deg_out > 0, jax.lax.rsqrt(jnp.maximum(deg_out, 1e-12)), 0.0)
    nd = jnp.where(deg_in > 0, jax.lax.rsqrt(jnp.maximum(deg_in, 1e-12)), 0.0)
    h = x * ns[:, None]
    msg = h[src] * ew[:, None]
    agg = jnp.zeros((N, h.shape[1]), jnp.float32).at[dst].add(msg)
    h = agg * nd[:, None]
    return h @ W + b

def reference(x, edge_index, W0, b0, W1, b1, W2, b2):
    # remove_self_loop: zero-weight any existing self loops (static shapes)
    src0, dst0 = edge_index[0], edge_index[1]
    mask = (src0 != dst0).astype(jnp.float32)
    # add_self_loop: append one self loop per node
    loop = jnp.arange(N, dtype=edge_index.dtype)
    src = jnp.concatenate([src0, loop])
    dst = jnp.concatenate([dst0, loop])
    ew = jnp.concatenate([mask, jnp.ones((N,), jnp.float32)])
    # dropout is identity in eval mode
    h = jax.nn.relu(_gcn_layer(x, W0, b0, src, dst, ew))
    h = jax.nn.relu(_gcn_layer(h, W1, b1, src, dst, ew))
    h = _gcn_layer(h, W2, b2, src, dst, ew)
    return h

if __name__ == "__main__":
    import jax
    _d = setup_inputs()
    print(jax.jit(kernel)(*tuple(_d.values())))

</pallas_src>

<mosaic_0001>
#map = affine_map<(d0, d1) -> (0, 0)>
#map1 = affine_map<(d0, d1) -> (0)>
#map2 = affine_map<(d0, d1) -> (0, 0, 0)>
module attributes {stable_mosaic.version = 14 : i64} {
  func.func @_spmm_entry(%arg0: i32, %arg1: i32, %arg2: memref<10000x128xf32, #tpu.memory_space<hbm>>, %arg3: memref<327936xi32, #tpu.memory_space<hbm>>, %arg4: memref<327936xi32, #tpu.memory_space<hbm>>, %arg5: memref<640x128xf32, #tpu.memory_space<hbm>>, %arg6: memref<2x10240x128xf32, #tpu.memory_space<hbm>>, %arg7: memref<64xi32, #tpu.memory_space<vmem>>, %arg8: memref<64xi32, #tpu.memory_space<vmem>>, %arg9: memref<64xi32, #tpu.memory_space<vmem>>, %arg10: memref<64xi32, #tpu.memory_space<vmem>>, %arg11: memref<64xi32, #tpu.memory_space<vmem>>, %arg12: memref<64xi32, #tpu.memory_space<vmem>>, %arg13: memref<64xi32, #tpu.memory_space<vmem>>, %arg14: memref<64xi32, #tpu.memory_space<vmem>>, %arg15: memref<64xi32, #tpu.memory_space<vmem>>, %arg16: memref<64xi32, #tpu.memory_space<vmem>>, %arg17: memref<64x128xf32, #tpu.memory_space<vmem>>, %arg18: memref<64x128xf32, #tpu.memory_space<vmem>>, %arg19: memref<64x128xf32, #tpu.memory_space<vmem>>, %arg20: memref<64x128xf32, #tpu.memory_space<vmem>>, %arg21: memref<64x128xf32, #tpu.memory_space<vmem>>, %arg22: memref<10240x128xf32, #tpu.memory_space<vmem_shared>>, %arg23: memref<!tpu.dma_semaphore, #tpu.memory_space<semaphore_mem>>, %arg24: memref<!tpu.dma_semaphore, #tpu.memory_space<semaphore_mem>>, %arg25: memref<!tpu.dma_semaphore, #tpu.memory_space<semaphore_mem>>, %arg26: memref<!tpu.dma_semaphore, #tpu.memory_space<semaphore_mem>>, %arg27: memref<!tpu.dma_semaphore, #tpu.memory_space<semaphore_mem>>, %arg28: memref<!tpu.dma_semaphore, #tpu.memory_space<semaphore_mem>>, %arg29: memref<!tpu.dma_semaphore, #tpu.memory_space<semaphore_mem>>, %arg30: memref<!tpu.dma_semaphore, #tpu.memory_space<semaphore_mem>>, %arg31: memref<!tpu.dma_semaphore, #tpu.memory_space<semaphore_mem>>, %arg32: memref<!tpu.dma_semaphore, #tpu.memory_space<semaphore_mem>>) attributes {dimension_semantics = [#tpu.dimension_semantics<core_parallel>, #tpu.dimension_semantics<subcore_parallel>], iteration_bounds = array<i64: 2, 16>, scalar_prefetch = 0 : i64, scratch_operands = 26 : i64, tpu.core_type = #tpu.core_type<sc_vector_subcore>, window_params = [{transform_indices = #map}, {transform_indices = #map1}, {transform_indices = #map1}, {transform_indices = #map}, {transform_indices = #map2}]} {
    %mul3A = arith.constant 640 : i32
    %mul3A_0 = arith.muli %arg1, %mul3A : i32
    "tpu.region"() ({
      %run_scoped3A = tpu.sem_alloc : memref<!tpu.dma_semaphore, #tpu.memory_space<semaphore_mem>>
      %dma_start3A_103 = arith.constant 0 : i32
      %dma_start3A_104 = tpu.memref_slice %arg22[%mul3A_0, %dma_start3A_103] : memref<10240x128xf32, #tpu.memory_space<vmem_shared>> -> memref<640x128xf32, #tpu.memory_space<vmem_shared>>
      tpu.enqueue_dma source(%arg5 : memref<640x128xf32, #tpu.memory_space<hbm>>) target(%dma_start3A_104 : memref<640x128xf32, #tpu.memory_space<vmem_shared>>) target_semaphore(%run_scoped3A : memref<!tpu.dma_semaphore, #tpu.memory_space<semaphore_mem>>)
      %dma_wait3A_105 = arith.constant 0 : i32
      %dma_wait3A_106 = tpu.memref_slice %arg22[%mul3A_0, %dma_wait3A_105] : memref<10240x128xf32, #tpu.memory_space<vmem_shared>> -> memref<640x128xf32, #tpu.memory_space<vmem_shared>>
      tpu.wait_dma2 semaphore(%run_scoped3A : memref<!tpu.dma_semaphore, #tpu.memory_space<semaphore_mem>>) src(%arg5 : memref<640x128xf32, #tpu.memory_space<hbm>>) dst(%dma_wait3A_106 : memref<640x128xf32, #tpu.memory_space<vmem_shared>>)
      tpu.yield
    }) : () -> ()
    %eq3A = arith.constant 0 : i32
    %eq3A_1 = arith.cmpi eq, %arg0, %eq3A : i32
    %mul3A_2 = arith.constant 310 : i32
    %mul3A_3 = arith.muli %arg1, %mul3A_2 : i32
    %mul3A_4 = arith.constant 10 : i32
    %mul3A_5 = arith.muli %arg1, %mul3A_4 : i32
    %add3A = arith.constant 4960 : i32
    %add3A_6 = arith.addi %add3A, %mul3A_5 : i32
    %select_n3A = arith.select %eq3A_1, %mul3A_3, %add3A_6 : i32
    %eq3A_7 = arith.constant 0 : i32
    %eq3A_8 = arith.cmpi eq, %arg0, %eq3A_7 : i32
    %jit3A = arith.constant 62 : i32
    %jit3A_9 = arith.constant 2 : i32
    %select_n3A_10 = arith.select %eq3A_8, %jit3A, %jit3A_9 : i32
    %barrier3A = arith.constant 0 : index
    tpu.barrier barrier_id(%barrier3A)
    %add3A_11 = arith.constant 0 : i32
    %add3A_12 = arith.addi %select_n3A, %add3A_11 : i32
    %mul3A_13 = arith.constant 64 : i32
    %mul3A_14 = arith.muli %add3A_12, %mul3A_13 : i32
    %dma_start3A = tpu.memref_slice %arg3[%mul3A_14] : memref<327936xi32, #tpu.memory_space<hbm>> -> memref<64xi32, #tpu.memory_space<hbm>>
    %dma_start3A_15 = tpu.memref_slice %arg3[%mul3A_14] : memref<327936xi32, #tpu.memory_space<hbm>> -> memref<64xi32, #tpu.memory_space<hbm>>
    tpu.enqueue_dma source(%dma_start3A_15 : memref<64xi32, #tpu.memory_space<hbm>>) target(%arg7 : memref<64xi32, #tpu.memory_space<vmem>>) target_semaphore(%arg23 : memref<!tpu.dma_semaphore, #tpu.memory_space<semaphore_mem>>)
    %dma_start3A_16 = tpu.memref_slice %arg4[%mul3A_14] : memref<327936xi32, #tpu.memory_space<hbm>> -> memref<64xi32, #tpu.memory_space<hbm>>
    %dma_start3A_17 = tpu.memref_slice %arg4[%mul3A_14] : memref<327936xi32, #tpu.memory_space<hbm>> -> memref<64xi32, #tpu.memory_space<hbm>>
    tpu.enqueue_dma source(%dma_start3A_17 : memref<64xi32, #tpu.memory_space<hbm>>) target(%arg12 : memref<64xi32, #tpu.memory_space<vmem>>) target_semaphore(%arg23 : memref<!tpu.dma_semaphore, #tpu.memory_space<semaphore_mem>>)
    %add3A_18 = arith.constant 1 : i32
    %add3A_19 = arith.addi %select_n3A, %add3A_18 : i32
    %mul3A_20 = arith.constant 64 : i32
    %mul3A_21 = arith.muli %add3A_19, %mul3A_20 : i32
    %dma_start3A_22 = tpu.memref_slice %arg3[%mul3A_21] : memref<327936xi32, #tpu.memory_space<hbm>> -> memref<64xi32, #tpu.memory_space<hbm>>
    %dma_start3A_23 = tpu.memref_slice %arg3[%mul3A_21] : memref<327936xi32, #tpu.memory_space<hbm>> -> memref<64xi32, #tpu.memory_space<hbm>>
    tpu.enqueue_dma source(%dma_start3A_23 : memref<64xi32, #tpu.memory_space<hbm>>) target(%arg8 : memref<64xi32, #tpu.memory_space<vmem>>) target_semaphore(%arg24 : memref<!tpu.dma_semaphore, #tpu.memory_space<semaphore_mem>>)
    %dma_start3A_24 = tpu.memref_slice %arg4[%mul3A_21] : memref<327936xi32, #tpu.memory_space<hbm>> -> memref<64xi32, #tpu.memory_space<hbm>>
    %dma_start3A_25 = tpu.memref_slice %arg4[%mul3A_21] : memref<327936xi32, #tpu.memory_space<hbm>> -> memref<64xi32, #tpu.memory_space<hbm>>
    tpu.enqueue_dma source(%dma_start3A_25 : memref<64xi32, #tpu.memory_space<hbm>>) target(%arg13 : memref<64xi32, #tpu.memory_space<vmem>>) target_semaphore(%arg24 : memref<!tpu.dma_semaphore, #tpu.memory_space<semaphore_mem>>)
    %add3A_26 = arith.constant 2 : i32
    %add3A_27 = arith.addi %select_n3A, %add3A_26 : i32
    %mul3A_28 = arith.constant 64 : i32
    %mul3A_29 = arith.muli %add3A_27, %mul3A_28 : i32
    %dma_start3A_30 = tpu.memref_slice %arg3[%mul3A_29] : memref<327936xi32, #tpu.memory_space<hbm>> -> memref<64xi32, #tpu.memory_space<hbm>>
    %dma_start3A_31 = tpu.memref_slice %arg3[%mul3A_29] : memref<327936xi32, #tpu.memory_space<hbm>> -> memref<64xi32, #tpu.memory_space<hbm>>
    tpu.enqueue_dma source(%dma_start3A_31 : memref<64xi32, #tpu.memory_space<hbm>>) target(%arg9 : memref<64xi32, #tpu.memory_space<vmem>>) target_semaphore(%arg25 : memref<!tpu.dma_semaphore, #tpu.memory_space<semaphore_mem>>)
    %dma_start3A_32 = tpu.memref_slice %arg4[%mul3A_29] : memref<327936xi32, #tpu.memory_space<hbm>> -> memref<64xi32, #tpu.memory_space<hbm>>
    %dma_start3A_33 = tpu.memref_slice %arg4[%mul3A_29] : memref<327936xi32, #tpu.memory_space<hbm>> -> memref<64xi32, #tpu.memory_space<hbm>>
    tpu.enqueue_dma source(%dma_start3A_33 : memref<64xi32, #tpu.memory_space<hbm>>) target(%arg14 : memref<64xi32, #tpu.memory_space<vmem>>) target_semaphore(%arg25 : memref<!tpu.dma_semaphore, #tpu.memory_space<semaphore_mem>>)
    %add3A_34 = arith.constant 3 : i32
    %add3A_35 = arith.addi %select_n3A, %add3A_34 : i32
    %mul3A_36 = arith.constant 64 : i32
    %mul3A_37 = arith.muli %add3A_35, %mul3A_36 : i32
    %dma_start3A_38 = tpu.memref_slice %arg3[%mul3A_37] : memref<327936xi32, #tpu.memory_space<hbm>> -> memref<64xi32, #tpu.memory_space<hbm>>
    %dma_start3A_39 = tpu.memref_slice %arg3[%mul3A_37] : memref<327936xi32, #tpu.memory_space<hbm>> -> memref<64xi32, #tpu.memory_space<hbm>>
    tpu.enqueue_dma source(%dma_start3A_39 : memref<64xi32, #tpu.memory_space<hbm>>) target(%arg10 : memref<64xi32, #tpu.memory_space<vmem>>) target_semaphore(%arg26 : memref<!tpu.dma_semaphore, #tpu.memory_space<semaphore_mem>>)
    %dma_start3A_40 = tpu.memref_slice %arg4[%mul3A_37] : memref<327936xi32, #tpu.memory_space<hbm>> -> memref<64xi32, #tpu.memory_space<hbm>>
    %dma_start3A_41 = tpu.memref_slice %arg4[%mul3A_37] : memref<327936xi32, #tpu.memory_space<hbm>> -> memref<64xi32, #tpu.memory_space<hbm>>
    tpu.enqueue_dma source(%dma_start3A_41 : memref<64xi32, #tpu.memory_space<hbm>>) target(%arg15 : memref<64xi32, #tpu.memory_space<vmem>>) target_semaphore(%arg26 : memref<!tpu.dma_semaphore, #tpu.memory_space<semaphore_mem>>)
    %dma_wait3A = arith.constant 0 : i32
    %dma_wait3A_42 = tpu.memref_slice %arg3[%dma_wait3A] : memref<327936xi32, #tpu.memory_space<hbm>> -> memref<64xi32, #tpu.memory_space<hbm>>
    %dma_wait3A_43 = arith.constant 0 : i32
    %dma_wait3A_44 = tpu.memref_slice %arg3[%dma_wait3A_43] : memref<327936xi32, #tpu.memory_space<hbm>> -> memref<64xi32, #tpu.memory_space<hbm>>
    tpu.wait_dma2 semaphore(%arg23 : memref<!tpu.dma_semaphore, #tpu.memory_space<semaphore_mem>>) src(%dma_wait3A_44 : memref<64xi32, #tpu.memory_space<hbm>>) dst(%arg7 : memref<64xi32, #tpu.memory_space<vmem>>)
    %dma_wait3A_45 = arith.constant 0 : i32
    %dma_wait3A_46 = tpu.memref_slice %arg4[%dma_wait3A_45] : memref<327936xi32, #tpu.memory_space<hbm>> -> memref<64xi32, #tpu.memory_space<hbm>>
    %dma_wait3A_47 = arith.constant 0 : i32
    %dma_wait3A_48 = tpu.memref_slice %arg4[%dma_wait3A_47] : memref<327936xi32, #tpu.memory_space<hbm>> -> memref<64xi32, #tpu.memory_space<hbm>>
    tpu.wait_dma2 semaphore(%arg23 : memref<!tpu.dma_semaphore, #tpu.memory_space<semaphore_mem>>) src(%dma_wait3A_48 : memref<64xi32, #tpu.memory_space<hbm>>) dst(%arg12 : memref<64xi32, #tpu.memory_space<vmem>>)
    %dma_start3A_49 = arith.constant 0 : i32
    %dma_start3A_50 = arith.constant 0 : i32
    %dma_start3A_51 = tpu.memref_slice %arg2[%dma_start3A_49, %dma_start3A_50] : memref<10000x128xf32, #tpu.memory_space<hbm>> -> memref<10000x128xf32, #tpu.memory_space<hbm>>
    tpu.enqueue_indirect_dma source(%dma_start3A_51 : memref<10000x128xf32, #tpu.memory_space<hbm>>) target(%arg17 : memref<64x128xf32, #tpu.memory_space<vmem>>) offsets(%arg7 : memref<64xi32, #tpu.memory_space<vmem>>) semaphore(%arg28 : memref<!tpu.dma_semaphore, #tpu.memory_space<semaphore_mem>>)
    %dma_wait3A_52 = arith.constant 0 : i32
    %dma_wait3A_53 = tpu.memref_slice %arg3[%dma_wait3A_52] : memref<327936xi32, #tpu.memory_space<hbm>> -> memref<64xi32, #tpu.memory_space<hbm>>
    %dma_wait3A_54 = arith.constant 0 : i32
    %dma_wait3A_55 = tpu.memref_slice %arg3[%dma_wait3A_54] : memref<327936xi32, #tpu.memory_space<hbm>> -> memref<64xi32, #tpu.memory_space<hbm>>
    tpu.wait_dma2 semaphore(%arg24 : memref<!tpu.dma_semaphore, #tpu.memory_space<semaphore_mem>>) src(%dma_wait3A_55 : memref<64xi32, #tpu.memory_space<hbm>>) dst(%arg8 : memref<64xi32, #tpu.memory_space<vmem>>)
    %dma_wait3A_56 = arith.constant 0 : i32
    %dma_wait3A_57 = tpu.memref_slice %arg4[%dma_wait3A_56] : memref<327936xi32, #tpu.memory_space<hbm>> -> memref<64xi32, #tpu.memory_space<hbm>>
    %dma_wait3A_58 = arith.constant 0 : i32
    %dma_wait3A_59 = tpu.memref_slice %arg4[%dma_wait3A_58] : memref<327936xi32, #tpu.memory_space<hbm>> -> memref<64xi32, #tpu.memory_space<hbm>>
    tpu.wait_dma2 semaphore(%arg24 : memref<!tpu.dma_semaphore, #tpu.memory_space<semaphore_mem>>) src(%dma_wait3A_59 : memref<64xi32, #tpu.memory_space<hbm>>) dst(%arg13 : memref<64xi32, #tpu.memory_space<vmem>>)
    %dma_start3A_60 = arith.constant 0 : i32
    %dma_start3A_61 = arith.constant 0 : i32
    %dma_start3A_62 = tpu.memref_slice %arg2[%dma_start3A_60, %dma_start3A_61] : memref<10000x128xf32, #tpu.memory_space<hbm>> -> memref<10000x128xf32, #tpu.memory_space<hbm>>
    tpu.enqueue_indirect_dma source(%dma_start3A_62 : memref<10000x128xf32, #tpu.memory_space<hbm>>) target(%arg18 : memref<64x128xf32, #tpu.memory_space<vmem>>) offsets(%arg8 : memref<64xi32, #tpu.memory_space<vmem>>) semaphore(%arg29 : memref<!tpu.dma_semaphore, #tpu.memory_space<semaphore_mem>>)
    %dma_wait3A_63 = arith.constant 0 : i32
    %dma_wait3A_64 = tpu.memref_slice %arg3[%dma_wait3A_63] : memref<327936xi32, #tpu.memory_space<hbm>> -> memref<64xi32, #tpu.memory_space<hbm>>
    %dma_wait3A_65 = arith.constant 0 : i32
    %dma_wait3A_66 = tpu.memref_slice %arg3[%dma_wait3A_65] : memref<327936xi32, #tpu.memory_space<hbm>> -> memref<64xi32, #tpu.memory_space<hbm>>
    tpu.wait_dma2 semaphore(%arg25 : memref<!tpu.dma_semaphore, #tpu.memory_space<semaphore_mem>>) src(%dma_wait3A_66 : memref<64xi32, #tpu.memory_space<hbm>>) dst(%arg9 : memref<64xi32, #tpu.memory_space<vmem>>)
    %dma_wait3A_67 = arith.constant 0 : i32
    %dma_wait3A_68 = tpu.memref_slice %arg4[%dma_wait3A_67] : memref<327936xi32, #tpu.memory_space<hbm>> -> memref<64xi32, #tpu.memory_space<hbm>>
    %dma_wait3A_69 = arith.constant 0 : i32
    %dma_wait3A_70 = tpu.memref_slice %arg4[%dma_wait3A_69] : memref<327936xi32, #tpu.memory_space<hbm>> -> memref<64xi32, #tpu.memory_space<hbm>>
    tpu.wait_dma2 semaphore(%arg25 : memref<!tpu.dma_semaphore, #tpu.memory_space<semaphore_mem>>) src(%dma_wait3A_70 : memref<64xi32, #tpu.memory_space<hbm>>) dst(%arg14 : memref<64xi32, #tpu.memory_space<vmem>>)
    %dma_start3A_71 = arith.constant 0 : i32
    %dma_start3A_72 = arith.constant 0 : i32
    %dma_start3A_73 = tpu.memref_slice %arg2[%dma_start3A_71, %dma_start3A_72] : memref<10000x128xf32, #tpu.memory_space<hbm>> -> memref<10000x128xf32, #tpu.memory_space<hbm>>
    tpu.enqueue_indirect_dma source(%dma_start3A_73 : memref<10000x128xf32, #tpu.memory_space<hbm>>) target(%arg19 : memref<64x128xf32, #tpu.memory_space<vmem>>) offsets(%arg9 : memref<64xi32, #tpu.memory_space<vmem>>) semaphore(%arg30 : memref<!tpu.dma_semaphore, #tpu.memory_space<semaphore_mem>>)
    %while3A = arith.constant 0 : i32
    %while3A_74 = arith.constant 0 : i32
    %while3A_75 = arith.subi %select_n3A_10, %while3A : i32
    %while3A_76 = arith.addi %while3A, %while3A_75 : i32
    %while3A_77 = arith.constant 1 : i32
    %while3A_78 = arith.divsi %while3A_75, %while3A_77 : i32
    %while3A_79 = arith.muli %while3A_78, %while3A_77 : i32
    %while3A_80 = arith.addi %while3A, %while3A_79 : i32
    %while3A_81 = arith.constant 1 : i32
    %while3A_82 = scf.for %while3A_103 = %while3A to %while3A_80 step %while3A_81 iter_args(%while3A_104 = %while3A_74) -> (i32)  : i32 {
      %mul3A_105 = arith.constant 5 : i32
      %mul3A_106 = arith.muli %while3A_103, %mul3A_105 : i32
      %add3A_107 = arith.constant 0 : i32
      %add3A_108 = arith.addi %mul3A_106, %add3A_107 : i32
      %add3A_109 = arith.constant 5 : i32
      %add3A_110 = arith.addi %add3A_108, %add3A_109 : i32
      %sub3A = arith.constant 1 : i32
      %sub3A_111 = arith.subi %add3A_110, %sub3A : i32
      %add3A_112 = arith.addi %select_n3A, %sub3A_111 : i32
      %mul3A_113 = arith.constant 64 : i32
      %mul3A_114 = arith.muli %add3A_112, %mul3A_113 : i32
      %dma_start3A_115 = tpu.memref_slice %arg3[%mul3A_114] : memref<327936xi32, #tpu.memory_space<hbm>> -> memref<64xi32, #tpu.memory_space<hbm>>
      %dma_start3A_116 = tpu.memref_slice %arg3[%mul3A_114] : memref<327936xi32, #tpu.memory_space<hbm>> -> memref<64xi32, #tpu.memory_space<hbm>>
      tpu.enqueue_dma source(%dma_start3A_116 : memref<64xi32, #tpu.memory_space<hbm>>) target(%arg11 : memref<64xi32, #tpu.memory_space<vmem>>) target_semaphore(%arg27 : memref<!tpu.dma_semaphore, #tpu.memory_space<semaphore_mem>>)
      %dma_start3A_117 = tpu.memref_slice %arg4[%mul3A_114] : memref<327936xi32, #tpu.memory_space<hbm>> -> memref<64xi32, #tpu.memory_space<hbm>>
      %dma_start3A_118 = tpu.memref_slice %arg4[%mul3A_114] : memref<327936xi32, #tpu.memory_space<hbm>> -> memref<64xi32, #tpu.memory_space<hbm>>
      tpu.enqueue_dma source(%dma_start3A_118 : memref<64xi32, #tpu.memory_space<hbm>>) target(%arg16 : memref<64xi32, #tpu.memory_space<vmem>>) target_semaphore(%arg27 : memref<!tpu.dma_semaphore, #tpu.memory_space<semaphore_mem>>)
      %dma_wait3A_119 = arith.constant 0 : i32
      %dma_wait3A_120 = tpu.memref_slice %arg3[%dma_wait3A_119] : memref<327936xi32, #tpu.memory_space<hbm>> -> memref<64xi32, #tpu.memory_space<hbm>>
      %dma_wait3A_121 = arith.constant 0 : i32
      %dma_wait3A_122 = tpu.memref_slice %arg3[%dma_wait3A_121] : memref<327936xi32, #tpu.memory_space<hbm>> -> memref<64xi32, #tpu.memory_space<hbm>>
      tpu.wait_dma2 semaphore(%arg26 : memref<!tpu.dma_semaphore, #tpu.memory_space<semaphore_mem>>) src(%dma_wait3A_122 : memref<64xi32, #tpu.memory_space<hbm>>) dst(%arg10 : memref<64xi32, #tpu.memory_space<vmem>>)
      %dma_wait3A_123 = arith.constant 0 : i32
      %dma_wait3A_124 = tpu.memref_slice %arg4[%dma_wait3A_123] : memref<327936xi32, #tpu.memory_space<hbm>> -> memref<64xi32, #tpu.memory_space<hbm>>
      %dma_wait3A_125 = arith.constant 0 : i32
      %dma_wait3A_126 = tpu.memref_slice %arg4[%dma_wait3A_125] : memref<327936xi32, #tpu.memory_space<hbm>> -> memref<64xi32, #tpu.memory_space<hbm>>
      tpu.wait_dma2 semaphore(%arg26 : memref<!tpu.dma_semaphore, #tpu.memory_space<semaphore_mem>>) src(%dma_wait3A_126 : memref<64xi32, #tpu.memory_space<hbm>>) dst(%arg15 : memref<64xi32, #tpu.memory_space<vmem>>)
      %dma_start3A_127 = arith.constant 0 : i32
      %dma_start3A_128 = arith.constant 0 : i32
      %dma_start3A_129 = tpu.memref_slice %arg2[%dma_start3A_127, %dma_start3A_128] : memref<10000x128xf32, #tpu.memory_space<hbm>> -> memref<10000x128xf32, #tpu.memory_space<hbm>>
      tpu.enqueue_indirect_dma source(%dma_start3A_129 : memref<10000x128xf32, #tpu.memory_space<hbm>>) target(%arg20 : memref<64x128xf32, #tpu.memory_space<vmem>>) offsets(%arg10 : memref<64xi32, #tpu.memory_space<vmem>>) semaphore(%arg31 : memref<!tpu.dma_semaphore, #tpu.memory_space<semaphore_mem>>)
      %dma_wait3A_130 = arith.constant 0 : i32
      %dma_wait3A_131 = arith.constant 0 : i32
      %dma_wait3A_132 = tpu.memref_slice %arg2[%dma_wait3A_130, %dma_wait3A_131] : memref<10000x128xf32, #tpu.memory_space<hbm>> -> memref<10000x128xf32, #tpu.memory_space<hbm>>
      tpu.wait_indirect_dma semaphore(%arg28 : memref<!tpu.dma_semaphore, #tpu.memory_space<semaphore_mem>>) src(%dma_wait3A_132 : memref<10000x128xf32, #tpu.memory_space<hbm>>) dst(%arg17 : memref<64x128xf32, #tpu.memory_space<vmem>>)
      "tpu.region"() ({
        %run_scoped3A = tpu.sem_alloc : memref<!tpu.dma_semaphore, #tpu.memory_space<semaphore_mem>>
        %dma_start3A_242 = arith.constant 0 : i32
        %dma_start3A_243 = arith.constant 0 : i32
        %dma_start3A_244 = tpu.memref_slice %arg22[%dma_start3A_242, %dma_start3A_243] : memref<10240x128xf32, #tpu.memory_space<vmem_shared>> -> memref<10240x128xf32, #tpu.memory_space<vmem_shared>>
        tpu.enqueue_indirect_dma source(%arg17 : memref<64x128xf32, #tpu.memory_space<vmem>>) target(%dma_start3A_244 : memref<10240x128xf32, #tpu.memory_space<vmem_shared>>) offsets(%arg12 : memref<64xi32, #tpu.memory_space<vmem>>) semaphore(%run_scoped3A : memref<!tpu.dma_semaphore, #tpu.memory_space<semaphore_mem>>) {add = true}
        %dma_wait3A_245 = arith.constant 0 : i32
        %dma_wait3A_246 = arith.constant 0 : i32
        %dma_wait3A_247 = tpu.memref_slice %arg22[%dma_wait3A_245, %dma_wait3A_246] : memref<10240x128xf32, #tpu.memory_space<vmem_shared>> -> memref<10240x128xf32, #tpu.memory_space<vmem_shared>>
        tpu.wait_indirect_dma semaphore(%run_scoped3A : memref<!tpu.dma_semaphore, #tpu.memory_space<semaphore_mem>>) src(%arg17 : memref<64x128xf32, #tpu.memory_space<vmem>>) dst(%dma_wait3A_247 : memref<10240x128xf32, #tpu.memory_space<vmem_shared>>)
        tpu.yield
      }) : () -> ()
      %add3A_133 = arith.constant 1 : i32
      %add3A_134 = arith.addi %mul3A_106, %add3A_133 : i32
      %add3A_135 = arith.constant 5 : i32
      %add3A_136 = arith.addi %add3A_134, %add3A_135 : i32
      %sub3A_137 = arith.constant 1 : i32
      %sub3A_138 = arith.subi %add3A_136, %sub3A_137 : i32
      %add3A_139 = arith.addi %select_n3A, %sub3A_138 : i32
      %mul3A_140 = arith.constant 64 : i32
      %mul3A_141 = arith.muli %add3A_139, %mul3A_140 : i32
      %dma_start3A_142 = tpu.memref_slice %arg3[%mul3A_141] : memref<327936xi32, #tpu.memory_space<hbm>> -> memref<64xi32, #tpu.memory_space<hbm>>
      %dma_start3A_143 = tpu.memref_slice %arg3[%mul3A_141] : memref<327936xi32, #tpu.memory_space<hbm>> -> memref<64xi32, #tpu.memory_space<hbm>>
      tpu.enqueue_dma source(%dma_start3A_143 : memref<64xi32, #tpu.memory_space<hbm>>) target(%arg7 : memref<64xi32, #tpu.memory_space<vmem>>) target_semaphore(%arg23 : memref<!tpu.dma_semaphore, #tpu.memory_space<semaphore_mem>>)
      %dma_start3A_144 = tpu.memref_slice %arg4[%mul3A_141] : memref<327936xi32, #tpu.memory_space<hbm>> -> memref<64xi32, #tpu.memory_space<hbm>>
      %dma_start3A_145 = tpu.memref_slice %arg4[%mul3A_141] : memref<327936xi32, #tpu.memory_space<hbm>> -> memref<64xi32, #tpu.memory_space<hbm>>
      tpu.enqueue_dma source(%dma_start3A_145 : memref<64xi32, #tpu.memory_space<hbm>>) target(%arg12 : memref<64xi32, #tpu.memory_space<vmem>>) target_semaphore(%arg23 : memref<!tpu.dma_semaphore, #tpu.memory_space<semaphore_mem>>)
      %dma_wait3A_146 = arith.constant 0 : i32
      %dma_wait3A_147 = tpu.memref_slice %arg3[%dma_wait3A_146] : memref<327936xi32, #tpu.memory_space<hbm>> -> memref<64xi32, #tpu.memory_space<hbm>>
      %dma_wait3A_148 = arith.constant 0 : i32
      %dma_wait3A_149 = tpu.memref_slice %arg3[%dma_wait3A_148] : memref<327936xi32, #tpu.memory_space<hbm>> -> memref<64xi32, #tpu.memory_space<hbm>>
      tpu.wait_dma2 semaphore(%arg27 : memref<!tpu.dma_semaphore, #tpu.memory_space<semaphore_mem>>) src(%dma_wait3A_149 : memref<64xi32, #tpu.memory_space<hbm>>) dst(%arg11 : memref<64xi32, #tpu.memory_space<vmem>>)
      %dma_wait3A_150 = arith.constant 0 : i32
      %dma_wait3A_151 = tpu.memref_slice %arg4[%dma_wait3A_150] : memref<327936xi32, #tpu.memory_space<hbm>> -> memref<64xi32, #tpu.memory_space<hbm>>
      %dma_wait3A_152 = arith.constant 0 : i32
      %dma_wait3A_153 = tpu.memref_slice %arg4[%dma_wait3A_152] : memref<327936xi32, #tpu.memory_space<hbm>> -> memref<64xi32, #tpu.memory_space<hbm>>
      tpu.wait_dma2 semaphore(%arg27 : memref<!tpu.dma_semaphore, #tpu.memory_space<semaphore_mem>>) src(%dma_wait3A_153 : memref<64xi32, #tpu.memory_space<hbm>>) dst(%arg16 : memref<64xi32, #tpu.memory_space<vmem>>)
      %dma_start3A_154 = arith.constant 0 : i32
      %dma_start3A_155 = arith.constant 0 : i32
      %dma_start3A_156 = tpu.memref_slice %arg2[%dma_start3A_154, %dma_start3A_155] : memref<10000x128xf32, #tpu.memory_space<hbm>> -> memref<10000x128xf32, #tpu.memory_space<hbm>>
      tpu.enqueue_indirect_dma source(%dma_start3A_156 : memref<10000x128xf32, #tpu.memory_space<hbm>>) target(%arg21 : memref<64x128xf32, #tpu.memory_space<vmem>>) offsets(%arg11 : memref<64xi32, #tpu.memory_space<vmem>>) semaphore(%arg32 : memref<!tpu.dma_semaphore, #tpu.memory_space<semaphore_mem>>)
      %dma_wait3A_157 = arith.constant 0 : i32
      %dma_wait3A_158 = arith.constant 0 : i32
      %dma_wait3A_159 = tpu.memref_slice %arg2[%dma_wait3A_157, %dma_wait3A_158] : memref<10000x128xf32, #tpu.memory_space<hbm>> -> memref<10000x128xf32, #tpu.memory_space<hbm>>
      tpu.wait_indirect_dma semaphore(%arg29 : memref<!tpu.dma_semaphore, #tpu.memory_space<semaphore_mem>>) src(%dma_wait3A_159 : memref<10000x128xf32, #tpu.memory_space<hbm>>) dst(%arg18 : memref<64x128xf32, #tpu.memory_space<vmem>>)
      "tpu.region"() ({
        %run_scoped3A = tpu.sem_alloc : memref<!tpu.dma_semaphore, #tpu.memory_space<semaphore_mem>>
        %dma_start3A_242 = arith.constant 0 : i32
        %dma_start3A_243 = arith.constant 0 : i32
        %dma_start3A_244 = tpu.memref_slice %arg22[%dma_start3A_242, %dma_start3A_243] : memref<10240x128xf32, #tpu.memory_space<vmem_shared>> -> memref<10240x128xf32, #tpu.memory_space<vmem_shared>>
        tpu.enqueue_indirect_dma source(%arg18 : memref<64x128xf32, #tpu.memory_space<vmem>>) target(%dma_start3A_244 : memref<10240x128xf32, #tpu.memory_space<vmem_shared>>) offsets(%arg13 : memref<64xi32, #tpu.memory_space<vmem>>) semaphore(%run_scoped3A : memref<!tpu.dma_semaphore, #tpu.memory_space<semaphore_mem>>) {add = true}
        %dma_wait3A_245 = arith.constant 0 : i32
        %dma_wait3A_246 = arith.constant 0 : i32
        %dma_wait3A_247 = tpu.memref_slice %arg22[%dma_wait3A_245, %dma_wait3A_246] : memref<10240x128xf32, #tpu.memory_space<vmem_shared>> -> memref<10240x128xf32, #tpu.memory_space<vmem_shared>>
        tpu.wait_indirect_dma semaphore(%run_scoped3A : memref<!tpu.dma_semaphore, #tpu.memory_space<semaphore_mem>>) src(%arg18 : memref<64x128xf32, #tpu.memory_space<vmem>>) dst(%dma_wait3A_247 : memref<10240x128xf32, #tpu.memory_space<vmem_shared>>)
        tpu.yield
      }) : () -> ()
      %add3A_160 = arith.constant 2 : i32
      %add3A_161 = arith.addi %mul3A_106, %add3A_160 : i32
      %add3A_162 = arith.constant 5 : i32
      %add3A_163 = arith.addi %add3A_161, %add3A_162 : i32
      %sub3A_164 = arith.constant 1 : i32
      %sub3A_165 = arith.subi %add3A_163, %sub3A_164 : i32
      %add3A_166 = arith.addi %select_n3A, %sub3A_165 : i32
      %mul3A_167 = arith.constant 64 : i32
      %mul3A_168 = arith.muli %add3A_166, %mul3A_167 : i32
      %dma_start3A_169 = tpu.memref_slice %arg3[%mul3A_168] : memref<327936xi32, #tpu.memory_space<hbm>> -> memref<64xi32, #tpu.memory_space<hbm>>
      %dma_start3A_170 = tpu.memref_slice %arg3[%mul3A_168] : memref<327936xi32, #tpu.memory_space<hbm>> -> memref<64xi32, #tpu.memory_space<hbm>>
      tpu.enqueue_dma source(%dma_start3A_170 : memref<64xi32, #tpu.memory_space<hbm>>) target(%arg8 : memref<64xi32, #tpu.memory_space<vmem>>) target_semaphore(%arg24 : memref<!tpu.dma_semaphore, #tpu.memory_space<semaphore_mem>>)
      %dma_start3A_171 = tpu.memref_slice %arg4[%mul3A_168] : memref<327936xi32, #tpu.memory_space<hbm>> -> memref<64xi32, #tpu.memory_space<hbm>>
      %dma_start3A_172 = tpu.memref_slice %arg4[%mul3A_168] : memref<327936xi32, #tpu.memory_space<hbm>> -> memref<64xi32, #tpu.memory_space<hbm>>
      tpu.enqueue_dma source(%dma_start3A_172 : memref<64xi32, #tpu.memory_space<hbm>>) target(%arg13 : memref<64xi32, #tpu.memory_space<vmem>>) target_semaphore(%arg24 : memref<!tpu.dma_semaphore, #tpu.memory_space<semaphore_mem>>)
      %dma_wait3A_173 = arith.constant 0 : i32
      %dma_wait3A_174 = tpu.memref_slice %arg3[%dma_wait3A_173] : memref<327936xi32, #tpu.memory_space<hbm>> -> memref<64xi32, #tpu.memory_space<hbm>>
      %dma_wait3A_175 = arith.constant 0 : i32
      %dma_wait3A_176 = tpu.memref_slice %arg3[%dma_wait3A_175] : memref<327936xi32, #tpu.memory_space<hbm>> -> memref<64xi32, #tpu.memory_space<hbm>>
      tpu.wait_dma2 semaphore(%arg23 : memref<!tpu.dma_semaphore, #tpu.memory_space<semaphore_mem>>) src(%dma_wait3A_176 : memref<64xi32, #tpu.memory_space<hbm>>) dst(%arg7 : memref<64xi32, #tpu.memory_space<vmem>>)
      %dma_wait3A_177 = arith.constant 0 : i32
      %dma_wait3A_178 = tpu.memref_slice %arg4[%dma_wait3A_177] : memref<327936xi32, #tpu.memory_space<hbm>> -> memref<64xi32, #tpu.memory_space<hbm>>
      %dma_wait3A_179 = arith.constant 0 : i32
      %dma_wait3A_180 = tpu.memref_slice %arg4[%dma_wait3A_179] : memref<327936xi32, #tpu.memory_space<hbm>> -> memref<64xi32, #tpu.memory_space<hbm>>
      tpu.wait_dma2 semaphore(%arg23 : memref<!tpu.dma_semaphore, #tpu.memory_space<semaphore_mem>>) src(%dma_wait3A_180 : memref<64xi32, #tpu.memory_space<hbm>>) dst(%arg12 : memref<64xi32, #tpu.memory_space<vmem>>)
      %dma_start3A_181 = arith.constant 0 : i32
      %dma_start3A_182 = arith.constant 0 : i32
      %dma_start3A_183 = tpu.memref_slice %arg2[%dma_start3A_181, %dma_start3A_182] : memref<10000x128xf32, #tpu.memory_space<hbm>> -> memref<10000x128xf32, #tpu.memory_space<hbm>>
      tpu.enqueue_indirect_dma source(%dma_start3A_183 : memref<10000x128xf32, #tpu.memory_space<hbm>>) target(%arg17 : memref<64x128xf32, #tpu.memory_space<vmem>>) offsets(%arg7 : memref<64xi32, #tpu.memory_space<vmem>>) semaphore(%arg28 : memref<!tpu.dma_semaphore, #tpu.memory_space<semaphore_mem>>)
      %dma_wait3A_184 = arith.constant 0 : i32
      %dma_wait3A_185 = arith.constant 0 : i32
      %dma_wait3A_186 = tpu.memref_slice %arg2[%dma_wait3A_184, %dma_wait3A_185] : memref<10000x128xf32, #tpu.memory_space<hbm>> -> memref<10000x128xf32, #tpu.memory_space<hbm>>
      tpu.wait_indirect_dma semaphore(%arg30 : memref<!tpu.dma_semaphore, #tpu.memory_space<semaphore_mem>>) src(%dma_wait3A_186 : memref<10000x128xf32, #tpu.memory_space<hbm>>) dst(%arg19 : memref<64x128xf32, #tpu.memory_space<vmem>>)
      "tpu.region"() ({
        %run_scoped3A = tpu.sem_alloc : memref<!tpu.dma_semaphore, #tpu.memory_space<semaphore_mem>>
        %dma_start3A_242 = arith.constant 0 : i32
        %dma_start3A_243 = arith.constant 0 : i32
        %dma_start3A_244 = tpu.memref_slice %arg22[%dma_start3A_242, %dma_start3A_243] : memref<10240x128xf32, #tpu.memory_space<vmem_shared>> -> memref<10240x128xf32, #tpu.memory_space<vmem_shared>>
        tpu.enqueue_indirect_dma source(%arg19 : memref<64x128xf32, #tpu.memory_space<vmem>>) target(%dma_start3A_244 : memref<10240x128xf32, #tpu.memory_space<vmem_shared>>) offsets(%arg14 : memref<64xi32, #tpu.memory_space<vmem>>) semaphore(%run_scoped3A : memref<!tpu.dma_semaphore, #tpu.memory_space<semaphore_mem>>) {add = true}
        %dma_wait3A_245 = arith.constant 0 : i32
        %dma_wait3A_246 = arith.constant 0 : i32
        %dma_wait3A_247 = tpu.memref_slice %arg22[%dma_wait3A_245, %dma_wait3A_246] : memref<10240x128xf32, #tpu.memory_space<vmem_shared>> -> memref<10240x128xf32, #tpu.memory_space<vmem_shared>>
        tpu.wait_indirect_dma semaphore(%run_scoped3A : memref<!tpu.dma_semaphore, #tpu.memory_space<semaphore_mem>>) src(%arg19 : memref<64x128xf32, #tpu.memory_space<vmem>>) dst(%dma_wait3A_247 : memref<10240x128xf32, #tpu.memory_space<vmem_shared>>)
        tpu.yield
      }) : () -> ()
      %add3A_187 = arith.constant 3 : i32
      %add3A_188 = arith.addi %mul3A_106, %add3A_187 : i32
      %add3A_189 = arith.constant 5 : i32
      %add3A_190 = arith.addi %add3A_188, %add3A_189 : i32
      %sub3A_191 = arith.constant 1 : i32
      %sub3A_192 = arith.subi %add3A_190, %sub3A_191 : i32
      %add3A_193 = arith.addi %select_n3A, %sub3A_192 : i32
      %mul3A_194 = arith.constant 64 : i32
      %mul3A_195 = arith.muli %add3A_193, %mul3A_194 : i32
      %dma_start3A_196 = tpu.memref_slice %arg3[%mul3A_195] : memref<327936xi32, #tpu.memory_space<hbm>> -> memref<64xi32, #tpu.memory_space<hbm>>
      %dma_start3A_197 = tpu.memref_slice %arg3[%mul3A_195] : memref<327936xi32, #tpu.memory_space<hbm>> -> memref<64xi32, #tpu.memory_space<hbm>>
      tpu.enqueue_dma source(%dma_start3A_197 : memref<64xi32, #tpu.memory_space<hbm>>) target(%arg9 : memref<64xi32, #tpu.memory_space<vmem>>) target_semaphore(%arg25 : memref<!tpu.dma_semaphore, #tpu.memory_space<semaphore_mem>>)
      %dma_start3A_198 = tpu.memref_slice %arg4[%mul3A_195] : memref<327936xi32, #tpu.memory_space<hbm>> -> memref<64xi32, #tpu.memory_space<hbm>>
      %dma_start3A_199 = tpu.memref_slice %arg4[%mul3A_195] : memref<327936xi32, #tpu.memory_space<hbm>> -> memref<64xi32, #tpu.memory_space<hbm>>
      tpu.enqueue_dma source(%dma_start3A_199 : memref<64xi32, #tpu.memory_space<hbm>>) target(%arg14 : memref<64xi32, #tpu.memory_space<vmem>>) target_semaphore(%arg25 : memref<!tpu.dma_semaphore, #tpu.memory_space<semaphore_mem>>)
      %dma_wait3A_200 = arith.constant 0 : i32
      %dma_wait3A_201 = tpu.memref_slice %arg3[%dma_wait3A_200] : memref<327936xi32, #tpu.memory_space<hbm>> -> memref<64xi32, #tpu.memory_space<hbm>>
      %dma_wait3A_202 = arith.constant 0 : i32
      %dma_wait3A_203 = tpu.memref_slice %arg3[%dma_wait3A_202] : memref<327936xi32, #tpu.memory_space<hbm>> -> memref<64xi32, #tpu.memory_space<hbm>>
      tpu.wait_dma2 semaphore(%arg24 : memref<!tpu.dma_semaphore, #tpu.memory_space<semaphore_mem>>) src(%dma_wait3A_203 : memref<64xi32, #tpu.memory_space<hbm>>) dst(%arg8 : memref<64xi32, #tpu.memory_space<vmem>>)
      %dma_wait3A_204 = arith.constant 0 : i32
      %dma_wait3A_205 = tpu.memref_slice %arg4[%dma_wait3A_204] : memref<327936xi32, #tpu.memory_space<hbm>> -> memref<64xi32, #tpu.memory_space<hbm>>
      %dma_wait3A_206 = arith.constant 0 : i32
      %dma_wait3A_207 = tpu.memref_slice %arg4[%dma_wait3A_206] : memref<327936xi32, #tpu.memory_space<hbm>> -> memref<64xi32, #tpu.memory_space<hbm>>
      tpu.wait_dma2 semaphore(%arg24 : memref<!tpu.dma_semaphore, #tpu.memory_space<semaphore_mem>>) src(%dma_wait3A_207 : memref<64xi32, #tpu.memory_space<hbm>>) dst(%arg13 : memref<64xi32, #tpu.memory_space<vmem>>)
      %dma_start3A_208 = arith.constant 0 : i32
      %dma_start3A_209 = arith.constant 0 : i32
      %dma_start3A_210 = tpu.memref_slice %arg2[%dma_start3A_208, %dma_start3A_209] : memref<10000x128xf32, #tpu.memory_space<hbm>> -> memref<10000x128xf32, #tpu.memory_space<hbm>>
      tpu.enqueue_indirect_dma source(%dma_start3A_210 : memref<10000x128xf32, #tpu.memory_space<hbm>>) target(%arg18 : memref<64x128xf32, #tpu.memory_space<vmem>>) offsets(%arg8 : memref<64xi32, #tpu.memory_space<vmem>>) semaphore(%arg29 : memref<!tpu.dma_semaphore, #tpu.memory_space<semaphore_mem>>)
      %dma_wait3A_211 = arith.constant 0 : i32
      %dma_wait3A_212 = arith.constant 0 : i32
      %dma_wait3A_213 = tpu.memref_slice %arg2[%dma_wait3A_211, %dma_wait3A_212] : memref<10000x128xf32, #tpu.memory_space<hbm>> -> memref<10000x128xf32, #tpu.memory_space<hbm>>
      tpu.wait_indirect_dma semaphore(%arg31 : memref<!tpu.dma_semaphore, #tpu.memory_space<semaphore_mem>>) src(%dma_wait3A_213 : memref<10000x128xf32, #tpu.memory_space<hbm>>) dst(%arg20 : memref<64x128xf32, #tpu.memory_space<vmem>>)
      "tpu.region"() ({
        %run_scoped3A = tpu.sem_alloc : memref<!tpu.dma_semaphore, #tpu.memory_space<semaphore_mem>>
        %dma_start3A_242 = arith.constant 0 : i32
        %dma_start3A_243 = arith.constant 0 : i32
        %dma_start3A_244 = tpu.memref_slice %arg22[%dma_start3A_242, %dma_start3A_243] : memref<10240x128xf32, #tpu.memory_space<vmem_shared>> -> memref<10240x128xf32, #tpu.memory_space<vmem_shared>>
        tpu.enqueue_indirect_dma source(%arg20 : memref<64x128xf32, #tpu.memory_space<vmem>>) target(%dma_start3A_244 : memref<10240x128xf32, #tpu.memory_space<vmem_shared>>) offsets(%arg15 : memref<64xi32, #tpu.memory_space<vmem>>) semaphore(%run_scoped3A : memref<!tpu.dma_semaphore, #tpu.memory_space<semaphore_mem>>) {add = true}
        %dma_wait3A_245 = arith.constant 0 : i32
        %dma_wait3A_246 = arith.constant 0 : i32
        %dma_wait3A_247 = tpu.memref_slice %arg22[%dma_wait3A_245, %dma_wait3A_246] : memref<10240x128xf32, #tpu.memory_space<vmem_shared>> -> memref<10240x128xf32, #tpu.memory_space<vmem_shared>>
        tpu.wait_indirect_dma semaphore(%run_scoped3A : memref<!tpu.dma_semaphore, #tpu.memory_space<semaphore_mem>>) src(%arg20 : memref<64x128xf32, #tpu.memory_space<vmem>>) dst(%dma_wait3A_247 : memref<10240x128xf32, #tpu.memory_space<vmem_shared>>)
        tpu.yield
      }) : () -> ()
      %add3A_214 = arith.constant 4 : i32
      %add3A_215 = arith.addi %mul3A_106, %add3A_214 : i32
      %add3A_216 = arith.constant 5 : i32
      %add3A_217 = arith.addi %add3A_215, %add3A_216 : i32
      %sub3A_218 = arith.constant 1 : i32
      %sub3A_219 = arith.subi %add3A_217, %sub3A_218 : i32
      %add3A_220 = arith.addi %select_n3A, %sub3A_219 : i32
      %mul3A_221 = arith.constant 64 : i32
      %mul3A_222 = arith.muli %add3A_220, %mul3A_221 : i32
      %dma_start3A_223 = tpu.memref_slice %arg3[%mul3A_222] : memref<327936xi32, #tpu.memory_space<hbm>> -> memref<64xi32, #tpu.memory_space<hbm>>
      %dma_start3A_224 = tpu.memref_slice %arg3[%mul3A_222] : memref<327936xi32, #tpu.memory_space<hbm>> -> memref<64xi32, #tpu.memory_space<hbm>>
      tpu.enqueue_dma source(%dma_start3A_224 : memref<64xi32, #tpu.memory_space<hbm>>) target(%arg10 : memref<64xi32, #tpu.memory_space<vmem>>) target_semaphore(%arg26 : memref<!tpu.dma_semaphore, #tpu.memory_space<semaphore_mem>>)
      %dma_start3A_225 = tpu.memref_slice %arg4[%mul3A_222] : memref<327936xi32, #tpu.memory_space<hbm>> -> memref<64xi32, #tpu.memory_space<hbm>>
      %dma_start3A_226 = tpu.memref_slice %arg4[%mul3A_222] : memref<327936xi32, #tpu.memory_space<hbm>> -> memref<64xi32, #tpu.memory_space<hbm>>
      tpu.enqueue_dma source(%dma_start3A_226 : memref<64xi32, #tpu.memory_space<hbm>>) target(%arg15 : memref<64xi32, #tpu.memory_space<vmem>>) target_semaphore(%arg26 : memref<!tpu.dma_semaphore, #tpu.memory_space<semaphore_mem>>)
      %dma_wait3A_227 = arith.constant 0 : i32
      %dma_wait3A_228 = tpu.memref_slice %arg3[%dma_wait3A_227] : memref<327936xi32, #tpu.memory_space<hbm>> -> memref<64xi32, #tpu.memory_space<hbm>>
      %dma_wait3A_229 = arith.constant 0 : i32
      %dma_wait3A_230 = tpu.memref_slice %arg3[%dma_wait3A_229] : memref<327936xi32, #tpu.memory_space<hbm>> -> memref<64xi32, #tpu.memory_space<hbm>>
      tpu.wait_dma2 semaphore(%arg25 : memref<!tpu.dma_semaphore, #tpu.memory_space<semaphore_mem>>) src(%dma_wait3A_230 : memref<64xi32, #tpu.memory_space<hbm>>) dst(%arg9 : memref<64xi32, #tpu.memory_space<vmem>>)
      %dma_wait3A_231 = arith.constant 0 : i32
      %dma_wait3A_232 = tpu.memref_slice %arg4[%dma_wait3A_231] : memref<327936xi32, #tpu.memory_space<hbm>> -> memref<64xi32, #tpu.memory_space<hbm>>
      %dma_wait3A_233 = arith.constant 0 : i32
      %dma_wait3A_234 = tpu.memref_slice %arg4[%dma_wait3A_233] : memref<327936xi32, #tpu.memory_space<hbm>> -> memref<64xi32, #tpu.memory_space<hbm>>
      tpu.wait_dma2 semaphore(%arg25 : memref<!tpu.dma_semaphore, #tpu.memory_space<semaphore_mem>>) src(%dma_wait3A_234 : memref<64xi32, #tpu.memory_space<hbm>>) dst(%arg14 : memref<64xi32, #tpu.memory_space<vmem>>)
      %dma_start3A_235 = arith.constant 0 : i32
      %dma_start3A_236 = arith.constant 0 : i32
      %dma_start3A_237 = tpu.memref_slice %arg2[%dma_start3A_235, %dma_start3A_236] : memref<10000x128xf32, #tpu.memory_space<hbm>> -> memref<10000x128xf32, #tpu.memory_space<hbm>>
      tpu.enqueue_indirect_dma source(%dma_start3A_237 : memref<10000x128xf32, #tpu.memory_space<hbm>>) target(%arg19 : memref<64x128xf32, #tpu.memory_space<vmem>>) offsets(%arg9 : memref<64xi32, #tpu.memory_space<vmem>>) semaphore(%arg30 : memref<!tpu.dma_semaphore, #tpu.memory_space<semaphore_mem>>)
      %dma_wait3A_238 = arith.constant 0 : i32
      %dma_wait3A_239 = arith.constant 0 : i32
      %dma_wait3A_240 = tpu.memref_slice %arg2[%dma_wait3A_238, %dma_wait3A_239] : memref<10000x128xf32, #tpu.memory_space<hbm>> -> memref<10000x128xf32, #tpu.memory_space<hbm>>
      tpu.wait_indirect_dma semaphore(%arg32 : memref<!tpu.dma_semaphore, #tpu.memory_space<semaphore_mem>>) src(%dma_wait3A_240 : memref<10000x128xf32, #tpu.memory_space<hbm>>) dst(%arg21 : memref<64x128xf32, #tpu.memory_space<vmem>>)
      "tpu.region"() ({
        %run_scoped3A = tpu.sem_alloc : memref<!tpu.dma_semaphore, #tpu.memory_space<semaphore_mem>>
        %dma_start3A_242 = arith.constant 0 : i32
        %dma_start3A_243 = arith.constant 0 : i32
        %dma_start3A_244 = tpu.memref_slice %arg22[%dma_start3A_242, %dma_start3A_243] : memref<10240x128xf32, #tpu.memory_space<vmem_shared>> -> memref<10240x128xf32, #tpu.memory_space<vmem_shared>>
        tpu.enqueue_indirect_dma source(%arg21 : memref<64x128xf32, #tpu.memory_space<vmem>>) target(%dma_start3A_244 : memref<10240x128xf32, #tpu.memory_space<vmem_shared>>) offsets(%arg16 : memref<64xi32, #tpu.memory_space<vmem>>) semaphore(%run_scoped3A : memref<!tpu.dma_semaphore, #tpu.memory_space<semaphore_mem>>) {add = true}
        %dma_wait3A_245 = arith.constant 0 : i32
        %dma_wait3A_246 = arith.constant 0 : i32
        %dma_wait3A_247 = tpu.memref_slice %arg22[%dma_wait3A_245, %dma_wait3A_246] : memref<10240x128xf32, #tpu.memory_space<vmem_shared>> -> memref<10240x128xf32, #tpu.memory_space<vmem_shared>>
        tpu.wait_indirect_dma semaphore(%run_scoped3A : memref<!tpu.dma_semaphore, #tpu.memory_space<semaphore_mem>>) src(%arg21 : memref<64x128xf32, #tpu.memory_space<vmem>>) dst(%dma_wait3A_247 : memref<10240x128xf32, #tpu.memory_space<vmem_shared>>)
        tpu.yield
      }) : () -> ()
      %while3A_241 = arith.constant 0 : i32
      scf.yield %while3A_241 : i32
    }
    %while3A_83 = arith.constant 1 : i32
    %while3A_84 = scf.for %while3A_103 = %while3A_80 to %while3A_76 step %while3A_83 iter_args(%while3A_104 = %while3A_82) -> (i32)  : i32 {
      %mul3A_105 = arith.constant 5 : i32
      %mul3A_106 = arith.muli %while3A_103, %mul3A_105 : i32
      %add3A_107 = arith.constant 0 : i32
      %add3A_108 = arith.addi %mul3A_106, %add3A_107 : i32
      %add3A_109 = arith.constant 5 : i32
      %add3A_110 = arith.addi %add3A_108, %add3A_109 : i32
      %sub3A = arith.constant 1 : i32
      %sub3A_111 = arith.subi %add3A_110, %sub3A : i32
      %add3A_112 = arith.addi %select_n3A, %sub3A_111 : i32
      %mul3A_113 = arith.constant 64 : i32
      %mul3A_114 = arith.muli %add3A_112, %mul3A_113 : i32
      %dma_start3A_115 = tpu.memref_slice %arg3[%mul3A_114] : memref<327936xi32, #tpu.memory_space<hbm>> -> memref<64xi32, #tpu.memory_space<hbm>>
      %dma_start3A_116 = tpu.memref_slice %arg3[%mul3A_114] : memref<327936xi32, #tpu.memory_space<hbm>> -> memref<64xi32, #tpu.memory_space<hbm>>
      tpu.enqueue_dma source(%dma_start3A_116 : memref<64xi32, #tpu.memory_space<hbm>>) target(%arg11 : memref<64xi32, #tpu.memory_space<vmem>>) target_semaphore(%arg27 : memref<!tpu.dma_semaphore, #tpu.memory_space<semaphore_mem>>)
      %dma_start3A_117 = tpu.memref_slice %arg4[%mul3A_114] : memref<327936xi32, #tpu.memory_space<hbm>> -> memref<64xi32, #tpu.memory_space<hbm>>
      %dma_start3A_118 = tpu.memref_slice %arg4[%mul3A_114] : memref<327936xi32, #tpu.memory_space<hbm>> -> memref<64xi32, #tpu.memory_space<hbm>>
      tpu.enqueue_dma source(%dma_start3A_118 : memref<64xi32, #tpu.memory_space<hbm>>) target(%arg16 : memref<64xi32, #tpu.memory_space<vmem>>) target_semaphore(%arg27 : memref<!tpu.dma_semaphore, #tpu.memory_space<semaphore_mem>>)
      %dma_wait3A_119 = arith.constant 0 : i32
      %dma_wait3A_120 = tpu.memref_slice %arg3[%dma_wait3A_119] : memref<327936xi32, #tpu.memory_space<hbm>> -> memref<64xi32, #tpu.memory_space<hbm>>
      %dma_wait3A_121 = arith.constant 0 : i32
      %dma_wait3A_122 = tpu.memref_slice %arg3[%dma_wait3A_121] : memref<327936xi32, #tpu.memory_space<hbm>> -> memref<64xi32, #tpu.memory_space<hbm>>
      tpu.wait_dma2 semaphore(%arg26 : memref<!tpu.dma_semaphore, #tpu.memory_space<semaphore_mem>>) src(%dma_wait3A_122 : memref<64xi32, #tpu.memory_space<hbm>>) dst(%arg10 : memref<64xi32, #tpu.memory_space<vmem>>)
      %dma_wait3A_123 = arith.constant 0 : i32
      %dma_wait3A_124 = tpu.memref_slice %arg4[%dma_wait3A_123] : memref<327936xi32, #tpu.memory_space<hbm>> -> memref<64xi32, #tpu.memory_space<hbm>>
      %dma_wait3A_125 = arith.constant 0 : i32
      %dma_wait3A_126 = tpu.memref_slice %arg4[%dma_wait3A_125] : memref<327936xi32, #tpu.memory_space<hbm>> -> memref<64xi32, #tpu.memory_space<hbm>>
      tpu.wait_dma2 semaphore(%arg26 : memref<!tpu.dma_semaphore, #tpu.memory_space<semaphore_mem>>) src(%dma_wait3A_126 : memref<64xi32, #tpu.memory_space<hbm>>) dst(%arg15 : memref<64xi32, #tpu.memory_space<vmem>>)
      %dma_start3A_127 = arith.constant 0 : i32
      %dma_start3A_128 = arith.constant 0 : i32
      %dma_start3A_129 = tpu.memref_slice %arg2[%dma_start3A_127, %dma_start3A_128] : memref<10000x128xf32, #tpu.memory_space<hbm>> -> memref<10000x128xf32, #tpu.memory_space<hbm>>
      tpu.enqueue_indirect_dma source(%dma_start3A_129 : memref<10000x128xf32, #tpu.memory_space<hbm>>) target(%arg20 : memref<64x128xf32, #tpu.memory_space<vmem>>) offsets(%arg10 : memref<64xi32, #tpu.memory_space<vmem>>) semaphore(%arg31 : memref<!tpu.dma_semaphore, #tpu.memory_space<semaphore_mem>>)
      %dma_wait3A_130 = arith.constant 0 : i32
      %dma_wait3A_131 = arith.constant 0 : i32
      %dma_wait3A_132 = tpu.memref_slice %arg2[%dma_wait3A_130, %dma_wait3A_131] : memref<10000x128xf32, #tpu.memory_space<hbm>> -> memref<10000x128xf32, #tpu.memory_space<hbm>>
      tpu.wait_indirect_dma semaphore(%arg28 : memref<!tpu.dma_semaphore, #tpu.memory_space<semaphore_mem>>) src(%dma_wait3A_132 : memref<10000x128xf32, #tpu.memory_space<hbm>>) dst(%arg17 : memref<64x128xf32, #tpu.memory_space<vmem>>)
      "tpu.region"() ({
        %run_scoped3A = tpu.sem_alloc : memref<!tpu.dma_semaphore, #tpu.memory_space<semaphore_mem>>
        %dma_start3A_242 = arith.constant 0 : i32
        %dma_start3A_243 = arith.constant 0 : i32
        %dma_start3A_244 = tpu.memref_slice %arg22[%dma_start3A_242, %dma_start3A_243] : memref<10240x128xf32, #tpu.memory_space<vmem_shared>> -> memref<10240x128xf32, #tpu.memory_space<vmem_shared>>
        tpu.enqueue_indirect_dma source(%arg17 : memref<64x128xf32, #tpu.memory_space<vmem>>) target(%dma_start3A_244 : memref<10240x128xf32, #tpu.memory_space<vmem_shared>>) offsets(%arg12 : memref<64xi32, #tpu.memory_space<vmem>>) semaphore(%run_scoped3A : memref<!tpu.dma_semaphore, #tpu.memory_space<semaphore_mem>>) {add = true}
        %dma_wait3A_245 = arith.constant 0 : i32
        %dma_wait3A_246 = arith.constant 0 : i32
        %dma_wait3A_247 = tpu.memref_slice %arg22[%dma_wait3A_245, %dma_wait3A_246] : memref<10240x128xf32, #tpu.memory_space<vmem_shared>> -> memref<10240x128xf32, #tpu.memory_space<vmem_shared>>
        tpu.wait_indirect_dma semaphore(%run_scoped3A : memref<!tpu.dma_semaphore, #tpu.memory_space<semaphore_mem>>) src(%arg17 : memref<64x128xf32, #tpu.memory_space<vmem>>) dst(%dma_wait3A_247 : memref<10240x128xf32, #tpu.memory_space<vmem_shared>>)
        tpu.yield
      }) : () -> ()
      %add3A_133 = arith.constant 1 : i32
      %add3A_134 = arith.addi %mul3A_106, %add3A_133 : i32
      %add3A_135 = arith.constant 5 : i32
      %add3A_136 = arith.addi %add3A_134, %add3A_135 : i32
      %sub3A_137 = arith.constant 1 : i32
      %sub3A_138 = arith.subi %add3A_136, %sub3A_137 : i32
      %add3A_139 = arith.addi %select_n3A, %sub3A_138 : i32
      %mul3A_140 = arith.constant 64 : i32
      %mul3A_141 = arith.muli %add3A_139, %mul3A_140 : i32
      %dma_start3A_142 = tpu.memref_slice %arg3[%mul3A_141] : memref<327936xi32, #tpu.memory_space<hbm>> -> memref<64xi32, #tpu.memory_space<hbm>>
      %dma_start3A_143 = tpu.memref_slice %arg3[%mul3A_141] : memref<327936xi32, #tpu.memory_space<hbm>> -> memref<64xi32, #tpu.memory_space<hbm>>
      tpu.enqueue_dma source(%dma_start3A_143 : memref<64xi32, #tpu.memory_space<hbm>>) target(%arg7 : memref<64xi32, #tpu.memory_space<vmem>>) target_semaphore(%arg23 : memref<!tpu.dma_semaphore, #tpu.memory_space<semaphore_mem>>)
      %dma_start3A_144 = tpu.memref_slice %arg4[%mul3A_141] : memref<327936xi32, #tpu.memory_space<hbm>> -> memref<64xi32, #tpu.memory_space<hbm>>
      %dma_start3A_145 = tpu.memref_slice %arg4[%mul3A_141] : memref<327936xi32, #tpu.memory_space<hbm>> -> memref<64xi32, #tpu.memory_space<hbm>>
      tpu.enqueue_dma source(%dma_start3A_145 : memref<64xi32, #tpu.memory_space<hbm>>) target(%arg12 : memref<64xi32, #tpu.memory_space<vmem>>) target_semaphore(%arg23 : memref<!tpu.dma_semaphore, #tpu.memory_space<semaphore_mem>>)
      %dma_wait3A_146 = arith.constant 0 : i32
      %dma_wait3A_147 = tpu.memref_slice %arg3[%dma_wait3A_146] : memref<327936xi32, #tpu.memory_space<hbm>> -> memref<64xi32, #tpu.memory_space<hbm>>
      %dma_wait3A_148 = arith.constant 0 : i32
      %dma_wait3A_149 = tpu.memref_slice %arg3[%dma_wait3A_148] : memref<327936xi32, #tpu.memory_space<hbm>> -> memref<64xi32, #tpu.memory_space<hbm>>
      tpu.wait_dma2 semaphore(%arg27 : memref<!tpu.dma_semaphore, #tpu.memory_space<semaphore_mem>>) src(%dma_wait3A_149 : memref<64xi32, #tpu.memory_space<hbm>>) dst(%arg11 : memref<64xi32, #tpu.memory_space<vmem>>)
      %dma_wait3A_150 = arith.constant 0 : i32
      %dma_wait3A_151 = tpu.memref_slice %arg4[%dma_wait3A_150] : memref<327936xi32, #tpu.memory_space<hbm>> -> memref<64xi32, #tpu.memory_space<hbm>>
      %dma_wait3A_152 = arith.constant 0 : i32
      %dma_wait3A_153 = tpu.memref_slice %arg4[%dma_wait3A_152] : memref<327936xi32, #tpu.memory_space<hbm>> -> memref<64xi32, #tpu.memory_space<hbm>>
      tpu.wait_dma2 semaphore(%arg27 : memref<!tpu.dma_semaphore, #tpu.memory_space<semaphore_mem>>) src(%dma_wait3A_153 : memref<64xi32, #tpu.memory_space<hbm>>) dst(%arg16 : memref<64xi32, #tpu.memory_space<vmem>>)
      %dma_start3A_154 = arith.constant 0 : i32
      %dma_start3A_155 = arith.constant 0 : i32
      %dma_start3A_156 = tpu.memref_slice %arg2[%dma_start3A_154, %dma_start3A_155] : memref<10000x128xf32, #tpu.memory_space<hbm>> -> memref<10000x128xf32, #tpu.memory_space<hbm>>
      tpu.enqueue_indirect_dma source(%dma_start3A_156 : memref<10000x128xf32, #tpu.memory_space<hbm>>) target(%arg21 : memref<64x128xf32, #tpu.memory_space<vmem>>) offsets(%arg11 : memref<64xi32, #tpu.memory_space<vmem>>) semaphore(%arg32 : memref<!tpu.dma_semaphore, #tpu.memory_space<semaphore_mem>>)
      %dma_wait3A_157 = arith.constant 0 : i32
      %dma_wait3A_158 = arith.constant 0 : i32
      %dma_wait3A_159 = tpu.memref_slice %arg2[%dma_wait3A_157, %dma_wait3A_158] : memref<10000x128xf32, #tpu.memory_space<hbm>> -> memref<10000x128xf32, #tpu.memory_space<hbm>>
      tpu.wait_indirect_dma semaphore(%arg29 : memref<!tpu.dma_semaphore, #tpu.memory_space<semaphore_mem>>) src(%dma_wait3A_159 : memref<10000x128xf32, #tpu.memory_space<hbm>>) dst(%arg18 : memref<64x128xf32, #tpu.memory_space<vmem>>)
      "tpu.region"() ({
        %run_scoped3A = tpu.sem_alloc : memref<!tpu.dma_semaphore, #tpu.memory_space<semaphore_mem>>
        %dma_start3A_242 = arith.constant 0 : i32
        %dma_start3A_243 = arith.constant 0 : i32
        %dma_start3A_244 = tpu.memref_slice %arg22[%dma_start3A_242, %dma_start3A_243] : memref<10240x128xf32, #tpu.memory_space<vmem_shared>> -> memref<10240x128xf32, #tpu.memory_space<vmem_shared>>
        tpu.enqueue_indirect_dma source(%arg18 : memref<64x128xf32, #tpu.memory_space<vmem>>) target(%dma_start3A_244 : memref<10240x128xf32, #tpu.memory_space<vmem_shared>>) offsets(%arg13 : memref<64xi32, #tpu.memory_space<vmem>>) semaphore(%run_scoped3A : memref<!tpu.dma_semaphore, #tpu.memory_space<semaphore_mem>>) {add = true}
        %dma_wait3A_245 = arith.constant 0 : i32
        %dma_wait3A_246 = arith.constant 0 : i32
        %dma_wait3A_247 = tpu.memref_slice %arg22[%dma_wait3A_245, %dma_wait3A_246] : memref<10240x128xf32, #tpu.memory_space<vmem_shared>> -> memref<10240x128xf32, #tpu.memory_space<vmem_shared>>
        tpu.wait_indirect_dma semaphore(%run_scoped3A : memref<!tpu.dma_semaphore, #tpu.memory_space<semaphore_mem>>) src(%arg18 : memref<64x128xf32, #tpu.memory_space<vmem>>) dst(%dma_wait3A_247 : memref<10240x128xf32, #tpu.memory_space<vmem_shared>>)
        tpu.yield
      }) : () -> ()
      %add3A_160 = arith.constant 2 : i32
      %add3A_161 = arith.addi %mul3A_106, %add3A_160 : i32
      %add3A_162 = arith.constant 5 : i32
      %add3A_163 = arith.addi %add3A_161, %add3A_162 : i32
      %sub3A_164 = arith.constant 1 : i32
      %sub3A_165 = arith.subi %add3A_163, %sub3A_164 : i32
      %add3A_166 = arith.addi %select_n3A, %sub3A_165 : i32
      %mul3A_167 = arith.constant 64 : i32
      %mul3A_168 = arith.muli %add3A_166, %mul3A_167 : i32
      %dma_start3A_169 = tpu.memref_slice %arg3[%mul3A_168] : memref<327936xi32, #tpu.memory_space<hbm>> -> memref<64xi32, #tpu.memory_space<hbm>>
      %dma_start3A_170 = tpu.memref_slice %arg3[%mul3A_168] : memref<327936xi32, #tpu.memory_space<hbm>> -> memref<64xi32, #tpu.memory_space<hbm>>
      tpu.enqueue_dma source(%dma_start3A_170 : memref<64xi32, #tpu.memory_space<hbm>>) target(%arg8 : memref<64xi32, #tpu.memory_space<vmem>>) target_semaphore(%arg24 : memref<!tpu.dma_semaphore, #tpu.memory_space<semaphore_mem>>)
      %dma_start3A_171 = tpu.memref_slice %arg4[%mul3A_168] : memref<327936xi32, #tpu.memory_space<hbm>> -> memref<64xi32, #tpu.memory_space<hbm>>
      %dma_start3A_172 = tpu.memref_slice %arg4[%mul3A_168] : memref<327936xi32, #tpu.memory_space<hbm>> -> memref<64xi32, #tpu.memory_space<hbm>>
      tpu.enqueue_dma source(%dma_start3A_172 : memref<64xi32, #tpu.memory_space<hbm>>) target(%arg13 : memref<64xi32, #tpu.memory_space<vmem>>) target_semaphore(%arg24 : memref<!tpu.dma_semaphore, #tpu.memory_space<semaphore_mem>>)
      %dma_wait3A_173 = arith.constant 0 : i32
      %dma_wait3A_174 = tpu.memref_slice %arg3[%dma_wait3A_173] : memref<327936xi32, #tpu.memory_space<hbm>> -> memref<64xi32, #tpu.memory_space<hbm>>
      %dma_wait3A_175 = arith.constant 0 : i32
      %dma_wait3A_176 = tpu.memref_slice %arg3[%dma_wait3A_175] : memref<327936xi32, #tpu.memory_space<hbm>> -> memref<64xi32, #tpu.memory_space<hbm>>
      tpu.wait_dma2 semaphore(%arg23 : memref<!tpu.dma_semaphore, #tpu.memory_space<semaphore_mem>>) src(%dma_wait3A_176 : memref<64xi32, #tpu.memory_space<hbm>>) dst(%arg7 : memref<64xi32, #tpu.memory_space<vmem>>)
      %dma_wait3A_177 = arith.constant 0 : i32
      %dma_wait3A_178 = tpu.memref_slice %arg4[%dma_wait3A_177] : memref<327936xi32, #tpu.memory_space<hbm>> -> memref<64xi32, #tpu.memory_space<hbm>>
      %dma_wait3A_179 = arith.constant 0 : i32
      %dma_wait3A_180 = tpu.memref_slice %arg4[%dma_wait3A_179] : memref<327936xi32, #tpu.memory_space<hbm>> -> memref<64xi32, #tpu.memory_space<hbm>>
      tpu.wait_dma2 semaphore(%arg23 : memref<!tpu.dma_semaphore, #tpu.memory_space<semaphore_mem>>) src(%dma_wait3A_180 : memref<64xi32, #tpu.memory_space<hbm>>) dst(%arg12 : memref<64xi32, #tpu.memory_space<vmem>>)
      %dma_start3A_181 = arith.constant 0 : i32
      %dma_start3A_182 = arith.constant 0 : i32
      %dma_start3A_183 = tpu.memref_slice %arg2[%dma_start3A_181, %dma_start3A_182] : memref<10000x128xf32, #tpu.memory_space<hbm>> -> memref<10000x128xf32, #tpu.memory_space<hbm>>
      tpu.enqueue_indirect_dma source(%dma_start3A_183 : memref<10000x128xf32, #tpu.memory_space<hbm>>) target(%arg17 : memref<64x128xf32, #tpu.memory_space<vmem>>) offsets(%arg7 : memref<64xi32, #tpu.memory_space<vmem>>) semaphore(%arg28 : memref<!tpu.dma_semaphore, #tpu.memory_space<semaphore_mem>>)
      %dma_wait3A_184 = arith.constant 0 : i32
      %dma_wait3A_185 = arith.constant 0 : i32
      %dma_wait3A_186 = tpu.memref_slice %arg2[%dma_wait3A_184, %dma_wait3A_185] : memref<10000x128xf32, #tpu.memory_space<hbm>> -> memref<10000x128xf32, #tpu.memory_space<hbm>>
      tpu.wait_indirect_dma semaphore(%arg30 : memref<!tpu.dma_semaphore, #tpu.memory_space<semaphore_mem>>) src(%dma_wait3A_186 : memref<10000x128xf32, #tpu.memory_space<hbm>>) dst(%arg19 : memref<64x128xf32, #tpu.memory_space<vmem>>)
      "tpu.region"() ({
        %run_scoped3A = tpu.sem_alloc : memref<!tpu.dma_semaphore, #tpu.memory_space<semaphore_mem>>
        %dma_start3A_242 = arith.constant 0 : i32
        %dma_start3A_243 = arith.constant 0 : i32
        %dma_start3A_244 = tpu.memref_slice %arg22[%dma_start3A_242, %dma_start3A_243] : memref<10240x128xf32, #tpu.memory_space<vmem_shared>> -> memref<10240x128xf32, #tpu.memory_space<vmem_shared>>
        tpu.enqueue_indirect_dma source(%arg19 : memref<64x128xf32, #tpu.memory_space<vmem>>) target(%dma_start3A_244 : memref<10240x128xf32, #tpu.memory_space<vmem_shared>>) offsets(%arg14 : memref<64xi32, #tpu.memory_space<vmem>>) semaphore(%run_scoped3A : memref<!tpu.dma_semaphore, #tpu.memory_space<semaphore_mem>>) {add = true}
        %dma_wait3A_245 = arith.constant 0 : i32
        %dma_wait3A_246 = arith.constant 0 : i32
        %dma_wait3A_247 = tpu.memref_slice %arg22[%dma_wait3A_245, %dma_wait3A_246] : memref<10240x128xf32, #tpu.memory_space<vmem_shared>> -> memref<10240x128xf32, #tpu.memory_space<vmem_shared>>
        tpu.wait_indirect_dma semaphore(%run_scoped3A : memref<!tpu.dma_semaphore, #tpu.memory_space<semaphore_mem>>) src(%arg19 : memref<64x128xf32, #tpu.memory_space<vmem>>) dst(%dma_wait3A_247 : memref<10240x128xf32, #tpu.memory_space<vmem_shared>>)
        tpu.yield
      }) : () -> ()
      %add3A_187 = arith.constant 3 : i32
      %add3A_188 = arith.addi %mul3A_106, %add3A_187 : i32
      %add3A_189 = arith.constant 5 : i32
      %add3A_190 = arith.addi %add3A_188, %add3A_189 : i32
      %sub3A_191 = arith.constant 1 : i32
      %sub3A_192 = arith.subi %add3A_190, %sub3A_191 : i32
      %add3A_193 = arith.addi %select_n3A, %sub3A_192 : i32
      %mul3A_194 = arith.constant 64 : i32
      %mul3A_195 = arith.muli %add3A_193, %mul3A_194 : i32
      %dma_start3A_196 = tpu.memref_slice %arg3[%mul3A_195] : memref<327936xi32, #tpu.memory_space<hbm>> -> memref<64xi32, #tpu.memory_space<hbm>>
      %dma_start3A_197 = tpu.memref_slice %arg3[%mul3A_195] : memref<327936xi32, #tpu.memory_space<hbm>> -> memref<64xi32, #tpu.memory_space<hbm>>
      tpu.enqueue_dma source(%dma_start3A_197 : memref<64xi32, #tpu.memory_space<hbm>>) target(%arg9 : memref<64xi32, #tpu.memory_space<vmem>>) target_semaphore(%arg25 : memref<!tpu.dma_semaphore, #tpu.memory_space<semaphore_mem>>)
      %dma_start3A_198 = tpu.memref_slice %arg4[%mul3A_195] : memref<327936xi32, #tpu.memory_space<hbm>> -> memref<64xi32, #tpu.memory_space<hbm>>
      %dma_start3A_199 = tpu.memref_slice %arg4[%mul3A_195] : memref<327936xi32, #tpu.memory_space<hbm>> -> memref<64xi32, #tpu.memory_space<hbm>>
      tpu.enqueue_dma source(%dma_start3A_199 : memref<64xi32, #tpu.memory_space<hbm>>) target(%arg14 : memref<64xi32, #tpu.memory_space<vmem>>) target_semaphore(%arg25 : memref<!tpu.dma_semaphore, #tpu.memory_space<semaphore_mem>>)
      %dma_wait3A_200 = arith.constant 0 : i32
      %dma_wait3A_201 = tpu.memref_slice %arg3[%dma_wait3A_200] : memref<327936xi32, #tpu.memory_space<hbm>> -> memref<64xi32, #tpu.memory_space<hbm>>
      %dma_wait3A_202 = arith.constant 0 : i32
      %dma_wait3A_203 = tpu.memref_slice %arg3[%dma_wait3A_202] : memref<327936xi32, #tpu.memory_space<hbm>> -> memref<64xi32, #tpu.memory_space<hbm>>
      tpu.wait_dma2 semaphore(%arg24 : memref<!tpu.dma_semaphore, #tpu.memory_space<semaphore_mem>>) src(%dma_wait3A_203 : memref<64xi32, #tpu.memory_space<hbm>>) dst(%arg8 : memref<64xi32, #tpu.memory_space<vmem>>)
      %dma_wait3A_204 = arith.constant 0 : i32
      %dma_wait3A_205 = tpu.memref_slice %arg4[%dma_wait3A_204] : memref<327936xi32, #tpu.memory_space<hbm>> -> memref<64xi32, #tpu.memory_space<hbm>>
      %dma_wait3A_206 = arith.constant 0 : i32
      %dma_wait3A_207 = tpu.memref_slice %arg4[%dma_wait3A_206] : memref<327936xi32, #tpu.memory_space<hbm>> -> memref<64xi32, #tpu.memory_space<hbm>>
      tpu.wait_dma2 semaphore(%arg24 : memref<!tpu.dma_semaphore, #tpu.memory_space<semaphore_mem>>) src(%dma_wait3A_207 : memref<64xi32, #tpu.memory_space<hbm>>) dst(%arg13 : memref<64xi32, #tpu.memory_space<vmem>>)
      %dma_start3A_208 = arith.constant 0 : i32
      %dma_start3A_209 = arith.constant 0 : i32
      %dma_start3A_210 = tpu.memref_slice %arg2[%dma_start3A_208, %dma_start3A_209] : memref<10000x128xf32, #tpu.memory_space<hbm>> -> memref<10000x128xf32, #tpu.memory_space<hbm>>
      tpu.enqueue_indirect_dma source(%dma_start3A_210 : memref<10000x128xf32, #tpu.memory_space<hbm>>) target(%arg18 : memref<64x128xf32, #tpu.memory_space<vmem>>) offsets(%arg8 : memref<64xi32, #tpu.memory_space<vmem>>) semaphore(%arg29 : memref<!tpu.dma_semaphore, #tpu.memory_space<semaphore_mem>>)
      %dma_wait3A_211 = arith.constant 0 : i32
      %dma_wait3A_212 = arith.constant 0 : i32
      %dma_wait3A_213 = tpu.memref_slice %arg2[%dma_wait3A_211, %dma_wait3A_212] : memref<10000x128xf32, #tpu.memory_space<hbm>> -> memref<10000x128xf32, #tpu.memory_space<hbm>>
      tpu.wait_indirect_dma semaphore(%arg31 : memref<!tpu.dma_semaphore, #tpu.memory_space<semaphore_mem>>) src(%dma_wait3A_213 : memref<10000x128xf32, #tpu.memory_space<hbm>>) dst(%arg20 : memref<64x128xf32, #tpu.memory_space<vmem>>)
      "tpu.region"() ({
        %run_scoped3A = tpu.sem_alloc : memref<!tpu.dma_semaphore, #tpu.memory_space<semaphore_mem>>
        %dma_start3A_242 = arith.constant 0 : i32
        %dma_start3A_243 = arith.constant 0 : i32
        %dma_start3A_244 = tpu.memref_slice %arg22[%dma_start3A_242, %dma_start3A_243] : memref<10240x128xf32, #tpu.memory_space<vmem_shared>> -> memref<10240x128xf32, #tpu.memory_space<vmem_shared>>
        tpu.enqueue_indirect_dma source(%arg20 : memref<64x128xf32, #tpu.memory_space<vmem>>) target(%dma_start3A_244 : memref<10240x128xf32, #tpu.memory_space<vmem_shared>>) offsets(%arg15 : memref<64xi32, #tpu.memory_space<vmem>>) semaphore(%run_scoped3A : memref<!tpu.dma_semaphore, #tpu.memory_space<semaphore_mem>>) {add = true}
        %dma_wait3A_245 = arith.constant 0 : i32
        %dma_wait3A_246 = arith.constant 0 : i32
        %dma_wait3A_247 = tpu.memref_slice %arg22[%dma_wait3A_245, %dma_wait3A_246] : memref<10240x128xf32, #tpu.memory_space<vmem_shared>> -> memref<10240x128xf32, #tpu.memory_space<vmem_shared>>
        tpu.wait_indirect_dma semaphore(%run_scoped3A : memref<!tpu.dma_semaphore, #tpu.memory_space<semaphore_mem>>) src(%arg20 : memref<64x128xf32, #tpu.memory_space<vmem>>) dst(%dma_wait3A_247 : memref<10240x128xf32, #tpu.memory_space<vmem_shared>>)
        tpu.yield
      }) : () -> ()
      %add3A_214 = arith.constant 4 : i32
      %add3A_215 = arith.addi %mul3A_106, %add3A_214 : i32
      %add3A_216 = arith.constant 5 : i32
      %add3A_217 = arith.addi %add3A_215, %add3A_216 : i32
      %sub3A_218 = arith.constant 1 : i32
      %sub3A_219 = arith.subi %add3A_217, %sub3A_218 : i32
      %add3A_220 = arith.addi %select_n3A, %sub3A_219 : i32
      %mul3A_221 = arith.constant 64 : i32
      %mul3A_222 = arith.muli %add3A_220, %mul3A_221 : i32
      %dma_start3A_223 = tpu.memref_slice %arg3[%mul3A_222] : memref<327936xi32, #tpu.memory_space<hbm>> -> memref<64xi32, #tpu.memory_space<hbm>>
      %dma_start3A_224 = tpu.memref_slice %arg3[%mul3A_222] : memref<327936xi32, #tpu.memory_space<hbm>> -> memref<64xi32, #tpu.memory_space<hbm>>
      tpu.enqueue_dma source(%dma_start3A_224 : memref<64xi32, #tpu.memory_space<hbm>>) target(%arg10 : memref<64xi32, #tpu.memory_space<vmem>>) target_semaphore(%arg26 : memref<!tpu.dma_semaphore, #tpu.memory_space<semaphore_mem>>)
      %dma_start3A_225 = tpu.memref_slice %arg4[%mul3A_222] : memref<327936xi32, #tpu.memory_space<hbm>> -> memref<64xi32, #tpu.memory_space<hbm>>
      %dma_start3A_226 = tpu.memref_slice %arg4[%mul3A_222] : memref<327936xi32, #tpu.memory_space<hbm>> -> memref<64xi32, #tpu.memory_space<hbm>>
      tpu.enqueue_dma source(%dma_start3A_226 : memref<64xi32, #tpu.memory_space<hbm>>) target(%arg15 : memref<64xi32, #tpu.memory_space<vmem>>) target_semaphore(%arg26 : memref<!tpu.dma_semaphore, #tpu.memory_space<semaphore_mem>>)
      %dma_wait3A_227 = arith.constant 0 : i32
      %dma_wait3A_228 = tpu.memref_slice %arg3[%dma_wait3A_227] : memref<327936xi32, #tpu.memory_space<hbm>> -> memref<64xi32, #tpu.memory_space<hbm>>
      %dma_wait3A_229 = arith.constant 0 : i32
      %dma_wait3A_230 = tpu.memref_slice %arg3[%dma_wait3A_229] : memref<327936xi32, #tpu.memory_space<hbm>> -> memref<64xi32, #tpu.memory_space<hbm>>
      tpu.wait_dma2 semaphore(%arg25 : memref<!tpu.dma_semaphore, #tpu.memory_space<semaphore_mem>>) src(%dma_wait3A_230 : memref<64xi32, #tpu.memory_space<hbm>>) dst(%arg9 : memref<64xi32, #tpu.memory_space<vmem>>)
      %dma_wait3A_231 = arith.constant 0 : i32
      %dma_wait3A_232 = tpu.memref_slice %arg4[%dma_wait3A_231] : memref<327936xi32, #tpu.memory_space<hbm>> -> memref<64xi32, #tpu.memory_space<hbm>>
      %dma_wait3A_233 = arith.constant 0 : i32
      %dma_wait3A_234 = tpu.memref_slice %arg4[%dma_wait3A_233] : memref<327936xi32, #tpu.memory_space<hbm>> -> memref<64xi32, #tpu.memory_space<hbm>>
      tpu.wait_dma2 semaphore(%arg25 : memref<!tpu.dma_semaphore, #tpu.memory_space<semaphore_mem>>) src(%dma_wait3A_234 : memref<64xi32, #tpu.memory_space<hbm>>) dst(%arg14 : memref<64xi32, #tpu.memory_space<vmem>>)
      %dma_start3A_235 = arith.constant 0 : i32
      %dma_start3A_236 = arith.constant 0 : i32
      %dma_start3A_237 = tpu.memref_slice %arg2[%dma_start3A_235, %dma_start3A_236] : memref<10000x128xf32, #tpu.memory_space<hbm>> -> memref<10000x128xf32, #tpu.memory_space<hbm>>
      tpu.enqueue_indirect_dma source(%dma_start3A_237 : memref<10000x128xf32, #tpu.memory_space<hbm>>) target(%arg19 : memref<64x128xf32, #tpu.memory_space<vmem>>) offsets(%arg9 : memref<64xi32, #tpu.memory_space<vmem>>) semaphore(%arg30 : memref<!tpu.dma_semaphore, #tpu.memory_space<semaphore_mem>>)
      %dma_wait3A_238 = arith.constant 0 : i32
      %dma_wait3A_239 = arith.constant 0 : i32
      %dma_wait3A_240 = tpu.memref_slice %arg2[%dma_wait3A_238, %dma_wait3A_239] : memref<10000x128xf32, #tpu.memory_space<hbm>> -> memref<10000x128xf32, #tpu.memory_space<hbm>>
      tpu.wait_indirect_dma semaphore(%arg32 : memref<!tpu.dma_semaphore, #tpu.memory_space<semaphore_mem>>) src(%dma_wait3A_240 : memref<10000x128xf32, #tpu.memory_space<hbm>>) dst(%arg21 : memref<64x128xf32, #tpu.memory_space<vmem>>)
      "tpu.region"() ({
        %run_scoped3A = tpu.sem_alloc : memref<!tpu.dma_semaphore, #tpu.memory_space<semaphore_mem>>
        %dma_start3A_242 = arith.constant 0 : i32
        %dma_start3A_243 = arith.constant 0 : i32
        %dma_start3A_244 = tpu.memref_slice %arg22[%dma_start3A_242, %dma_start3A_243] : memref<10240x128xf32, #tpu.memory_space<vmem_shared>> -> memref<10240x128xf32, #tpu.memory_space<vmem_shared>>
        tpu.enqueue_indirect_dma source(%arg21 : memref<64x128xf32, #tpu.memory_space<vmem>>) target(%dma_start3A_244 : memref<10240x128xf32, #tpu.memory_space<vmem_shared>>) offsets(%arg16 : memref<64xi32, #tpu.memory_space<vmem>>) semaphore(%run_scoped3A : memref<!tpu.dma_semaphore, #tpu.memory_space<semaphore_mem>>) {add = true}
        %dma_wait3A_245 = arith.constant 0 : i32
        %dma_wait3A_246 = arith.constant 0 : i32
        %dma_wait3A_247 = tpu.memref_slice %arg22[%dma_wait3A_245, %dma_wait3A_246] : memref<10240x128xf32, #tpu.memory_space<vmem_shared>> -> memref<10240x128xf32, #tpu.memory_space<vmem_shared>>
        tpu.wait_indirect_dma semaphore(%run_scoped3A : memref<!tpu.dma_semaphore, #tpu.memory_space<semaphore_mem>>) src(%arg21 : memref<64x128xf32, #tpu.memory_space<vmem>>) dst(%dma_wait3A_247 : memref<10240x128xf32, #tpu.memory_space<vmem_shared>>)
        tpu.yield
      }) : () -> ()
      %while3A_241 = arith.constant 0 : i32
      scf.yield %while3A_241 : i32
    }
    %dma_wait3A_85 = arith.constant 0 : i32
    %dma_wait3A_86 = tpu.memref_slice %arg3[%dma_wait3A_85] : memref<327936xi32, #tpu.memory_space<hbm>> -> memref<64xi32, #tpu.memory_space<hbm>>
    %dma_wait3A_87 = arith.constant 0 : i32
    %dma_wait3A_88 = tpu.memref_slice %arg3[%dma_wait3A_87] : memref<327936xi32, #tpu.memory_space<hbm>> -> memref<64xi32, #tpu.memory_space<hbm>>
    tpu.wait_dma2 semaphore(%arg26 : memref<!tpu.dma_semaphore, #tpu.memory_space<semaphore_mem>>) src(%dma_wait3A_88 : memref<64xi32, #tpu.memory_space<hbm>>) dst(%arg10 : memref<64xi32, #tpu.memory_space<vmem>>)
    %dma_wait3A_89 = arith.constant 0 : i32
    %dma_wait3A_90 = tpu.memref_slice %arg4[%dma_wait3A_89] : memref<327936xi32, #tpu.memory_space<hbm>> -> memref<64xi32, #tpu.memory_space<hbm>>
    %dma_wait3A_91 = arith.constant 0 : i32
    %dma_wait3A_92 = tpu.memref_slice %arg4[%dma_wait3A_91] : memref<327936xi32, #tpu.memory_space<hbm>> -> memref<64xi32, #tpu.memory_space<hbm>>
    tpu.wait_dma2 semaphore(%arg26 : memref<!tpu.dma_semaphore, #tpu.memory_space<semaphore_mem>>) src(%dma_wait3A_92 : memref<64xi32, #tpu.memory_space<hbm>>) dst(%arg15 : memref<64xi32, #tpu.memory_space<vmem>>)
    %dma_wait3A_93 = arith.constant 0 : i32
    %dma_wait3A_94 = arith.constant 0 : i32
    %dma_wait3A_95 = tpu.memref_slice %arg2[%dma_wait3A_93, %dma_wait3A_94] : memref<10000x128xf32, #tpu.memory_space<hbm>> -> memref<10000x128xf32, #tpu.memory_space<hbm>>
    tpu.wait_indirect_dma semaphore(%arg28 : memref<!tpu.dma_semaphore, #tpu.memory_space<semaphore_mem>>) src(%dma_wait3A_95 : memref<10000x128xf32, #tpu.memory_space<hbm>>) dst(%arg17 : memref<64x128xf32, #tpu.memory_space<vmem>>)
    %dma_wait3A_96 = arith.constant 0 : i32
    %dma_wait3A_97 = arith.constant 0 : i32
    %dma_wait3A_98 = tpu.memref_slice %arg2[%dma_wait3A_96, %dma_wait3A_97] : memref<10000x128xf32, #tpu.memory_space<hbm>> -> memref<10000x128xf32, #tpu.memory_space<hbm>>
    tpu.wait_indirect_dma semaphore(%arg29 : memref<!tpu.dma_semaphore, #tpu.memory_space<semaphore_mem>>) src(%dma_wait3A_98 : memref<10000x128xf32, #tpu.memory_space<hbm>>) dst(%arg18 : memref<64x128xf32, #tpu.memory_space<vmem>>)
    %dma_wait3A_99 = arith.constant 0 : i32
    %dma_wait3A_100 = arith.constant 0 : i32
    %dma_wait3A_101 = tpu.memref_slice %arg2[%dma_wait3A_99, %dma_wait3A_100] : memref<10000x128xf32, #tpu.memory_space<hbm>> -> memref<10000x128xf32, #tpu.memory_space<hbm>>
    tpu.wait_indirect_dma semaphore(%arg30 : memref<!tpu.dma_semaphore, #tpu.memory_space<semaphore_mem>>) src(%dma_wait3A_101 : memref<10000x128xf32, #tpu.memory_space<hbm>>) dst(%arg19 : memref<64x128xf32, #tpu.memory_space<vmem>>)
    %barrier3A_102 = arith.constant 0 : index
    tpu.barrier barrier_id(%barrier3A_102)
    "tpu.region"() ({
      %run_scoped3A = tpu.sem_alloc : memref<!tpu.dma_semaphore, #tpu.memory_space<semaphore_mem>>
      %dma_start3A_103 = arith.constant 0 : i32
      %dma_start3A_104 = tpu.memref_slice %arg6[%arg0, %mul3A_0, %dma_start3A_103] : memref<2x10240x128xf32, #tpu.memory_space<hbm>> -> memref<1x640x128xf32, #tpu.memory_space<hbm>>
      %dma_start3A_105 = tpu.memref_squeeze %dma_start3A_104 : memref<1x640x128xf32, #tpu.memory_space<hbm>> -> memref<640x128xf32, #tpu.memory_space<hbm>>
      %dma_start3A_106 = arith.constant 0 : i32
      %dma_start3A_107 = tpu.memref_slice %arg22[%mul3A_0, %dma_start3A_106] : memref<10240x128xf32, #tpu.memory_space<vmem_shared>> -> memref<640x128xf32, #tpu.memory_space<vmem_shared>>
      tpu.enqueue_dma source(%dma_start3A_107 : memref<640x128xf32, #tpu.memory_space<vmem_shared>>) target(%dma_start3A_105 : memref<640x128xf32, #tpu.memory_space<hbm>>) target_semaphore(%run_scoped3A : memref<!tpu.dma_semaphore, #tpu.memory_space<semaphore_mem>>)
      %dma_wait3A_108 = arith.constant 0 : i32
      %dma_wait3A_109 = tpu.memref_slice %arg6[%arg0, %mul3A_0, %dma_wait3A_108] : memref<2x10240x128xf32, #tpu.memory_space<hbm>> -> memref<1x640x128xf32, #tpu.memory_space<hbm>>
      %dma_wait3A_110 = tpu.memref_squeeze %dma_wait3A_109 : memref<1x640x128xf32, #tpu.memory_space<hbm>> -> memref<640x128xf32, #tpu.memory_space<hbm>>
      %dma_wait3A_111 = arith.constant 0 : i32
      %dma_wait3A_112 = tpu.memref_slice %arg22[%mul3A_0, %dma_wait3A_111] : memref<10240x128xf32, #tpu.memory_space<vmem_shared>> -> memref<640x128xf32, #tpu.memory_space<vmem_shared>>
      tpu.wait_dma2 semaphore(%run_scoped3A : memref<!tpu.dma_semaphore, #tpu.memory_space<semaphore_mem>>) src(%dma_wait3A_112 : memref<640x128xf32, #tpu.memory_space<vmem_shared>>) dst(%dma_wait3A_110 : memref<640x128xf32, #tpu.memory_space<hbm>>)
      tpu.yield
    }) : () -> ()
    return
  }
}

#map = affine_map<(d0, d1) -> (0)>
module attributes {stable_mosaic.version = 14 : i64} {
  func.func @_pre_body(%arg0: i32, %arg1: i32, %arg2: memref<327936xi32, #tpu.memory_space<hbm>>, %arg3: memref<327936xi32, #tpu.memory_space<hbm>>, %arg4: memref<327936xi32, #tpu.memory_space<hbm>>, %arg5: memref<327936xi32, #tpu.memory_space<hbm>>, %arg6: memref<128xi32, #tpu.memory_space<vmem>>, %arg7: memref<128xi32, #tpu.memory_space<vmem>>, %arg8: memref<128xi32, #tpu.memory_space<vmem>>, %arg9: memref<128xi32, #tpu.memory_space<vmem>>) attributes {dimension_semantics = [#tpu.dimension_semantics<core_parallel>, #tpu.dimension_semantics<subcore_parallel>], iteration_bounds = array<i64: 2, 16>, scalar_prefetch = 0 : i64, scratch_operands = 4 : i64, tpu.core_type = #tpu.core_type<sc_vector_subcore>, window_params = [{transform_indices = #map}, {transform_indices = #map}, {transform_indices = #map}, {transform_indices = #map}]} {
    %mul3A = arith.constant 163840 : i32
    %mul3A_0 = arith.muli %arg0, %mul3A : i32
    %mul3A_1 = arith.constant 10240 : i32
    %mul3A_2 = arith.muli %arg1, %mul3A_1 : i32
    %add3A = arith.addi %mul3A_0, %mul3A_2 : i32
    %scan3A = arith.constant 0 : i32
    %scan3A_3 = arith.constant 0 : i32
    %scan3A_4 = arith.constant 80 : i32
    %scan3A_5 = arith.addi %scan3A_3, %scan3A_4 : i32
    %scan3A_6 = arith.constant 1 : i32
    %scan3A_7 = scf.for %scan3A_9 = %scan3A_3 to %scan3A_5 step %scan3A_6 iter_args(%scan3A_10 = %scan3A) -> (i32)  : i32 {
      %mul3A_11 = arith.constant 128 : i32
      %mul3A_12 = arith.muli %scan3A_9, %mul3A_11 : i32
      %add3A_13 = arith.addi %add3A, %mul3A_12 : i32
      "tpu.region"() ({
        %run_scoped3A = tpu.sem_alloc : memref<!tpu.dma_semaphore, #tpu.memory_space<semaphore_mem>>
        %dma_start3A = tpu.memref_slice %arg2[%add3A_13] : memref<327936xi32, #tpu.memory_space<hbm>> -> memref<128xi32, #tpu.memory_space<hbm>>
        %dma_start3A_162 = tpu.memref_slice %arg2[%add3A_13] : memref<327936xi32, #tpu.memory_space<hbm>> -> memref<128xi32, #tpu.memory_space<hbm>>
        tpu.enqueue_dma source(%dma_start3A_162 : memref<128xi32, #tpu.memory_space<hbm>>) target(%arg6 : memref<128xi32, #tpu.memory_space<vmem>>) target_semaphore(%run_scoped3A : memref<!tpu.dma_semaphore, #tpu.memory_space<semaphore_mem>>)
        %dma_wait3A = tpu.memref_slice %arg2[%add3A_13] : memref<327936xi32, #tpu.memory_space<hbm>> -> memref<128xi32, #tpu.memory_space<hbm>>
        %dma_wait3A_163 = tpu.memref_slice %arg2[%add3A_13] : memref<327936xi32, #tpu.memory_space<hbm>> -> memref<128xi32, #tpu.memory_space<hbm>>
        tpu.wait_dma2 semaphore(%run_scoped3A : memref<!tpu.dma_semaphore, #tpu.memory_space<semaphore_mem>>) src(%dma_wait3A_163 : memref<128xi32, #tpu.memory_space<hbm>>) dst(%arg6 : memref<128xi32, #tpu.memory_space<vmem>>)
        tpu.yield
      }) : () -> ()
      "tpu.region"() ({
        %run_scoped3A = tpu.sem_alloc : memref<!tpu.dma_semaphore, #tpu.memory_space<semaphore_mem>>
        %dma_start3A = tpu.memref_slice %arg3[%add3A_13] : memref<327936xi32, #tpu.memory_space<hbm>> -> memref<128xi32, #tpu.memory_space<hbm>>
        %dma_start3A_162 = tpu.memref_slice %arg3[%add3A_13] : memref<327936xi32, #tpu.memory_space<hbm>> -> memref<128xi32, #tpu.memory_space<hbm>>
        tpu.enqueue_dma source(%dma_start3A_162 : memref<128xi32, #tpu.memory_space<hbm>>) target(%arg7 : memref<128xi32, #tpu.memory_space<vmem>>) target_semaphore(%run_scoped3A : memref<!tpu.dma_semaphore, #tpu.memory_space<semaphore_mem>>)
        %dma_wait3A = tpu.memref_slice %arg3[%add3A_13] : memref<327936xi32, #tpu.memory_space<hbm>> -> memref<128xi32, #tpu.memory_space<hbm>>
        %dma_wait3A_163 = tpu.memref_slice %arg3[%add3A_13] : memref<327936xi32, #tpu.memory_space<hbm>> -> memref<128xi32, #tpu.memory_space<hbm>>
        tpu.wait_dma2 semaphore(%run_scoped3A : memref<!tpu.dma_semaphore, #tpu.memory_space<semaphore_mem>>) src(%dma_wait3A_163 : memref<128xi32, #tpu.memory_space<hbm>>) dst(%arg7 : memref<128xi32, #tpu.memory_space<vmem>>)
        tpu.yield
      }) : () -> ()
      %get3A = arith.constant 0 : index
      %get3A_14 = tpu.vector_load %arg6[%get3A] {strides = array<i32>} : memref<128xi32, #tpu.memory_space<vmem>>, vector<16xi32>,
      %get3A_15 = vector.shape_cast %get3A_14 : vector<16xi32> to vector<16xi32>
      %get3A_16 = arith.constant 0 : index
      %get3A_17 = tpu.vector_load %arg7[%get3A_16] {strides = array<i32>} : memref<128xi32, #tpu.memory_space<vmem>>, vector<16xi32>,
      %get3A_18 = vector.shape_cast %get3A_17 : vector<16xi32> to vector<16xi32>
      %eq3A = arith.cmpi eq, %get3A_15, %get3A_18 : vector<16xi32>
      %broadcast_in_dim3A = arith.constant 10000 : i32
      %broadcast_in_dim3A_19 = vector.broadcast %broadcast_in_dim3A : i32 to vector<16xi32>
      %select_n3A = arith.select %eq3A, %broadcast_in_dim3A_19, %get3A_15 : vector<16xi1>, vector<16xi32>
      %swap3A = arith.constant 0 : index
      %swap3A_20 = tpu.vector_load %arg8[%swap3A] {strides = array<i32>} : memref<128xi32, #tpu.memory_space<vmem>>, vector<16xi32>,
      %swap3A_21 = vector.shape_cast %swap3A_20 : vector<16xi32> to vector<16xi32>
      %swap3A_22 = vector.shape_cast %select_n3A : vector<16xi32> to vector<16xi32>
      tpu.vector_store %arg8[%swap3A], %swap3A_22 {strides = array<i32>} : memref<128xi32, #tpu.memory_space<vmem>>, vector<16xi32>,
      %select_n3A_23 = arith.select %eq3A, %broadcast_in_dim3A_19, %get3A_18 : vector<16xi1>, vector<16xi32>
      %swap3A_24 = arith.constant 0 : index
      %swap3A_25 = tpu.vector_load %arg9[%swap3A_24] {strides = array<i32>} : memref<128xi32, #tpu.memory_space<vmem>>, vector<16xi32>,
      %swap3A_26 = vector.shape_cast %swap3A_25 : vector<16xi32> to vector<16xi32>
      %swap3A_27 = vector.shape_cast %select_n3A_23 : vector<16xi32> to vector<16xi32>
      tpu.vector_store %arg9[%swap3A_24], %swap3A_27 {strides = array<i32>} : memref<128xi32, #tpu.memory_space<vmem>>, vector<16xi32>,
      %get3A_28 = arith.constant 16 : index
      %get3A_29 = tpu.vector_load %arg6[%get3A_28] {strides = array<i32>} : memref<128xi32, #tpu.memory_space<vmem>>, vector<16xi32>,
      %get3A_30 = vector.shape_cast %get3A_29 : vector<16xi32> to vector<16xi32>
      %get3A_31 = arith.constant 16 : index
      %get3A_32 = tpu.vector_load %arg7[%get3A_31] {strides = array<i32>} : memref<128xi32, #tpu.memory_space<vmem>>, vector<16xi32>,
      %get3A_33 = vector.shape_cast %get3A_32 : vector<16xi32> to vector<16xi32>
      %eq3A_34 = arith.cmpi eq, %get3A_30, %get3A_33 : vector<16xi32>
      %broadcast_in_dim3A_35 = arith.constant 10000 : i32
      %broadcast_in_dim3A_36 = vector.broadcast %broadcast_in_dim3A_35 : i32 to vector<16xi32>
      %select_n3A_37 = arith.select %eq3A_34, %broadcast_in_dim3A_36, %get3A_30 : vector<16xi1>, vector<16xi32>
      %swap3A_38 = arith.constant 16 : index
      %swap3A_39 = tpu.vector_load %arg8[%swap3A_38] {strides = array<i32>} : memref<128xi32, #tpu.memory_space<vmem>>, vector<16xi32>,
      %swap3A_40 = vector.shape_cast %swap3A_39 : vector<16xi32> to vector<16xi32>
      %swap3A_41 = vector.shape_cast %select_n3A_37 : vector<16xi32> to vector<16xi32>
      tpu.vector_store %arg8[%swap3A_38], %swap3A_41 {strides = array<i32>} : memref<128xi32, #tpu.memory_space<vmem>>, vector<16xi32>,
      %select_n3A_42 = arith.select %eq3A_34, %broadcast_in_dim3A_36, %get3A_33 : vector<16xi1>, vector<16xi32>
      %swap3A_43 = arith.constant 16 : index
      %swap3A_44 = tpu.vector_load %arg9[%swap3A_43] {strides = array<i32>} : memref<128xi32, #tpu.memory_space<vmem>>, vector<16xi32>,
      %swap3A_45 = vector.shape_cast %swap3A_44 : vector<16xi32> to vector<16xi32>
      %swap3A_46 = vector.shape_cast %select_n3A_42 : vector<16xi32> to vector<16xi32>
      tpu.vector_store %arg9[%swap3A_43], %swap3A_46 {strides = array<i32>} : memref<128xi32, #tpu.memory_space<vmem>>, vector<16xi32>,
      %get3A_47 = arith.constant 32 : index
      %get3A_48 = tpu.vector_load %arg6[%get3A_47] {strides = array<i32>} : memref<128xi32, #tpu.memory_space<vmem>>, vector<16xi32>,
      %get3A_49 = vector.shape_cast %get3A_48 : vector<16xi32> to vector<16xi32>
      %get3A_50 = arith.constant 32 : index
      %get3A_51 = tpu.vector_load %arg7[%get3A_50] {strides = array<i32>} : memref<128xi32, #tpu.memory_space<vmem>>, vector<16xi32>,
      %get3A_52 = vector.shape_cast %get3A_51 : vector<16xi32> to vector<16xi32>
      %eq3A_53 = arith.cmpi eq, %get3A_49, %get3A_52 : vector<16xi32>
      %broadcast_in_dim3A_54 = arith.constant 10000 : i32
      %broadcast_in_dim3A_55 = vector.broadcast %broadcast_in_dim3A_54 : i32 to vector<16xi32>
      %select_n3A_56 = arith.select %eq3A_53, %broadcast_in_dim3A_55, %get3A_49 : vector<16xi1>, vector<16xi32>
      %swap3A_57 = arith.constant 32 : index
      %swap3A_58 = tpu.vector_load %arg8[%swap3A_57] {strides = array<i32>} : memref<128xi32, #tpu.memory_space<vmem>>, vector<16xi32>,
      %swap3A_59 = vector.shape_cast %swap3A_58 : vector<16xi32> to vector<16xi32>
      %swap3A_60 = vector.shape_cast %select_n3A_56 : vector<16xi32> to vector<16xi32>
      tpu.vector_store %arg8[%swap3A_57], %swap3A_60 {strides = array<i32>} : memref<128xi32, #tpu.memory_space<vmem>>, vector<16xi32>,
      %select_n3A_61 = arith.select %eq3A_53, %broadcast_in_dim3A_55, %get3A_52 : vector<16xi1>, vector<16xi32>
      %swap3A_62 = arith.constant 32 : index
      %swap3A_63 = tpu.vector_load %arg9[%swap3A_62] {strides = array<i32>} : memref<128xi32, #tpu.memory_space<vmem>>, vector<16xi32>,
      %swap3A_64 = vector.shape_cast %swap3A_63 : vector<16xi32> to vector<16xi32>
      %swap3A_65 = vector.shape_cast %select_n3A_61 : vector<16xi32> to vector<16xi32>
      tpu.vector_store %arg9[%swap3A_62], %swap3A_65 {strides = array<i32>} : memref<128xi32, #tpu.memory_space<vmem>>, vector<16xi32>,
      %get3A_66 = arith.constant 48 : index
      %get3A_67 = tpu.vector_load %arg6[%get3A_66] {strides = array<i32>} : memref<128xi32, #tpu.memory_space<vmem>>, vector<16xi32>,
      %get3A_68 = vector.shape_cast %get3A_67 : vector<16xi32> to vector<16xi32>
      %get3A_69 = arith.constant 48 : index
      %get3A_70 = tpu.vector_load %arg7[%get3A_69] {strides = array<i32>} : memref<128xi32, #tpu.memory_space<vmem>>, vector<16xi32>,
      %get3A_71 = vector.shape_cast %get3A_70 : vector<16xi32> to vector<16xi32>
      %eq3A_72 = arith.cmpi eq, %get3A_68, %get3A_71 : vector<16xi32>
      %broadcast_in_dim3A_73 = arith.constant 10000 : i32
      %broadcast_in_dim3A_74 = vector.broadcast %broadcast_in_dim3A_73 : i32 to vector<16xi32>
      %select_n3A_75 = arith.select %eq3A_72, %broadcast_in_dim3A_74, %get3A_68 : vector<16xi1>, vector<16xi32>
      %swap3A_76 = arith.constant 48 : index
      %swap3A_77 = tpu.vector_load %arg8[%swap3A_76] {strides = array<i32>} : memref<128xi32, #tpu.memory_space<vmem>>, vector<16xi32>,
      %swap3A_78 = vector.shape_cast %swap3A_77 : vector<16xi32> to vector<16xi32>
      %swap3A_79 = vector.shape_cast %select_n3A_75 : vector<16xi32> to vector<16xi32>
      tpu.vector_store %arg8[%swap3A_76], %swap3A_79 {strides = array<i32>} : memref<128xi32, #tpu.memory_space<vmem>>, vector<16xi32>,
      %select_n3A_80 = arith.select %eq3A_72, %broadcast_in_dim3A_74, %get3A_71 : vector<16xi1>, vector<16xi32>
      %swap3A_81 = arith.constant 48 : index
      %swap3A_82 = tpu.vector_load %arg9[%swap3A_81] {strides = array<i32>} : memref<128xi32, #tpu.memory_space<vmem>>, vector<16xi32>,
      %swap3A_83 = vector.shape_cast %swap3A_82 : vector<16xi32> to vector<16xi32>
      %swap3A_84 = vector.shape_cast %select_n3A_80 : vector<16xi32> to vector<16xi32>
      tpu.vector_store %arg9[%swap3A_81], %swap3A_84 {strides = array<i32>} : memref<128xi32, #tpu.memory_space<vmem>>, vector<16xi32>,
      %get3A_85 = arith.constant 64 : index
      %get3A_86 = tpu.vector_load %arg6[%get3A_85] {strides = array<i32>} : memref<128xi32, #tpu.memory_space<vmem>>, vector<16xi32>,
      %get3A_87 = vector.shape_cast %get3A_86 : vector<16xi32> to vector<16xi32>
      %get3A_88 = arith.constant 64 : index
      %get3A_89 = tpu.vector_load %arg7[%get3A_88] {strides = array<i32>} : memref<128xi32, #tpu.memory_space<vmem>>, vector<16xi32>,
      %get3A_90 = vector.shape_cast %get3A_89 : vector<16xi32> to vector<16xi32>
      %eq3A_91 = arith.cmpi eq, %get3A_87, %get3A_90 : vector<16xi32>
      %broadcast_in_dim3A_92 = arith.constant 10000 : i32
      %broadcast_in_dim3A_93 = vector.broadcast %broadcast_in_dim3A_92 : i32 to vector<16xi32>
      %select_n3A_94 = arith.select %eq3A_91, %broadcast_in_dim3A_93, %get3A_87 : vector<16xi1>, vector<16xi32>
      %swap3A_95 = arith.constant 64 : index
      %swap3A_96 = tpu.vector_load %arg8[%swap3A_95] {strides = array<i32>} : memref<128xi32, #tpu.memory_space<vmem>>, vector<16xi32>,
      %swap3A_97 = vector.shape_cast %swap3A_96 : vector<16xi32> to vector<16xi32>
      %swap3A_98 = vector.shape_cast %select_n3A_94 : vector<16xi32> to vector<16xi32>
      tpu.vector_store %arg8[%swap3A_95], %swap3A_98 {strides = array<i32>} : memref<128xi32, #tpu.memory_space<vmem>>, vector<16xi32>,
      %select_n3A_99 = arith.select %eq3A_91, %broadcast_in_dim3A_93, %get3A_90 : vector<16xi1>, vector<16xi32>
      %swap3A_100 = arith.constant 64 : index
      %swap3A_101 = tpu.vector_load %arg9[%swap3A_100] {strides = array<i32>} : memref<128xi32, #tpu.memory_space<vmem>>, vector<16xi32>,
      %swap3A_102 = vector.shape_cast %swap3A_101 : vector<16xi32> to vector<16xi32>
      %swap3A_103 = vector.shape_cast %select_n3A_99 : vector<16xi32> to vector<16xi32>
      tpu.vector_store %arg9[%swap3A_100], %swap3A_103 {strides = array<i32>} : memref<128xi32, #tpu.memory_space<vmem>>, vector<16xi32>,
      %get3A_104 = arith.constant 80 : index
      %get3A_105 = tpu.vector_load %arg6[%get3A_104] {strides = array<i32>} : memref<128xi32, #tpu.memory_space<vmem>>, vector<16xi32>,
      %get3A_106 = vector.shape_cast %get3A_105 : vector<16xi32> to vector<16xi32>
      %get3A_107 = arith.constant 80 : index
      %get3A_108 = tpu.vector_load %arg7[%get3A_107] {strides = array<i32>} : memref<128xi32, #tpu.memory_space<vmem>>, vector<16xi32>,
      %get3A_109 = vector.shape_cast %get3A_108 : vector<16xi32> to vector<16xi32>
      %eq3A_110 = arith.cmpi eq, %get3A_106, %get3A_109 : vector<16xi32>
      %broadcast_in_dim3A_111 = arith.constant 10000 : i32
      %broadcast_in_dim3A_112 = vector.broadcast %broadcast_in_dim3A_111 : i32 to vector<16xi32>
      %select_n3A_113 = arith.select %eq3A_110, %broadcast_in_dim3A_112, %get3A_106 : vector<16xi1>, vector<16xi32>
      %swap3A_114 = arith.constant 80 : index
      %swap3A_115 = tpu.vector_load %arg8[%swap3A_114] {strides = array<i32>} : memref<128xi32, #tpu.memory_space<vmem>>, vector<16xi32>,
      %swap3A_116 = vector.shape_cast %swap3A_115 : vector<16xi32> to vector<16xi32>
      %swap3A_117 = vector.shape_cast %select_n3A_113 : vector<16xi32> to vector<16xi32>
      tpu.vector_store %arg8[%swap3A_114], %swap3A_117 {strides = array<i32>} : memref<128xi32, #tpu.memory_space<vmem>>, vector<16xi32>,
      %select_n3A_118 = arith.select %eq3A_110, %broadcast_in_dim3A_112, %get3A_109 : vector<16xi1>, vector<16xi32>
      %swap3A_119 = arith.constant 80 : index
      %swap3A_120 = tpu.vector_load %arg9[%swap3A_119] {strides = array<i32>} : memref<128xi32, #tpu.memory_space<vmem>>, vector<16xi32>,
      %swap3A_121 = vector.shape_cast %swap3A_120 : vector<16xi32> to vector<16xi32>
      %swap3A_122 = vector.shape_cast %select_n3A_118 : vector<16xi32> to vector<16xi32>
      tpu.vector_store %arg9[%swap3A_119], %swap3A_122 {strides = array<i32>} : memref<128xi32, #tpu.memory_space<vmem>>, vector<16xi32>,
      %get3A_123 = arith.constant 96 : index
      %get3A_124 = tpu.vector_load %arg6[%get3A_123] {strides = array<i32>} : memref<128xi32, #tpu.memory_space<vmem>>, vector<16xi32>,
      %get3A_125 = vector.shape_cast %get3A_124 : vector<16xi32> to vector<16xi32>
      %get3A_126 = arith.constant 96 : index
      %get3A_127 = tpu.vector_load %arg7[%get3A_126] {strides = array<i32>} : memref<128xi32, #tpu.memory_space<vmem>>, vector<16xi32>,
      %get3A_128 = vector.shape_cast %get3A_127 : vector<16xi32> to vector<16xi32>
      %eq3A_129 = arith.cmpi eq, %get3A_125, %get3A_128 : vector<16xi32>
      %broadcast_in_dim3A_130 = arith.constant 10000 : i32
      %broadcast_in_dim3A_131 = vector.broadcast %broadcast_in_dim3A_130 : i32 to vector<16xi32>
      %select_n3A_132 = arith.select %eq3A_129, %broadcast_in_dim3A_131, %get3A_125 : vector<16xi1>, vector<16xi32>
      %swap3A_133 = arith.constant 96 : index
      %swap3A_134 = tpu.vector_load %arg8[%swap3A_133] {strides = array<i32>} : memref<128xi32, #tpu.memory_space<vmem>>, vector<16xi32>,
      %swap3A_135 = vector.shape_cast %swap3A_134 : vector<16xi32> to vector<16xi32>
      %swap3A_136 = vector.shape_cast %select_n3A_132 : vector<16xi32> to vector<16xi32>
      tpu.vector_store %arg8[%swap3A_133], %swap3A_136 {strides = array<i32>} : memref<128xi32, #tpu.memory_space<vmem>>, vector<16xi32>,
      %select_n3A_137 = arith.select %eq3A_129, %broadcast_in_dim3A_131, %get3A_128 : vector<16xi1>, vector<16xi32>
      %swap3A_138 = arith.constant 96 : index
      %swap3A_139 = tpu.vector_load %arg9[%swap3A_138] {strides = array<i32>} : memref<128xi32, #tpu.memory_space<vmem>>, vector<16xi32>,
      %swap3A_140 = vector.shape_cast %swap3A_139 : vector<16xi32> to vector<16xi32>
      %swap3A_141 = vector.shape_cast %select_n3A_137 : vector<16xi32> to vector<16xi32>
      tpu.vector_store %arg9[%swap3A_138], %swap3A_141 {strides = array<i32>} : memref<128xi32, #tpu.memory_space<vmem>>, vector<16xi32>,
      %get3A_142 = arith.constant 112 : index
      %get3A_143 = tpu.vector_load %arg6[%get3A_142] {strides = array<i32>} : memref<128xi32, #tpu.memory_space<vmem>>, vector<16xi32>,
      %get3A_144 = vector.shape_cast %get3A_143 : vector<16xi32> to vector<16xi32>
      %get3A_145 = arith.constant 112 : index
      %get3A_146 = tpu.vector_load %arg7[%get3A_145] {strides = array<i32>} : memref<128xi32, #tpu.memory_space<vmem>>, vector<16xi32>,
      %get3A_147 = vector.shape_cast %get3A_146 : vector<16xi32> to vector<16xi32>
      %eq3A_148 = arith.cmpi eq, %get3A_144, %get3A_147 : vector<16xi32>
      %broadcast_in_dim3A_149 = arith.constant 10000 : i32
      %broadcast_in_dim3A_150 = vector.broadcast %broadcast_in_dim3A_149 : i32 to vector<16xi32>
      %select_n3A_151 = arith.select %eq3A_148, %broadcast_in_dim3A_150, %get3A_144 : vector<16xi1>, vector<16xi32>
      %swap3A_152 = arith.constant 112 : index
      %swap3A_153 = tpu.vector_load %arg8[%swap3A_152] {strides = array<i32>} : memref<128xi32, #tpu.memory_space<vmem>>, vector<16xi32>,
      %swap3A_154 = vector.shape_cast %swap3A_153 : vector<16xi32> to vector<16xi32>
      %swap3A_155 = vector.shape_cast %select_n3A_151 : vector<16xi32> to vector<16xi32>
      tpu.vector_store %arg8[%swap3A_152], %swap3A_155 {strides = array<i32>} : memref<128xi32, #tpu.memory_space<vmem>>, vector<16xi32>,
      %select_n3A_156 = arith.select %eq3A_148, %broadcast_in_dim3A_150, %get3A_147 : vector<16xi1>, vector<16xi32>
      %swap3A_157 = arith.constant 112 : index
      %swap3A_158 = tpu.vector_load %arg9[%swap3A_157] {strides = array<i32>} : memref<128xi32, #tpu.memory_space<vmem>>, vector<16xi32>,
      %swap3A_159 = vector.shape_cast %swap3A_158 : vector<16xi32> to vector<16xi32>
      %swap3A_160 = vector.shape_cast %select_n3A_156 : vector<16xi32> to vector<16xi32>
      tpu.vector_store %arg9[%swap3A_157], %swap3A_160 {strides = array<i32>} : memref<128xi32, #tpu.memory_space<vmem>>, vector<16xi32>,
      "tpu.region"() ({
        %run_scoped3A = tpu.sem_alloc : memref<!tpu.dma_semaphore, #tpu.memory_space<semaphore_mem>>
        %dma_start3A = tpu.memref_slice %arg4[%add3A_13] : memref<327936xi32, #tpu.memory_space<hbm>> -> memref<128xi32, #tpu.memory_space<hbm>>
        %dma_start3A_162 = tpu.memref_slice %arg4[%add3A_13] : memref<327936xi32, #tpu.memory_space<hbm>> -> memref<128xi32, #tpu.memory_space<hbm>>
        tpu.enqueue_dma source(%arg8 : memref<128xi32, #tpu.memory_space<vmem>>) target(%dma_start3A_162 : memref<128xi32, #tpu.memory_space<hbm>>) target_semaphore(%run_scoped3A : memref<!tpu.dma_semaphore, #tpu.memory_space<semaphore_mem>>)
        %dma_wait3A = tpu.memref_slice %arg4[%add3A_13] : memref<327936xi32, #tpu.memory_space<hbm>> -> memref<128xi32, #tpu.memory_space<hbm>>
        %dma_wait3A_163 = tpu.memref_slice %arg4[%add3A_13] : memref<327936xi32, #tpu.memory_space<hbm>> -> memref<128xi32, #tpu.memory_space<hbm>>
        tpu.wait_dma2 semaphore(%run_scoped3A : memref<!tpu.dma_semaphore, #tpu.memory_space<semaphore_mem>>) src(%arg8 : memref<128xi32, #tpu.memory_space<vmem>>) dst(%dma_wait3A_163 : memref<128xi32, #tpu.memory_space<hbm>>)
        tpu.yield
      }) : () -> ()
      "tpu.region"() ({
        %run_scoped3A = tpu.sem_alloc : memref<!tpu.dma_semaphore, #tpu.memory_space<semaphore_mem>>
        %dma_start3A = tpu.memref_slice %arg5[%add3A_13] : memref<327936xi32, #tpu.memory_space<hbm>> -> memref<128xi32, #tpu.memory_space<hbm>>
        %dma_start3A_162 = tpu.memref_slice %arg5[%add3A_13] : memref<327936xi32, #tpu.memory_space<hbm>> -> memref<128xi32, #tpu.memory_space<hbm>>
        tpu.enqueue_dma source(%arg9 : memref<128xi32, #tpu.memory_space<vmem>>) target(%dma_start3A_162 : memref<128xi32, #tpu.memory_space<hbm>>) target_semaphore(%run_scoped3A : memref<!tpu.dma_semaphore, #tpu.memory_space<semaphore_mem>>)
        %dma_wait3A = tpu.memref_slice %arg5[%add3A_13] : memref<327936xi32, #tpu.memory_space<hbm>> -> memref<128xi32, #tpu.memory_space<hbm>>
        %dma_wait3A_163 = tpu.memref_slice %arg5[%add3A_13] : memref<327936xi32, #tpu.memory_space<hbm>> -> memref<128xi32, #tpu.memory_space<hbm>>
        tpu.wait_dma2 semaphore(%run_scoped3A : memref<!tpu.dma_semaphore, #tpu.memory_space<semaphore_mem>>) src(%arg9 : memref<128xi32, #tpu.memory_space<vmem>>) dst(%dma_wait3A_163 : memref<128xi32, #tpu.memory_space<hbm>>)
        tpu.yield
      }) : () -> ()
      %scan3A_161 = arith.constant 0 : i32
      scf.yield %scan3A_161 : i32
    }
    %scan3A_8 = arith.constant 80 : i32
    return
  }
}

#map = affine_map<(d0, d1) -> (0)>
#map1 = affine_map<(d0, d1) -> (0, 0)>
#map2 = affine_map<(d0, d1) -> (0, 0, 0)>
module attributes {stable_mosaic.version = 14 : i64} {
  func.func @_deg_body(%arg0: i32, %arg1: i32, %arg2: memref<327936xi32, #tpu.memory_space<hbm>>, %arg3: memref<327936xi32, #tpu.memory_space<hbm>>, %arg4: memref<128x128xf32, #tpu.memory_space<hbm>>, %arg5: memref<640x128xf32, #tpu.memory_space<hbm>>, %arg6: memref<2x10240x128xf32, #tpu.memory_space<hbm>>, %arg7: memref<2x10240x128xf32, #tpu.memory_space<hbm>>, %arg8: memref<128xi32, #tpu.memory_space<vmem>>, %arg9: memref<128x128xf32, #tpu.memory_space<vmem>>, %arg10: memref<10240x128xf32, #tpu.memory_space<vmem_shared>>) attributes {dimension_semantics = [#tpu.dimension_semantics<core_parallel>, #tpu.dimension_semantics<subcore_parallel>], iteration_bounds = array<i64: 2, 16>, scalar_prefetch = 0 : i64, scratch_operands = 3 : i64, tpu.core_type = #tpu.core_type<sc_vector_subcore>, window_params = [{transform_indices = #map}, {transform_indices = #map}, {transform_indices = #map1}, {transform_indices = #map1}, {transform_indices = #map2}, {transform_indices = #map2}]} {
    %mul3A = arith.constant 640 : i32
    %mul3A_0 = arith.muli %arg1, %mul3A : i32
    %mul3A_1 = arith.constant 163840 : i32
    %mul3A_2 = arith.muli %arg0, %mul3A_1 : i32
    %mul3A_3 = arith.constant 10240 : i32
    %mul3A_4 = arith.muli %arg1, %mul3A_3 : i32
    %add3A = arith.addi %mul3A_2, %mul3A_4 : i32
    "tpu.region"() ({
      %run_scoped3A = tpu.sem_alloc : memref<!tpu.dma_semaphore, #tpu.memory_space<semaphore_mem>>
      tpu.enqueue_dma source(%arg4 : memref<128x128xf32, #tpu.memory_space<hbm>>) target(%arg9 : memref<128x128xf32, #tpu.memory_space<vmem>>) target_semaphore(%run_scoped3A : memref<!tpu.dma_semaphore, #tpu.memory_space<semaphore_mem>>)
      tpu.wait_dma2 semaphore(%run_scoped3A : memref<!tpu.dma_semaphore, #tpu.memory_space<semaphore_mem>>) src(%arg4 : memref<128x128xf32, #tpu.memory_space<hbm>>) dst(%arg9 : memref<128x128xf32, #tpu.memory_space<vmem>>)
      tpu.yield
    }) : () -> ()
    "tpu.region"() ({
      %run_scoped3A = tpu.sem_alloc : memref<!tpu.dma_semaphore, #tpu.memory_space<semaphore_mem>>
      %dma_start3A = arith.constant 0 : i32
      %dma_start3A_23 = tpu.memref_slice %arg10[%mul3A_0, %dma_start3A] : memref<10240x128xf32, #tpu.memory_space<vmem_shared>> -> memref<640x128xf32, #tpu.memory_space<vmem_shared>>
      tpu.enqueue_dma source(%arg5 : memref<640x128xf32, #tpu.memory_space<hbm>>) target(%dma_start3A_23 : memref<640x128xf32, #tpu.memory_space<vmem_shared>>) target_semaphore(%run_scoped3A : memref<!tpu.dma_semaphore, #tpu.memory_space<semaphore_mem>>)
      %dma_wait3A = arith.constant 0 : i32
      %dma_wait3A_24 = tpu.memref_slice %arg10[%mul3A_0, %dma_wait3A] : memref<10240x128xf32, #tpu.memory_space<vmem_shared>> -> memref<640x128xf32, #tpu.memory_space<vmem_shared>>
      tpu.wait_dma2 semaphore(%run_scoped3A : memref<!tpu.dma_semaphore, #tpu.memory_space<semaphore_mem>>) src(%arg5 : memref<640x128xf32, #tpu.memory_space<hbm>>) dst(%dma_wait3A_24 : memref<640x128xf32, #tpu.memory_space<vmem_shared>>)
      tpu.yield
    }) : () -> ()
    %barrier3A = arith.constant 0 : index
    tpu.barrier barrier_id(%barrier3A)
    %scan3A = arith.constant 0 : i32
    %scan3A_5 = arith.constant 0 : i32
    %scan3A_6 = arith.constant 80 : i32
    %scan3A_7 = arith.addi %scan3A_5, %scan3A_6 : i32
    %scan3A_8 = arith.constant 1 : i32
    %scan3A_9 = scf.for %scan3A_23 = %scan3A_5 to %scan3A_7 step %scan3A_8 iter_args(%scan3A_24 = %scan3A) -> (i32)  : i32 {
      %mul3A_25 = arith.constant 128 : i32
      %mul3A_26 = arith.muli %scan3A_23, %mul3A_25 : i32
      %add3A_27 = arith.addi %add3A, %mul3A_26 : i32
      "tpu.region"() ({
        %run_scoped3A = tpu.sem_alloc : memref<!tpu.dma_semaphore, #tpu.memory_space<semaphore_mem>>
        %dma_start3A = tpu.memref_slice %arg3[%add3A_27] : memref<327936xi32, #tpu.memory_space<hbm>> -> memref<128xi32, #tpu.memory_space<hbm>>
        %dma_start3A_29 = tpu.memref_slice %arg3[%add3A_27] : memref<327936xi32, #tpu.memory_space<hbm>> -> memref<128xi32, #tpu.memory_space<hbm>>
        tpu.enqueue_dma source(%dma_start3A_29 : memref<128xi32, #tpu.memory_space<hbm>>) target(%arg8 : memref<128xi32, #tpu.memory_space<vmem>>) target_semaphore(%run_scoped3A : memref<!tpu.dma_semaphore, #tpu.memory_space<semaphore_mem>>)
        %dma_wait3A = tpu.memref_slice %arg3[%add3A_27] : memref<327936xi32, #tpu.memory_space<hbm>> -> memref<128xi32, #tpu.memory_space<hbm>>
        %dma_wait3A_30 = tpu.memref_slice %arg3[%add3A_27] : memref<327936xi32, #tpu.memory_space<hbm>> -> memref<128xi32, #tpu.memory_space<hbm>>
        tpu.wait_dma2 semaphore(%run_scoped3A : memref<!tpu.dma_semaphore, #tpu.memory_space<semaphore_mem>>) src(%dma_wait3A_30 : memref<128xi32, #tpu.memory_space<hbm>>) dst(%arg8 : memref<128xi32, #tpu.memory_space<vmem>>)
        tpu.yield
      }) : () -> ()
      "tpu.region"() ({
        %run_scoped3A = tpu.sem_alloc : memref<!tpu.dma_semaphore, #tpu.memory_space<semaphore_mem>>
        %dma_start3A = arith.constant 0 : i32
        %dma_start3A_29 = arith.constant 0 : i32
        %dma_start3A_30 = tpu.memref_slice %arg10[%dma_start3A, %dma_start3A_29] : memref<10240x128xf32, #tpu.memory_space<vmem_shared>> -> memref<10240x128xf32, #tpu.memory_space<vmem_shared>>
        tpu.enqueue_indirect_dma source(%arg9 : memref<128x128xf32, #tpu.memory_space<vmem>>) target(%dma_start3A_30 : memref<10240x128xf32, #tpu.memory_space<vmem_shared>>) offsets(%arg8 : memref<128xi32, #tpu.memory_space<vmem>>) semaphore(%run_scoped3A : memref<!tpu.dma_semaphore, #tpu.memory_space<semaphore_mem>>) {add = true}
        %dma_wait3A = arith.constant 0 : i32
        %dma_wait3A_31 = arith.constant 0 : i32
        %dma_wait3A_32 = tpu.memref_slice %arg10[%dma_wait3A, %dma_wait3A_31] : memref<10240x128xf32, #tpu.memory_space<vmem_shared>> -> memref<10240x128xf32, #tpu.memory_space<vmem_shared>>
        tpu.wait_indirect_dma semaphore(%run_scoped3A : memref<!tpu.dma_semaphore, #tpu.memory_space<semaphore_mem>>) src(%arg9 : memref<128x128xf32, #tpu.memory_space<vmem>>) dst(%dma_wait3A_32 : memref<10240x128xf32, #tpu.memory_space<vmem_shared>>)
        tpu.yield
      }) : () -> ()
      %scan3A_28 = arith.constant 0 : i32
      scf.yield %scan3A_28 : i32
    }
    %scan3A_10 = arith.constant 80 : i32
    %barrier3A_11 = arith.constant 0 : index
    tpu.barrier barrier_id(%barrier3A_11)
    "tpu.region"() ({
      %run_scoped3A = tpu.sem_alloc : memref<!tpu.dma_semaphore, #tpu.memory_space<semaphore_mem>>
      %dma_start3A = arith.constant 0 : i32
      %dma_start3A_23 = tpu.memref_slice %arg7[%arg0, %mul3A_0, %dma_start3A] : memref<2x10240x128xf32, #tpu.memory_space<hbm>> -> memref<1x640x128xf32, #tpu.memory_space<hbm>>
      %dma_start3A_24 = tpu.memref_squeeze %dma_start3A_23 : memref<1x640x128xf32, #tpu.memory_space<hbm>> -> memref<640x128xf32, #tpu.memory_space<hbm>>
      %dma_start3A_25 = arith.constant 0 : i32
      %dma_start3A_26 = tpu.memref_slice %arg10[%mul3A_0, %dma_start3A_25] : memref<10240x128xf32, #tpu.memory_space<vmem_shared>> -> memref<640x128xf32, #tpu.memory_space<vmem_shared>>
      tpu.enqueue_dma source(%dma_start3A_26 : memref<640x128xf32, #tpu.memory_space<vmem_shared>>) target(%dma_start3A_24 : memref<640x128xf32, #tpu.memory_space<hbm>>) target_semaphore(%run_scoped3A : memref<!tpu.dma_semaphore, #tpu.memory_space<semaphore_mem>>)
      %dma_wait3A = arith.constant 0 : i32
      %dma_wait3A_27 = tpu.memref_slice %arg7[%arg0, %mul3A_0, %dma_wait3A] : memref<2x10240x128xf32, #tpu.memory_space<hbm>> -> memref<1x640x128xf32, #tpu.memory_space<hbm>>
      %dma_wait3A_28 = tpu.memref_squeeze %dma_wait3A_27 : memref<1x640x128xf32, #tpu.memory_space<hbm>> -> memref<640x128xf32, #tpu.memory_space<hbm>>
      %dma_wait3A_29 = arith.constant 0 : i32
      %dma_wait3A_30 = tpu.memref_slice %arg10[%mul3A_0, %dma_wait3A_29] : memref<10240x128xf32, #tpu.memory_space<vmem_shared>> -> memref<640x128xf32, #tpu.memory_space<vmem_shared>>
      tpu.wait_dma2 semaphore(%run_scoped3A : memref<!tpu.dma_semaphore, #tpu.memory_space<semaphore_mem>>) src(%dma_wait3A_30 : memref<640x128xf32, #tpu.memory_space<vmem_shared>>) dst(%dma_wait3A_28 : memref<640x128xf32, #tpu.memory_space<hbm>>)
      tpu.yield
    }) : () -> ()
    %barrier3A_12 = arith.constant 0 : index
    tpu.barrier barrier_id(%barrier3A_12)
    "tpu.region"() ({
      %run_scoped3A = tpu.sem_alloc : memref<!tpu.dma_semaphore, #tpu.memory_space<semaphore_mem>>
      %dma_start3A = arith.constant 0 : i32
      %dma_start3A_23 = tpu.memref_slice %arg10[%mul3A_0, %dma_start3A] : memref<10240x128xf32, #tpu.memory_space<vmem_shared>> -> memref<640x128xf32, #tpu.memory_space<vmem_shared>>
      tpu.enqueue_dma source(%arg5 : memref<640x128xf32, #tpu.memory_space<hbm>>) target(%dma_start3A_23 : memref<640x128xf32, #tpu.memory_space<vmem_shared>>) target_semaphore(%run_scoped3A : memref<!tpu.dma_semaphore, #tpu.memory_space<semaphore_mem>>)
      %dma_wait3A = arith.constant 0 : i32
      %dma_wait3A_24 = tpu.memref_slice %arg10[%mul3A_0, %dma_wait3A] : memref<10240x128xf32, #tpu.memory_space<vmem_shared>> -> memref<640x128xf32, #tpu.memory_space<vmem_shared>>
      tpu.wait_dma2 semaphore(%run_scoped3A : memref<!tpu.dma_semaphore, #tpu.memory_space<semaphore_mem>>) src(%arg5 : memref<640x128xf32, #tpu.memory_space<hbm>>) dst(%dma_wait3A_24 : memref<640x128xf32, #tpu.memory_space<vmem_shared>>)
      tpu.yield
    }) : () -> ()
    %barrier3A_13 = arith.constant 0 : index
    tpu.barrier barrier_id(%barrier3A_13)
    %scan3A_14 = arith.constant 0 : i32
    %scan3A_15 = arith.constant 0 : i32
    %scan3A_16 = arith.constant 80 : i32
    %scan3A_17 = arith.addi %scan3A_15, %scan3A_16 : i32
    %scan3A_18 = arith.constant 1 : i32
    %scan3A_19 = scf.for %scan3A_23 = %scan3A_15 to %scan3A_17 step %scan3A_18 iter_args(%scan3A_24 = %scan3A_14) -> (i32)  : i32 {
      %mul3A_25 = arith.constant 128 : i32
      %mul3A_26 = arith.muli %scan3A_23, %mul3A_25 : i32
      %add3A_27 = arith.addi %add3A, %mul3A_26 : i32
      "tpu.region"() ({
        %run_scoped3A = tpu.sem_alloc : memref<!tpu.dma_semaphore, #tpu.memory_space<semaphore_mem>>
        %dma_start3A = tpu.memref_slice %arg2[%add3A_27] : memref<327936xi32, #tpu.memory_space<hbm>> -> memref<128xi32, #tpu.memory_space<hbm>>
        %dma_start3A_29 = tpu.memref_slice %arg2[%add3A_27] : memref<327936xi32, #tpu.memory_space<hbm>> -> memref<128xi32, #tpu.memory_space<hbm>>
        tpu.enqueue_dma source(%dma_start3A_29 : memref<128xi32, #tpu.memory_space<hbm>>) target(%arg8 : memref<128xi32, #tpu.memory_space<vmem>>) target_semaphore(%run_scoped3A : memref<!tpu.dma_semaphore, #tpu.memory_space<semaphore_mem>>)
        %dma_wait3A = tpu.memref_slice %arg2[%add3A_27] : memref<327936xi32, #tpu.memory_space<hbm>> -> memref<128xi32, #tpu.memory_space<hbm>>
        %dma_wait3A_30 = tpu.memref_slice %arg2[%add3A_27] : memref<327936xi32, #tpu.memory_space<hbm>> -> memref<128xi32, #tpu.memory_space<hbm>>
        tpu.wait_dma2 semaphore(%run_scoped3A : memref<!tpu.dma_semaphore, #tpu.memory_space<semaphore_mem>>) src(%dma_wait3A_30 : memref<128xi32, #tpu.memory_space<hbm>>) dst(%arg8 : memref<128xi32, #tpu.memory_space<vmem>>)
        tpu.yield
      }) : () -> ()
      "tpu.region"() ({
        %run_scoped3A = tpu.sem_alloc : memref<!tpu.dma_semaphore, #tpu.memory_space<semaphore_mem>>
        %dma_start3A = arith.constant 0 : i32
        %dma_start3A_29 = arith.constant 0 : i32
        %dma_start3A_30 = tpu.memref_slice %arg10[%dma_start3A, %dma_start3A_29] : memref<10240x128xf32, #tpu.memory_space<vmem_shared>> -> memref<10240x128xf32, #tpu.memory_space<vmem_shared>>
        tpu.enqueue_indirect_dma source(%arg9 : memref<128x128xf32, #tpu.memory_space<vmem>>) target(%dma_start3A_30 : memref<10240x128xf32, #tpu.memory_space<vmem_shared>>) offsets(%arg8 : memref<128xi32, #tpu.memory_space<vmem>>) semaphore(%run_scoped3A : memref<!tpu.dma_semaphore, #tpu.memory_space<semaphore_mem>>) {add = true}
        %dma_wait3A = arith.constant 0 : i32
        %dma_wait3A_31 = arith.constant 0 : i32
        %dma_wait3A_32 = tpu.memref_slice %arg10[%dma_wait3A, %dma_wait3A_31] : memref<10240x128xf32, #tpu.memory_space<vmem_shared>> -> memref<10240x128xf32, #tpu.memory_space<vmem_shared>>
        tpu.wait_indirect_dma semaphore(%run_scoped3A : memref<!tpu.dma_semaphore, #tpu.memory_space<semaphore_mem>>) src(%arg9 : memref<128x128xf32, #tpu.memory_space<vmem>>) dst(%dma_wait3A_32 : memref<10240x128xf32, #tpu.memory_space<vmem_shared>>)
        tpu.yield
      }) : () -> ()
      %scan3A_28 = arith.constant 0 : i32
      scf.yield %scan3A_28 : i32
    }
    %scan3A_20 = arith.constant 80 : i32
    %barrier3A_21 = arith.constant 0 : index
    tpu.barrier barrier_id(%barrier3A_21)
    "tpu.region"() ({
      %run_scoped3A = tpu.sem_alloc : memref<!tpu.dma_semaphore, #tpu.memory_space<semaphore_mem>>
      %dma_start3A = arith.constant 0 : i32
      %dma_start3A_23 = tpu.memref_slice %arg6[%arg0, %mul3A_0, %dma_start3A] : memref<2x10240x128xf32, #tpu.memory_space<hbm>> -> memref<1x640x128xf32, #tpu.memory_space<hbm>>
      %dma_start3A_24 = tpu.memref_squeeze %dma_start3A_23 : memref<1x640x128xf32, #tpu.memory_space<hbm>> -> memref<640x128xf32, #tpu.memory_space<hbm>>
      %dma_start3A_25 = arith.constant 0 : i32
      %dma_start3A_26 = tpu.memref_slice %arg10[%mul3A_0, %dma_start3A_25] : memref<10240x128xf32, #tpu.memory_space<vmem_shared>> -> memref<640x128xf32, #tpu.memory_space<vmem_shared>>
      tpu.enqueue_dma source(%dma_start3A_26 : memref<640x128xf32, #tpu.memory_space<vmem_shared>>) target(%dma_start3A_24 : memref<640x128xf32, #tpu.memory_space<hbm>>) target_semaphore(%run_scoped3A : memref<!tpu.dma_semaphore, #tpu.memory_space<semaphore_mem>>)
      %dma_wait3A = arith.constant 0 : i32
      %dma_wait3A_27 = tpu.memref_slice %arg6[%arg0, %mul3A_0, %dma_wait3A] : memref<2x10240x128xf32, #tpu.memory_space<hbm>> -> memref<1x640x128xf32, #tpu.memory_space<hbm>>
      %dma_wait3A_28 = tpu.memref_squeeze %dma_wait3A_27 : memref<1x640x128xf32, #tpu.memory_space<hbm>> -> memref<640x128xf32, #tpu.memory_space<hbm>>
      %dma_wait3A_29 = arith.constant 0 : i32
      %dma_wait3A_30 = tpu.memref_slice %arg10[%mul3A_0, %dma_wait3A_29] : memref<10240x128xf32, #tpu.memory_space<vmem_shared>> -> memref<640x128xf32, #tpu.memory_space<vmem_shared>>
      tpu.wait_dma2 semaphore(%run_scoped3A : memref<!tpu.dma_semaphore, #tpu.memory_space<semaphore_mem>>) src(%dma_wait3A_30 : memref<640x128xf32, #tpu.memory_space<vmem_shared>>) dst(%dma_wait3A_28 : memref<640x128xf32, #tpu.memory_space<hbm>>)
      tpu.yield
    }) : () -> ()
    %barrier3A_22 = arith.constant 0 : index
    tpu.barrier barrier_id(%barrier3A_22)
    return
  }
}

#map = affine_map<(d0, d1) -> (0, 0)>
#map1 = affine_map<(d0, d1) -> (0)>
#map2 = affine_map<(d0, d1) -> (0, 0, 0)>
module attributes {stable_mosaic.version = 14 : i64} {
  func.func @_spmm_entry(%arg0: i32, %arg1: i32, %arg2: memref<10000x128xf32, #tpu.memory_space<hbm>>, %arg3: memref<327936xi32, #tpu.memory_space<hbm>>, %arg4: memref<327936xi32, #tpu.memory_space<hbm>>, %arg5: memref<640x128xf32, #tpu.memory_space<hbm>>, %arg6: memref<2x10240x128xf32, #tpu.memory_space<hbm>>, %arg7: memref<64xi32, #tpu.memory_space<vmem>>, %arg8: memref<64xi32, #tpu.memory_space<vmem>>, %arg9: memref<64xi32, #tpu.memory_space<vmem>>, %arg10: memref<64xi32, #tpu.memory_space<vmem>>, %arg11: memref<64xi32, #tpu.memory_space<vmem>>, %arg12: memref<64xi32, #tpu.memory_space<vmem>>, %arg13: memref<64xi32, #tpu.memory_space<vmem>>, %arg14: memref<64xi32, #tpu.memory_space<vmem>>, %arg15: memref<64xi32, #tpu.memory_space<vmem>>, %arg16: memref<64xi32, #tpu.memory_space<vmem>>, %arg17: memref<64x128xf32, #tpu.memory_space<vmem>>, %arg18: memref<64x128xf32, #tpu.memory_space<vmem>>, %arg19: memref<64x128xf32, #tpu.memory_space<vmem>>, %arg20: memref<64x128xf32, #tpu.memory_space<vmem>>, %arg21: memref<64x128xf32, #tpu.memory_space<vmem>>, %arg22: memref<10240x128xf32, #tpu.memory_space<vmem_shared>>, %arg23: memref<!tpu.dma_semaphore, #tpu.memory_space<semaphore_mem>>, %arg24: memref<!tpu.dma_semaphore, #tpu.memory_space<semaphore_mem>>, %arg25: memref<!tpu.dma_semaphore, #tpu.memory_space<semaphore_mem>>, %arg26: memref<!tpu.dma_semaphore, #tpu.memory_space<semaphore_mem>>, %arg27: memref<!tpu.dma_semaphore, #tpu.memory_space<semaphore_mem>>, %arg28: memref<!tpu.dma_semaphore, #tpu.memory_space<semaphore_mem>>, %arg29: memref<!tpu.dma_semaphore, #tpu.memory_space<semaphore_mem>>, %arg30: memref<!tpu.dma_semaphore, #tpu.memory_space<semaphore_mem>>, %arg31: memref<!tpu.dma_semaphore, #tpu.memory_space<semaphore_mem>>, %arg32: memref<!tpu.dma_semaphore, #tpu.memory_space<semaphore_mem>>) attributes {dimension_semantics = [#tpu.dimension_semantics<core_parallel>, #tpu.dimension_semantics<subcore_parallel>], iteration_bounds = array<i64: 2, 16>, scalar_prefetch = 0 : i64, scratch_operands = 26 : i64, tpu.core_type = #tpu.core_type<sc_vector_subcore>, window_params = [{transform_indices = #map}, {transform_indices = #map1}, {transform_indices = #map1}, {transform_indices = #map}, {transform_indices = #map2}]} {
    %mul3A = arith.constant 640 : i32
    %mul3A_0 = arith.muli %arg1, %mul3A : i32
    "tpu.region"() ({
      %run_scoped3A = tpu.sem_alloc : memref<!tpu.dma_semaphore, #tpu.memory_space<semaphore_mem>>
      %dma_start3A_103 = arith.constant 0 : i32
      %dma_start3A_104 = tpu.memref_slice %arg22[%mul3A_0, %dma_start3A_103] : memref<10240x128xf32, #tpu.memory_space<vmem_shared>> -> memref<640x128xf32, #tpu.memory_space<vmem_shared>>
      tpu.enqueue_dma source(%arg5 : memref<640x128xf32, #tpu.memory_space<hbm>>) target(%dma_start3A_104 : memref<640x128xf32, #tpu.memory_space<vmem_shared>>) target_semaphore(%run_scoped3A : memref<!tpu.dma_semaphore, #tpu.memory_space<semaphore_mem>>)
      %dma_wait3A_105 = arith.constant 0 : i32
      %dma_wait3A_106 = tpu.memref_slice %arg22[%mul3A_0, %dma_wait3A_105] : memref<10240x128xf32, #tpu.memory_space<vmem_shared>> -> memref<640x128xf32, #tpu.memory_space<vmem_shared>>
      tpu.wait_dma2 semaphore(%run_scoped3A : memref<!tpu.dma_semaphore, #tpu.memory_space<semaphore_mem>>) src(%arg5 : memref<640x128xf32, #tpu.memory_space<hbm>>) dst(%dma_wait3A_106 : memref<640x128xf32, #tpu.memory_space<vmem_shared>>)
      tpu.yield
    }) : () -> ()
    %eq3A = arith.constant 0 : i32
    %eq3A_1 = arith.cmpi eq, %arg0, %eq3A : i32
    %mul3A_2 = arith.constant 310 : i32
    %mul3A_3 = arith.muli %arg1, %mul3A_2 : i32
    %mul3A_4 = arith.constant 10 : i32
    %mul3A_5 = arith.muli %arg1, %mul3A_4 : i32
    %add3A = arith.constant 4960 : i32
    %add3A_6 = arith.addi %add3A, %mul3A_5 : i32
    %select_n3A = arith.select %eq3A_1, %mul3A_3, %add3A_6 : i32
    %eq3A_7 = arith.constant 0 : i32
    %eq3A_8 = arith.cmpi eq, %arg0, %eq3A_7 : i32
    %jit3A = arith.constant 62 : i32
    %jit3A_9 = arith.constant 2 : i32
    %select_n3A_10 = arith.select %eq3A_8, %jit3A, %jit3A_9 : i32
    %barrier3A = arith.constant 0 : index
    tpu.barrier barrier_id(%barrier3A)
    %add3A_11 = arith.constant 0 : i32
    %add3A_12 = arith.addi %select_n3A, %add3A_11 : i32
    %mul3A_13 = arith.constant 64 : i32
    %mul3A_14 = arith.muli %add3A_12, %mul3A_13 : i32
    %dma_start3A = tpu.memref_slice %arg3[%mul3A_14] : memref<327936xi32, #tpu.memory_space<hbm>> -> memref<64xi32, #tpu.memory_space<hbm>>
    %dma_start3A_15 = tpu.memref_slice %arg3[%mul3A_14] : memref<327936xi32, #tpu.memory_space<hbm>> -> memref<64xi32, #tpu.memory_space<hbm>>
    tpu.enqueue_dma source(%dma_start3A_15 : memref<64xi32, #tpu.memory_space<hbm>>) target(%arg7 : memref<64xi32, #tpu.memory_space<vmem>>) target_semaphore(%arg23 : memref<!tpu.dma_semaphore, #tpu.memory_space<semaphore_mem>>)
    %dma_start3A_16 = tpu.memref_slice %arg4[%mul3A_14] : memref<327936xi32, #tpu.memory_space<hbm>> -> memref<64xi32, #tpu.memory_space<hbm>>
    %dma_start3A_17 = tpu.memref_slice %arg4[%mul3A_14] : memref<327936xi32, #tpu.memory_space<hbm>> -> memref<64xi32, #tpu.memory_space<hbm>>
    tpu.enqueue_dma source(%dma_start3A_17 : memref<64xi32, #tpu.memory_space<hbm>>) target(%arg12 : memref<64xi32, #tpu.memory_space<vmem>>) target_semaphore(%arg23 : memref<!tpu.dma_semaphore, #tpu.memory_space<semaphore_mem>>)
    %add3A_18 = arith.constant 1 : i32
    %add3A_19 = arith.addi %select_n3A, %add3A_18 : i32
    %mul3A_20 = arith.constant 64 : i32
    %mul3A_21 = arith.muli %add3A_19, %mul3A_20 : i32
    %dma_start3A_22 = tpu.memref_slice %arg3[%mul3A_21] : memref<327936xi32, #tpu.memory_space<hbm>> -> memref<64xi32, #tpu.memory_space<hbm>>
    %dma_start3A_23 = tpu.memref_slice %arg3[%mul3A_21] : memref<327936xi32, #tpu.memory_space<hbm>> -> memref<64xi32, #tpu.memory_space<hbm>>
    tpu.enqueue_dma source(%dma_start3A_23 : memref<64xi32, #tpu.memory_space<hbm>>) target(%arg8 : memref<64xi32, #tpu.memory_space<vmem>>) target_semaphore(%arg24 : memref<!tpu.dma_semaphore, #tpu.memory_space<semaphore_mem>>)
    %dma_start3A_24 = tpu.memref_slice %arg4[%mul3A_21] : memref<327936xi32, #tpu.memory_space<hbm>> -> memref<64xi32, #tpu.memory_space<hbm>>
    %dma_start3A_25 = tpu.memref_slice %arg4[%mul3A_21] : memref<327936xi32, #tpu.memory_space<hbm>> -> memref<64xi32, #tpu.memory_space<hbm>>
    tpu.enqueue_dma source(%dma_start3A_25 : memref<64xi32, #tpu.memory_space<hbm>>) target(%arg13 : memref<64xi32, #tpu.memory_space<vmem>>) target_semaphore(%arg24 : memref<!tpu.dma_semaphore, #tpu.memory_space<semaphore_mem>>)
    %add3A_26 = arith.constant 2 : i32
    %add3A_27 = arith.addi %select_n3A, %add3A_26 : i32
    %mul3A_28 = arith.constant 64 : i32
    %mul3A_29 = arith.muli %add3A_27, %mul3A_28 : i32
    %dma_start3A_30 = tpu.memref_slice %arg3[%mul3A_29] : memref<327936xi32, #tpu.memory_space<hbm>> -> memref<64xi32, #tpu.memory_space<hbm>>
    %dma_start3A_31 = tpu.memref_slice %arg3[%mul3A_29] : memref<327936xi32, #tpu.memory_space<hbm>> -> memref<64xi32, #tpu.memory_space<hbm>>
    tpu.enqueue_dma source(%dma_start3A_31 : memref<64xi32, #tpu.memory_space<hbm>>) target(%arg9 : memref<64xi32, #tpu.memory_space<vmem>>) target_semaphore(%arg25 : memref<!tpu.dma_semaphore, #tpu.memory_space<semaphore_mem>>)
    %dma_start3A_32 = tpu.memref_slice %arg4[%mul3A_29] : memref<327936xi32, #tpu.memory_space<hbm>> -> memref<64xi32, #tpu.memory_space<hbm>>
    %dma_start3A_33 = tpu.memref_slice %arg4[%mul3A_29] : memref<327936xi32, #tpu.memory_space<hbm>> -> memref<64xi32, #tpu.memory_space<hbm>>
    tpu.enqueue_dma source(%dma_start3A_33 : memref<64xi32, #tpu.memory_space<hbm>>) target(%arg14 : memref<64xi32, #tpu.memory_space<vmem>>) target_semaphore(%arg25 : memref<!tpu.dma_semaphore, #tpu.memory_space<semaphore_mem>>)
    %add3A_34 = arith.constant 3 : i32
    %add3A_35 = arith.addi %select_n3A, %add3A_34 : i32
    %mul3A_36 = arith.constant 64 : i32
    %mul3A_37 = arith.muli %add3A_35, %mul3A_36 : i32
    %dma_start3A_38 = tpu.memref_slice %arg3[%mul3A_37] : memref<327936xi32, #tpu.memory_space<hbm>> -> memref<64xi32, #tpu.memory_space<hbm>>
    %dma_start3A_39 = tpu.memref_slice %arg3[%mul3A_37] : memref<327936xi32, #tpu.memory_space<hbm>> -> memref<64xi32, #tpu.memory_space<hbm>>
    tpu.enqueue_dma source(%dma_start3A_39 : memref<64xi32, #tpu.memory_space<hbm>>) target(%arg10 : memref<64xi32, #tpu.memory_space<vmem>>) target_semaphore(%arg26 : memref<!tpu.dma_semaphore, #tpu.memory_space<semaphore_mem>>)
    %dma_start3A_40 = tpu.memref_slice %arg4[%mul3A_37] : memref<327936xi32, #tpu.memory_space<hbm>> -> memref<64xi32, #tpu.memory_space<hbm>>
    %dma_start3A_41 = tpu.memref_slice %arg4[%mul3A_37] : memref<327936xi32, #tpu.memory_space<hbm>> -> memref<64xi32, #tpu.memory_space<hbm>>
    tpu.enqueue_dma source(%dma_start3A_41 : memref<64xi32, #tpu.memory_space<hbm>>) target(%arg15 : memref<64xi32, #tpu.memory_space<vmem>>) target_semaphore(%arg26 : memref<!tpu.dma_semaphore, #tpu.memory_space<semaphore_mem>>)
    %dma_wait3A = arith.constant 0 : i32
    %dma_wait3A_42 = tpu.memref_slice %arg3[%dma_wait3A] : memref<327936xi32, #tpu.memory_space<hbm>> -> memref<64xi32, #tpu.memory_space<hbm>>
    %dma_wait3A_43 = arith.constant 0 : i32
    %dma_wait3A_44 = tpu.memref_slice %arg3[%dma_wait3A_43] : memref<327936xi32, #tpu.memory_space<hbm>> -> memref<64xi32, #tpu.memory_space<hbm>>
    tpu.wait_dma2 semaphore(%arg23 : memref<!tpu.dma_semaphore, #tpu.memory_space<semaphore_mem>>) src(%dma_wait3A_44 : memref<64xi32, #tpu.memory_space<hbm>>) dst(%arg7 : memref<64xi32, #tpu.memory_space<vmem>>)
    %dma_wait3A_45 = arith.constant 0 : i32
    %dma_wait3A_46 = tpu.memref_slice %arg4[%dma_wait3A_45] : memref<327936xi32, #tpu.memory_space<hbm>> -> memref<64xi32, #tpu.memory_space<hbm>>
    %dma_wait3A_47 = arith.constant 0 : i32
    %dma_wait3A_48 = tpu.memref_slice %arg4[%dma_wait3A_47] : memref<327936xi32, #tpu.memory_space<hbm>> -> memref<64xi32, #tpu.memory_space<hbm>>
    tpu.wait_dma2 semaphore(%arg23 : memref<!tpu.dma_semaphore, #tpu.memory_space<semaphore_mem>>) src(%dma_wait3A_48 : memref<64xi32, #tpu.memory_space<hbm>>) dst(%arg12 : memref<64xi32, #tpu.memory_space<vmem>>)
    %dma_start3A_49 = arith.constant 0 : i32
    %dma_start3A_50 = arith.constant 0 : i32
    %dma_start3A_51 = tpu.memref_slice %arg2[%dma_start3A_49, %dma_start3A_50] : memref<10000x128xf32, #tpu.memory_space<hbm>> -> memref<10000x128xf32, #tpu.memory_space<hbm>>
    tpu.enqueue_indirect_dma source(%dma_start3A_51 : memref<10000x128xf32, #tpu.memory_space<hbm>>) target(%arg17 : memref<64x128xf32, #tpu.memory_space<vmem>>) offsets(%arg7 : memref<64xi32, #tpu.memory_space<vmem>>) semaphore(%arg28 : memref<!tpu.dma_semaphore, #tpu.memory_space<semaphore_mem>>)
    %dma_wait3A_52 = arith.constant 0 : i32
    %dma_wait3A_53 = tpu.memref_slice %arg3[%dma_wait3A_52] : memref<327936xi32, #tpu.memory_space<hbm>> -> memref<64xi32, #tpu.memory_space<hbm>>
    %dma_wait3A_54 = arith.constant 0 : i32
    %dma_wait3A_55 = tpu.memref_slice %arg3[%dma_wait3A_54] : memref<327936xi32, #tpu.memory_space<hbm>> -> memref<64xi32, #tpu.memory_space<hbm>>
    tpu.wait_dma2 semaphore(%arg24 : memref<!tpu.dma_semaphore, #tpu.memory_space<semaphore_mem>>) src(%dma_wait3A_55 : memref<64xi32, #tpu.memory_space<hbm>>) dst(%arg8 : memref<64xi32, #tpu.memory_space<vmem>>)
    %dma_wait3A_56 = arith.constant 0 : i32
    %dma_wait3A_57 = tpu.memref_slice %arg4[%dma_wait3A_56] : memref<327936xi32, #tpu.memory_space<hbm>> -> memref<64xi32, #tpu.memory_space<hbm>>
    %dma_wait3A_58 = arith.constant 0 : i32
    %dma_wait3A_59 = tpu.memref_slice %arg4[%dma_wait3A_58] : memref<327936xi32, #tpu.memory_space<hbm>> -> memref<64xi32, #tpu.memory_space<hbm>>
    tpu.wait_dma2 semaphore(%arg24 : memref<!tpu.dma_semaphore, #tpu.memory_space<semaphore_mem>>) src(%dma_wait3A_59 : memref<64xi32, #tpu.memory_space<hbm>>) dst(%arg13 : memref<64xi32, #tpu.memory_space<vmem>>)
    %dma_start3A_60 = arith.constant 0 : i32
    %dma_start3A_61 = arith.constant 0 : i32
    %dma_start3A_62 = tpu.memref_slice %arg2[%dma_start3A_60, %dma_start3A_61] : memref<10000x128xf32, #tpu.memory_space<hbm>> -> memref<10000x128xf32, #tpu.memory_space<hbm>>
    tpu.enqueue_indirect_dma source(%dma_start3A_62 : memref<10000x128xf32, #tpu.memory_space<hbm>>) target(%arg18 : memref<64x128xf32, #tpu.memory_space<vmem>>) offsets(%arg8 : memref<64xi32, #tpu.memory_space<vmem>>) semaphore(%arg29 : memref<!tpu.dma_semaphore, #tpu.memory_space<semaphore_mem>>)
    %dma_wait3A_63 = arith.constant 0 : i32
    %dma_wait3A_64 = tpu.memref_slice %arg3[%dma_wait3A_63] : memref<327936xi32, #tpu.memory_space<hbm>> -> memref<64xi32, #tpu.memory_space<hbm>>
    %dma_wait3A_65 = arith.constant 0 : i32
    %dma_wait3A_66 = tpu.memref_slice %arg3[%dma_wait3A_65] : memref<327936xi32, #tpu.memory_space<hbm>> -> memref<64xi32, #tpu.memory_space<hbm>>
    tpu.wait_dma2 semaphore(%arg25 : memref<!tpu.dma_semaphore, #tpu.memory_space<semaphore_mem>>) src(%dma_wait3A_66 : memref<64xi32, #tpu.memory_space<hbm>>) dst(%arg9 : memref<64xi32, #tpu.memory_space<vmem>>)
    %dma_wait3A_67 = arith.constant 0 : i32
    %dma_wait3A_68 = tpu.memref_slice %arg4[%dma_wait3A_67] : memref<327936xi32, #tpu.memory_space<hbm>> -> memref<64xi32, #tpu.memory_space<hbm>>
    %dma_wait3A_69 = arith.constant 0 : i32
    %dma_wait3A_70 = tpu.memref_slice %arg4[%dma_wait3A_69] : memref<327936xi32, #tpu.memory_space<hbm>> -> memref<64xi32, #tpu.memory_space<hbm>>
    tpu.wait_dma2 semaphore(%arg25 : memref<!tpu.dma_semaphore, #tpu.memory_space<semaphore_mem>>) src(%dma_wait3A_70 : memref<64xi32, #tpu.memory_space<hbm>>) dst(%arg14 : memref<64xi32, #tpu.memory_space<vmem>>)
    %dma_start3A_71 = arith.constant 0 : i32
    %dma_start3A_72 = arith.constant 0 : i32
    %dma_start3A_73 = tpu.memref_slice %arg2[%dma_start3A_71, %dma_start3A_72] : memref<10000x128xf32, #tpu.memory_space<hbm>> -> memref<10000x128xf32, #tpu.memory_space<hbm>>
    tpu.enqueue_indirect_dma source(%dma_start3A_73 : memref<10000x128xf32, #tpu.memory_space<hbm>>) target(%arg19 : memref<64x128xf32, #tpu.memory_space<vmem>>) offsets(%arg9 : memref<64xi32, #tpu.memory_space<vmem>>) semaphore(%arg30 : memref<!tpu.dma_semaphore, #tpu.memory_space<semaphore_mem>>)
    %while3A = arith.constant 0 : i32
    %while3A_74 = arith.constant 0 : i32
    %while3A_75 = arith.subi %select_n3A_10, %while3A : i32
    %while3A_76 = arith.addi %while3A, %while3A_75 : i32
    %while3A_77 = arith.constant 1 : i32
    %while3A_78 = arith.divsi %while3A_75, %while3A_77 : i32
    %while3A_79 = arith.muli %while3A_78, %while3A_77 : i32
    %while3A_80 = arith.addi %while3A, %while3A_79 : i32
    %while3A_81 = arith.constant 1 : i32
    %while3A_82 = scf.for %while3A_103 = %while3A to %while3A_80 step %while3A_81 iter_args(%while3A_104 = %while3A_74) -> (i32)  : i32 {
      %mul3A_105 = arith.constant 5 : i32
      %mul3A_106 = arith.muli %while3A_103, %mul3A_105 : i32
      %add3A_107 = arith.constant 0 : i32
      %add3A_108 = arith.addi %mul3A_106, %add3A_107 : i32
      %add3A_109 = arith.constant 5 : i32
      %add3A_110 = arith.addi %add3A_108, %add3A_109 : i32
      %sub3A = arith.constant 1 : i32
      %sub3A_111 = arith.subi %add3A_110, %sub3A : i32
      %add3A_112 = arith.addi %select_n3A, %sub3A_111 : i32
      %mul3A_113 = arith.constant 64 : i32
      %mul3A_114 = arith.muli %add3A_112, %mul3A_113 : i32
      %dma_start3A_115 = tpu.memref_slice %arg3[%mul3A_114] : memref<327936xi32, #tpu.memory_space<hbm>> -> memref<64xi32, #tpu.memory_space<hbm>>
      %dma_start3A_116 = tpu.memref_slice %arg3[%mul3A_114] : memref<327936xi32, #tpu.memory_space<hbm>> -> memref<64xi32, #tpu.memory_space<hbm>>
      tpu.enqueue_dma source(%dma_start3A_116 : memref<64xi32, #tpu.memory_space<hbm>>) target(%arg11 : memref<64xi32, #tpu.memory_space<vmem>>) target_semaphore(%arg27 : memref<!tpu.dma_semaphore, #tpu.memory_space<semaphore_mem>>)
      %dma_start3A_117 = tpu.memref_slice %arg4[%mul3A_114] : memref<327936xi32, #tpu.memory_space<hbm>> -> memref<64xi32, #tpu.memory_space<hbm>>
      %dma_start3A_118 = tpu.memref_slice %arg4[%mul3A_114] : memref<327936xi32, #tpu.memory_space<hbm>> -> memref<64xi32, #tpu.memory_space<hbm>>
      tpu.enqueue_dma source(%dma_start3A_118 : memref<64xi32, #tpu.memory_space<hbm>>) target(%arg16 : memref<64xi32, #tpu.memory_space<vmem>>) target_semaphore(%arg27 : memref<!tpu.dma_semaphore, #tpu.memory_space<semaphore_mem>>)
      %dma_wait3A_119 = arith.constant 0 : i32
      %dma_wait3A_120 = tpu.memref_slice %arg3[%dma_wait3A_119] : memref<327936xi32, #tpu.memory_space<hbm>> -> memref<64xi32, #tpu.memory_space<hbm>>
      %dma_wait3A_121 = arith.constant 0 : i32
      %dma_wait3A_122 = tpu.memref_slice %arg3[%dma_wait3A_121] : memref<327936xi32, #tpu.memory_space<hbm>> -> memref<64xi32, #tpu.memory_space<hbm>>
      tpu.wait_dma2 semaphore(%arg26 : memref<!tpu.dma_semaphore, #tpu.memory_space<semaphore_mem>>) src(%dma_wait3A_122 : memref<64xi32, #tpu.memory_space<hbm>>) dst(%arg10 : memref<64xi32, #tpu.memory_space<vmem>>)
      %dma_wait3A_123 = arith.constant 0 : i32
      %dma_wait3A_124 = tpu.memref_slice %arg4[%dma_wait3A_123] : memref<327936xi32, #tpu.memory_space<hbm>> -> memref<64xi32, #tpu.memory_space<hbm>>
      %dma_wait3A_125 = arith.constant 0 : i32
      %dma_wait3A_126 = tpu.memref_slice %arg4[%dma_wait3A_125] : memref<327936xi32, #tpu.memory_space<hbm>> -> memref<64xi32, #tpu.memory_space<hbm>>
      tpu.wait_dma2 semaphore(%arg26 : memref<!tpu.dma_semaphore, #tpu.memory_space<semaphore_mem>>) src(%dma_wait3A_126 : memref<64xi32, #tpu.memory_space<hbm>>) dst(%arg15 : memref<64xi32, #tpu.memory_space<vmem>>)
      %dma_start3A_127 = arith.constant 0 : i32
      %dma_start3A_128 = arith.constant 0 : i32
      %dma_start3A_129 = tpu.memref_slice %arg2[%dma_start3A_127, %dma_start3A_128] : memref<10000x128xf32, #tpu.memory_space<hbm>> -> memref<10000x128xf32, #tpu.memory_space<hbm>>
      tpu.enqueue_indirect_dma source(%dma_start3A_129 : memref<10000x128xf32, #tpu.memory_space<hbm>>) target(%arg20 : memref<64x128xf32, #tpu.memory_space<vmem>>) offsets(%arg10 : memref<64xi32, #tpu.memory_space<vmem>>) semaphore(%arg31 : memref<!tpu.dma_semaphore, #tpu.memory_space<semaphore_mem>>)
      %dma_wait3A_130 = arith.constant 0 : i32
      %dma_wait3A_131 = arith.constant 0 : i32
      %dma_wait3A_132 = tpu.memref_slice %arg2[%dma_wait3A_130, %dma_wait3A_131] : memref<10000x128xf32, #tpu.memory_space<hbm>> -> memref<10000x128xf32, #tpu.memory_space<hbm>>
      tpu.wait_indirect_dma semaphore(%arg28 : memref<!tpu.dma_semaphore, #tpu.memory_space<semaphore_mem>>) src(%dma_wait3A_132 : memref<10000x128xf32, #tpu.memory_space<hbm>>) dst(%arg17 : memref<64x128xf32, #tpu.memory_space<vmem>>)
      "tpu.region"() ({
        %run_scoped3A = tpu.sem_alloc : memref<!tpu.dma_semaphore, #tpu.memory_space<semaphore_mem>>
        %dma_start3A_242 = arith.constant 0 : i32
        %dma_start3A_243 = arith.constant 0 : i32
        %dma_start3A_244 = tpu.memref_slice %arg22[%dma_start3A_242, %dma_start3A_243] : memref<10240x128xf32, #tpu.memory_space<vmem_shared>> -> memref<10240x128xf32, #tpu.memory_space<vmem_shared>>
        tpu.enqueue_indirect_dma source(%arg17 : memref<64x128xf32, #tpu.memory_space<vmem>>) target(%dma_start3A_244 : memref<10240x128xf32, #tpu.memory_space<vmem_shared>>) offsets(%arg12 : memref<64xi32, #tpu.memory_space<vmem>>) semaphore(%run_scoped3A : memref<!tpu.dma_semaphore, #tpu.memory_space<semaphore_mem>>) {add = true}
        %dma_wait3A_245 = arith.constant 0 : i32
        %dma_wait3A_246 = arith.constant 0 : i32
        %dma_wait3A_247 = tpu.memref_slice %arg22[%dma_wait3A_245, %dma_wait3A_246] : memref<10240x128xf32, #tpu.memory_space<vmem_shared>> -> memref<10240x128xf32, #tpu.memory_space<vmem_shared>>
        tpu.wait_indirect_dma semaphore(%run_scoped3A : memref<!tpu.dma_semaphore, #tpu.memory_space<semaphore_mem>>) src(%arg17 : memref<64x128xf32, #tpu.memory_space<vmem>>) dst(%dma_wait3A_247 : memref<10240x128xf32, #tpu.memory_space<vmem_shared>>)
        tpu.yield
      }) : () -> ()
      %add3A_133 = arith.constant 1 : i32
      %add3A_134 = arith.addi %mul3A_106, %add3A_133 : i32
      %add3A_135 = arith.constant 5 : i32
      %add3A_136 = arith.addi %add3A_134, %add3A_135 : i32
      %sub3A_137 = arith.constant 1 : i32
      %sub3A_138 = arith.subi %add3A_136, %sub3A_137 : i32
      %add3A_139 = arith.addi %select_n3A, %sub3A_138 : i32
      %mul3A_140 = arith.constant 64 : i32
      %mul3A_141 = arith.muli %add3A_139, %mul3A_140 : i32
      %dma_start3A_142 = tpu.memref_slice %arg3[%mul3A_141] : memref<327936xi32, #tpu.memory_space<hbm>> -> memref<64xi32, #tpu.memory_space<hbm>>
      %dma_start3A_143 = tpu.memref_slice %arg3[%mul3A_141] : memref<327936xi32, #tpu.memory_space<hbm>> -> memref<64xi32, #tpu.memory_space<hbm>>
      tpu.enqueue_dma source(%dma_start3A_143 : memref<64xi32, #tpu.memory_space<hbm>>) target(%arg7 : memref<64xi32, #tpu.memory_space<vmem>>) target_semaphore(%arg23 : memref<!tpu.dma_semaphore, #tpu.memory_space<semaphore_mem>>)
      %dma_start3A_144 = tpu.memref_slice %arg4[%mul3A_141] : memref<327936xi32, #tpu.memory_space<hbm>> -> memref<64xi32, #tpu.memory_space<hbm>>
      %dma_start3A_145 = tpu.memref_slice %arg4[%mul3A_141] : memref<327936xi32, #tpu.memory_space<hbm>> -> memref<64xi32, #tpu.memory_space<hbm>>
      tpu.enqueue_dma source(%dma_start3A_145 : memref<64xi32, #tpu.memory_space<hbm>>) target(%arg12 : memref<64xi32, #tpu.memory_space<vmem>>) target_semaphore(%arg23 : memref<!tpu.dma_semaphore, #tpu.memory_space<semaphore_mem>>)
      %dma_wait3A_146 = arith.constant 0 : i32
      %dma_wait3A_147 = tpu.memref_slice %arg3[%dma_wait3A_146] : memref<327936xi32, #tpu.memory_space<hbm>> -> memref<64xi32, #tpu.memory_space<hbm>>
      %dma_wait3A_148 = arith.constant 0 : i32
      %dma_wait3A_149 = tpu.memref_slice %arg3[%dma_wait3A_148] : memref<327936xi32, #tpu.memory_space<hbm>> -> memref<64xi32, #tpu.memory_space<hbm>>
      tpu.wait_dma2 semaphore(%arg27 : memref<!tpu.dma_semaphore, #tpu.memory_space<semaphore_mem>>) src(%dma_wait3A_149 : memref<64xi32, #tpu.memory_space<hbm>>) dst(%arg11 : memref<64xi32, #tpu.memory_space<vmem>>)
      %dma_wait3A_150 = arith.constant 0 : i32
      %dma_wait3A_151 = tpu.memref_slice %arg4[%dma_wait3A_150] : memref<327936xi32, #tpu.memory_space<hbm>> -> memref<64xi32, #tpu.memory_space<hbm>>
      %dma_wait3A_152 = arith.constant 0 : i32
      %dma_wait3A_153 = tpu.memref_slice %arg4[%dma_wait3A_152] : memref<327936xi32, #tpu.memory_space<hbm>> -> memref<64xi32, #tpu.memory_space<hbm>>
      tpu.wait_dma2 semaphore(%arg27 : memref<!tpu.dma_semaphore, #tpu.memory_space<semaphore_mem>>) src(%dma_wait3A_153 : memref<64xi32, #tpu.memory_space<hbm>>) dst(%arg16 : memref<64xi32, #tpu.memory_space<vmem>>)
      %dma_start3A_154 = arith.constant 0 : i32
      %dma_start3A_155 = arith.constant 0 : i32
      %dma_start3A_156 = tpu.memref_slice %arg2[%dma_start3A_154, %dma_start3A_155] : memref<10000x128xf32, #tpu.memory_space<hbm>> -> memref<10000x128xf32, #tpu.memory_space<hbm>>
      tpu.enqueue_indirect_dma source(%dma_start3A_156 : memref<10000x128xf32, #tpu.memory_space<hbm>>) target(%arg21 : memref<64x128xf32, #tpu.memory_space<vmem>>) offsets(%arg11 : memref<64xi32, #tpu.memory_space<vmem>>) semaphore(%arg32 : memref<!tpu.dma_semaphore, #tpu.memory_space<semaphore_mem>>)
      %dma_wait3A_157 = arith.constant 0 : i32
      %dma_wait3A_158 = arith.constant 0 : i32
      %dma_wait3A_159 = tpu.memref_slice %arg2[%dma_wait3A_157, %dma_wait3A_158] : memref<10000x128xf32, #tpu.memory_space<hbm>> -> memref<10000x128xf32, #tpu.memory_space<hbm>>
      tpu.wait_indirect_dma semaphore(%arg29 : memref<!tpu.dma_semaphore, #tpu.memory_space<semaphore_mem>>) src(%dma_wait3A_159 : memref<10000x128xf32, #tpu.memory_space<hbm>>) dst(%arg18 : memref<64x128xf32, #tpu.memory_space<vmem>>)
      "tpu.region"() ({
        %run_scoped3A = tpu.sem_alloc : memref<!tpu.dma_semaphore, #tpu.memory_space<semaphore_mem>>
        %dma_start3A_242 = arith.constant 0 : i32
        %dma_start3A_243 = arith.constant 0 : i32
        %dma_start3A_244 = tpu.memref_slice %arg22[%dma_start3A_242, %dma_start3A_243] : memref<10240x128xf32, #tpu.memory_space<vmem_shared>> -> memref<10240x128xf32, #tpu.memory_space<vmem_shared>>
        tpu.enqueue_indirect_dma source(%arg18 : memref<64x128xf32, #tpu.memory_space<vmem>>) target(%dma_start3A_244 : memref<10240x128xf32, #tpu.memory_space<vmem_shared>>) offsets(%arg13 : memref<64xi32, #tpu.memory_space<vmem>>) semaphore(%run_scoped3A : memref<!tpu.dma_semaphore, #tpu.memory_space<semaphore_mem>>) {add = true}
        %dma_wait3A_245 = arith.constant 0 : i32
        %dma_wait3A_246 = arith.constant 0 : i32
        %dma_wait3A_247 = tpu.memref_slice %arg22[%dma_wait3A_245, %dma_wait3A_246] : memref<10240x128xf32, #tpu.memory_space<vmem_shared>> -> memref<10240x128xf32, #tpu.memory_space<vmem_shared>>
        tpu.wait_indirect_dma semaphore(%run_scoped3A : memref<!tpu.dma_semaphore, #tpu.memory_space<semaphore_mem>>) src(%arg18 : memref<64x128xf32, #tpu.memory_space<vmem>>) dst(%dma_wait3A_247 : memref<10240x128xf32, #tpu.memory_space<vmem_shared>>)
        tpu.yield
      }) : () -> ()
      %add3A_160 = arith.constant 2 : i32
      %add3A_161 = arith.addi %mul3A_106, %add3A_160 : i32
      %add3A_162 = arith.constant 5 : i32
      %add3A_163 = arith.addi %add3A_161, %add3A_162 : i32
      %sub3A_164 = arith.constant 1 : i32
      %sub3A_165 = arith.subi %add3A_163, %sub3A_164 : i32
      %add3A_166 = arith.addi %select_n3A, %sub3A_165 : i32
      %mul3A_167 = arith.constant 64 : i32
      %mul3A_168 = arith.muli %add3A_166, %mul3A_167 : i32
      %dma_start3A_169 = tpu.memref_slice %arg3[%mul3A_168] : memref<327936xi32, #tpu.memory_space<hbm>> -> memref<64xi32, #tpu.memory_space<hbm>>
      %dma_start3A_170 = tpu.memref_slice %arg3[%mul3A_168] : memref<327936xi32, #tpu.memory_space<hbm>> -> memref<64xi32, #tpu.memory_space<hbm>>
      tpu.enqueue_dma source(%dma_start3A_170 : memref<64xi32, #tpu.memory_space<hbm>>) target(%arg8 : memref<64xi32, #tpu.memory_space<vmem>>) target_semaphore(%arg24 : memref<!tpu.dma_semaphore, #tpu.memory_space<semaphore_mem>>)
      %dma_start3A_171 = tpu.memref_slice %arg4[%mul3A_168] : memref<327936xi32, #tpu.memory_space<hbm>> -> memref<64xi32, #tpu.memory_space<hbm>>
      %dma_start3A_172 = tpu.memref_slice %arg4[%mul3A_168] : memref<327936xi32, #tpu.memory_space<hbm>> -> memref<64xi32, #tpu.memory_space<hbm>>
      tpu.enqueue_dma source(%dma_start3A_172 : memref<64xi32, #tpu.memory_space<hbm>>) target(%arg13 : memref<64xi32, #tpu.memory_space<vmem>>) target_semaphore(%arg24 : memref<!tpu.dma_semaphore, #tpu.memory_space<semaphore_mem>>)
      %dma_wait3A_173 = arith.constant 0 : i32
      %dma_wait3A_174 = tpu.memref_slice %arg3[%dma_wait3A_173] : memref<327936xi32, #tpu.memory_space<hbm>> -> memref<64xi32, #tpu.memory_space<hbm>>
      %dma_wait3A_175 = arith.constant 0 : i32
      %dma_wait3A_176 = tpu.memref_slice %arg3[%dma_wait3A_175] : memref<327936xi32, #tpu.memory_space<hbm>> -> memref<64xi32, #tpu.memory_space<hbm>>
      tpu.wait_dma2 semaphore(%arg23 : memref<!tpu.dma_semaphore, #tpu.memory_space<semaphore_mem>>) src(%dma_wait3A_176 : memref<64xi32, #tpu.memory_space<hbm>>) dst(%arg7 : memref<64xi32, #tpu.memory_space<vmem>>)
      %dma_wait3A_177 = arith.constant 0 : i32
      %dma_wait3A_178 = tpu.memref_slice %arg4[%dma_wait3A_177] : memref<327936xi32, #tpu.memory_space<hbm>> -> memref<64xi32, #tpu.memory_space<hbm>>
      %dma_wait3A_179 = arith.constant 0 : i32
      %dma_wait3A_180 = tpu.memref_slice %arg4[%dma_wait3A_179] : memref<327936xi32, #tpu.memory_space<hbm>> -> memref<64xi32, #tpu.memory_space<hbm>>
      tpu.wait_dma2 semaphore(%arg23 : memref<!tpu.dma_semaphore, #tpu.memory_space<semaphore_mem>>) src(%dma_wait3A_180 : memref<64xi32, #tpu.memory_space<hbm>>) dst(%arg12 : memref<64xi32, #tpu.memory_space<vmem>>)
      %dma_start3A_181 = arith.constant 0 : i32
      %dma_start3A_182 = arith.constant 0 : i32
      %dma_start3A_183 = tpu.memref_slice %arg2[%dma_start3A_181, %dma_start3A_182] : memref<10000x128xf32, #tpu.memory_space<hbm>> -> memref<10000x128xf32, #tpu.memory_space<hbm>>
      tpu.enqueue_indirect_dma source(%dma_start3A_183 : memref<10000x128xf32, #tpu.memory_space<hbm>>) target(%arg17 : memref<64x128xf32, #tpu.memory_space<vmem>>) offsets(%arg7 : memref<64xi32, #tpu.memory_space<vmem>>) semaphore(%arg28 : memref<!tpu.dma_semaphore, #tpu.memory_space<semaphore_mem>>)
      %dma_wait3A_184 = arith.constant 0 : i32
      %dma_wait3A_185 = arith.constant 0 : i32
      %dma_wait3A_186 = tpu.memref_slice %arg2[%dma_wait3A_184, %dma_wait3A_185] : memref<10000x128xf32, #tpu.memory_space<hbm>> -> memref<10000x128xf32, #tpu.memory_space<hbm>>
      tpu.wait_indirect_dma semaphore(%arg30 : memref<!tpu.dma_semaphore, #tpu.memory_space<semaphore_mem>>) src(%dma_wait3A_186 : memref<10000x128xf32, #tpu.memory_space<hbm>>) dst(%arg19 : memref<64x128xf32, #tpu.memory_space<vmem>>)
      "tpu.region"() ({
        %run_scoped3A = tpu.sem_alloc : memref<!tpu.dma_semaphore, #tpu.memory_space<semaphore_mem>>
        %dma_start3A_242 = arith.constant 0 : i32
        %dma_start3A_243 = arith.constant 0 : i32
        %dma_start3A_244 = tpu.memref_slice %arg22[%dma_start3A_242, %dma_start3A_243] : memref<10240x128xf32, #tpu.memory_space<vmem_shared>> -> memref<10240x128xf32, #tpu.memory_space<vmem_shared>>
        tpu.enqueue_indirect_dma source(%arg19 : memref<64x128xf32, #tpu.memory_space<vmem>>) target(%dma_start3A_244 : memref<10240x128xf32, #tpu.memory_space<vmem_shared>>) offsets(%arg14 : memref<64xi32, #tpu.memory_space<vmem>>) semaphore(%run_scoped3A : memref<!tpu.dma_semaphore, #tpu.memory_space<semaphore_mem>>) {add = true}
        %dma_wait3A_245 = arith.constant 0 : i32
        %dma_wait3A_246 = arith.constant 0 : i32
        %dma_wait3A_247 = tpu.memref_slice %arg22[%dma_wait3A_245, %dma_wait3A_246] : memref<10240x128xf32, #tpu.memory_space<vmem_shared>> -> memref<10240x128xf32, #tpu.memory_space<vmem_shared>>
        tpu.wait_indirect_dma semaphore(%run_scoped3A : memref<!tpu.dma_semaphore, #tpu.memory_space<semaphore_mem>>) src(%arg19 : memref<64x128xf32, #tpu.memory_space<vmem>>) dst(%dma_wait3A_247 : memref<10240x128xf32, #tpu.memory_space<vmem_shared>>)
        tpu.yield
      }) : () -> ()
      %add3A_187 = arith.constant 3 : i32
      %add3A_188 = arith.addi %mul3A_106, %add3A_187 : i32
      %add3A_189 = arith.constant 5 : i32
      %add3A_190 = arith.addi %add3A_188, %add3A_189 : i32
      %sub3A_191 = arith.constant 1 : i32
      %sub3A_192 = arith.subi %add3A_190, %sub3A_191 : i32
      %add3A_193 = arith.addi %select_n3A, %sub3A_192 : i32
      %mul3A_194 = arith.constant 64 : i32
      %mul3A_195 = arith.muli %add3A_193, %mul3A_194 : i32
      %dma_start3A_196 = tpu.memref_slice %arg3[%mul3A_195] : memref<327936xi32, #tpu.memory_space<hbm>> -> memref<64xi32, #tpu.memory_space<hbm>>
      %dma_start3A_197 = tpu.memref_slice %arg3[%mul3A_195] : memref<327936xi32, #tpu.memory_space<hbm>> -> memref<64xi32, #tpu.memory_space<hbm>>
      tpu.enqueue_dma source(%dma_start3A_197 : memref<64xi32, #tpu.memory_space<hbm>>) target(%arg9 : memref<64xi32, #tpu.memory_space<vmem>>) target_semaphore(%arg25 : memref<!tpu.dma_semaphore, #tpu.memory_space<semaphore_mem>>)
      %dma_start3A_198 = tpu.memref_slice %arg4[%mul3A_195] : memref<327936xi32, #tpu.memory_space<hbm>> -> memref<64xi32, #tpu.memory_space<hbm>>
      %dma_start3A_199 = tpu.memref_slice %arg4[%mul3A_195] : memref<327936xi32, #tpu.memory_space<hbm>> -> memref<64xi32, #tpu.memory_space<hbm>>
      tpu.enqueue_dma source(%dma_start3A_199 : memref<64xi32, #tpu.memory_space<hbm>>) target(%arg14 : memref<64xi32, #tpu.memory_space<vmem>>) target_semaphore(%arg25 : memref<!tpu.dma_semaphore, #tpu.memory_space<semaphore_mem>>)
      %dma_wait3A_200 = arith.constant 0 : i32
      %dma_wait3A_201 = tpu.memref_slice %arg3[%dma_wait3A_200] : memref<327936xi32, #tpu.memory_space<hbm>> -> memref<64xi32, #tpu.memory_space<hbm>>
      %dma_wait3A_202 = arith.constant 0 : i32
      %dma_wait3A_203 = tpu.memref_slice %arg3[%dma_wait3A_202] : memref<327936xi32, #tpu.memory_space<hbm>> -> memref<64xi32, #tpu.memory_space<hbm>>
      tpu.wait_dma2 semaphore(%arg24 : memref<!tpu.dma_semaphore, #tpu.memory_space<semaphore_mem>>) src(%dma_wait3A_203 : memref<64xi32, #tpu.memory_space<hbm>>) dst(%arg8 : memref<64xi32, #tpu.memory_space<vmem>>)
      %dma_wait3A_204 = arith.constant 0 : i32
      %dma_wait3A_205 = tpu.memref_slice %arg4[%dma_wait3A_204] : memref<327936xi32, #tpu.memory_space<hbm>> -> memref<64xi32, #tpu.memory_space<hbm>>
      %dma_wait3A_206 = arith.constant 0 : i32
      %dma_wait3A_207 = tpu.memref_slice %arg4[%dma_wait3A_206] : memref<327936xi32, #tpu.memory_space<hbm>> -> memref<64xi32, #tpu.memory_space<hbm>>
      tpu.wait_dma2 semaphore(%arg24 : memref<!tpu.dma_semaphore, #tpu.memory_space<semaphore_mem>>) src(%dma_wait3A_207 : memref<64xi32, #tpu.memory_space<hbm>>) dst(%arg13 : memref<64xi32, #tpu.memory_space<vmem>>)
      %dma_start3A_208 = arith.constant 0 : i32
      %dma_start3A_209 = arith.constant 0 : i32
      %dma_start3A_210 = tpu.memref_slice %arg2[%dma_start3A_208, %dma_start3A_209] : memref<10000x128xf32, #tpu.memory_space<hbm>> -> memref<10000x128xf32, #tpu.memory_space<hbm>>
      tpu.enqueue_indirect_dma source(%dma_start3A_210 : memref<10000x128xf32, #tpu.memory_space<hbm>>) target(%arg18 : memref<64x128xf32, #tpu.memory_space<vmem>>) offsets(%arg8 : memref<64xi32, #tpu.memory_space<vmem>>) semaphore(%arg29 : memref<!tpu.dma_semaphore, #tpu.memory_space<semaphore_mem>>)
      %dma_wait3A_211 = arith.constant 0 : i32
      %dma_wait3A_212 = arith.constant 0 : i32
      %dma_wait3A_213 = tpu.memref_slice %arg2[%dma_wait3A_211, %dma_wait3A_212] : memref<10000x128xf32, #tpu.memory_space<hbm>> -> memref<10000x128xf32, #tpu.memory_space<hbm>>
      tpu.wait_indirect_dma semaphore(%arg31 : memref<!tpu.dma_semaphore, #tpu.memory_space<semaphore_mem>>) src(%dma_wait3A_213 : memref<10000x128xf32, #tpu.memory_space<hbm>>) dst(%arg20 : memref<64x128xf32, #tpu.memory_space<vmem>>)
      "tpu.region"() ({
        %run_scoped3A = tpu.sem_alloc : memref<!tpu.dma_semaphore, #tpu.memory_space<semaphore_mem>>
        %dma_start3A_242 = arith.constant 0 : i32
        %dma_start3A_243 = arith.constant 0 : i32
        %dma_start3A_244 = tpu.memref_slice %arg22[%dma_start3A_242, %dma_start3A_243] : memref<10240x128xf32, #tpu.memory_space<vmem_shared>> -> memref<10240x128xf32, #tpu.memory_space<vmem_shared>>
        tpu.enqueue_indirect_dma source(%arg20 : memref<64x128xf32, #tpu.memory_space<vmem>>) target(%dma_start3A_244 : memref<10240x128xf32, #tpu.memory_space<vmem_shared>>) offsets(%arg15 : memref<64xi32, #tpu.memory_space<vmem>>) semaphore(%run_scoped3A : memref<!tpu.dma_semaphore, #tpu.memory_space<semaphore_mem>>) {add = true}
        %dma_wait3A_245 = arith.constant 0 : i32
        %dma_wait3A_246 = arith.constant 0 : i32
        %dma_wait3A_247 = tpu.memref_slice %arg22[%dma_wait3A_245, %dma_wait3A_246] : memref<10240x128xf32, #tpu.memory_space<vmem_shared>> -> memref<10240x128xf32, #tpu.memory_space<vmem_shared>>
        tpu.wait_indirect_dma semaphore(%run_scoped3A : memref<!tpu.dma_semaphore, #tpu.memory_space<semaphore_mem>>) src(%arg20 : memref<64x128xf32, #tpu.memory_space<vmem>>) dst(%dma_wait3A_247 : memref<10240x128xf32, #tpu.memory_space<vmem_shared>>)
        tpu.yield
      }) : () -> ()
      %add3A_214 = arith.constant 4 : i32
      %add3A_215 = arith.addi %mul3A_106, %add3A_214 : i32
      %add3A_216 = arith.constant 5 : i32
      %add3A_217 = arith.addi %add3A_215, %add3A_216 : i32
      %sub3A_218 = arith.constant 1 : i32
      %sub3A_219 = arith.subi %add3A_217, %sub3A_218 : i32
      %add3A_220 = arith.addi %select_n3A, %sub3A_219 : i32
      %mul3A_221 = arith.constant 64 : i32
      %mul3A_222 = arith.muli %add3A_220, %mul3A_221 : i32
      %dma_start3A_223 = tpu.memref_slice %arg3[%mul3A_222] : memref<327936xi32, #tpu.memory_space<hbm>> -> memref<64xi32, #tpu.memory_space<hbm>>
      %dma_start3A_224 = tpu.memref_slice %arg3[%mul3A_222] : memref<327936xi32, #tpu.memory_space<hbm>> -> memref<64xi32, #tpu.memory_space<hbm>>
      tpu.enqueue_dma source(%dma_start3A_224 : memref<64xi32, #tpu.memory_space<hbm>>) target(%arg10 : memref<64xi32, #tpu.memory_space<vmem>>) target_semaphore(%arg26 : memref<!tpu.dma_semaphore, #tpu.memory_space<semaphore_mem>>)
      %dma_start3A_225 = tpu.memref_slice %arg4[%mul3A_222] : memref<327936xi32, #tpu.memory_space<hbm>> -> memref<64xi32, #tpu.memory_space<hbm>>
      %dma_start3A_226 = tpu.memref_slice %arg4[%mul3A_222] : memref<327936xi32, #tpu.memory_space<hbm>> -> memref<64xi32, #tpu.memory_space<hbm>>
      tpu.enqueue_dma source(%dma_start3A_226 : memref<64xi32, #tpu.memory_space<hbm>>) target(%arg15 : memref<64xi32, #tpu.memory_space<vmem>>) target_semaphore(%arg26 : memref<!tpu.dma_semaphore, #tpu.memory_space<semaphore_mem>>)
      %dma_wait3A_227 = arith.constant 0 : i32
      %dma_wait3A_228 = tpu.memref_slice %arg3[%dma_wait3A_227] : memref<327936xi32, #tpu.memory_space<hbm>> -> memref<64xi32, #tpu.memory_space<hbm>>
      %dma_wait3A_229 = arith.constant 0 : i32
      %dma_wait3A_230 = tpu.memref_slice %arg3[%dma_wait3A_229] : memref<327936xi32, #tpu.memory_space<hbm>> -> memref<64xi32, #tpu.memory_space<hbm>>
      tpu.wait_dma2 semaphore(%arg25 : memref<!tpu.dma_semaphore, #tpu.memory_space<semaphore_mem>>) src(%dma_wait3A_230 : memref<64xi32, #tpu.memory_space<hbm>>) dst(%arg9 : memref<64xi32, #tpu.memory_space<vmem>>)
      %dma_wait3A_231 = arith.constant 0 : i32
      %dma_wait3A_232 = tpu.memref_slice %arg4[%dma_wait3A_231] : memref<327936xi32, #tpu.memory_space<hbm>> -> memref<64xi32, #tpu.memory_space<hbm>>
      %dma_wait3A_233 = arith.constant 0 : i32
      %dma_wait3A_234 = tpu.memref_slice %arg4[%dma_wait3A_233] : memref<327936xi32, #tpu.memory_space<hbm>> -> memref<64xi32, #tpu.memory_space<hbm>>
      tpu.wait_dma2 semaphore(%arg25 : memref<!tpu.dma_semaphore, #tpu.memory_space<semaphore_mem>>) src(%dma_wait3A_234 : memref<64xi32, #tpu.memory_space<hbm>>) dst(%arg14 : memref<64xi32, #tpu.memory_space<vmem>>)
      %dma_start3A_235 = arith.constant 0 : i32
      %dma_start3A_236 = arith.constant 0 : i32
      %dma_start3A_237 = tpu.memref_slice %arg2[%dma_start3A_235, %dma_start3A_236] : memref<10000x128xf32, #tpu.memory_space<hbm>> -> memref<10000x128xf32, #tpu.memory_space<hbm>>
      tpu.enqueue_indirect_dma source(%dma_start3A_237 : memref<10000x128xf32, #tpu.memory_space<hbm>>) target(%arg19 : memref<64x128xf32, #tpu.memory_space<vmem>>) offsets(%arg9 : memref<64xi32, #tpu.memory_space<vmem>>) semaphore(%arg30 : memref<!tpu.dma_semaphore, #tpu.memory_space<semaphore_mem>>)
      %dma_wait3A_238 = arith.constant 0 : i32
      %dma_wait3A_239 = arith.constant 0 : i32
      %dma_wait3A_240 = tpu.memref_slice %arg2[%dma_wait3A_238, %dma_wait3A_239] : memref<10000x128xf32, #tpu.memory_space<hbm>> -> memref<10000x128xf32, #tpu.memory_space<hbm>>
      tpu.wait_indirect_dma semaphore(%arg32 : memref<!tpu.dma_semaphore, #tpu.memory_space<semaphore_mem>>) src(%dma_wait3A_240 : memref<10000x128xf32, #tpu.memory_space<hbm>>) dst(%arg21 : memref<64x128xf32, #tpu.memory_space<vmem>>)
      "tpu.region"() ({
        %run_scoped3A = tpu.sem_alloc : memref<!tpu.dma_semaphore, #tpu.memory_space<semaphore_mem>>
        %dma_start3A_242 = arith.constant 0 : i32
        %dma_start3A_243 = arith.constant 0 : i32
        %dma_start3A_244 = tpu.memref_slice %arg22[%dma_start3A_242, %dma_start3A_243] : memref<10240x128xf32, #tpu.memory_space<vmem_shared>> -> memref<10240x128xf32, #tpu.memory_space<vmem_shared>>
        tpu.enqueue_indirect_dma source(%arg21 : memref<64x128xf32, #tpu.memory_space<vmem>>) target(%dma_start3A_244 : memref<10240x128xf32, #tpu.memory_space<vmem_shared>>) offsets(%arg16 : memref<64xi32, #tpu.memory_space<vmem>>) semaphore(%run_scoped3A : memref<!tpu.dma_semaphore, #tpu.memory_space<semaphore_mem>>) {add = true}
        %dma_wait3A_245 = arith.constant 0 : i32
        %dma_wait3A_246 = arith.constant 0 : i32
        %dma_wait3A_247 = tpu.memref_slice %arg22[%dma_wait3A_245, %dma_wait3A_246] : memref<10240x128xf32, #tpu.memory_space<vmem_shared>> -> memref<10240x128xf32, #tpu.memory_space<vmem_shared>>
        tpu.wait_indirect_dma semaphore(%run_scoped3A : memref<!tpu.dma_semaphore, #tpu.memory_space<semaphore_mem>>) src(%arg21 : memref<64x128xf32, #tpu.memory_space<vmem>>) dst(%dma_wait3A_247 : memref<10240x128xf32, #tpu.memory_space<vmem_shared>>)
        tpu.yield
      }) : () -> ()
      %while3A_241 = arith.constant 0 : i32
      scf.yield %while3A_241 : i32
    }
    %while3A_83 = arith.constant 1 : i32
    %while3A_84 = scf.for %while3A_103 = %while3A_80 to %while3A_76 step %while3A_83 iter_args(%while3A_104 = %while3A_82) -> (i32)  : i32 {
      %mul3A_105 = arith.constant 5 : i32
      %mul3A_106 = arith.muli %while3A_103, %mul3A_105 : i32
      %add3A_107 = arith.constant 0 : i32
      %add3A_108 = arith.addi %mul3A_106, %add3A_107 : i32
      %add3A_109 = arith.constant 5 : i32
      %add3A_110 = arith.addi %add3A_108, %add3A_109 : i32
      %sub3A = arith.constant 1 : i32
      %sub3A_111 = arith.subi %add3A_110, %sub3A : i32
      %add3A_112 = arith.addi %select_n3A, %sub3A_111 : i32
      %mul3A_113 = arith.constant 64 : i32
      %mul3A_114 = arith.muli %add3A_112, %mul3A_113 : i32
      %dma_start3A_115 = tpu.memref_slice %arg3[%mul3A_114] : memref<327936xi32, #tpu.memory_space<hbm>> -> memref<64xi32, #tpu.memory_space<hbm>>
      %dma_start3A_116 = tpu.memref_slice %arg3[%mul3A_114] : memref<327936xi32, #tpu.memory_space<hbm>> -> memref<64xi32, #tpu.memory_space<hbm>>
      tpu.enqueue_dma source(%dma_start3A_116 : memref<64xi32, #tpu.memory_space<hbm>>) target(%arg11 : memref<64xi32, #tpu.memory_space<vmem>>) target_semaphore(%arg27 : memref<!tpu.dma_semaphore, #tpu.memory_space<semaphore_mem>>)
      %dma_start3A_117 = tpu.memref_slice %arg4[%mul3A_114] : memref<327936xi32, #tpu.memory_space<hbm>> -> memref<64xi32, #tpu.memory_space<hbm>>
      %dma_start3A_118 = tpu.memref_slice %arg4[%mul3A_114] : memref<327936xi32, #tpu.memory_space<hbm>> -> memref<64xi32, #tpu.memory_space<hbm>>
      tpu.enqueue_dma source(%dma_start3A_118 : memref<64xi32, #tpu.memory_space<hbm>>) target(%arg16 : memref<64xi32, #tpu.memory_space<vmem>>) target_semaphore(%arg27 : memref<!tpu.dma_semaphore, #tpu.memory_space<semaphore_mem>>)
      %dma_wait3A_119 = arith.constant 0 : i32
      %dma_wait3A_120 = tpu.memref_slice %arg3[%dma_wait3A_119] : memref<327936xi32, #tpu.memory_space<hbm>> -> memref<64xi32, #tpu.memory_space<hbm>>
      %dma_wait3A_121 = arith.constant 0 : i32
      %dma_wait3A_122 = tpu.memref_slice %arg3[%dma_wait3A_121] : memref<327936xi32, #tpu.memory_space<hbm>> -> memref<64xi32, #tpu.memory_space<hbm>>
      tpu.wait_dma2 semaphore(%arg26 : memref<!tpu.dma_semaphore, #tpu.memory_space<semaphore_mem>>) src(%dma_wait3A_122 : memref<64xi32, #tpu.memory_space<hbm>>) dst(%arg10 : memref<64xi32, #tpu.memory_space<vmem>>)
      %dma_wait3A_123 = arith.constant 0 : i32
      %dma_wait3A_124 = tpu.memref_slice %arg4[%dma_wait3A_123] : memref<327936xi32, #tpu.memory_space<hbm>> -> memref<64xi32, #tpu.memory_space<hbm>>
      %dma_wait3A_125 = arith.constant 0 : i32
      %dma_wait3A_126 = tpu.memref_slice %arg4[%dma_wait3A_125] : memref<327936xi32, #tpu.memory_space<hbm>> -> memref<64xi32, #tpu.memory_space<hbm>>
      tpu.wait_dma2 semaphore(%arg26 : memref<!tpu.dma_semaphore, #tpu.memory_space<semaphore_mem>>) src(%dma_wait3A_126 : memref<64xi32, #tpu.memory_space<hbm>>) dst(%arg15 : memref<64xi32, #tpu.memory_space<vmem>>)
      %dma_start3A_127 = arith.constant 0 : i32
      %dma_start3A_128 = arith.constant 0 : i32
      %dma_start3A_129 = tpu.memref_slice %arg2[%dma_start3A_127, %dma_start3A_128] : memref<10000x128xf32, #tpu.memory_space<hbm>> -> memref<10000x128xf32, #tpu.memory_space<hbm>>
      tpu.enqueue_indirect_dma source(%dma_start3A_129 : memref<10000x128xf32, #tpu.memory_space<hbm>>) target(%arg20 : memref<64x128xf32, #tpu.memory_space<vmem>>) offsets(%arg10 : memref<64xi32, #tpu.memory_space<vmem>>) semaphore(%arg31 : memref<!tpu.dma_semaphore, #tpu.memory_space<semaphore_mem>>)
      %dma_wait3A_130 = arith.constant 0 : i32
      %dma_wait3A_131 = arith.constant 0 : i32
      %dma_wait3A_132 = tpu.memref_slice %arg2[%dma_wait3A_130, %dma_wait3A_131] : memref<10000x128xf32, #tpu.memory_space<hbm>> -> memref<10000x128xf32, #tpu.memory_space<hbm>>
      tpu.wait_indirect_dma semaphore(%arg28 : memref<!tpu.dma_semaphore, #tpu.memory_space<semaphore_mem>>) src(%dma_wait3A_132 : memref<10000x128xf32, #tpu.memory_space<hbm>>) dst(%arg17 : memref<64x128xf32, #tpu.memory_space<vmem>>)
      "tpu.region"() ({
        %run_scoped3A = tpu.sem_alloc : memref<!tpu.dma_semaphore, #tpu.memory_space<semaphore_mem>>
        %dma_start3A_242 = arith.constant 0 : i32
        %dma_start3A_243 = arith.constant 0 : i32
        %dma_start3A_244 = tpu.memref_slice %arg22[%dma_start3A_242, %dma_start3A_243] : memref<10240x128xf32, #tpu.memory_space<vmem_shared>> -> memref<10240x128xf32, #tpu.memory_space<vmem_shared>>
        tpu.enqueue_indirect_dma source(%arg17 : memref<64x128xf32, #tpu.memory_space<vmem>>) target(%dma_start3A_244 : memref<10240x128xf32, #tpu.memory_space<vmem_shared>>) offsets(%arg12 : memref<64xi32, #tpu.memory_space<vmem>>) semaphore(%run_scoped3A : memref<!tpu.dma_semaphore, #tpu.memory_space<semaphore_mem>>) {add = true}
        %dma_wait3A_245 = arith.constant 0 : i32
        %dma_wait3A_246 = arith.constant 0 : i32
        %dma_wait3A_247 = tpu.memref_slice %arg22[%dma_wait3A_245, %dma_wait3A_246] : memref<10240x128xf32, #tpu.memory_space<vmem_shared>> -> memref<10240x128xf32, #tpu.memory_space<vmem_shared>>
        tpu.wait_indirect_dma semaphore(%run_scoped3A : memref<!tpu.dma_semaphore, #tpu.memory_space<semaphore_mem>>) src(%arg17 : memref<64x128xf32, #tpu.memory_space<vmem>>) dst(%dma_wait3A_247 : memref<10240x128xf32, #tpu.memory_space<vmem_shared>>)
        tpu.yield
      }) : () -> ()
      %add3A_133 = arith.constant 1 : i32
      %add3A_134 = arith.addi %mul3A_106, %add3A_133 : i32
      %add3A_135 = arith.constant 5 : i32
      %add3A_136 = arith.addi %add3A_134, %add3A_135 : i32
      %sub3A_137 = arith.constant 1 : i32
      %sub3A_138 = arith.subi %add3A_136, %sub3A_137 : i32
      %add3A_139 = arith.addi %select_n3A, %sub3A_138 : i32
      %mul3A_140 = arith.constant 64 : i32
      %mul3A_141 = arith.muli %add3A_139, %mul3A_140 : i32
      %dma_start3A_142 = tpu.memref_slice %arg3[%mul3A_141] : memref<327936xi32, #tpu.memory_space<hbm>> -> memref<64xi32, #tpu.memory_space<hbm>>
      %dma_start3A_143 = tpu.memref_slice %arg3[%mul3A_141] : memref<327936xi32, #tpu.memory_space<hbm>> -> memref<64xi32, #tpu.memory_space<hbm>>
      tpu.enqueue_dma source(%dma_start3A_143 : memref<64xi32, #tpu.memory_space<hbm>>) target(%arg7 : memref<64xi32, #tpu.memory_space<vmem>>) target_semaphore(%arg23 : memref<!tpu.dma_semaphore, #tpu.memory_space<semaphore_mem>>)
      %dma_start3A_144 = tpu.memref_slice %arg4[%mul3A_141] : memref<327936xi32, #tpu.memory_space<hbm>> -> memref<64xi32, #tpu.memory_space<hbm>>
      %dma_start3A_145 = tpu.memref_slice %arg4[%mul3A_141] : memref<327936xi32, #tpu.memory_space<hbm>> -> memref<64xi32, #tpu.memory_space<hbm>>
      tpu.enqueue_dma source(%dma_start3A_145 : memref<64xi32, #tpu.memory_space<hbm>>) target(%arg12 : memref<64xi32, #tpu.memory_space<vmem>>) target_semaphore(%arg23 : memref<!tpu.dma_semaphore, #tpu.memory_space<semaphore_mem>>)
      %dma_wait3A_146 = arith.constant 0 : i32
      %dma_wait3A_147 = tpu.memref_slice %arg3[%dma_wait3A_146] : memref<327936xi32, #tpu.memory_space<hbm>> -> memref<64xi32, #tpu.memory_space<hbm>>
      %dma_wait3A_148 = arith.constant 0 : i32
      %dma_wait3A_149 = tpu.memref_slice %arg3[%dma_wait3A_148] : memref<327936xi32, #tpu.memory_space<hbm>> -> memref<64xi32, #tpu.memory_space<hbm>>
      tpu.wait_dma2 semaphore(%arg27 : memref<!tpu.dma_semaphore, #tpu.memory_space<semaphore_mem>>) src(%dma_wait3A_149 : memref<64xi32, #tpu.memory_space<hbm>>) dst(%arg11 : memref<64xi32, #tpu.memory_space<vmem>>)
      %dma_wait3A_150 = arith.constant 0 : i32
      %dma_wait3A_151 = tpu.memref_slice %arg4[%dma_wait3A_150] : memref<327936xi32, #tpu.memory_space<hbm>> -> memref<64xi32, #tpu.memory_space<hbm>>
      %dma_wait3A_152 = arith.constant 0 : i32
      %dma_wait3A_153 = tpu.memref_slice %arg4[%dma_wait3A_152] : memref<327936xi32, #tpu.memory_space<hbm>> -> memref<64xi32, #tpu.memory_space<hbm>>
      tpu.wait_dma2 semaphore(%arg27 : memref<!tpu.dma_semaphore, #tpu.memory_space<semaphore_mem>>) src(%dma_wait3A_153 : memref<64xi32, #tpu.memory_space<hbm>>) dst(%arg16 : memref<64xi32, #tpu.memory_space<vmem>>)
      %dma_start3A_154 = arith.constant 0 : i32
      %dma_start3A_155 = arith.constant 0 : i32
      %dma_start3A_156 = tpu.memref_slice %arg2[%dma_start3A_154, %dma_start3A_155] : memref<10000x128xf32, #tpu.memory_space<hbm>> -> memref<10000x128xf32, #tpu.memory_space<hbm>>
      tpu.enqueue_indirect_dma source(%dma_start3A_156 : memref<10000x128xf32, #tpu.memory_space<hbm>>) target(%arg21 : memref<64x128xf32, #tpu.memory_space<vmem>>) offsets(%arg11 : memref<64xi32, #tpu.memory_space<vmem>>) semaphore(%arg32 : memref<!tpu.dma_semaphore, #tpu.memory_space<semaphore_mem>>)
      %dma_wait3A_157 = arith.constant 0 : i32
      %dma_wait3A_158 = arith.constant 0 : i32
      %dma_wait3A_159 = tpu.memref_slice %arg2[%dma_wait3A_157, %dma_wait3A_158] : memref<10000x128xf32, #tpu.memory_space<hbm>> -> memref<10000x128xf32, #tpu.memory_space<hbm>>
      tpu.wait_indirect_dma semaphore(%arg29 : memref<!tpu.dma_semaphore, #tpu.memory_space<semaphore_mem>>) src(%dma_wait3A_159 : memref<10000x128xf32, #tpu.memory_space<hbm>>) dst(%arg18 : memref<64x128xf32, #tpu.memory_space<vmem>>)
      "tpu.region"() ({
        %run_scoped3A = tpu.sem_alloc : memref<!tpu.dma_semaphore, #tpu.memory_space<semaphore_mem>>
        %dma_start3A_242 = arith.constant 0 : i32
        %dma_start3A_243 = arith.constant 0 : i32
        %dma_start3A_244 = tpu.memref_slice %arg22[%dma_start3A_242, %dma_start3A_243] : memref<10240x128xf32, #tpu.memory_space<vmem_shared>> -> memref<10240x128xf32, #tpu.memory_space<vmem_shared>>
        tpu.enqueue_indirect_dma source(%arg18 : memref<64x128xf32, #tpu.memory_space<vmem>>) target(%dma_start3A_244 : memref<10240x128xf32, #tpu.memory_space<vmem_shared>>) offsets(%arg13 : memref<64xi32, #tpu.memory_space<vmem>>) semaphore(%run_scoped3A : memref<!tpu.dma_semaphore, #tpu.memory_space<semaphore_mem>>) {add = true}
        %dma_wait3A_245 = arith.constant 0 : i32
        %dma_wait3A_246 = arith.constant 0 : i32
        %dma_wait3A_247 = tpu.memref_slice %arg22[%dma_wait3A_245, %dma_wait3A_246] : memref<10240x128xf32, #tpu.memory_space<vmem_shared>> -> memref<10240x128xf32, #tpu.memory_space<vmem_shared>>
        tpu.wait_indirect_dma semaphore(%run_scoped3A : memref<!tpu.dma_semaphore, #tpu.memory_space<semaphore_mem>>) src(%arg18 : memref<64x128xf32, #tpu.memory_space<vmem>>) dst(%dma_wait3A_247 : memref<10240x128xf32, #tpu.memory_space<vmem_shared>>)
        tpu.yield
      }) : () -> ()
      %add3A_160 = arith.constant 2 : i32
      %add3A_161 = arith.addi %mul3A_106, %add3A_160 : i32
      %add3A_162 = arith.constant 5 : i32
      %add3A_163 = arith.addi %add3A_161, %add3A_162 : i32
      %sub3A_164 = arith.constant 1 : i32
      %sub3A_165 = arith.subi %add3A_163, %sub3A_164 : i32
      %add3A_166 = arith.addi %select_n3A, %sub3A_165 : i32
      %mul3A_167 = arith.constant 64 : i32
      %mul3A_168 = arith.muli %add3A_166, %mul3A_167 : i32
      %dma_start3A_169 = tpu.memref_slice %arg3[%mul3A_168] : memref<327936xi32, #tpu.memory_space<hbm>> -> memref<64xi32, #tpu.memory_space<hbm>>
      %dma_start3A_170 = tpu.memref_slice %arg3[%mul3A_168] : memref<327936xi32, #tpu.memory_space<hbm>> -> memref<64xi32, #tpu.memory_space<hbm>>
      tpu.enqueue_dma source(%dma_start3A_170 : memref<64xi32, #tpu.memory_space<hbm>>) target(%arg8 : memref<64xi32, #tpu.memory_space<vmem>>) target_semaphore(%arg24 : memref<!tpu.dma_semaphore, #tpu.memory_space<semaphore_mem>>)
      %dma_start3A_171 = tpu.memref_slice %arg4[%mul3A_168] : memref<327936xi32, #tpu.memory_space<hbm>> -> memref<64xi32, #tpu.memory_space<hbm>>
      %dma_start3A_172 = tpu.memref_slice %arg4[%mul3A_168] : memref<327936xi32, #tpu.memory_space<hbm>> -> memref<64xi32, #tpu.memory_space<hbm>>
      tpu.enqueue_dma source(%dma_start3A_172 : memref<64xi32, #tpu.memory_space<hbm>>) target(%arg13 : memref<64xi32, #tpu.memory_space<vmem>>) target_semaphore(%arg24 : memref<!tpu.dma_semaphore, #tpu.memory_space<semaphore_mem>>)
      %dma_wait3A_173 = arith.constant 0 : i32
      %dma_wait3A_174 = tpu.memref_slice %arg3[%dma_wait3A_173] : memref<327936xi32, #tpu.memory_space<hbm>> -> memref<64xi32, #tpu.memory_space<hbm>>
      %dma_wait3A_175 = arith.constant 0 : i32
      %dma_wait3A_176 = tpu.memref_slice %arg3[%dma_wait3A_175] : memref<327936xi32, #tpu.memory_space<hbm>> -> memref<64xi32, #tpu.memory_space<hbm>>
      tpu.wait_dma2 semaphore(%arg23 : memref<!tpu.dma_semaphore, #tpu.memory_space<semaphore_mem>>) src(%dma_wait3A_176 : memref<64xi32, #tpu.memory_space<hbm>>) dst(%arg7 : memref<64xi32, #tpu.memory_space<vmem>>)
      %dma_wait3A_177 = arith.constant 0 : i32
      %dma_wait3A_178 = tpu.memref_slice %arg4[%dma_wait3A_177] : memref<327936xi32, #tpu.memory_space<hbm>> -> memref<64xi32, #tpu.memory_space<hbm>>
      %dma_wait3A_179 = arith.constant 0 : i32
      %dma_wait3A_180 = tpu.memref_slice %arg4[%dma_wait3A_179] : memref<327936xi32, #tpu.memory_space<hbm>> -> memref<64xi32, #tpu.memory_space<hbm>>
      tpu.wait_dma2 semaphore(%arg23 : memref<!tpu.dma_semaphore, #tpu.memory_space<semaphore_mem>>) src(%dma_wait3A_180 : memref<64xi32, #tpu.memory_space<hbm>>) dst(%arg12 : memref<64xi32, #tpu.memory_space<vmem>>)
      %dma_start3A_181 = arith.constant 0 : i32
      %dma_start3A_182 = arith.constant 0 : i32
      %dma_start3A_183 = tpu.memref_slice %arg2[%dma_start3A_181, %dma_start3A_182] : memref<10000x128xf32, #tpu.memory_space<hbm>> -> memref<10000x128xf32, #tpu.memory_space<hbm>>
      tpu.enqueue_indirect_dma source(%dma_start3A_183 : memref<10000x128xf32, #tpu.memory_space<hbm>>) target(%arg17 : memref<64x128xf32, #tpu.memory_space<vmem>>) offsets(%arg7 : memref<64xi32, #tpu.memory_space<vmem>>) semaphore(%arg28 : memref<!tpu.dma_semaphore, #tpu.memory_space<semaphore_mem>>)
      %dma_wait3A_184 = arith.constant 0 : i32
      %dma_wait3A_185 = arith.constant 0 : i32
      %dma_wait3A_186 = tpu.memref_slice %arg2[%dma_wait3A_184, %dma_wait3A_185] : memref<10000x128xf32, #tpu.memory_space<hbm>> -> memref<10000x128xf32, #tpu.memory_space<hbm>>
      tpu.wait_indirect_dma semaphore(%arg30 : memref<!tpu.dma_semaphore, #tpu.memory_space<semaphore_mem>>) src(%dma_wait3A_186 : memref<10000x128xf32, #tpu.memory_space<hbm>>) dst(%arg19 : memref<64x128xf32, #tpu.memory_space<vmem>>)
      "tpu.region"() ({
        %run_scoped3A = tpu.sem_alloc : memref<!tpu.dma_semaphore, #tpu.memory_space<semaphore_mem>>
        %dma_start3A_242 = arith.constant 0 : i32
        %dma_start3A_243 = arith.constant 0 : i32
        %dma_start3A_244 = tpu.memref_slice %arg22[%dma_start3A_242, %dma_start3A_243] : memref<10240x128xf32, #tpu.memory_space<vmem_shared>> -> memref<10240x128xf32, #tpu.memory_space<vmem_shared>>
        tpu.enqueue_indirect_dma source(%arg19 : memref<64x128xf32, #tpu.memory_space<vmem>>) target(%dma_start3A_244 : memref<10240x128xf32, #tpu.memory_space<vmem_shared>>) offsets(%arg14 : memref<64xi32, #tpu.memory_space<vmem>>) semaphore(%run_scoped3A : memref<!tpu.dma_semaphore, #tpu.memory_space<semaphore_mem>>) {add = true}
        %dma_wait3A_245 = arith.constant 0 : i32
        %dma_wait3A_246 = arith.constant 0 : i32
        %dma_wait3A_247 = tpu.memref_slice %arg22[%dma_wait3A_245, %dma_wait3A_246] : memref<10240x128xf32, #tpu.memory_space<vmem_shared>> -> memref<10240x128xf32, #tpu.memory_space<vmem_shared>>
        tpu.wait_indirect_dma semaphore(%run_scoped3A : memref<!tpu.dma_semaphore, #tpu.memory_space<semaphore_mem>>) src(%arg19 : memref<64x128xf32, #tpu.memory_space<vmem>>) dst(%dma_wait3A_247 : memref<10240x128xf32, #tpu.memory_space<vmem_shared>>)
        tpu.yield
      }) : () -> ()
      %add3A_187 = arith.constant 3 : i32
      %add3A_188 = arith.addi %mul3A_106, %add3A_187 : i32
      %add3A_189 = arith.constant 5 : i32
      %add3A_190 = arith.addi %add3A_188, %add3A_189 : i32
      %sub3A_191 = arith.constant 1 : i32
      %sub3A_192 = arith.subi %add3A_190, %sub3A_191 : i32
      %add3A_193 = arith.addi %select_n3A, %sub3A_192 : i32
      %mul3A_194 = arith.constant 64 : i32
      %mul3A_195 = arith.muli %add3A_193, %mul3A_194 : i32
      %dma_start3A_196 = tpu.memref_slice %arg3[%mul3A_195] : memref<327936xi32, #tpu.memory_space<hbm>> -> memref<64xi32, #tpu.memory_space<hbm>>
      %dma_start3A_197 = tpu.memref_slice %arg3[%mul3A_195] : memref<327936xi32, #tpu.memory_space<hbm>> -> memref<64xi32, #tpu.memory_space<hbm>>
      tpu.enqueue_dma source(%dma_start3A_197 : memref<64xi32, #tpu.memory_space<hbm>>) target(%arg9 : memref<64xi32, #tpu.memory_space<vmem>>) target_semaphore(%arg25 : memref<!tpu.dma_semaphore, #tpu.memory_space<semaphore_mem>>)
      %dma_start3A_198 = tpu.memref_slice %arg4[%mul3A_195] : memref<327936xi32, #tpu.memory_space<hbm>> -> memref<64xi32, #tpu.memory_space<hbm>>
      %dma_start3A_199 = tpu.memref_slice %arg4[%mul3A_195] : memref<327936xi32, #tpu.memory_space<hbm>> -> memref<64xi32, #tpu.memory_space<hbm>>
      tpu.enqueue_dma source(%dma_start3A_199 : memref<64xi32, #tpu.memory_space<hbm>>) target(%arg14 : memref<64xi32, #tpu.memory_space<vmem>>) target_semaphore(%arg25 : memref<!tpu.dma_semaphore, #tpu.memory_space<semaphore_mem>>)
      %dma_wait3A_200 = arith.constant 0 : i32
      %dma_wait3A_201 = tpu.memref_slice %arg3[%dma_wait3A_200] : memref<327936xi32, #tpu.memory_space<hbm>> -> memref<64xi32, #tpu.memory_space<hbm>>
      %dma_wait3A_202 = arith.constant 0 : i32
      %dma_wait3A_203 = tpu.memref_slice %arg3[%dma_wait3A_202] : memref<327936xi32, #tpu.memory_space<hbm>> -> memref<64xi32, #tpu.memory_space<hbm>>
      tpu.wait_dma2 semaphore(%arg24 : memref<!tpu.dma_semaphore, #tpu.memory_space<semaphore_mem>>) src(%dma_wait3A_203 : memref<64xi32, #tpu.memory_space<hbm>>) dst(%arg8 : memref<64xi32, #tpu.memory_space<vmem>>)
      %dma_wait3A_204 = arith.constant 0 : i32
      %dma_wait3A_205 = tpu.memref_slice %arg4[%dma_wait3A_204] : memref<327936xi32, #tpu.memory_space<hbm>> -> memref<64xi32, #tpu.memory_space<hbm>>
      %dma_wait3A_206 = arith.constant 0 : i32
      %dma_wait3A_207 = tpu.memref_slice %arg4[%dma_wait3A_206] : memref<327936xi32, #tpu.memory_space<hbm>> -> memref<64xi32, #tpu.memory_space<hbm>>
      tpu.wait_dma2 semaphore(%arg24 : memref<!tpu.dma_semaphore, #tpu.memory_space<semaphore_mem>>) src(%dma_wait3A_207 : memref<64xi32, #tpu.memory_space<hbm>>) dst(%arg13 : memref<64xi32, #tpu.memory_space<vmem>>)
      %dma_start3A_208 = arith.constant 0 : i32
      %dma_start3A_209 = arith.constant 0 : i32
      %dma_start3A_210 = tpu.memref_slice %arg2[%dma_start3A_208, %dma_start3A_209] : memref<10000x128xf32, #tpu.memory_space<hbm>> -> memref<10000x128xf32, #tpu.memory_space<hbm>>
      tpu.enqueue_indirect_dma source(%dma_start3A_210 : memref<10000x128xf32, #tpu.memory_space<hbm>>) target(%arg18 : memref<64x128xf32, #tpu.memory_space<vmem>>) offsets(%arg8 : memref<64xi32, #tpu.memory_space<vmem>>) semaphore(%arg29 : memref<!tpu.dma_semaphore, #tpu.memory_space<semaphore_mem>>)
      %dma_wait3A_211 = arith.constant 0 : i32
      %dma_wait3A_212 = arith.constant 0 : i32
      %dma_wait3A_213 = tpu.memref_slice %arg2[%dma_wait3A_211, %dma_wait3A_212] : memref<10000x128xf32, #tpu.memory_space<hbm>> -> memref<10000x128xf32, #tpu.memory_space<hbm>>
      tpu.wait_indirect_dma semaphore(%arg31 : memref<!tpu.dma_semaphore, #tpu.memory_space<semaphore_mem>>) src(%dma_wait3A_213 : memref<10000x128xf32, #tpu.memory_space<hbm>>) dst(%arg20 : memref<64x128xf32, #tpu.memory_space<vmem>>)
      "tpu.region"() ({
        %run_scoped3A = tpu.sem_alloc : memref<!tpu.dma_semaphore, #tpu.memory_space<semaphore_mem>>
        %dma_start3A_242 = arith.constant 0 : i32
        %dma_start3A_243 = arith.constant 0 : i32
        %dma_start3A_244 = tpu.memref_slice %arg22[%dma_start3A_242, %dma_start3A_243] : memref<10240x128xf32, #tpu.memory_space<vmem_shared>> -> memref<10240x128xf32, #tpu.memory_space<vmem_shared>>
        tpu.enqueue_indirect_dma source(%arg20 : memref<64x128xf32, #tpu.memory_space<vmem>>) target(%dma_start3A_244 : memref<10240x128xf32, #tpu.memory_space<vmem_shared>>) offsets(%arg15 : memref<64xi32, #tpu.memory_space<vmem>>) semaphore(%run_scoped3A : memref<!tpu.dma_semaphore, #tpu.memory_space<semaphore_mem>>) {add = true}
        %dma_wait3A_245 = arith.constant 0 : i32
        %dma_wait3A_246 = arith.constant 0 : i32
        %dma_wait3A_247 = tpu.memref_slice %arg22[%dma_wait3A_245, %dma_wait3A_246] : memref<10240x128xf32, #tpu.memory_space<vmem_shared>> -> memref<10240x128xf32, #tpu.memory_space<vmem_shared>>
        tpu.wait_indirect_dma semaphore(%run_scoped3A : memref<!tpu.dma_semaphore, #tpu.memory_space<semaphore_mem>>) src(%arg20 : memref<64x128xf32, #tpu.memory_space<vmem>>) dst(%dma_wait3A_247 : memref<10240x128xf32, #tpu.memory_space<vmem_shared>>)
        tpu.yield
      }) : () -> ()
      %add3A_214 = arith.constant 4 : i32
      %add3A_215 = arith.addi %mul3A_106, %add3A_214 : i32
      %add3A_216 = arith.constant 5 : i32
      %add3A_217 = arith.addi %add3A_215, %add3A_216 : i32
      %sub3A_218 = arith.constant 1 : i32
      %sub3A_219 = arith.subi %add3A_217, %sub3A_218 : i32
      %add3A_220 = arith.addi %select_n3A, %sub3A_219 : i32
      %mul3A_221 = arith.constant 64 : i32
      %mul3A_222 = arith.muli %add3A_220, %mul3A_221 : i32
      %dma_start3A_223 = tpu.memref_slice %arg3[%mul3A_222] : memref<327936xi32, #tpu.memory_space<hbm>> -> memref<64xi32, #tpu.memory_space<hbm>>
      %dma_start3A_224 = tpu.memref_slice %arg3[%mul3A_222] : memref<327936xi32, #tpu.memory_space<hbm>> -> memref<64xi32, #tpu.memory_space<hbm>>
      tpu.enqueue_dma source(%dma_start3A_224 : memref<64xi32, #tpu.memory_space<hbm>>) target(%arg10 : memref<64xi32, #tpu.memory_space<vmem>>) target_semaphore(%arg26 : memref<!tpu.dma_semaphore, #tpu.memory_space<semaphore_mem>>)
      %dma_start3A_225 = tpu.memref_slice %arg4[%mul3A_222] : memref<327936xi32, #tpu.memory_space<hbm>> -> memref<64xi32, #tpu.memory_space<hbm>>
      %dma_start3A_226 = tpu.memref_slice %arg4[%mul3A_222] : memref<327936xi32, #tpu.memory_space<hbm>> -> memref<64xi32, #tpu.memory_space<hbm>>
      tpu.enqueue_dma source(%dma_start3A_226 : memref<64xi32, #tpu.memory_space<hbm>>) target(%arg15 : memref<64xi32, #tpu.memory_space<vmem>>) target_semaphore(%arg26 : memref<!tpu.dma_semaphore, #tpu.memory_space<semaphore_mem>>)
      %dma_wait3A_227 = arith.constant 0 : i32
      %dma_wait3A_228 = tpu.memref_slice %arg3[%dma_wait3A_227] : memref<327936xi32, #tpu.memory_space<hbm>> -> memref<64xi32, #tpu.memory_space<hbm>>
      %dma_wait3A_229 = arith.constant 0 : i32
      %dma_wait3A_230 = tpu.memref_slice %arg3[%dma_wait3A_229] : memref<327936xi32, #tpu.memory_space<hbm>> -> memref<64xi32, #tpu.memory_space<hbm>>
      tpu.wait_dma2 semaphore(%arg25 : memref<!tpu.dma_semaphore, #tpu.memory_space<semaphore_mem>>) src(%dma_wait3A_230 : memref<64xi32, #tpu.memory_space<hbm>>) dst(%arg9 : memref<64xi32, #tpu.memory_space<vmem>>)
      %dma_wait3A_231 = arith.constant 0 : i32
      %dma_wait3A_232 = tpu.memref_slice %arg4[%dma_wait3A_231] : memref<327936xi32, #tpu.memory_space<hbm>> -> memref<64xi32, #tpu.memory_space<hbm>>
      %dma_wait3A_233 = arith.constant 0 : i32
      %dma_wait3A_234 = tpu.memref_slice %arg4[%dma_wait3A_233] : memref<327936xi32, #tpu.memory_space<hbm>> -> memref<64xi32, #tpu.memory_space<hbm>>
      tpu.wait_dma2 semaphore(%arg25 : memref<!tpu.dma_semaphore, #tpu.memory_space<semaphore_mem>>) src(%dma_wait3A_234 : memref<64xi32, #tpu.memory_space<hbm>>) dst(%arg14 : memref<64xi32, #tpu.memory_space<vmem>>)
      %dma_start3A_235 = arith.constant 0 : i32
      %dma_start3A_236 = arith.constant 0 : i32
      %dma_start3A_237 = tpu.memref_slice %arg2[%dma_start3A_235, %dma_start3A_236] : memref<10000x128xf32, #tpu.memory_space<hbm>> -> memref<10000x128xf32, #tpu.memory_space<hbm>>
      tpu.enqueue_indirect_dma source(%dma_start3A_237 : memref<10000x128xf32, #tpu.memory_space<hbm>>) target(%arg19 : memref<64x128xf32, #tpu.memory_space<vmem>>) offsets(%arg9 : memref<64xi32, #tpu.memory_space<vmem>>) semaphore(%arg30 : memref<!tpu.dma_semaphore, #tpu.memory_space<semaphore_mem>>)
      %dma_wait3A_238 = arith.constant 0 : i32
      %dma_wait3A_239 = arith.constant 0 : i32
      %dma_wait3A_240 = tpu.memref_slice %arg2[%dma_wait3A_238, %dma_wait3A_239] : memref<10000x128xf32, #tpu.memory_space<hbm>> -> memref<10000x128xf32, #tpu.memory_space<hbm>>
      tpu.wait_indirect_dma semaphore(%arg32 : memref<!tpu.dma_semaphore, #tpu.memory_space<semaphore_mem>>) src(%dma_wait3A_240 : memref<10000x128xf32, #tpu.memory_space<hbm>>) dst(%arg21 : memref<64x128xf32, #tpu.memory_space<vmem>>)
      "tpu.region"() ({
        %run_scoped3A = tpu.sem_alloc : memref<!tpu.dma_semaphore, #tpu.memory_space<semaphore_mem>>
        %dma_start3A_242 = arith.constant 0 : i32
        %dma_start3A_243 = arith.constant 0 : i32
        %dma_start3A_244 = tpu.memref_slice %arg22[%dma_start3A_242, %dma_start3A_243] : memref<10240x128xf32, #tpu.memory_space<vmem_shared>> -> memref<10240x128xf32, #tpu.memory_space<vmem_shared>>
        tpu.enqueue_indirect_dma source(%arg21 : memref<64x128xf32, #tpu.memory_space<vmem>>) target(%dma_start3A_244 : memref<10240x128xf32, #tpu.memory_space<vmem_shared>>) offsets(%arg16 : memref<64xi32, #tpu.memory_space<vmem>>) semaphore(%run_scoped3A : memref<!tpu.dma_semaphore, #tpu.memory_space<semaphore_mem>>) {add = true}
        %dma_wait3A_245 = arith.constant 0 : i32
        %dma_wait3A_246 = arith.constant 0 : i32
        %dma_wait3A_247 = tpu.memref_slice %arg22[%dma_wait3A_245, %dma_wait3A_246] : memref<10240x128xf32, #tpu.memory_space<vmem_shared>> -> memref<10240x128xf32, #tpu.memory_space<vmem_shared>>
        tpu.wait_indirect_dma semaphore(%run_scoped3A : memref<!tpu.dma_semaphore, #tpu.memory_space<semaphore_mem>>) src(%arg21 : memref<64x128xf32, #tpu.memory_space<vmem>>) dst(%dma_wait3A_247 : memref<10240x128xf32, #tpu.memory_space<vmem_shared>>)
        tpu.yield
      }) : () -> ()
      %while3A_241 = arith.constant 0 : i32
      scf.yield %while3A_241 : i32
    }
    %dma_wait3A_85 = arith.constant 0 : i32
    %dma_wait3A_86 = tpu.memref_slice %arg3[%dma_wait3A_85] : memref<327936xi32, #tpu.memory_space<hbm>> -> memref<64xi32, #tpu.memory_space<hbm>>
    %dma_wait3A_87 = arith.constant 0 : i32
    %dma_wait3A_88 = tpu.memref_slice %arg3[%dma_wait3A_87] : memref<327936xi32, #tpu.memory_space<hbm>> -> memref<64xi32, #tpu.memory_space<hbm>>
    tpu.wait_dma2 semaphore(%arg26 : memref<!tpu.dma_semaphore, #tpu.memory_space<semaphore_mem>>) src(%dma_wait3A_88 : memref<64xi32, #tpu.memory_space<hbm>>) dst(%arg10 : memref<64xi32, #tpu.memory_space<vmem>>)
    %dma_wait3A_89 = arith.constant 0 : i32
    %dma_wait3A_90 = tpu.memref_slice %arg4[%dma_wait3A_89] : memref<327936xi32, #tpu.memory_space<hbm>> -> memref<64xi32, #tpu.memory_space<hbm>>
    %dma_wait3A_91 = arith.constant 0 : i32
    %dma_wait3A_92 = tpu.memref_slice %arg4[%dma_wait3A_91] : memref<327936xi32, #tpu.memory_space<hbm>> -> memref<64xi32, #tpu.memory_space<hbm>>
    tpu.wait_dma2 semaphore(%arg26 : memref<!tpu.dma_semaphore, #tpu.memory_space<semaphore_mem>>) src(%dma_wait3A_92 : memref<64xi32, #tpu.memory_space<hbm>>) dst(%arg15 : memref<64xi32, #tpu.memory_space<vmem>>)
    %dma_wait3A_93 = arith.constant 0 : i32
    %dma_wait3A_94 = arith.constant 0 : i32
    %dma_wait3A_95 = tpu.memref_slice %arg2[%dma_wait3A_93, %dma_wait3A_94] : memref<10000x128xf32, #tpu.memory_space<hbm>> -> memref<10000x128xf32, #tpu.memory_space<hbm>>
    tpu.wait_indirect_dma semaphore(%arg28 : memref<!tpu.dma_semaphore, #tpu.memory_space<semaphore_mem>>) src(%dma_wait3A_95 : memref<10000x128xf32, #tpu.memory_space<hbm>>) dst(%arg17 : memref<64x128xf32, #tpu.memory_space<vmem>>)
    %dma_wait3A_96 = arith.constant 0 : i32
    %dma_wait3A_97 = arith.constant 0 : i32
    %dma_wait3A_98 = tpu.memref_slice %arg2[%dma_wait3A_96, %dma_wait3A_97] : memref<10000x128xf32, #tpu.memory_space<hbm>> -> memref<10000x128xf32, #tpu.memory_space<hbm>>
    tpu.wait_indirect_dma semaphore(%arg29 : memref<!tpu.dma_semaphore, #tpu.memory_space<semaphore_mem>>) src(%dma_wait3A_98 : memref<10000x128xf32, #tpu.memory_space<hbm>>) dst(%arg18 : memref<64x128xf32, #tpu.memory_space<vmem>>)
    %dma_wait3A_99 = arith.constant 0 : i32
    %dma_wait3A_100 = arith.constant 0 : i32
    %dma_wait3A_101 = tpu.memref_slice %arg2[%dma_wait3A_99, %dma_wait3A_100] : memref<10000x128xf32, #tpu.memory_space<hbm>> -> memref<10000x128xf32, #tpu.memory_space<hbm>>
    tpu.wait_indirect_dma semaphore(%arg30 : memref<!tpu.dma_semaphore, #tpu.memory_space<semaphore_mem>>) src(%dma_wait3A_101 : memref<10000x128xf32, #tpu.memory_space<hbm>>) dst(%arg19 : memref<64x128xf32, #tpu.memory_space<vmem>>)
    %barrier3A_102 = arith.constant 0 : index
    tpu.barrier barrier_id(%barrier3A_102)
    "tpu.region"() ({
      %run_scoped3A = tpu.sem_alloc : memref<!tpu.dma_semaphore, #tpu.memory_space<semaphore_mem>>
      %dma_start3A_103 = arith.constant 0 : i32
      %dma_start3A_104 = tpu.memref_slice %arg6[%arg0, %mul3A_0, %dma_start3A_103] : memref<2x10240x128xf32, #tpu.memory_space<hbm>> -> memref<1x640x128xf32, #tpu.memory_space<hbm>>
      %dma_start3A_105 = tpu.memref_squeeze %dma_start3A_104 : memref<1x640x128xf32, #tpu.memory_space<hbm>> -> memref<640x128xf32, #tpu.memory_space<hbm>>
      %dma_start3A_106 = arith.constant 0 : i32
      %dma_start3A_107 = tpu.memref_slice %arg22[%mul3A_0, %dma_start3A_106] : memref<10240x128xf32, #tpu.memory_space<vmem_shared>> -> memref<640x128xf32, #tpu.memory_space<vmem_shared>>
      tpu.enqueue_dma source(%dma_start3A_107 : memref<640x128xf32, #tpu.memory_space<vmem_shared>>) target(%dma_start3A_105 : memref<640x128xf32, #tpu.memory_space<hbm>>) target_semaphore(%run_scoped3A : memref<!tpu.dma_semaphore, #tpu.memory_space<semaphore_mem>>)
      %dma_wait3A_108 = arith.constant 0 : i32
      %dma_wait3A_109 = tpu.memref_slice %arg6[%arg0, %mul3A_0, %dma_wait3A_108] : memref<2x10240x128xf32, #tpu.memory_space<hbm>> -> memref<1x640x128xf32, #tpu.memory_space<hbm>>
      %dma_wait3A_110 = tpu.memref_squeeze %dma_wait3A_109 : memref<1x640x128xf32, #tpu.memory_space<hbm>> -> memref<640x128xf32, #tpu.memory_space<hbm>>
      %dma_wait3A_111 = arith.constant 0 : i32
      %dma_wait3A_112 = tpu.memref_slice %arg22[%mul3A_0, %dma_wait3A_111] : memref<10240x128xf32, #tpu.memory_space<vmem_shared>> -> memref<640x128xf32, #tpu.memory_space<vmem_shared>>
      tpu.wait_dma2 semaphore(%run_scoped3A : memref<!tpu.dma_semaphore, #tpu.memory_space<semaphore_mem>>) src(%dma_wait3A_112 : memref<640x128xf32, #tpu.memory_space<vmem_shared>>) dst(%dma_wait3A_110 : memref<640x128xf32, #tpu.memory_space<hbm>>)
      tpu.yield
    }) : () -> ()
    return
  }
}

#map = affine_map<(d0, d1) -> (0, 0)>
#map1 = affine_map<(d0, d1) -> (0)>
#map2 = affine_map<(d0, d1) -> (0, 0, 0)>
module attributes {stable_mosaic.version = 14 : i64} {
  func.func @_spmm_entry(%arg0: i32, %arg1: i32, %arg2: memref<10000x128xf32, #tpu.memory_space<hbm>>, %arg3: memref<327936xi32, #tpu.memory_space<hbm>>, %arg4: memref<327936xi32, #tpu.memory_space<hbm>>, %arg5: memref<640x128xf32, #tpu.memory_space<hbm>>, %arg6: memref<2x10240x128xf32, #tpu.memory_space<hbm>>, %arg7: memref<64xi32, #tpu.memory_space<vmem>>, %arg8: memref<64xi32, #tpu.memory_space<vmem>>, %arg9: memref<64xi32, #tpu.memory_space<vmem>>, %arg10: memref<64xi32, #tpu.memory_space<vmem>>, %arg11: memref<64xi32, #tpu.memory_space<vmem>>, %arg12: memref<64xi32, #tpu.memory_space<vmem>>, %arg13: memref<64xi32, #tpu.memory_space<vmem>>, %arg14: memref<64xi32, #tpu.memory_space<vmem>>, %arg15: memref<64xi32, #tpu.memory_space<vmem>>, %arg16: memref<64xi32, #tpu.memory_space<vmem>>, %arg17: memref<64x128xf32, #tpu.memory_space<vmem>>, %arg18: memref<64x128xf32, #tpu.memory_space<vmem>>, %arg19: memref<64x128xf32, #tpu.memory_space<vmem>>, %arg20: memref<64x128xf32, #tpu.memory_space<vmem>>, %arg21: memref<64x128xf32, #tpu.memory_space<vmem>>, %arg22: memref<10240x128xf32, #tpu.memory_space<vmem_shared>>, %arg23: memref<!tpu.dma_semaphore, #tpu.memory_space<semaphore_mem>>, %arg24: memref<!tpu.dma_semaphore, #tpu.memory_space<semaphore_mem>>, %arg25: memref<!tpu.dma_semaphore, #tpu.memory_space<semaphore_mem>>, %arg26: memref<!tpu.dma_semaphore, #tpu.memory_space<semaphore_mem>>, %arg27: memref<!tpu.dma_semaphore, #tpu.memory_space<semaphore_mem>>, %arg28: memref<!tpu.dma_semaphore, #tpu.memory_space<semaphore_mem>>, %arg29: memref<!tpu.dma_semaphore, #tpu.memory_space<semaphore_mem>>, %arg30: memref<!tpu.dma_semaphore, #tpu.memory_space<semaphore_mem>>, %arg31: memref<!tpu.dma_semaphore, #tpu.memory_space<semaphore_mem>>, %arg32: memref<!tpu.dma_semaphore, #tpu.memory_space<semaphore_mem>>) attributes {dimension_semantics = [#tpu.dimension_semantics<core_parallel>, #tpu.dimension_semantics<subcore_parallel>], iteration_bounds = array<i64: 2, 16>, scalar_prefetch = 0 : i64, scratch_operands = 26 : i64, tpu.core_type = #tpu.core_type<sc_vector_subcore>, window_params = [{transform_indices = #map}, {transform_indices = #map1}, {transform_indices = #map1}, {transform_indices = #map}, {transform_indices = #map2}]} {
    %mul3A = arith.constant 640 : i32
    %mul3A_0 = arith.muli %arg1, %mul3A : i32
    "tpu.region"() ({
      %run_scoped3A = tpu.sem_alloc : memref<!tpu.dma_semaphore, #tpu.memory_space<semaphore_mem>>
      %dma_start3A_103 = arith.constant 0 : i32
      %dma_start3A_104 = tpu.memref_slice %arg22[%mul3A_0, %dma_start3A_103] : memref<10240x128xf32, #tpu.memory_space<vmem_shared>> -> memref<640x128xf32, #tpu.memory_space<vmem_shared>>
      tpu.enqueue_dma source(%arg5 : memref<640x128xf32, #tpu.memory_space<hbm>>) target(%dma_start3A_104 : memref<640x128xf32, #tpu.memory_space<vmem_shared>>) target_semaphore(%run_scoped3A : memref<!tpu.dma_semaphore, #tpu.memory_space<semaphore_mem>>)
      %dma_wait3A_105 = arith.constant 0 : i32
      %dma_wait3A_106 = tpu.memref_slice %arg22[%mul3A_0, %dma_wait3A_105] : memref<10240x128xf32, #tpu.memory_space<vmem_shared>> -> memref<640x128xf32, #tpu.memory_space<vmem_shared>>
      tpu.wait_dma2 semaphore(%run_scoped3A : memref<!tpu.dma_semaphore, #tpu.memory_space<semaphore_mem>>) src(%arg5 : memref<640x128xf32, #tpu.memory_space<hbm>>) dst(%dma_wait3A_106 : memref<640x128xf32, #tpu.memory_space<vmem_shared>>)
      tpu.yield
    }) : () -> ()
    %eq3A = arith.constant 0 : i32
    %eq3A_1 = arith.cmpi eq, %arg0, %eq3A : i32
    %mul3A_2 = arith.constant 310 : i32
    %mul3A_3 = arith.muli %arg1, %mul3A_2 : i32
    %mul3A_4 = arith.constant 10 : i32
    %mul3A_5 = arith.muli %arg1, %mul3A_4 : i32
    %add3A = arith.constant 4960 : i32
    %add3A_6 = arith.addi %add3A, %mul3A_5 : i32
    %select_n3A = arith.select %eq3A_1, %mul3A_3, %add3A_6 : i32
    %eq3A_7 = arith.constant 0 : i32
    %eq3A_8 = arith.cmpi eq, %arg0, %eq3A_7 : i32
    %jit3A = arith.constant 62 : i32
    %jit3A_9 = arith.constant 2 : i32
    %select_n3A_10 = arith.select %eq3A_8, %jit3A, %jit3A_9 : i32
    %barrier3A = arith.constant 0 : index
    tpu.barrier barrier_id(%barrier3A)
    %add3A_11 = arith.constant 0 : i32
    %add3A_12 = arith.addi %select_n3A, %add3A_11 : i32
    %mul3A_13 = arith.constant 64 : i32
    %mul3A_14 = arith.muli %add3A_12, %mul3A_13 : i32
    %dma_start3A = tpu.memref_slice %arg3[%mul3A_14] : memref<327936xi32, #tpu.memory_space<hbm>> -> memref<64xi32, #tpu.memory_space<hbm>>
    %dma_start3A_15 = tpu.memref_slice %arg3[%mul3A_14] : memref<327936xi32, #tpu.memory_space<hbm>> -> memref<64xi32, #tpu.memory_space<hbm>>
    tpu.enqueue_dma source(%dma_start3A_15 : memref<64xi32, #tpu.memory_space<hbm>>) target(%arg7 : memref<64xi32, #tpu.memory_space<vmem>>) target_semaphore(%arg23 : memref<!tpu.dma_semaphore, #tpu.memory_space<semaphore_mem>>)
    %dma_start3A_16 = tpu.memref_slice %arg4[%mul3A_14] : memref<327936xi32, #tpu.memory_space<hbm>> -> memref<64xi32, #tpu.memory_space<hbm>>
    %dma_start3A_17 = tpu.memref_slice %arg4[%mul3A_14] : memref<327936xi32, #tpu.memory_space<hbm>> -> memref<64xi32, #tpu.memory_space<hbm>>
    tpu.enqueue_dma source(%dma_start3A_17 : memref<64xi32, #tpu.memory_space<hbm>>) target(%arg12 : memref<64xi32, #tpu.memory_space<vmem>>) target_semaphore(%arg23 : memref<!tpu.dma_semaphore, #tpu.memory_space<semaphore_mem>>)
    %add3A_18 = arith.constant 1 : i32
    %add3A_19 = arith.addi %select_n3A, %add3A_18 : i32
    %mul3A_20 = arith.constant 64 : i32
    %mul3A_21 = arith.muli %add3A_19, %mul3A_20 : i32
    %dma_start3A_22 = tpu.memref_slice %arg3[%mul3A_21] : memref<327936xi32, #tpu.memory_space<hbm>> -> memref<64xi32, #tpu.memory_space<hbm>>
    %dma_start3A_23 = tpu.memref_slice %arg3[%mul3A_21] : memref<327936xi32, #tpu.memory_space<hbm>> -> memref<64xi32, #tpu.memory_space<hbm>>
    tpu.enqueue_dma source(%dma_start3A_23 : memref<64xi32, #tpu.memory_space<hbm>>) target(%arg8 : memref<64xi32, #tpu.memory_space<vmem>>) target_semaphore(%arg24 : memref<!tpu.dma_semaphore, #tpu.memory_space<semaphore_mem>>)
    %dma_start3A_24 = tpu.memref_slice %arg4[%mul3A_21] : memref<327936xi32, #tpu.memory_space<hbm>> -> memref<64xi32, #tpu.memory_space<hbm>>
    %dma_start3A_25 = tpu.memref_slice %arg4[%mul3A_21] : memref<327936xi32, #tpu.memory_space<hbm>> -> memref<64xi32, #tpu.memory_space<hbm>>
    tpu.enqueue_dma source(%dma_start3A_25 : memref<64xi32, #tpu.memory_space<hbm>>) target(%arg13 : memref<64xi32, #tpu.memory_space<vmem>>) target_semaphore(%arg24 : memref<!tpu.dma_semaphore, #tpu.memory_space<semaphore_mem>>)
    %add3A_26 = arith.constant 2 : i32
    %add3A_27 = arith.addi %select_n3A, %add3A_26 : i32
    %mul3A_28 = arith.constant 64 : i32
    %mul3A_29 = arith.muli %add3A_27, %mul3A_28 : i32
    %dma_start3A_30 = tpu.memref_slice %arg3[%mul3A_29] : memref<327936xi32, #tpu.memory_space<hbm>> -> memref<64xi32, #tpu.memory_space<hbm>>
    %dma_start3A_31 = tpu.memref_slice %arg3[%mul3A_29] : memref<327936xi32, #tpu.memory_space<hbm>> -> memref<64xi32, #tpu.memory_space<hbm>>
    tpu.enqueue_dma source(%dma_start3A_31 : memref<64xi32, #tpu.memory_space<hbm>>) target(%arg9 : memref<64xi32, #tpu.memory_space<vmem>>) target_semaphore(%arg25 : memref<!tpu.dma_semaphore, #tpu.memory_space<semaphore_mem>>)
    %dma_start3A_32 = tpu.memref_slice %arg4[%mul3A_29] : memref<327936xi32, #tpu.memory_space<hbm>> -> memref<64xi32, #tpu.memory_space<hbm>>
    %dma_start3A_33 = tpu.memref_slice %arg4[%mul3A_29] : memref<327936xi32, #tpu.memory_space<hbm>> -> memref<64xi32, #tpu.memory_space<hbm>>
    tpu.enqueue_dma source(%dma_start3A_33 : memref<64xi32, #tpu.memory_space<hbm>>) target(%arg14 : memref<64xi32, #tpu.memory_space<vmem>>) target_semaphore(%arg25 : memref<!tpu.dma_semaphore, #tpu.memory_space<semaphore_mem>>)
    %add3A_34 = arith.constant 3 : i32
    %add3A_35 = arith.addi %select_n3A, %add3A_34 : i32
    %mul3A_36 = arith.constant 64 : i32
    %mul3A_37 = arith.muli %add3A_35, %mul3A_36 : i32
    %dma_start3A_38 = tpu.memref_slice %arg3[%mul3A_37] : memref<327936xi32, #tpu.memory_space<hbm>> -> memref<64xi32, #tpu.memory_space<hbm>>
    %dma_start3A_39 = tpu.memref_slice %arg3[%mul3A_37] : memref<327936xi32, #tpu.memory_space<hbm>> -> memref<64xi32, #tpu.memory_space<hbm>>
    tpu.enqueue_dma source(%dma_start3A_39 : memref<64xi32, #tpu.memory_space<hbm>>) target(%arg10 : memref<64xi32, #tpu.memory_space<vmem>>) target_semaphore(%arg26 : memref<!tpu.dma_semaphore, #tpu.memory_space<semaphore_mem>>)
    %dma_start3A_40 = tpu.memref_slice %arg4[%mul3A_37] : memref<327936xi32, #tpu.memory_space<hbm>> -> memref<64xi32, #tpu.memory_space<hbm>>
    %dma_start3A_41 = tpu.memref_slice %arg4[%mul3A_37] : memref<327936xi32, #tpu.memory_space<hbm>> -> memref<64xi32, #tpu.memory_space<hbm>>
    tpu.enqueue_dma source(%dma_start3A_41 : memref<64xi32, #tpu.memory_space<hbm>>) target(%arg15 : memref<64xi32, #tpu.memory_space<vmem>>) target_semaphore(%arg26 : memref<!tpu.dma_semaphore, #tpu.memory_space<semaphore_mem>>)
    %dma_wait3A = arith.constant 0 : i32
    %dma_wait3A_42 = tpu.memref_slice %arg3[%dma_wait3A] : memref<327936xi32, #tpu.memory_space<hbm>> -> memref<64xi32, #tpu.memory_space<hbm>>
    %dma_wait3A_43 = arith.constant 0 : i32
    %dma_wait3A_44 = tpu.memref_slice %arg3[%dma_wait3A_43] : memref<327936xi32, #tpu.memory_space<hbm>> -> memref<64xi32, #tpu.memory_space<hbm>>
    tpu.wait_dma2 semaphore(%arg23 : memref<!tpu.dma_semaphore, #tpu.memory_space<semaphore_mem>>) src(%dma_wait3A_44 : memref<64xi32, #tpu.memory_space<hbm>>) dst(%arg7 : memref<64xi32, #tpu.memory_space<vmem>>)
    %dma_wait3A_45 = arith.constant 0 : i32
    %dma_wait3A_46 = tpu.memref_slice %arg4[%dma_wait3A_45] : memref<327936xi32, #tpu.memory_space<hbm>> -> memref<64xi32, #tpu.memory_space<hbm>>
    %dma_wait3A_47 = arith.constant 0 : i32
    %dma_wait3A_48 = tpu.memref_slice %arg4[%dma_wait3A_47] : memref<327936xi32, #tpu.memory_space<hbm>> -> memref<64xi32, #tpu.memory_space<hbm>>
    tpu.wait_dma2 semaphore(%arg23 : memref<!tpu.dma_semaphore, #tpu.memory_space<semaphore_mem>>) src(%dma_wait3A_48 : memref<64xi32, #tpu.memory_space<hbm>>) dst(%arg12 : memref<64xi32, #tpu.memory_space<vmem>>)
    %dma_start3A_49 = arith.constant 0 : i32
    %dma_start3A_50 = arith.constant 0 : i32
    %dma_start3A_51 = tpu.memref_slice %arg2[%dma_start3A_49, %dma_start3A_50] : memref<10000x128xf32, #tpu.memory_space<hbm>> -> memref<10000x128xf32, #tpu.memory_space<hbm>>
    tpu.enqueue_indirect_dma source(%dma_start3A_51 : memref<10000x128xf32, #tpu.memory_space<hbm>>) target(%arg17 : memref<64x128xf32, #tpu.memory_space<vmem>>) offsets(%arg7 : memref<64xi32, #tpu.memory_space<vmem>>) semaphore(%arg28 : memref<!tpu.dma_semaphore, #tpu.memory_space<semaphore_mem>>)
    %dma_wait3A_52 = arith.constant 0 : i32
    %dma_wait3A_53 = tpu.memref_slice %arg3[%dma_wait3A_52] : memref<327936xi32, #tpu.memory_space<hbm>> -> memref<64xi32, #tpu.memory_space<hbm>>
    %dma_wait3A_54 = arith.constant 0 : i32
    %dma_wait3A_55 = tpu.memref_slice %arg3[%dma_wait3A_54] : memref<327936xi32, #tpu.memory_space<hbm>> -> memref<64xi32, #tpu.memory_space<hbm>>
    tpu.wait_dma2 semaphore(%arg24 : memref<!tpu.dma_semaphore, #tpu.memory_space<semaphore_mem>>) src(%dma_wait3A_55 : memref<64xi32, #tpu.memory_space<hbm>>) dst(%arg8 : memref<64xi32, #tpu.memory_space<vmem>>)
    %dma_wait3A_56 = arith.constant 0 : i32
    %dma_wait3A_57 = tpu.memref_slice %arg4[%dma_wait3A_56] : memref<327936xi32, #tpu.memory_space<hbm>> -> memref<64xi32, #tpu.memory_space<hbm>>
    %dma_wait3A_58 = arith.constant 0 : i32
    %dma_wait3A_59 = tpu.memref_slice %arg4[%dma_wait3A_58] : memref<327936xi32, #tpu.memory_space<hbm>> -> memref<64xi32, #tpu.memory_space<hbm>>
    tpu.wait_dma2 semaphore(%arg24 : memref<!tpu.dma_semaphore, #tpu.memory_space<semaphore_mem>>) src(%dma_wait3A_59 : memref<64xi32, #tpu.memory_space<hbm>>) dst(%arg13 : memref<64xi32, #tpu.memory_space<vmem>>)
    %dma_start3A_60 = arith.constant 0 : i32
    %dma_start3A_61 = arith.constant 0 : i32
    %dma_start3A_62 = tpu.memref_slice %arg2[%dma_start3A_60, %dma_start3A_61] : memref<10000x128xf32, #tpu.memory_space<hbm>> -> memref<10000x128xf32, #tpu.memory_space<hbm>>
    tpu.enqueue_indirect_dma source(%dma_start3A_62 : memref<10000x128xf32, #tpu.memory_space<hbm>>) target(%arg18 : memref<64x128xf32, #tpu.memory_space<vmem>>) offsets(%arg8 : memref<64xi32, #tpu.memory_space<vmem>>) semaphore(%arg29 : memref<!tpu.dma_semaphore, #tpu.memory_space<semaphore_mem>>)
    %dma_wait3A_63 = arith.constant 0 : i32
    %dma_wait3A_64 = tpu.memref_slice %arg3[%dma_wait3A_63] : memref<327936xi32, #tpu.memory_space<hbm>> -> memref<64xi32, #tpu.memory_space<hbm>>
    %dma_wait3A_65 = arith.constant 0 : i32
    %dma_wait3A_66 = tpu.memref_slice %arg3[%dma_wait3A_65] : memref<327936xi32, #tpu.memory_space<hbm>> -> memref<64xi32, #tpu.memory_space<hbm>>
    tpu.wait_dma2 semaphore(%arg25 : memref<!tpu.dma_semaphore, #tpu.memory_space<semaphore_mem>>) src(%dma_wait3A_66 : memref<64xi32, #tpu.memory_space<hbm>>) dst(%arg9 : memref<64xi32, #tpu.memory_space<vmem>>)
    %dma_wait3A_67 = arith.constant 0 : i32
    %dma_wait3A_68 = tpu.memref_slice %arg4[%dma_wait3A_67] : memref<327936xi32, #tpu.memory_space<hbm>> -> memref<64xi32, #tpu.memory_space<hbm>>
    %dma_wait3A_69 = arith.constant 0 : i32
    %dma_wait3A_70 = tpu.memref_slice %arg4[%dma_wait3A_69] : memref<327936xi32, #tpu.memory_space<hbm>> -> memref<64xi32, #tpu.memory_space<hbm>>
    tpu.wait_dma2 semaphore(%arg25 : memref<!tpu.dma_semaphore, #tpu.memory_space<semaphore_mem>>) src(%dma_wait3A_70 : memref<64xi32, #tpu.memory_space<hbm>>) dst(%arg14 : memref<64xi32, #tpu.memory_space<vmem>>)
    %dma_start3A_71 = arith.constant 0 : i32
    %dma_start3A_72 = arith.constant 0 : i32
    %dma_start3A_73 = tpu.memref_slice %arg2[%dma_start3A_71, %dma_start3A_72] : memref<10000x128xf32, #tpu.memory_space<hbm>> -> memref<10000x128xf32, #tpu.memory_space<hbm>>
    tpu.enqueue_indirect_dma source(%dma_start3A_73 : memref<10000x128xf32, #tpu.memory_space<hbm>>) target(%arg19 : memref<64x128xf32, #tpu.memory_space<vmem>>) offsets(%arg9 : memref<64xi32, #tpu.memory_space<vmem>>) semaphore(%arg30 : memref<!tpu.dma_semaphore, #tpu.memory_space<semaphore_mem>>)
    %while3A = arith.constant 0 : i32
    %while3A_74 = arith.constant 0 : i32
    %while3A_75 = arith.subi %select_n3A_10, %while3A : i32
    %while3A_76 = arith.addi %while3A, %while3A_75 : i32
    %while3A_77 = arith.constant 1 : i32
    %while3A_78 = arith.divsi %while3A_75, %while3A_77 : i32
    %while3A_79 = arith.muli %while3A_78, %while3A_77 : i32
    %while3A_80 = arith.addi %while3A, %while3A_79 : i32
    %while3A_81 = arith.constant 1 : i32
    %while3A_82 = scf.for %while3A_103 = %while3A to %while3A_80 step %while3A_81 iter_args(%while3A_104 = %while3A_74) -> (i32)  : i32 {
      %mul3A_105 = arith.constant 5 : i32
      %mul3A_106 = arith.muli %while3A_103, %mul3A_105 : i32
      %add3A_107 = arith.constant 0 : i32
      %add3A_108 = arith.addi %mul3A_106, %add3A_107 : i32
      %add3A_109 = arith.constant 5 : i32
      %add3A_110 = arith.addi %add3A_108, %add3A_109 : i32
      %sub3A = arith.constant 1 : i32
      %sub3A_111 = arith.subi %add3A_110, %sub3A : i32
      %add3A_112 = arith.addi %select_n3A, %sub3A_111 : i32
      %mul3A_113 = arith.constant 64 : i32
      %mul3A_114 = arith.muli %add3A_112, %mul3A_113 : i32
      %dma_start3A_115 = tpu.memref_slice %arg3[%mul3A_114] : memref<327936xi32, #tpu.memory_space<hbm>> -> memref<64xi32, #tpu.memory_space<hbm>>
      %dma_start3A_116 = tpu.memref_slice %arg3[%mul3A_114] : memref<327936xi32, #tpu.memory_space<hbm>> -> memref<64xi32, #tpu.memory_space<hbm>>
      tpu.enqueue_dma source(%dma_start3A_116 : memref<64xi32, #tpu.memory_space<hbm>>) target(%arg11 : memref<64xi32, #tpu.memory_space<vmem>>) target_semaphore(%arg27 : memref<!tpu.dma_semaphore, #tpu.memory_space<semaphore_mem>>)
      %dma_start3A_117 = tpu.memref_slice %arg4[%mul3A_114] : memref<327936xi32, #tpu.memory_space<hbm>> -> memref<64xi32, #tpu.memory_space<hbm>>
      %dma_start3A_118 = tpu.memref_slice %arg4[%mul3A_114] : memref<327936xi32, #tpu.memory_space<hbm>> -> memref<64xi32, #tpu.memory_space<hbm>>
      tpu.enqueue_dma source(%dma_start3A_118 : memref<64xi32, #tpu.memory_space<hbm>>) target(%arg16 : memref<64xi32, #tpu.memory_space<vmem>>) target_semaphore(%arg27 : memref<!tpu.dma_semaphore, #tpu.memory_space<semaphore_mem>>)
      %dma_wait3A_119 = arith.constant 0 : i32
      %dma_wait3A_120 = tpu.memref_slice %arg3[%dma_wait3A_119] : memref<327936xi32, #tpu.memory_space<hbm>> -> memref<64xi32, #tpu.memory_space<hbm>>
      %dma_wait3A_121 = arith.constant 0 : i32
      %dma_wait3A_122 = tpu.memref_slice %arg3[%dma_wait3A_121] : memref<327936xi32, #tpu.memory_space<hbm>> -> memref<64xi32, #tpu.memory_space<hbm>>
      tpu.wait_dma2 semaphore(%arg26 : memref<!tpu.dma_semaphore, #tpu.memory_space<semaphore_mem>>) src(%dma_wait3A_122 : memref<64xi32, #tpu.memory_space<hbm>>) dst(%arg10 : memref<64xi32, #tpu.memory_space<vmem>>)
      %dma_wait3A_123 = arith.constant 0 : i32
      %dma_wait3A_124 = tpu.memref_slice %arg4[%dma_wait3A_123] : memref<327936xi32, #tpu.memory_space<hbm>> -> memref<64xi32, #tpu.memory_space<hbm>>
      %dma_wait3A_125 = arith.constant 0 : i32
      %dma_wait3A_126 = tpu.memref_slice %arg4[%dma_wait3A_125] : memref<327936xi32, #tpu.memory_space<hbm>> -> memref<64xi32, #tpu.memory_space<hbm>>
      tpu.wait_dma2 semaphore(%arg26 : memref<!tpu.dma_semaphore, #tpu.memory_space<semaphore_mem>>) src(%dma_wait3A_126 : memref<64xi32, #tpu.memory_space<hbm>>) dst(%arg15 : memref<64xi32, #tpu.memory_space<vmem>>)
      %dma_start3A_127 = arith.constant 0 : i32
      %dma_start3A_128 = arith.constant 0 : i32
      %dma_start3A_129 = tpu.memref_slice %arg2[%dma_start3A_127, %dma_start3A_128] : memref<10000x128xf32, #tpu.memory_space<hbm>> -> memref<10000x128xf32, #tpu.memory_space<hbm>>
      tpu.enqueue_indirect_dma source(%dma_start3A_129 : memref<10000x128xf32, #tpu.memory_space<hbm>>) target(%arg20 : memref<64x128xf32, #tpu.memory_space<vmem>>) offsets(%arg10 : memref<64xi32, #tpu.memory_space<vmem>>) semaphore(%arg31 : memref<!tpu.dma_semaphore, #tpu.memory_space<semaphore_mem>>)
      %dma_wait3A_130 = arith.constant 0 : i32
      %dma_wait3A_131 = arith.constant 0 : i32
      %dma_wait3A_132 = tpu.memref_slice %arg2[%dma_wait3A_130, %dma_wait3A_131] : memref<10000x128xf32, #tpu.memory_space<hbm>> -> memref<10000x128xf32, #tpu.memory_space<hbm>>
      tpu.wait_indirect_dma semaphore(%arg28 : memref<!tpu.dma_semaphore, #tpu.memory_space<semaphore_mem>>) src(%dma_wait3A_132 : memref<10000x128xf32, #tpu.memory_space<hbm>>) dst(%arg17 : memref<64x128xf32, #tpu.memory_space<vmem>>)
      "tpu.region"() ({
        %run_scoped3A = tpu.sem_alloc : memref<!tpu.dma_semaphore, #tpu.memory_space<semaphore_mem>>
        %dma_start3A_242 = arith.constant 0 : i32
        %dma_start3A_243 = arith.constant 0 : i32
        %dma_start3A_244 = tpu.memref_slice %arg22[%dma_start3A_242, %dma_start3A_243] : memref<10240x128xf32, #tpu.memory_space<vmem_shared>> -> memref<10240x128xf32, #tpu.memory_space<vmem_shared>>
        tpu.enqueue_indirect_dma source(%arg17 : memref<64x128xf32, #tpu.memory_space<vmem>>) target(%dma_start3A_244 : memref<10240x128xf32, #tpu.memory_space<vmem_shared>>) offsets(%arg12 : memref<64xi32, #tpu.memory_space<vmem>>) semaphore(%run_scoped3A : memref<!tpu.dma_semaphore, #tpu.memory_space<semaphore_mem>>) {add = true}
        %dma_wait3A_245 = arith.constant 0 : i32
        %dma_wait3A_246 = arith.constant 0 : i32
        %dma_wait3A_247 = tpu.memref_slice %arg22[%dma_wait3A_245, %dma_wait3A_246] : memref<10240x128xf32, #tpu.memory_space<vmem_shared>> -> memref<10240x128xf32, #tpu.memory_space<vmem_shared>>
        tpu.wait_indirect_dma semaphore(%run_scoped3A : memref<!tpu.dma_semaphore, #tpu.memory_space<semaphore_mem>>) src(%arg17 : memref<64x128xf32, #tpu.memory_space<vmem>>) dst(%dma_wait3A_247 : memref<10240x128xf32, #tpu.memory_space<vmem_shared>>)
        tpu.yield
      }) : () -> ()
      %add3A_133 = arith.constant 1 : i32
      %add3A_134 = arith.addi %mul3A_106, %add3A_133 : i32
      %add3A_135 = arith.constant 5 : i32
      %add3A_136 = arith.addi %add3A_134, %add3A_135 : i32
      %sub3A_137 = arith.constant 1 : i32
      %sub3A_138 = arith.subi %add3A_136, %sub3A_137 : i32
      %add3A_139 = arith.addi %select_n3A, %sub3A_138 : i32
      %mul3A_140 = arith.constant 64 : i32
      %mul3A_141 = arith.muli %add3A_139, %mul3A_140 : i32
      %dma_start3A_142 = tpu.memref_slice %arg3[%mul3A_141] : memref<327936xi32, #tpu.memory_space<hbm>> -> memref<64xi32, #tpu.memory_space<hbm>>
      %dma_start3A_143 = tpu.memref_slice %arg3[%mul3A_141] : memref<327936xi32, #tpu.memory_space<hbm>> -> memref<64xi32, #tpu.memory_space<hbm>>
      tpu.enqueue_dma source(%dma_start3A_143 : memref<64xi32, #tpu.memory_space<hbm>>) target(%arg7 : memref<64xi32, #tpu.memory_space<vmem>>) target_semaphore(%arg23 : memref<!tpu.dma_semaphore, #tpu.memory_space<semaphore_mem>>)
      %dma_start3A_144 = tpu.memref_slice %arg4[%mul3A_141] : memref<327936xi32, #tpu.memory_space<hbm>> -> memref<64xi32, #tpu.memory_space<hbm>>
      %dma_start3A_145 = tpu.memref_slice %arg4[%mul3A_141] : memref<327936xi32, #tpu.memory_space<hbm>> -> memref<64xi32, #tpu.memory_space<hbm>>
      tpu.enqueue_dma source(%dma_start3A_145 : memref<64xi32, #tpu.memory_space<hbm>>) target(%arg12 : memref<64xi32, #tpu.memory_space<vmem>>) target_semaphore(%arg23 : memref<!tpu.dma_semaphore, #tpu.memory_space<semaphore_mem>>)
      %dma_wait3A_146 = arith.constant 0 : i32
      %dma_wait3A_147 = tpu.memref_slice %arg3[%dma_wait3A_146] : memref<327936xi32, #tpu.memory_space<hbm>> -> memref<64xi32, #tpu.memory_space<hbm>>
      %dma_wait3A_148 = arith.constant 0 : i32
      %dma_wait3A_149 = tpu.memref_slice %arg3[%dma_wait3A_148] : memref<327936xi32, #tpu.memory_space<hbm>> -> memref<64xi32, #tpu.memory_space<hbm>>
      tpu.wait_dma2 semaphore(%arg27 : memref<!tpu.dma_semaphore, #tpu.memory_space<semaphore_mem>>) src(%dma_wait3A_149 : memref<64xi32, #tpu.memory_space<hbm>>) dst(%arg11 : memref<64xi32, #tpu.memory_space<vmem>>)
      %dma_wait3A_150 = arith.constant 0 : i32
      %dma_wait3A_151 = tpu.memref_slice %arg4[%dma_wait3A_150] : memref<327936xi32, #tpu.memory_space<hbm>> -> memref<64xi32, #tpu.memory_space<hbm>>
      %dma_wait3A_152 = arith.constant 0 : i32
      %dma_wait3A_153 = tpu.memref_slice %arg4[%dma_wait3A_152] : memref<327936xi32, #tpu.memory_space<hbm>> -> memref<64xi32, #tpu.memory_space<hbm>>
      tpu.wait_dma2 semaphore(%arg27 : memref<!tpu.dma_semaphore, #tpu.memory_space<semaphore_mem>>) src(%dma_wait3A_153 : memref<64xi32, #tpu.memory_space<hbm>>) dst(%arg16 : memref<64xi32, #tpu.memory_space<vmem>>)
      %dma_start3A_154 = arith.constant 0 : i32
      %dma_start3A_155 = arith.constant 0 : i32
      %dma_start3A_156 = tpu.memref_slice %arg2[%dma_start3A_154, %dma_start3A_155] : memref<10000x128xf32, #tpu.memory_space<hbm>> -> memref<10000x128xf32, #tpu.memory_space<hbm>>
      tpu.enqueue_indirect_dma source(%dma_start3A_156 : memref<10000x128xf32, #tpu.memory_space<hbm>>) target(%arg21 : memref<64x128xf32, #tpu.memory_space<vmem>>) offsets(%arg11 : memref<64xi32, #tpu.memory_space<vmem>>) semaphore(%arg32 : memref<!tpu.dma_semaphore, #tpu.memory_space<semaphore_mem>>)
      %dma_wait3A_157 = arith.constant 0 : i32
      %dma_wait3A_158 = arith.constant 0 : i32
      %dma_wait3A_159 = tpu.memref_slice %arg2[%dma_wait3A_157, %dma_wait3A_158] : memref<10000x128xf32, #tpu.memory_space<hbm>> -> memref<10000x128xf32, #tpu.memory_space<hbm>>
      tpu.wait_indirect_dma semaphore(%arg29 : memref<!tpu.dma_semaphore, #tpu.memory_space<semaphore_mem>>) src(%dma_wait3A_159 : memref<10000x128xf32, #tpu.memory_space<hbm>>) dst(%arg18 : memref<64x128xf32, #tpu.memory_space<vmem>>)
      "tpu.region"() ({
        %run_scoped3A = tpu.sem_alloc : memref<!tpu.dma_semaphore, #tpu.memory_space<semaphore_mem>>
        %dma_start3A_242 = arith.constant 0 : i32
        %dma_start3A_243 = arith.constant 0 : i32
        %dma_start3A_244 = tpu.memref_slice %arg22[%dma_start3A_242, %dma_start3A_243] : memref<10240x128xf32, #tpu.memory_space<vmem_shared>> -> memref<10240x128xf32, #tpu.memory_space<vmem_shared>>
        tpu.enqueue_indirect_dma source(%arg18 : memref<64x128xf32, #tpu.memory_space<vmem>>) target(%dma_start3A_244 : memref<10240x128xf32, #tpu.memory_space<vmem_shared>>) offsets(%arg13 : memref<64xi32, #tpu.memory_space<vmem>>) semaphore(%run_scoped3A : memref<!tpu.dma_semaphore, #tpu.memory_space<semaphore_mem>>) {add = true}
        %dma_wait3A_245 = arith.constant 0 : i32
        %dma_wait3A_246 = arith.constant 0 : i32
        %dma_wait3A_247 = tpu.memref_slice %arg22[%dma_wait3A_245, %dma_wait3A_246] : memref<10240x128xf32, #tpu.memory_space<vmem_shared>> -> memref<10240x128xf32, #tpu.memory_space<vmem_shared>>
        tpu.wait_indirect_dma semaphore(%run_scoped3A : memref<!tpu.dma_semaphore, #tpu.memory_space<semaphore_mem>>) src(%arg18 : memref<64x128xf32, #tpu.memory_space<vmem>>) dst(%dma_wait3A_247 : memref<10240x128xf32, #tpu.memory_space<vmem_shared>>)
        tpu.yield
      }) : () -> ()
      %add3A_160 = arith.constant 2 : i32
      %add3A_161 = arith.addi %mul3A_106, %add3A_160 : i32
      %add3A_162 = arith.constant 5 : i32
      %add3A_163 = arith.addi %add3A_161, %add3A_162 : i32
      %sub3A_164 = arith.constant 1 : i32
      %sub3A_165 = arith.subi %add3A_163, %sub3A_164 : i32
      %add3A_166 = arith.addi %select_n3A, %sub3A_165 : i32
      %mul3A_167 = arith.constant 64 : i32
      %mul3A_168 = arith.muli %add3A_166, %mul3A_167 : i32
      %dma_start3A_169 = tpu.memref_slice %arg3[%mul3A_168] : memref<327936xi32, #tpu.memory_space<hbm>> -> memref<64xi32, #tpu.memory_space<hbm>>
      %dma_start3A_170 = tpu.memref_slice %arg3[%mul3A_168] : memref<327936xi32, #tpu.memory_space<hbm>> -> memref<64xi32, #tpu.memory_space<hbm>>
      tpu.enqueue_dma source(%dma_start3A_170 : memref<64xi32, #tpu.memory_space<hbm>>) target(%arg8 : memref<64xi32, #tpu.memory_space<vmem>>) target_semaphore(%arg24 : memref<!tpu.dma_semaphore, #tpu.memory_space<semaphore_mem>>)
      %dma_start3A_171 = tpu.memref_slice %arg4[%mul3A_168] : memref<327936xi32, #tpu.memory_space<hbm>> -> memref<64xi32, #tpu.memory_space<hbm>>
      %dma_start3A_172 = tpu.memref_slice %arg4[%mul3A_168] : memref<327936xi32, #tpu.memory_space<hbm>> -> memref<64xi32, #tpu.memory_space<hbm>>
      tpu.enqueue_dma source(%dma_start3A_172 : memref<64xi32, #tpu.memory_space<hbm>>) target(%arg13 : memref<64xi32, #tpu.memory_space<vmem>>) target_semaphore(%arg24 : memref<!tpu.dma_semaphore, #tpu.memory_space<semaphore_mem>>)
      %dma_wait3A_173 = arith.constant 0 : i32
      %dma_wait3A_174 = tpu.memref_slice %arg3[%dma_wait3A_173] : memref<327936xi32, #tpu.memory_space<hbm>> -> memref<64xi32, #tpu.memory_space<hbm>>
      %dma_wait3A_175 = arith.constant 0 : i32
      %dma_wait3A_176 = tpu.memref_slice %arg3[%dma_wait3A_175] : memref<327936xi32, #tpu.memory_space<hbm>> -> memref<64xi32, #tpu.memory_space<hbm>>
      tpu.wait_dma2 semaphore(%arg23 : memref<!tpu.dma_semaphore, #tpu.memory_space<semaphore_mem>>) src(%dma_wait3A_176 : memref<64xi32, #tpu.memory_space<hbm>>) dst(%arg7 : memref<64xi32, #tpu.memory_space<vmem>>)
      %dma_wait3A_177 = arith.constant 0 : i32
      %dma_wait3A_178 = tpu.memref_slice %arg4[%dma_wait3A_177] : memref<327936xi32, #tpu.memory_space<hbm>> -> memref<64xi32, #tpu.memory_space<hbm>>
      %dma_wait3A_179 = arith.constant 0 : i32
      %dma_wait3A_180 = tpu.memref_slice %arg4[%dma_wait3A_179] : memref<327936xi32, #tpu.memory_space<hbm>> -> memref<64xi32, #tpu.memory_space<hbm>>
      tpu.wait_dma2 semaphore(%arg23 : memref<!tpu.dma_semaphore, #tpu.memory_space<semaphore_mem>>) src(%dma_wait3A_180 : memref<64xi32, #tpu.memory_space<hbm>>) dst(%arg12 : memref<64xi32, #tpu.memory_space<vmem>>)
      %dma_start3A_181 = arith.constant 0 : i32
      %dma_start3A_182 = arith.constant 0 : i32
      %dma_start3A_183 = tpu.memref_slice %arg2[%dma_start3A_181, %dma_start3A_182] : memref<10000x128xf32, #tpu.memory_space<hbm>> -> memref<10000x128xf32, #tpu.memory_space<hbm>>
      tpu.enqueue_indirect_dma source(%dma_start3A_183 : memref<10000x128xf32, #tpu.memory_space<hbm>>) target(%arg17 : memref<64x128xf32, #tpu.memory_space<vmem>>) offsets(%arg7 : memref<64xi32, #tpu.memory_space<vmem>>) semaphore(%arg28 : memref<!tpu.dma_semaphore, #tpu.memory_space<semaphore_mem>>)
      %dma_wait3A_184 = arith.constant 0 : i32
      %dma_wait3A_185 = arith.constant 0 : i32
      %dma_wait3A_186 = tpu.memref_slice %arg2[%dma_wait3A_184, %dma_wait3A_185] : memref<10000x128xf32, #tpu.memory_space<hbm>> -> memref<10000x128xf32, #tpu.memory_space<hbm>>
      tpu.wait_indirect_dma semaphore(%arg30 : memref<!tpu.dma_semaphore, #tpu.memory_space<semaphore_mem>>) src(%dma_wait3A_186 : memref<10000x128xf32, #tpu.memory_space<hbm>>) dst(%arg19 : memref<64x128xf32, #tpu.memory_space<vmem>>)
      "tpu.region"() ({
        %run_scoped3A = tpu.sem_alloc : memref<!tpu.dma_semaphore, #tpu.memory_space<semaphore_mem>>
        %dma_start3A_242 = arith.constant 0 : i32
        %dma_start3A_243 = arith.constant 0 : i32
        %dma_start3A_244 = tpu.memref_slice %arg22[%dma_start3A_242, %dma_start3A_243] : memref<10240x128xf32, #tpu.memory_space<vmem_shared>> -> memref<10240x128xf32, #tpu.memory_space<vmem_shared>>
        tpu.enqueue_indirect_dma source(%arg19 : memref<64x128xf32, #tpu.memory_space<vmem>>) target(%dma_start3A_244 : memref<10240x128xf32, #tpu.memory_space<vmem_shared>>) offsets(%arg14 : memref<64xi32, #tpu.memory_space<vmem>>) semaphore(%run_scoped3A : memref<!tpu.dma_semaphore, #tpu.memory_space<semaphore_mem>>) {add = true}
        %dma_wait3A_245 = arith.constant 0 : i32
        %dma_wait3A_246 = arith.constant 0 : i32
        %dma_wait3A_247 = tpu.memref_slice %arg22[%dma_wait3A_245, %dma_wait3A_246] : memref<10240x128xf32, #tpu.memory_space<vmem_shared>> -> memref<10240x128xf32, #tpu.memory_space<vmem_shared>>
        tpu.wait_indirect_dma semaphore(%run_scoped3A : memref<!tpu.dma_semaphore, #tpu.memory_space<semaphore_mem>>) src(%arg19 : memref<64x128xf32, #tpu.memory_space<vmem>>) dst(%dma_wait3A_247 : memref<10240x128xf32, #tpu.memory_space<vmem_shared>>)
        tpu.yield
      }) : () -> ()
      %add3A_187 = arith.constant 3 : i32
      %add3A_188 = arith.addi %mul3A_106, %add3A_187 : i32
      %add3A_189 = arith.constant 5 : i32
      %add3A_190 = arith.addi %add3A_188, %add3A_189 : i32
      %sub3A_191 = arith.constant 1 : i32
      %sub3A_192 = arith.subi %add3A_190, %sub3A_191 : i32
      %add3A_193 = arith.addi %select_n3A, %sub3A_192 : i32
      %mul3A_194 = arith.constant 64 : i32
      %mul3A_195 = arith.muli %add3A_193, %mul3A_194 : i32
      %dma_start3A_196 = tpu.memref_slice %arg3[%mul3A_195] : memref<327936xi32, #tpu.memory_space<hbm>> -> memref<64xi32, #tpu.memory_space<hbm>>
      %dma_start3A_197 = tpu.memref_slice %arg3[%mul3A_195] : memref<327936xi32, #tpu.memory_space<hbm>> -> memref<64xi32, #tpu.memory_space<hbm>>
      tpu.enqueue_dma source(%dma_start3A_197 : memref<64xi32, #tpu.memory_space<hbm>>) target(%arg9 : memref<64xi32, #tpu.memory_space<vmem>>) target_semaphore(%arg25 : memref<!tpu.dma_semaphore, #tpu.memory_space<semaphore_mem>>)
      %dma_start3A_198 = tpu.memref_slice %arg4[%mul3A_195] : memref<327936xi32, #tpu.memory_space<hbm>> -> memref<64xi32, #tpu.memory_space<hbm>>
      %dma_start3A_199 = tpu.memref_slice %arg4[%mul3A_195] : memref<327936xi32, #tpu.memory_space<hbm>> -> memref<64xi32, #tpu.memory_space<hbm>>
      tpu.enqueue_dma source(%dma_start3A_199 : memref<64xi32, #tpu.memory_space<hbm>>) target(%arg14 : memref<64xi32, #tpu.memory_space<vmem>>) target_semaphore(%arg25 : memref<!tpu.dma_semaphore, #tpu.memory_space<semaphore_mem>>)
      %dma_wait3A_200 = arith.constant 0 : i32
      %dma_wait3A_201 = tpu.memref_slice %arg3[%dma_wait3A_200] : memref<327936xi32, #tpu.memory_space<hbm>> -> memref<64xi32, #tpu.memory_space<hbm>>
      %dma_wait3A_202 = arith.constant 0 : i32
      %dma_wait3A_203 = tpu.memref_slice %arg3[%dma_wait3A_202] : memref<327936xi32, #tpu.memory_space<hbm>> -> memref<64xi32, #tpu.memory_space<hbm>>
      tpu.wait_dma2 semaphore(%arg24 : memref<!tpu.dma_semaphore, #tpu.memory_space<semaphore_mem>>) src(%dma_wait3A_203 : memref<64xi32, #tpu.memory_space<hbm>>) dst(%arg8 : memref<64xi32, #tpu.memory_space<vmem>>)
      %dma_wait3A_204 = arith.constant 0 : i32
      %dma_wait3A_205 = tpu.memref_slice %arg4[%dma_wait3A_204] : memref<327936xi32, #tpu.memory_space<hbm>> -> memref<64xi32, #tpu.memory_space<hbm>>
      %dma_wait3A_206 = arith.constant 0 : i32
      %dma_wait3A_207 = tpu.memref_slice %arg4[%dma_wait3A_206] : memref<327936xi32, #tpu.memory_space<hbm>> -> memref<64xi32, #tpu.memory_space<hbm>>
      tpu.wait_dma2 semaphore(%arg24 : memref<!tpu.dma_semaphore, #tpu.memory_space<semaphore_mem>>) src(%dma_wait3A_207 : memref<64xi32, #tpu.memory_space<hbm>>) dst(%arg13 : memref<64xi32, #tpu.memory_space<vmem>>)
      %dma_start3A_208 = arith.constant 0 : i32
      %dma_start3A_209 = arith.constant 0 : i32
      %dma_start3A_210 = tpu.memref_slice %arg2[%dma_start3A_208, %dma_start3A_209] : memref<10000x128xf32, #tpu.memory_space<hbm>> -> memref<10000x128xf32, #tpu.memory_space<hbm>>
      tpu.enqueue_indirect_dma source(%dma_start3A_210 : memref<10000x128xf32, #tpu.memory_space<hbm>>) target(%arg18 : memref<64x128xf32, #tpu.memory_space<vmem>>) offsets(%arg8 : memref<64xi32, #tpu.memory_space<vmem>>) semaphore(%arg29 : memref<!tpu.dma_semaphore, #tpu.memory_space<semaphore_mem>>)
      %dma_wait3A_211 = arith.constant 0 : i32
      %dma_wait3A_212 = arith.constant 0 : i32
      %dma_wait3A_213 = tpu.memref_slice %arg2[%dma_wait3A_211, %dma_wait3A_212] : memref<10000x128xf32, #tpu.memory_space<hbm>> -> memref<10000x128xf32, #tpu.memory_space<hbm>>
      tpu.wait_indirect_dma semaphore(%arg31 : memref<!tpu.dma_semaphore, #tpu.memory_space<semaphore_mem>>) src(%dma_wait3A_213 : memref<10000x128xf32, #tpu.memory_space<hbm>>) dst(%arg20 : memref<64x128xf32, #tpu.memory_space<vmem>>)
      "tpu.region"() ({
        %run_scoped3A = tpu.sem_alloc : memref<!tpu.dma_semaphore, #tpu.memory_space<semaphore_mem>>
        %dma_start3A_242 = arith.constant 0 : i32
        %dma_start3A_243 = arith.constant 0 : i32
        %dma_start3A_244 = tpu.memref_slice %arg22[%dma_start3A_242, %dma_start3A_243] : memref<10240x128xf32, #tpu.memory_space<vmem_shared>> -> memref<10240x128xf32, #tpu.memory_space<vmem_shared>>
        tpu.enqueue_indirect_dma source(%arg20 : memref<64x128xf32, #tpu.memory_space<vmem>>) target(%dma_start3A_244 : memref<10240x128xf32, #tpu.memory_space<vmem_shared>>) offsets(%arg15 : memref<64xi32, #tpu.memory_space<vmem>>) semaphore(%run_scoped3A : memref<!tpu.dma_semaphore, #tpu.memory_space<semaphore_mem>>) {add = true}
        %dma_wait3A_245 = arith.constant 0 : i32
        %dma_wait3A_246 = arith.constant 0 : i32
        %dma_wait3A_247 = tpu.memref_slice %arg22[%dma_wait3A_245, %dma_wait3A_246] : memref<10240x128xf32, #tpu.memory_space<vmem_shared>> -> memref<10240x128xf32, #tpu.memory_space<vmem_shared>>
        tpu.wait_indirect_dma semaphore(%run_scoped3A : memref<!tpu.dma_semaphore, #tpu.memory_space<semaphore_mem>>) src(%arg20 : memref<64x128xf32, #tpu.memory_space<vmem>>) dst(%dma_wait3A_247 : memref<10240x128xf32, #tpu.memory_space<vmem_shared>>)
        tpu.yield
      }) : () -> ()
      %add3A_214 = arith.constant 4 : i32
      %add3A_215 = arith.addi %mul3A_106, %add3A_214 : i32
      %add3A_216 = arith.constant 5 : i32
      %add3A_217 = arith.addi %add3A_215, %add3A_216 : i32
      %sub3A_218 = arith.constant 1 : i32
      %sub3A_219 = arith.subi %add3A_217, %sub3A_218 : i32
      %add3A_220 = arith.addi %select_n3A, %sub3A_219 : i32
      %mul3A_221 = arith.constant 64 : i32
      %mul3A_222 = arith.muli %add3A_220, %mul3A_221 : i32
      %dma_start3A_223 = tpu.memref_slice %arg3[%mul3A_222] : memref<327936xi32, #tpu.memory_space<hbm>> -> memref<64xi32, #tpu.memory_space<hbm>>
      %dma_start3A_224 = tpu.memref_slice %arg3[%mul3A_222] : memref<327936xi32, #tpu.memory_space<hbm>> -> memref<64xi32, #tpu.memory_space<hbm>>
      tpu.enqueue_dma source(%dma_start3A_224 : memref<64xi32, #tpu.memory_space<hbm>>) target(%arg10 : memref<64xi32, #tpu.memory_space<vmem>>) target_semaphore(%arg26 : memref<!tpu.dma_semaphore, #tpu.memory_space<semaphore_mem>>)
      %dma_start3A_225 = tpu.memref_slice %arg4[%mul3A_222] : memref<327936xi32, #tpu.memory_space<hbm>> -> memref<64xi32, #tpu.memory_space<hbm>>
      %dma_start3A_226 = tpu.memref_slice %arg4[%mul3A_222] : memref<327936xi32, #tpu.memory_space<hbm>> -> memref<64xi32, #tpu.memory_space<hbm>>
      tpu.enqueue_dma source(%dma_start3A_226 : memref<64xi32, #tpu.memory_space<hbm>>) target(%arg15 : memref<64xi32, #tpu.memory_space<vmem>>) target_semaphore(%arg26 : memref<!tpu.dma_semaphore, #tpu.memory_space<semaphore_mem>>)
      %dma_wait3A_227 = arith.constant 0 : i32
      %dma_wait3A_228 = tpu.memref_slice %arg3[%dma_wait3A_227] : memref<327936xi32, #tpu.memory_space<hbm>> -> memref<64xi32, #tpu.memory_space<hbm>>
      %dma_wait3A_229 = arith.constant 0 : i32
      %dma_wait3A_230 = tpu.memref_slice %arg3[%dma_wait3A_229] : memref<327936xi32, #tpu.memory_space<hbm>> -> memref<64xi32, #tpu.memory_space<hbm>>
      tpu.wait_dma2 semaphore(%arg25 : memref<!tpu.dma_semaphore, #tpu.memory_space<semaphore_mem>>) src(%dma_wait3A_230 : memref<64xi32, #tpu.memory_space<hbm>>) dst(%arg9 : memref<64xi32, #tpu.memory_space<vmem>>)
      %dma_wait3A_231 = arith.constant 0 : i32
      %dma_wait3A_232 = tpu.memref_slice %arg4[%dma_wait3A_231] : memref<327936xi32, #tpu.memory_space<hbm>> -> memref<64xi32, #tpu.memory_space<hbm>>
      %dma_wait3A_233 = arith.constant 0 : i32
      %dma_wait3A_234 = tpu.memref_slice %arg4[%dma_wait3A_233] : memref<327936xi32, #tpu.memory_space<hbm>> -> memref<64xi32, #tpu.memory_space<hbm>>
      tpu.wait_dma2 semaphore(%arg25 : memref<!tpu.dma_semaphore, #tpu.memory_space<semaphore_mem>>) src(%dma_wait3A_234 : memref<64xi32, #tpu.memory_space<hbm>>) dst(%arg14 : memref<64xi32, #tpu.memory_space<vmem>>)
      %dma_start3A_235 = arith.constant 0 : i32
      %dma_start3A_236 = arith.constant 0 : i32
      %dma_start3A_237 = tpu.memref_slice %arg2[%dma_start3A_235, %dma_start3A_236] : memref<10000x128xf32, #tpu.memory_space<hbm>> -> memref<10000x128xf32, #tpu.memory_space<hbm>>
      tpu.enqueue_indirect_dma source(%dma_start3A_237 : memref<10000x128xf32, #tpu.memory_space<hbm>>) target(%arg19 : memref<64x128xf32, #tpu.memory_space<vmem>>) offsets(%arg9 : memref<64xi32, #tpu.memory_space<vmem>>) semaphore(%arg30 : memref<!tpu.dma_semaphore, #tpu.memory_space<semaphore_mem>>)
      %dma_wait3A_238 = arith.constant 0 : i32
      %dma_wait3A_239 = arith.constant 0 : i32
      %dma_wait3A_240 = tpu.memref_slice %arg2[%dma_wait3A_238, %dma_wait3A_239] : memref<10000x128xf32, #tpu.memory_space<hbm>> -> memref<10000x128xf32, #tpu.memory_space<hbm>>
      tpu.wait_indirect_dma semaphore(%arg32 : memref<!tpu.dma_semaphore, #tpu.memory_space<semaphore_mem>>) src(%dma_wait3A_240 : memref<10000x128xf32, #tpu.memory_space<hbm>>) dst(%arg21 : memref<64x128xf32, #tpu.memory_space<vmem>>)
      "tpu.region"() ({
        %run_scoped3A = tpu.sem_alloc : memref<!tpu.dma_semaphore, #tpu.memory_space<semaphore_mem>>
        %dma_start3A_242 = arith.constant 0 : i32
        %dma_start3A_243 = arith.constant 0 : i32
        %dma_start3A_244 = tpu.memref_slice %arg22[%dma_start3A_242, %dma_start3A_243] : memref<10240x128xf32, #tpu.memory_space<vmem_shared>> -> memref<10240x128xf32, #tpu.memory_space<vmem_shared>>
        tpu.enqueue_indirect_dma source(%arg21 : memref<64x128xf32, #tpu.memory_space<vmem>>) target(%dma_start3A_244 : memref<10240x128xf32, #tpu.memory_space<vmem_shared>>) offsets(%arg16 : memref<64xi32, #tpu.memory_space<vmem>>) semaphore(%run_scoped3A : memref<!tpu.dma_semaphore, #tpu.memory_space<semaphore_mem>>) {add = true}
        %dma_wait3A_245 = arith.constant 0 : i32
        %dma_wait3A_246 = arith.constant 0 : i32
        %dma_wait3A_247 = tpu.memref_slice %arg22[%dma_wait3A_245, %dma_wait3A_246] : memref<10240x128xf32, #tpu.memory_space<vmem_shared>> -> memref<10240x128xf32, #tpu.memory_space<vmem_shared>>
        tpu.wait_indirect_dma semaphore(%run_scoped3A : memref<!tpu.dma_semaphore, #tpu.memory_space<semaphore_mem>>) src(%arg21 : memref<64x128xf32, #tpu.memory_space<vmem>>) dst(%dma_wait3A_247 : memref<10240x128xf32, #tpu.memory_space<vmem_shared>>)
        tpu.yield
      }) : () -> ()
      %while3A_241 = arith.constant 0 : i32
      scf.yield %while3A_241 : i32
    }
    %while3A_83 = arith.constant 1 : i32
    %while3A_84 = scf.for %while3A_103 = %while3A_80 to %while3A_76 step %while3A_83 iter_args(%while3A_104 = %while3A_82) -> (i32)  : i32 {
      %mul3A_105 = arith.constant 5 : i32
      %mul3A_106 = arith.muli %while3A_103, %mul3A_105 : i32
      %add3A_107 = arith.constant 0 : i32
      %add3A_108 = arith.addi %mul3A_106, %add3A_107 : i32
      %add3A_109 = arith.constant 5 : i32
      %add3A_110 = arith.addi %add3A_108, %add3A_109 : i32
      %sub3A = arith.constant 1 : i32
      %sub3A_111 = arith.subi %add3A_110, %sub3A : i32
      %add3A_112 = arith.addi %select_n3A, %sub3A_111 : i32
      %mul3A_113 = arith.constant 64 : i32
      %mul3A_114 = arith.muli %add3A_112, %mul3A_113 : i32
      %dma_start3A_115 = tpu.memref_slice %arg3[%mul3A_114] : memref<327936xi32, #tpu.memory_space<hbm>> -> memref<64xi32, #tpu.memory_space<hbm>>
      %dma_start3A_116 = tpu.memref_slice %arg3[%mul3A_114] : memref<327936xi32, #tpu.memory_space<hbm>> -> memref<64xi32, #tpu.memory_space<hbm>>
      tpu.enqueue_dma source(%dma_start3A_116 : memref<64xi32, #tpu.memory_space<hbm>>) target(%arg11 : memref<64xi32, #tpu.memory_space<vmem>>) target_semaphore(%arg27 : memref<!tpu.dma_semaphore, #tpu.memory_space<semaphore_mem>>)
      %dma_start3A_117 = tpu.memref_slice %arg4[%mul3A_114] : memref<327936xi32, #tpu.memory_space<hbm>> -> memref<64xi32, #tpu.memory_space<hbm>>
      %dma_start3A_118 = tpu.memref_slice %arg4[%mul3A_114] : memref<327936xi32, #tpu.memory_space<hbm>> -> memref<64xi32, #tpu.memory_space<hbm>>
      tpu.enqueue_dma source(%dma_start3A_118 : memref<64xi32, #tpu.memory_space<hbm>>) target(%arg16 : memref<64xi32, #tpu.memory_space<vmem>>) target_semaphore(%arg27 : memref<!tpu.dma_semaphore, #tpu.memory_space<semaphore_mem>>)
      %dma_wait3A_119 = arith.constant 0 : i32
      %dma_wait3A_120 = tpu.memref_slice %arg3[%dma_wait3A_119] : memref<327936xi32, #tpu.memory_space<hbm>> -> memref<64xi32, #tpu.memory_space<hbm>>
      %dma_wait3A_121 = arith.constant 0 : i32
      %dma_wait3A_122 = tpu.memref_slice %arg3[%dma_wait3A_121] : memref<327936xi32, #tpu.memory_space<hbm>> -> memref<64xi32, #tpu.memory_space<hbm>>
      tpu.wait_dma2 semaphore(%arg26 : memref<!tpu.dma_semaphore, #tpu.memory_space<semaphore_mem>>) src(%dma_wait3A_122 : memref<64xi32, #tpu.memory_space<hbm>>) dst(%arg10 : memref<64xi32, #tpu.memory_space<vmem>>)
      %dma_wait3A_123 = arith.constant 0 : i32
      %dma_wait3A_124 = tpu.memref_slice %arg4[%dma_wait3A_123] : memref<327936xi32, #tpu.memory_space<hbm>> -> memref<64xi32, #tpu.memory_space<hbm>>
      %dma_wait3A_125 = arith.constant 0 : i32
      %dma_wait3A_126 = tpu.memref_slice %arg4[%dma_wait3A_125] : memref<327936xi32, #tpu.memory_space<hbm>> -> memref<64xi32, #tpu.memory_space<hbm>>
      tpu.wait_dma2 semaphore(%arg26 : memref<!tpu.dma_semaphore, #tpu.memory_space<semaphore_mem>>) src(%dma_wait3A_126 : memref<64xi32, #tpu.memory_space<hbm>>) dst(%arg15 : memref<64xi32, #tpu.memory_space<vmem>>)
      %dma_start3A_127 = arith.constant 0 : i32
      %dma_start3A_128 = arith.constant 0 : i32
      %dma_start3A_129 = tpu.memref_slice %arg2[%dma_start3A_127, %dma_start3A_128] : memref<10000x128xf32, #tpu.memory_space<hbm>> -> memref<10000x128xf32, #tpu.memory_space<hbm>>
      tpu.enqueue_indirect_dma source(%dma_start3A_129 : memref<10000x128xf32, #tpu.memory_space<hbm>>) target(%arg20 : memref<64x128xf32, #tpu.memory_space<vmem>>) offsets(%arg10 : memref<64xi32, #tpu.memory_space<vmem>>) semaphore(%arg31 : memref<!tpu.dma_semaphore, #tpu.memory_space<semaphore_mem>>)
      %dma_wait3A_130 = arith.constant 0 : i32
      %dma_wait3A_131 = arith.constant 0 : i32
      %dma_wait3A_132 = tpu.memref_slice %arg2[%dma_wait3A_130, %dma_wait3A_131] : memref<10000x128xf32, #tpu.memory_space<hbm>> -> memref<10000x128xf32, #tpu.memory_space<hbm>>
      tpu.wait_indirect_dma semaphore(%arg28 : memref<!tpu.dma_semaphore, #tpu.memory_space<semaphore_mem>>) src(%dma_wait3A_132 : memref<10000x128xf32, #tpu.memory_space<hbm>>) dst(%arg17 : memref<64x128xf32, #tpu.memory_space<vmem>>)
      "tpu.region"() ({
        %run_scoped3A = tpu.sem_alloc : memref<!tpu.dma_semaphore, #tpu.memory_space<semaphore_mem>>
        %dma_start3A_242 = arith.constant 0 : i32
        %dma_start3A_243 = arith.constant 0 : i32
        %dma_start3A_244 = tpu.memref_slice %arg22[%dma_start3A_242, %dma_start3A_243] : memref<10240x128xf32, #tpu.memory_space<vmem_shared>> -> memref<10240x128xf32, #tpu.memory_space<vmem_shared>>
        tpu.enqueue_indirect_dma source(%arg17 : memref<64x128xf32, #tpu.memory_space<vmem>>) target(%dma_start3A_244 : memref<10240x128xf32, #tpu.memory_space<vmem_shared>>) offsets(%arg12 : memref<64xi32, #tpu.memory_space<vmem>>) semaphore(%run_scoped3A : memref<!tpu.dma_semaphore, #tpu.memory_space<semaphore_mem>>) {add = true}
        %dma_wait3A_245 = arith.constant 0 : i32
        %dma_wait3A_246 = arith.constant 0 : i32
        %dma_wait3A_247 = tpu.memref_slice %arg22[%dma_wait3A_245, %dma_wait3A_246] : memref<10240x128xf32, #tpu.memory_space<vmem_shared>> -> memref<10240x128xf32, #tpu.memory_space<vmem_shared>>
        tpu.wait_indirect_dma semaphore(%run_scoped3A : memref<!tpu.dma_semaphore, #tpu.memory_space<semaphore_mem>>) src(%arg17 : memref<64x128xf32, #tpu.memory_space<vmem>>) dst(%dma_wait3A_247 : memref<10240x128xf32, #tpu.memory_space<vmem_shared>>)
        tpu.yield
      }) : () -> ()
      %add3A_133 = arith.constant 1 : i32
      %add3A_134 = arith.addi %mul3A_106, %add3A_133 : i32
      %add3A_135 = arith.constant 5 : i32
      %add3A_136 = arith.addi %add3A_134, %add3A_135 : i32
      %sub3A_137 = arith.constant 1 : i32
      %sub3A_138 = arith.subi %add3A_136, %sub3A_137 : i32
      %add3A_139 = arith.addi %select_n3A, %sub3A_138 : i32
      %mul3A_140 = arith.constant 64 : i32
      %mul3A_141 = arith.muli %add3A_139, %mul3A_140 : i32
      %dma_start3A_142 = tpu.memref_slice %arg3[%mul3A_141] : memref<327936xi32, #tpu.memory_space<hbm>> -> memref<64xi32, #tpu.memory_space<hbm>>
      %dma_start3A_143 = tpu.memref_slice %arg3[%mul3A_141] : memref<327936xi32, #tpu.memory_space<hbm>> -> memref<64xi32, #tpu.memory_space<hbm>>
      tpu.enqueue_dma source(%dma_start3A_143 : memref<64xi32, #tpu.memory_space<hbm>>) target(%arg7 : memref<64xi32, #tpu.memory_space<vmem>>) target_semaphore(%arg23 : memref<!tpu.dma_semaphore, #tpu.memory_space<semaphore_mem>>)
      %dma_start3A_144 = tpu.memref_slice %arg4[%mul3A_141] : memref<327936xi32, #tpu.memory_space<hbm>> -> memref<64xi32, #tpu.memory_space<hbm>>
      %dma_start3A_145 = tpu.memref_slice %arg4[%mul3A_141] : memref<327936xi32, #tpu.memory_space<hbm>> -> memref<64xi32, #tpu.memory_space<hbm>>
      tpu.enqueue_dma source(%dma_start3A_145 : memref<64xi32, #tpu.memory_space<hbm>>) target(%arg12 : memref<64xi32, #tpu.memory_space<vmem>>) target_semaphore(%arg23 : memref<!tpu.dma_semaphore, #tpu.memory_space<semaphore_mem>>)
      %dma_wait3A_146 = arith.constant 0 : i32
      %dma_wait3A_147 = tpu.memref_slice %arg3[%dma_wait3A_146] : memref<327936xi32, #tpu.memory_space<hbm>> -> memref<64xi32, #tpu.memory_space<hbm>>
      %dma_wait3A_148 = arith.constant 0 : i32
      %dma_wait3A_149 = tpu.memref_slice %arg3[%dma_wait3A_148] : memref<327936xi32, #tpu.memory_space<hbm>> -> memref<64xi32, #tpu.memory_space<hbm>>
      tpu.wait_dma2 semaphore(%arg27 : memref<!tpu.dma_semaphore, #tpu.memory_space<semaphore_mem>>) src(%dma_wait3A_149 : memref<64xi32, #tpu.memory_space<hbm>>) dst(%arg11 : memref<64xi32, #tpu.memory_space<vmem>>)
      %dma_wait3A_150 = arith.constant 0 : i32
      %dma_wait3A_151 = tpu.memref_slice %arg4[%dma_wait3A_150] : memref<327936xi32, #tpu.memory_space<hbm>> -> memref<64xi32, #tpu.memory_space<hbm>>
      %dma_wait3A_152 = arith.constant 0 : i32
      %dma_wait3A_153 = tpu.memref_slice %arg4[%dma_wait3A_152] : memref<327936xi32, #tpu.memory_space<hbm>> -> memref<64xi32, #tpu.memory_space<hbm>>
      tpu.wait_dma2 semaphore(%arg27 : memref<!tpu.dma_semaphore, #tpu.memory_space<semaphore_mem>>) src(%dma_wait3A_153 : memref<64xi32, #tpu.memory_space<hbm>>) dst(%arg16 : memref<64xi32, #tpu.memory_space<vmem>>)
      %dma_start3A_154 = arith.constant 0 : i32
      %dma_start3A_155 = arith.constant 0 : i32
      %dma_start3A_156 = tpu.memref_slice %arg2[%dma_start3A_154, %dma_start3A_155] : memref<10000x128xf32, #tpu.memory_space<hbm>> -> memref<10000x128xf32, #tpu.memory_space<hbm>>
      tpu.enqueue_indirect_dma source(%dma_start3A_156 : memref<10000x128xf32, #tpu.memory_space<hbm>>) target(%arg21 : memref<64x128xf32, #tpu.memory_space<vmem>>) offsets(%arg11 : memref<64xi32, #tpu.memory_space<vmem>>) semaphore(%arg32 : memref<!tpu.dma_semaphore, #tpu.memory_space<semaphore_mem>>)
      %dma_wait3A_157 = arith.constant 0 : i32
      %dma_wait3A_158 = arith.constant 0 : i32
      %dma_wait3A_159 = tpu.memref_slice %arg2[%dma_wait3A_157, %dma_wait3A_158] : memref<10000x128xf32, #tpu.memory_space<hbm>> -> memref<10000x128xf32, #tpu.memory_space<hbm>>
      tpu.wait_indirect_dma semaphore(%arg29 : memref<!tpu.dma_semaphore, #tpu.memory_space<semaphore_mem>>) src(%dma_wait3A_159 : memref<10000x128xf32, #tpu.memory_space<hbm>>) dst(%arg18 : memref<64x128xf32, #tpu.memory_space<vmem>>)
      "tpu.region"() ({
        %run_scoped3A = tpu.sem_alloc : memref<!tpu.dma_semaphore, #tpu.memory_space<semaphore_mem>>
        %dma_start3A_242 = arith.constant 0 : i32
        %dma_start3A_243 = arith.constant 0 : i32
        %dma_start3A_244 = tpu.memref_slice %arg22[%dma_start3A_242, %dma_start3A_243] : memref<10240x128xf32, #tpu.memory_space<vmem_shared>> -> memref<10240x128xf32, #tpu.memory_space<vmem_shared>>
        tpu.enqueue_indirect_dma source(%arg18 : memref<64x128xf32, #tpu.memory_space<vmem>>) target(%dma_start3A_244 : memref<10240x128xf32, #tpu.memory_space<vmem_shared>>) offsets(%arg13 : memref<64xi32, #tpu.memory_space<vmem>>) semaphore(%run_scoped3A : memref<!tpu.dma_semaphore, #tpu.memory_space<semaphore_mem>>) {add = true}
        %dma_wait3A_245 = arith.constant 0 : i32
        %dma_wait3A_246 = arith.constant 0 : i32
        %dma_wait3A_247 = tpu.memref_slice %arg22[%dma_wait3A_245, %dma_wait3A_246] : memref<10240x128xf32, #tpu.memory_space<vmem_shared>> -> memref<10240x128xf32, #tpu.memory_space<vmem_shared>>
        tpu.wait_indirect_dma semaphore(%run_scoped3A : memref<!tpu.dma_semaphore, #tpu.memory_space<semaphore_mem>>) src(%arg18 : memref<64x128xf32, #tpu.memory_space<vmem>>) dst(%dma_wait3A_247 : memref<10240x128xf32, #tpu.memory_space<vmem_shared>>)
        tpu.yield
      }) : () -> ()
      %add3A_160 = arith.constant 2 : i32
      %add3A_161 = arith.addi %mul3A_106, %add3A_160 : i32
      %add3A_162 = arith.constant 5 : i32
      %add3A_163 = arith.addi %add3A_161, %add3A_162 : i32
      %sub3A_164 = arith.constant 1 : i32
      %sub3A_165 = arith.subi %add3A_163, %sub3A_164 : i32
      %add3A_166 = arith.addi %select_n3A, %sub3A_165 : i32
      %mul3A_167 = arith.constant 64 : i32
      %mul3A_168 = arith.muli %add3A_166, %mul3A_167 : i32
      %dma_start3A_169 = tpu.memref_slice %arg3[%mul3A_168] : memref<327936xi32, #tpu.memory_space<hbm>> -> memref<64xi32, #tpu.memory_space<hbm>>
      %dma_start3A_170 = tpu.memref_slice %arg3[%mul3A_168] : memref<327936xi32, #tpu.memory_space<hbm>> -> memref<64xi32, #tpu.memory_space<hbm>>
      tpu.enqueue_dma source(%dma_start3A_170 : memref<64xi32, #tpu.memory_space<hbm>>) target(%arg8 : memref<64xi32, #tpu.memory_space<vmem>>) target_semaphore(%arg24 : memref<!tpu.dma_semaphore, #tpu.memory_space<semaphore_mem>>)
      %dma_start3A_171 = tpu.memref_slice %arg4[%mul3A_168] : memref<327936xi32, #tpu.memory_space<hbm>> -> memref<64xi32, #tpu.memory_space<hbm>>
      %dma_start3A_172 = tpu.memref_slice %arg4[%mul3A_168] : memref<327936xi32, #tpu.memory_space<hbm>> -> memref<64xi32, #tpu.memory_space<hbm>>
      tpu.enqueue_dma source(%dma_start3A_172 : memref<64xi32, #tpu.memory_space<hbm>>) target(%arg13 : memref<64xi32, #tpu.memory_space<vmem>>) target_semaphore(%arg24 : memref<!tpu.dma_semaphore, #tpu.memory_space<semaphore_mem>>)
      %dma_wait3A_173 = arith.constant 0 : i32
      %dma_wait3A_174 = tpu.memref_slice %arg3[%dma_wait3A_173] : memref<327936xi32, #tpu.memory_space<hbm>> -> memref<64xi32, #tpu.memory_space<hbm>>
      %dma_wait3A_175 = arith.constant 0 : i32
      %dma_wait3A_176 = tpu.memref_slice %arg3[%dma_wait3A_175] : memref<327936xi32, #tpu.memory_space<hbm>> -> memref<64xi32, #tpu.memory_space<hbm>>
      tpu.wait_dma2 semaphore(%arg23 : memref<!tpu.dma_semaphore, #tpu.memory_space<semaphore_mem>>) src(%dma_wait3A_176 : memref<64xi32, #tpu.memory_space<hbm>>) dst(%arg7 : memref<64xi32, #tpu.memory_space<vmem>>)
      %dma_wait3A_177 = arith.constant 0 : i32
      %dma_wait3A_178 = tpu.memref_slice %arg4[%dma_wait3A_177] : memref<327936xi32, #tpu.memory_space<hbm>> -> memref<64xi32, #tpu.memory_space<hbm>>
      %dma_wait3A_179 = arith.constant 0 : i32
      %dma_wait3A_180 = tpu.memref_slice %arg4[%dma_wait3A_179] : memref<327936xi32, #tpu.memory_space<hbm>> -> memref<64xi32, #tpu.memory_space<hbm>>
      tpu.wait_dma2 semaphore(%arg23 : memref<!tpu.dma_semaphore, #tpu.memory_space<semaphore_mem>>) src(%dma_wait3A_180 : memref<64xi32, #tpu.memory_space<hbm>>) dst(%arg12 : memref<64xi32, #tpu.memory_space<vmem>>)
      %dma_start3A_181 = arith.constant 0 : i32
      %dma_start3A_182 = arith.constant 0 : i32
      %dma_start3A_183 = tpu.memref_slice %arg2[%dma_start3A_181, %dma_start3A_182] : memref<10000x128xf32, #tpu.memory_space<hbm>> -> memref<10000x128xf32, #tpu.memory_space<hbm>>
      tpu.enqueue_indirect_dma source(%dma_start3A_183 : memref<10000x128xf32, #tpu.memory_space<hbm>>) target(%arg17 : memref<64x128xf32, #tpu.memory_space<vmem>>) offsets(%arg7 : memref<64xi32, #tpu.memory_space<vmem>>) semaphore(%arg28 : memref<!tpu.dma_semaphore, #tpu.memory_space<semaphore_mem>>)
      %dma_wait3A_184 = arith.constant 0 : i32
      %dma_wait3A_185 = arith.constant 0 : i32
      %dma_wait3A_186 = tpu.memref_slice %arg2[%dma_wait3A_184, %dma_wait3A_185] : memref<10000x128xf32, #tpu.memory_space<hbm>> -> memref<10000x128xf32, #tpu.memory_space<hbm>>
      tpu.wait_indirect_dma semaphore(%arg30 : memref<!tpu.dma_semaphore, #tpu.memory_space<semaphore_mem>>) src(%dma_wait3A_186 : memref<10000x128xf32, #tpu.memory_space<hbm>>) dst(%arg19 : memref<64x128xf32, #tpu.memory_space<vmem>>)
      "tpu.region"() ({
        %run_scoped3A = tpu.sem_alloc : memref<!tpu.dma_semaphore, #tpu.memory_space<semaphore_mem>>
        %dma_start3A_242 = arith.constant 0 : i32
        %dma_start3A_243 = arith.constant 0 : i32
        %dma_start3A_244 = tpu.memref_slice %arg22[%dma_start3A_242, %dma_start3A_243] : memref<10240x128xf32, #tpu.memory_space<vmem_shared>> -> memref<10240x128xf32, #tpu.memory_space<vmem_shared>>
        tpu.enqueue_indirect_dma source(%arg19 : memref<64x128xf32, #tpu.memory_space<vmem>>) target(%dma_start3A_244 : memref<10240x128xf32, #tpu.memory_space<vmem_shared>>) offsets(%arg14 : memref<64xi32, #tpu.memory_space<vmem>>) semaphore(%run_scoped3A : memref<!tpu.dma_semaphore, #tpu.memory_space<semaphore_mem>>) {add = true}
        %dma_wait3A_245 = arith.constant 0 : i32
        %dma_wait3A_246 = arith.constant 0 : i32
        %dma_wait3A_247 = tpu.memref_slice %arg22[%dma_wait3A_245, %dma_wait3A_246] : memref<10240x128xf32, #tpu.memory_space<vmem_shared>> -> memref<10240x128xf32, #tpu.memory_space<vmem_shared>>
        tpu.wait_indirect_dma semaphore(%run_scoped3A : memref<!tpu.dma_semaphore, #tpu.memory_space<semaphore_mem>>) src(%arg19 : memref<64x128xf32, #tpu.memory_space<vmem>>) dst(%dma_wait3A_247 : memref<10240x128xf32, #tpu.memory_space<vmem_shared>>)
        tpu.yield
      }) : () -> ()
      %add3A_187 = arith.constant 3 : i32
      %add3A_188 = arith.addi %mul3A_106, %add3A_187 : i32
      %add3A_189 = arith.constant 5 : i32
      %add3A_190 = arith.addi %add3A_188, %add3A_189 : i32
      %sub3A_191 = arith.constant 1 : i32
      %sub3A_192 = arith.subi %add3A_190, %sub3A_191 : i32
      %add3A_193 = arith.addi %select_n3A, %sub3A_192 : i32
      %mul3A_194 = arith.constant 64 : i32
      %mul3A_195 = arith.muli %add3A_193, %mul3A_194 : i32
      %dma_start3A_196 = tpu.memref_slice %arg3[%mul3A_195] : memref<327936xi32, #tpu.memory_space<hbm>> -> memref<64xi32, #tpu.memory_space<hbm>>
      %dma_start3A_197 = tpu.memref_slice %arg3[%mul3A_195] : memref<327936xi32, #tpu.memory_space<hbm>> -> memref<64xi32, #tpu.memory_space<hbm>>
      tpu.enqueue_dma source(%dma_start3A_197 : memref<64xi32, #tpu.memory_space<hbm>>) target(%arg9 : memref<64xi32, #tpu.memory_space<vmem>>) target_semaphore(%arg25 : memref<!tpu.dma_semaphore, #tpu.memory_space<semaphore_mem>>)
      %dma_start3A_198 = tpu.memref_slice %arg4[%mul3A_195] : memref<327936xi32, #tpu.memory_space<hbm>> -> memref<64xi32, #tpu.memory_space<hbm>>
      %dma_start3A_199 = tpu.memref_slice %arg4[%mul3A_195] : memref<327936xi32, #tpu.memory_space<hbm>> -> memref<64xi32, #tpu.memory_space<hbm>>
      tpu.enqueue_dma source(%dma_start3A_199 : memref<64xi32, #tpu.memory_space<hbm>>) target(%arg14 : memref<64xi32, #tpu.memory_space<vmem>>) target_semaphore(%arg25 : memref<!tpu.dma_semaphore, #tpu.memory_space<semaphore_mem>>)
      %dma_wait3A_200 = arith.constant 0 : i32
      %dma_wait3A_201 = tpu.memref_slice %arg3[%dma_wait3A_200] : memref<327936xi32, #tpu.memory_space<hbm>> -> memref<64xi32, #tpu.memory_space<hbm>>
      %dma_wait3A_202 = arith.constant 0 : i32
      %dma_wait3A_203 = tpu.memref_slice %arg3[%dma_wait3A_202] : memref<327936xi32, #tpu.memory_space<hbm>> -> memref<64xi32, #tpu.memory_space<hbm>>
      tpu.wait_dma2 semaphore(%arg24 : memref<!tpu.dma_semaphore, #tpu.memory_space<semaphore_mem>>) src(%dma_wait3A_203 : memref<64xi32, #tpu.memory_space<hbm>>) dst(%arg8 : memref<64xi32, #tpu.memory_space<vmem>>)
      %dma_wait3A_204 = arith.constant 0 : i32
      %dma_wait3A_205 = tpu.memref_slice %arg4[%dma_wait3A_204] : memref<327936xi32, #tpu.memory_space<hbm>> -> memref<64xi32, #tpu.memory_space<hbm>>
      %dma_wait3A_206 = arith.constant 0 : i32
      %dma_wait3A_207 = tpu.memref_slice %arg4[%dma_wait3A_206] : memref<327936xi32, #tpu.memory_space<hbm>> -> memref<64xi32, #tpu.memory_space<hbm>>
      tpu.wait_dma2 semaphore(%arg24 : memref<!tpu.dma_semaphore, #tpu.memory_space<semaphore_mem>>) src(%dma_wait3A_207 : memref<64xi32, #tpu.memory_space<hbm>>) dst(%arg13 : memref<64xi32, #tpu.memory_space<vmem>>)
      %dma_start3A_208 = arith.constant 0 : i32
      %dma_start3A_209 = arith.constant 0 : i32
      %dma_start3A_210 = tpu.memref_slice %arg2[%dma_start3A_208, %dma_start3A_209] : memref<10000x128xf32, #tpu.memory_space<hbm>> -> memref<10000x128xf32, #tpu.memory_space<hbm>>
      tpu.enqueue_indirect_dma source(%dma_start3A_210 : memref<10000x128xf32, #tpu.memory_space<hbm>>) target(%arg18 : memref<64x128xf32, #tpu.memory_space<vmem>>) offsets(%arg8 : memref<64xi32, #tpu.memory_space<vmem>>) semaphore(%arg29 : memref<!tpu.dma_semaphore, #tpu.memory_space<semaphore_mem>>)
      %dma_wait3A_211 = arith.constant 0 : i32
      %dma_wait3A_212 = arith.constant 0 : i32
      %dma_wait3A_213 = tpu.memref_slice %arg2[%dma_wait3A_211, %dma_wait3A_212] : memref<10000x128xf32, #tpu.memory_space<hbm>> -> memref<10000x128xf32, #tpu.memory_space<hbm>>
      tpu.wait_indirect_dma semaphore(%arg31 : memref<!tpu.dma_semaphore, #tpu.memory_space<semaphore_mem>>) src(%dma_wait3A_213 : memref<10000x128xf32, #tpu.memory_space<hbm>>) dst(%arg20 : memref<64x128xf32, #tpu.memory_space<vmem>>)
      "tpu.region"() ({
        %run_scoped3A = tpu.sem_alloc : memref<!tpu.dma_semaphore, #tpu.memory_space<semaphore_mem>>
        %dma_start3A_242 = arith.constant 0 : i32
        %dma_start3A_243 = arith.constant 0 : i32
        %dma_start3A_244 = tpu.memref_slice %arg22[%dma_start3A_242, %dma_start3A_243] : memref<10240x128xf32, #tpu.memory_space<vmem_shared>> -> memref<10240x128xf32, #tpu.memory_space<vmem_shared>>
        tpu.enqueue_indirect_dma source(%arg20 : memref<64x128xf32, #tpu.memory_space<vmem>>) target(%dma_start3A_244 : memref<10240x128xf32, #tpu.memory_space<vmem_shared>>) offsets(%arg15 : memref<64xi32, #tpu.memory_space<vmem>>) semaphore(%run_scoped3A : memref<!tpu.dma_semaphore, #tpu.memory_space<semaphore_mem>>) {add = true}
        %dma_wait3A_245 = arith.constant 0 : i32
        %dma_wait3A_246 = arith.constant 0 : i32
        %dma_wait3A_247 = tpu.memref_slice %arg22[%dma_wait3A_245, %dma_wait3A_246] : memref<10240x128xf32, #tpu.memory_space<vmem_shared>> -> memref<10240x128xf32, #tpu.memory_space<vmem_shared>>
        tpu.wait_indirect_dma semaphore(%run_scoped3A : memref<!tpu.dma_semaphore, #tpu.memory_space<semaphore_mem>>) src(%arg20 : memref<64x128xf32, #tpu.memory_space<vmem>>) dst(%dma_wait3A_247 : memref<10240x128xf32, #tpu.memory_space<vmem_shared>>)
        tpu.yield
      }) : () -> ()
      %add3A_214 = arith.constant 4 : i32
      %add3A_215 = arith.addi %mul3A_106, %add3A_214 : i32
      %add3A_216 = arith.constant 5 : i32
      %add3A_217 = arith.addi %add3A_215, %add3A_216 : i32
      %sub3A_218 = arith.constant 1 : i32
      %sub3A_219 = arith.subi %add3A_217, %sub3A_218 : i32
      %add3A_220 = arith.addi %select_n3A, %sub3A_219 : i32
      %mul3A_221 = arith.constant 64 : i32
      %mul3A_222 = arith.muli %add3A_220, %mul3A_221 : i32
      %dma_start3A_223 = tpu.memref_slice %arg3[%mul3A_222] : memref<327936xi32, #tpu.memory_space<hbm>> -> memref<64xi32, #tpu.memory_space<hbm>>
      %dma_start3A_224 = tpu.memref_slice %arg3[%mul3A_222] : memref<327936xi32, #tpu.memory_space<hbm>> -> memref<64xi32, #tpu.memory_space<hbm>>
      tpu.enqueue_dma source(%dma_start3A_224 : memref<64xi32, #tpu.memory_space<hbm>>) target(%arg10 : memref<64xi32, #tpu.memory_space<vmem>>) target_semaphore(%arg26 : memref<!tpu.dma_semaphore, #tpu.memory_space<semaphore_mem>>)
      %dma_start3A_225 = tpu.memref_slice %arg4[%mul3A_222] : memref<327936xi32, #tpu.memory_space<hbm>> -> memref<64xi32, #tpu.memory_space<hbm>>
      %dma_start3A_226 = tpu.memref_slice %arg4[%mul3A_222] : memref<327936xi32, #tpu.memory_space<hbm>> -> memref<64xi32, #tpu.memory_space<hbm>>
      tpu.enqueue_dma source(%dma_start3A_226 : memref<64xi32, #tpu.memory_space<hbm>>) target(%arg15 : memref<64xi32, #tpu.memory_space<vmem>>) target_semaphore(%arg26 : memref<!tpu.dma_semaphore, #tpu.memory_space<semaphore_mem>>)
      %dma_wait3A_227 = arith.constant 0 : i32
      %dma_wait3A_228 = tpu.memref_slice %arg3[%dma_wait3A_227] : memref<327936xi32, #tpu.memory_space<hbm>> -> memref<64xi32, #tpu.memory_space<hbm>>
      %dma_wait3A_229 = arith.constant 0 : i32
      %dma_wait3A_230 = tpu.memref_slice %arg3[%dma_wait3A_229] : memref<327936xi32, #tpu.memory_space<hbm>> -> memref<64xi32, #tpu.memory_space<hbm>>
      tpu.wait_dma2 semaphore(%arg25 : memref<!tpu.dma_semaphore, #tpu.memory_space<semaphore_mem>>) src(%dma_wait3A_230 : memref<64xi32, #tpu.memory_space<hbm>>) dst(%arg9 : memref<64xi32, #tpu.memory_space<vmem>>)
      %dma_wait3A_231 = arith.constant 0 : i32
      %dma_wait3A_232 = tpu.memref_slice %arg4[%dma_wait3A_231] : memref<327936xi32, #tpu.memory_space<hbm>> -> memref<64xi32, #tpu.memory_space<hbm>>
      %dma_wait3A_233 = arith.constant 0 : i32
      %dma_wait3A_234 = tpu.memref_slice %arg4[%dma_wait3A_233] : memref<327936xi32, #tpu.memory_space<hbm>> -> memref<64xi32, #tpu.memory_space<hbm>>
      tpu.wait_dma2 semaphore(%arg25 : memref<!tpu.dma_semaphore, #tpu.memory_space<semaphore_mem>>) src(%dma_wait3A_234 : memref<64xi32, #tpu.memory_space<hbm>>) dst(%arg14 : memref<64xi32, #tpu.memory_space<vmem>>)
      %dma_start3A_235 = arith.constant 0 : i32
      %dma_start3A_236 = arith.constant 0 : i32
      %dma_start3A_237 = tpu.memref_slice %arg2[%dma_start3A_235, %dma_start3A_236] : memref<10000x128xf32, #tpu.memory_space<hbm>> -> memref<10000x128xf32, #tpu.memory_space<hbm>>
      tpu.enqueue_indirect_dma source(%dma_start3A_237 : memref<10000x128xf32, #tpu.memory_space<hbm>>) target(%arg19 : memref<64x128xf32, #tpu.memory_space<vmem>>) offsets(%arg9 : memref<64xi32, #tpu.memory_space<vmem>>) semaphore(%arg30 : memref<!tpu.dma_semaphore, #tpu.memory_space<semaphore_mem>>)
      %dma_wait3A_238 = arith.constant 0 : i32
      %dma_wait3A_239 = arith.constant 0 : i32
      %dma_wait3A_240 = tpu.memref_slice %arg2[%dma_wait3A_238, %dma_wait3A_239] : memref<10000x128xf32, #tpu.memory_space<hbm>> -> memref<10000x128xf32, #tpu.memory_space<hbm>>
      tpu.wait_indirect_dma semaphore(%arg32 : memref<!tpu.dma_semaphore, #tpu.memory_space<semaphore_mem>>) src(%dma_wait3A_240 : memref<10000x128xf32, #tpu.memory_space<hbm>>) dst(%arg21 : memref<64x128xf32, #tpu.memory_space<vmem>>)
      "tpu.region"() ({
        %run_scoped3A = tpu.sem_alloc : memref<!tpu.dma_semaphore, #tpu.memory_space<semaphore_mem>>
        %dma_start3A_242 = arith.constant 0 : i32
        %dma_start3A_243 = arith.constant 0 : i32
        %dma_start3A_244 = tpu.memref_slice %arg22[%dma_start3A_242, %dma_start3A_243] : memref<10240x128xf32, #tpu.memory_space<vmem_shared>> -> memref<10240x128xf32, #tpu.memory_space<vmem_shared>>
        tpu.enqueue_indirect_dma source(%arg21 : memref<64x128xf32, #tpu.memory_space<vmem>>) target(%dma_start3A_244 : memref<10240x128xf32, #tpu.memory_space<vmem_shared>>) offsets(%arg16 : memref<64xi32, #tpu.memory_space<vmem>>) semaphore(%run_scoped3A : memref<!tpu.dma_semaphore, #tpu.memory_space<semaphore_mem>>) {add = true}
        %dma_wait3A_245 = arith.constant 0 : i32
        %dma_wait3A_246 = arith.constant 0 : i32
        %dma_wait3A_247 = tpu.memref_slice %arg22[%dma_wait3A_245, %dma_wait3A_246] : memref<10240x128xf32, #tpu.memory_space<vmem_shared>> -> memref<10240x128xf32, #tpu.memory_space<vmem_shared>>
        tpu.wait_indirect_dma semaphore(%run_scoped3A : memref<!tpu.dma_semaphore, #tpu.memory_space<semaphore_mem>>) src(%arg21 : memref<64x128xf32, #tpu.memory_space<vmem>>) dst(%dma_wait3A_247 : memref<10240x128xf32, #tpu.memory_space<vmem_shared>>)
        tpu.yield
      }) : () -> ()
      %while3A_241 = arith.constant 0 : i32
      scf.yield %while3A_241 : i32
    }
    %dma_wait3A_85 = arith.constant 0 : i32
    %dma_wait3A_86 = tpu.memref_slice %arg3[%dma_wait3A_85] : memref<327936xi32, #tpu.memory_space<hbm>> -> memref<64xi32, #tpu.memory_space<hbm>>
    %dma_wait3A_87 = arith.constant 0 : i32
    %dma_wait3A_88 = tpu.memref_slice %arg3[%dma_wait3A_87] : memref<327936xi32, #tpu.memory_space<hbm>> -> memref<64xi32, #tpu.memory_space<hbm>>
    tpu.wait_dma2 semaphore(%arg26 : memref<!tpu.dma_semaphore, #tpu.memory_space<semaphore_mem>>) src(%dma_wait3A_88 : memref<64xi32, #tpu.memory_space<hbm>>) dst(%arg10 : memref<64xi32, #tpu.memory_space<vmem>>)
    %dma_wait3A_89 = arith.constant 0 : i32
    %dma_wait3A_90 = tpu.memref_slice %arg4[%dma_wait3A_89] : memref<327936xi32, #tpu.memory_space<hbm>> -> memref<64xi32, #tpu.memory_space<hbm>>
    %dma_wait3A_91 = arith.constant 0 : i32
    %dma_wait3A_92 = tpu.memref_slice %arg4[%dma_wait3A_91] : memref<327936xi32, #tpu.memory_space<hbm>> -> memref<64xi32, #tpu.memory_space<hbm>>
    tpu.wait_dma2 semaphore(%arg26 : memref<!tpu.dma_semaphore, #tpu.memory_space<semaphore_mem>>) src(%dma_wait3A_92 : memref<64xi32, #tpu.memory_space<hbm>>) dst(%arg15 : memref<64xi32, #tpu.memory_space<vmem>>)
    %dma_wait3A_93 = arith.constant 0 : i32
    %dma_wait3A_94 = arith.constant 0 : i32
    %dma_wait3A_95 = tpu.memref_slice %arg2[%dma_wait3A_93, %dma_wait3A_94] : memref<10000x128xf32, #tpu.memory_space<hbm>> -> memref<10000x128xf32, #tpu.memory_space<hbm>>
    tpu.wait_indirect_dma semaphore(%arg28 : memref<!tpu.dma_semaphore, #tpu.memory_space<semaphore_mem>>) src(%dma_wait3A_95 : memref<10000x128xf32, #tpu.memory_space<hbm>>) dst(%arg17 : memref<64x128xf32, #tpu.memory_space<vmem>>)
    %dma_wait3A_96 = arith.constant 0 : i32
    %dma_wait3A_97 = arith.constant 0 : i32
    %dma_wait3A_98 = tpu.memref_slice %arg2[%dma_wait3A_96, %dma_wait3A_97] : memref<10000x128xf32, #tpu.memory_space<hbm>> -> memref<10000x128xf32, #tpu.memory_space<hbm>>
    tpu.wait_indirect_dma semaphore(%arg29 : memref<!tpu.dma_semaphore, #tpu.memory_space<semaphore_mem>>) src(%dma_wait3A_98 : memref<10000x128xf32, #tpu.memory_space<hbm>>) dst(%arg18 : memref<64x128xf32, #tpu.memory_space<vmem>>)
    %dma_wait3A_99 = arith.constant 0 : i32
    %dma_wait3A_100 = arith.constant 0 : i32
    %dma_wait3A_101 = tpu.memref_slice %arg2[%dma_wait3A_99, %dma_wait3A_100] : memref<10000x128xf32, #tpu.memory_space<hbm>> -> memref<10000x128xf32, #tpu.memory_space<hbm>>
    tpu.wait_indirect_dma semaphore(%arg30 : memref<!tpu.dma_semaphore, #tpu.memory_space<semaphore_mem>>) src(%dma_wait3A_101 : memref<10000x128xf32, #tpu.memory_space<hbm>>) dst(%arg19 : memref<64x128xf32, #tpu.memory_space<vmem>>)
    %barrier3A_102 = arith.constant 0 : index
    tpu.barrier barrier_id(%barrier3A_102)
    "tpu.region"() ({
      %run_scoped3A = tpu.sem_alloc : memref<!tpu.dma_semaphore, #tpu.memory_space<semaphore_mem>>
      %dma_start3A_103 = arith.constant 0 : i32
      %dma_start3A_104 = tpu.memref_slice %arg6[%arg0, %mul3A_0, %dma_start3A_103] : memref<2x10240x128xf32, #tpu.memory_space<hbm>> -> memref<1x640x128xf32, #tpu.memory_space<hbm>>
      %dma_start3A_105 = tpu.memref_squeeze %dma_start3A_104 : memref<1x640x128xf32, #tpu.memory_space<hbm>> -> memref<640x128xf32, #tpu.memory_space<hbm>>
      %dma_start3A_106 = arith.constant 0 : i32
      %dma_start3A_107 = tpu.memref_slice %arg22[%mul3A_0, %dma_start3A_106] : memref<10240x128xf32, #tpu.memory_space<vmem_shared>> -> memref<640x128xf32, #tpu.memory_space<vmem_shared>>
      tpu.enqueue_dma source(%dma_start3A_107 : memref<640x128xf32, #tpu.memory_space<vmem_shared>>) target(%dma_start3A_105 : memref<640x128xf32, #tpu.memory_space<hbm>>) target_semaphore(%run_scoped3A : memref<!tpu.dma_semaphore, #tpu.memory_space<semaphore_mem>>)
      %dma_wait3A_108 = arith.constant 0 : i32
      %dma_wait3A_109 = tpu.memref_slice %arg6[%arg0, %mul3A_0, %dma_wait3A_108] : memref<2x10240x128xf32, #tpu.memory_space<hbm>> -> memref<1x640x128xf32, #tpu.memory_space<hbm>>
      %dma_wait3A_110 = tpu.memref_squeeze %dma_wait3A_109 : memref<1x640x128xf32, #tpu.memory_space<hbm>> -> memref<640x128xf32, #tpu.memory_space<hbm>>
      %dma_wait3A_111 = arith.constant 0 : i32
      %dma_wait3A_112 = tpu.memref_slice %arg22[%mul3A_0, %dma_wait3A_111] : memref<10240x128xf32, #tpu.memory_space<vmem_shared>> -> memref<640x128xf32, #tpu.memory_space<vmem_shared>>
      tpu.wait_dma2 semaphore(%run_scoped3A : memref<!tpu.dma_semaphore, #tpu.memory_space<semaphore_mem>>) src(%dma_wait3A_112 : memref<640x128xf32, #tpu.memory_space<vmem_shared>>) dst(%dma_wait3A_110 : memref<640x128xf32, #tpu.memory_space<hbm>>)
      tpu.yield
    }) : () -> ()
    return
  }
}

module attributes {stable_mosaic.version = 14 : i64} {
  func.func @_finalize_body(%arg0: i32, %arg1: memref<2x1000x128xf32, #tpu.memory_space<vmem>>, %arg2: memref<1000x128xf32, #tpu.memory_space<vmem>>) attributes {dimension_semantics = [#tpu.dimension_semantics<arbitrary>], iteration_bounds = array<i64: 10>, scalar_prefetch = 0 : i64, scratch_operands = 0 : i64, tpu.core_type = #tpu.core_type<tc>, window_params = [{transform_indices = @transform_0, window_bounds = array<i64: 2, 1000, 128>}, {transform_indices = @transform_1, window_bounds = array<i64: 1000, 128>}]} {
    %get3A = arith.constant 0 : index
    %get3A_0 = arith.constant 0 : index
    %get3A_1 = arith.constant 0 : index
    %get3A_2 = vector.load %arg1[%get3A, %get3A_0, %get3A_1] : memref<2x1000x128xf32, #tpu.memory_space<vmem>>, vector<1x1000x128xf32>
    %get3A_3 = vector.shape_cast %get3A_2 : vector<1x1000x128xf32> to vector<1000x128xf32>
    %get3A_4 = arith.constant 1 : index
    %get3A_5 = arith.constant 0 : index
    %get3A_6 = arith.constant 0 : index
    %get3A_7 = vector.load %arg1[%get3A_4, %get3A_5, %get3A_6] : memref<2x1000x128xf32, #tpu.memory_space<vmem>>, vector<1x1000x128xf32>
    %get3A_8 = vector.shape_cast %get3A_7 : vector<1x1000x128xf32> to vector<1000x128xf32>
    %add3A = arith.addf %get3A_3, %get3A_8 : vector<1000x128xf32>
    %add3A_9 = arith.constant 1.000000e+00 : f32
    %add3A_10 = vector.broadcast %add3A_9 : f32 to vector<1000x128xf32>
    %add3A_11 = arith.addf %add3A, %add3A_10 : vector<1000x128xf32>
    %rsqrt3A = math.rsqrt %add3A_11 : vector<1000x128xf32>
    %swap3A = arith.constant 0 : index
    %swap3A_12 = arith.constant 0 : index
    %swap3A_13 = vector.load %arg2[%swap3A, %swap3A_12] : memref<1000x128xf32, #tpu.memory_space<vmem>>, vector<1000x128xf32>
    tpu.vector_store %arg2[%swap3A, %swap3A_12], %rsqrt3A {strides = array<i32>} : memref<1000x128xf32, #tpu.memory_space<vmem>>, vector<1000x128xf32>,
    return
  }
  func.func @transform_0(%arg0: i32) -> (i32, i32, i32) {
    %c0_i32 = arith.constant 0 : i32
    %c0_i32_0 = arith.constant 0 : i32
    %c0_i32_1 = arith.constant 0 : i32
    return %c0_i32, %arg0, %c0_i32_0 : i32, i32, i32
  }
  func.func @transform_1(%arg0: i32) -> (i32, i32) {
    %c0_i32 = arith.constant 0 : i32
    %c0_i32_0 = arith.constant 0 : i32
    return %arg0, %c0_i32 : i32, i32
  }
}

module attributes {stable_mosaic.version = 14 : i64} {
  func.func @_prologue_body(%arg0: i32, %arg1: memref<1000x128xf32, #tpu.memory_space<vmem>>, %arg2: memref<1000x128xf32, #tpu.memory_space<vmem>>, %arg3: memref<1000x128xf32, #tpu.memory_space<vmem>>) attributes {dimension_semantics = [#tpu.dimension_semantics<arbitrary>], iteration_bounds = array<i64: 10>, scalar_prefetch = 0 : i64, scratch_operands = 0 : i64, tpu.core_type = #tpu.core_type<tc>, window_params = [{transform_indices = @transform_0, window_bounds = array<i64: 1000, 128>}, {transform_indices = @transform_1, window_bounds = array<i64: 1000, 128>}, {transform_indices = @transform_2, window_bounds = array<i64: 1000, 128>}]} {
    %get3A = arith.constant 0 : index
    %get3A_0 = arith.constant 0 : index
    %get3A_1 = vector.load %arg1[%get3A, %get3A_0] : memref<1000x128xf32, #tpu.memory_space<vmem>>, vector<1000x128xf32>
    %get3A_2 = arith.constant 0 : index
    %get3A_3 = arith.constant 0 : index
    %get3A_4 = vector.load %arg2[%get3A_2, %get3A_3] : memref<1000x128xf32, #tpu.memory_space<vmem>>, vector<1000x128xf32>
    %mul3A = arith.mulf %get3A_1, %get3A_4 : vector<1000x128xf32>
    %swap3A = arith.constant 0 : index
    %swap3A_5 = arith.constant 0 : index
    %swap3A_6 = vector.load %arg3[%swap3A, %swap3A_5] : memref<1000x128xf32, #tpu.memory_space<vmem>>, vector<1000x128xf32>
    tpu.vector_store %arg3[%swap3A, %swap3A_5], %mul3A {strides = array<i32>} : memref<1000x128xf32, #tpu.memory_space<vmem>>, vector<1000x128xf32>,
    return
  }
  func.func @transform_0(%arg0: i32) -> (i32, i32) {
    %c0_i32 = arith.constant 0 : i32
    %c0_i32_0 = arith.constant 0 : i32
    return %arg0, %c0_i32 : i32, i32
  }
  func.func @transform_1(%arg0: i32) -> (i32, i32) {
    %c0_i32 = arith.constant 0 : i32
    %c0_i32_0 = arith.constant 0 : i32
    return %arg0, %c0_i32 : i32, i32
  }
  func.func @transform_2(%arg0: i32) -> (i32, i32) {
    %c0_i32 = arith.constant 0 : i32
    %c0_i32_0 = arith.constant 0 : i32
    return %arg0, %c0_i32 : i32, i32
  }
}

module attributes {stable_mosaic.version = 14 : i64} {
  func.func @_layer_body(%arg0: i32, %arg1: memref<2x1000x128xf32, #tpu.memory_space<vmem>>, %arg2: memref<1000x128xf32, #tpu.memory_space<vmem>>, %arg3: memref<1000x128xf32, #tpu.memory_space<vmem>>, %arg4: memref<1000x128xf32, #tpu.memory_space<vmem>>, %arg5: memref<128x128xf32, #tpu.memory_space<vmem>>, %arg6: memref<1x128xf32, #tpu.memory_space<vmem>>, %arg7: memref<1000x128xf32, #tpu.memory_space<vmem>>) attributes {dimension_semantics = [#tpu.dimension_semantics<arbitrary>], iteration_bounds = array<i64: 10>, scalar_prefetch = 0 : i64, scratch_operands = 0 : i64, tpu.core_type = #tpu.core_type<tc>, window_params = [{transform_indices = @transform_0, window_bounds = array<i64: 2, 1000, 128>}, {transform_indices = @transform_1, window_bounds = array<i64: 1000, 128>}, {transform_indices = @transform_2, window_bounds = array<i64: 1000, 128>}, {transform_indices = @transform_3, window_bounds = array<i64: 1000, 128>}, {pipeline_mode = #tpu.pipeline_mode<synchronous>, transform_indices = @transform_4, window_bounds = array<i64: 128, 128>}, {pipeline_mode = #tpu.pipeline_mode<synchronous>, transform_indices = @transform_5, window_bounds = array<i64: 1, 128>}, {transform_indices = @transform_6, window_bounds = array<i64: 1000, 128>}]} {
    %get3A = arith.constant 0 : index
    %get3A_0 = arith.constant 0 : index
    %get3A_1 = arith.constant 0 : index
    %get3A_2 = vector.load %arg1[%get3A, %get3A_0, %get3A_1] : memref<2x1000x128xf32, #tpu.memory_space<vmem>>, vector<1x1000x128xf32>
    %get3A_3 = vector.shape_cast %get3A_2 : vector<1x1000x128xf32> to vector<1000x128xf32>
    %get3A_4 = arith.constant 1 : index
    %get3A_5 = arith.constant 0 : index
    %get3A_6 = arith.constant 0 : index
    %get3A_7 = vector.load %arg1[%get3A_4, %get3A_5, %get3A_6] : memref<2x1000x128xf32, #tpu.memory_space<vmem>>, vector<1x1000x128xf32>
    %get3A_8 = vector.shape_cast %get3A_7 : vector<1x1000x128xf32> to vector<1000x128xf32>
    %add3A = arith.addf %get3A_3, %get3A_8 : vector<1000x128xf32>
    %get3A_9 = arith.constant 0 : index
    %get3A_10 = arith.constant 0 : index
    %get3A_11 = vector.load %arg2[%get3A_9, %get3A_10] : memref<1000x128xf32, #tpu.memory_space<vmem>>, vector<1000x128xf32>
    %add3A_12 = arith.addf %add3A, %get3A_11 : vector<1000x128xf32>
    %get3A_13 = arith.constant 0 : index
    %get3A_14 = arith.constant 0 : index
    %get3A_15 = vector.load %arg4[%get3A_13, %get3A_14] : memref<1000x128xf32, #tpu.memory_space<vmem>>, vector<1000x128xf32>
    %mul3A = arith.mulf %add3A_12, %get3A_15 : vector<1000x128xf32>
    %get3A_16 = arith.constant 0 : index
    %get3A_17 = arith.constant 0 : index
    %get3A_18 = vector.load %arg5[%get3A_16, %get3A_17] : memref<128x128xf32, #tpu.memory_space<vmem>>, vector<128x128xf32>
    %dot_general3A = arith.constant dense<0.000000e+00> : vector<1000x128xf32>
    %dot_general3A_19 = tpu.matmul %mul3A, %get3A_18, %dot_general3A {dimension_numbers = #tpu.dot_dimension_numbers<[1], [0], [0], [1], [0, 0, 1, 1], [], []>, transpose_lhs_hint = false} : vector<1000x128xf32>, vector<128x128xf32>, vector<1000x128xf32> -> vector<1000x128xf32>
    %get3A_20 = arith.constant 0 : index
    %get3A_21 = arith.constant 0 : index
    %get3A_22 = vector.load %arg6[%get3A_20, %get3A_21] : memref<1x128xf32, #tpu.memory_space<vmem>>, vector<1x128xf32>
    %add3A_23 = vector.broadcast %get3A_22 : vector<1x128xf32> to vector<1000x128xf32>
    %add3A_24 = arith.addf %dot_general3A_19, %add3A_23 : vector<1000x128xf32>
    %max3A = arith.constant 0.000000e+00 : f32
    %max3A_25 = vector.broadcast %max3A : f32 to vector<1000x128xf32>
    %max3A_26 = arith.maximumf %add3A_24, %max3A_25 : vector<1000x128xf32>
    %get3A_27 = arith.constant 0 : index
    %get3A_28 = arith.constant 0 : index
    %get3A_29 = vector.load %arg3[%get3A_27, %get3A_28] : memref<1000x128xf32, #tpu.memory_space<vmem>>, vector<1000x128xf32>
    %mul3A_30 = arith.mulf %max3A_26, %get3A_29 : vector<1000x128xf32>
    %swap3A = arith.constant 0 : index
    %swap3A_31 = arith.constant 0 : index
    %swap3A_32 = vector.load %arg7[%swap3A, %swap3A_31] : memref<1000x128xf32, #tpu.memory_space<vmem>>, vector<1000x128xf32>
    tpu.vector_store %arg7[%swap3A, %swap3A_31], %mul3A_30 {strides = array<i32>} : memref<1000x128xf32, #tpu.memory_space<vmem>>, vector<1000x128xf32>,
    return
  }
  func.func @transform_0(%arg0: i32) -> (i32, i32, i32) {
    %c0_i32 = arith.constant 0 : i32
    %c0_i32_0 = arith.constant 0 : i32
    %c0_i32_1 = arith.constant 0 : i32
    return %c0_i32, %arg0, %c0_i32_0 : i32, i32, i32
  }
  func.func @transform_1(%arg0: i32) -> (i32, i32) {
    %c0_i32 = arith.constant 0 : i32
    %c0_i32_0 = arith.constant 0 : i32
    return %arg0, %c0_i32 : i32, i32
  }
  func.func @transform_2(%arg0: i32) -> (i32, i32) {
    %c0_i32 = arith.constant 0 : i32
    %c0_i32_0 = arith.constant 0 : i32
    return %arg0, %c0_i32 : i32, i32
  }
  func.func @transform_3(%arg0: i32) -> (i32, i32) {
    %c0_i32 = arith.constant 0 : i32
    %c0_i32_0 = arith.constant 0 : i32
    return %arg0, %c0_i32 : i32, i32
  }
  func.func @transform_4(%arg0: i32) -> (i32, i32) {
    %c0_i32 = arith.constant 0 : i32
    %c0_i32_0 = arith.constant 0 : i32
    %c0_i32_1 = arith.constant 0 : i32
    return %c0_i32, %c0_i32_0 : i32, i32
  }
  func.func @transform_5(%arg0: i32) -> (i32, i32) {
    %c0_i32 = arith.constant 0 : i32
    %c0_i32_0 = arith.constant 0 : i32
    %c0_i32_1 = arith.constant 0 : i32
    return %c0_i32, %c0_i32_0 : i32, i32
  }
  func.func @transform_6(%arg0: i32) -> (i32, i32) {
    %c0_i32 = arith.constant 0 : i32
    %c0_i32_0 = arith.constant 0 : i32
    return %arg0, %c0_i32 : i32, i32
  }
}

module attributes {stable_mosaic.version = 14 : i64} {
  func.func @_layer_body(%arg0: i32, %arg1: memref<2x1000x128xf32, #tpu.memory_space<vmem>>, %arg2: memref<1000x128xf32, #tpu.memory_space<vmem>>, %arg3: memref<1000x128xf32, #tpu.memory_space<vmem>>, %arg4: memref<1000x128xf32, #tpu.memory_space<vmem>>, %arg5: memref<128x128xf32, #tpu.memory_space<vmem>>, %arg6: memref<1x128xf32, #tpu.memory_space<vmem>>, %arg7: memref<1000x128xf32, #tpu.memory_space<vmem>>) attributes {dimension_semantics = [#tpu.dimension_semantics<arbitrary>], iteration_bounds = array<i64: 10>, scalar_prefetch = 0 : i64, scratch_operands = 0 : i64, tpu.core_type = #tpu.core_type<tc>, window_params = [{transform_indices = @transform_0, window_bounds = array<i64: 2, 1000, 128>}, {transform_indices = @transform_1, window_bounds = array<i64: 1000, 128>}, {transform_indices = @transform_2, window_bounds = array<i64: 1000, 128>}, {transform_indices = @transform_3, window_bounds = array<i64: 1000, 128>}, {pipeline_mode = #tpu.pipeline_mode<synchronous>, transform_indices = @transform_4, window_bounds = array<i64: 128, 128>}, {pipeline_mode = #tpu.pipeline_mode<synchronous>, transform_indices = @transform_5, window_bounds = array<i64: 1, 128>}, {transform_indices = @transform_6, window_bounds = array<i64: 1000, 128>}]} {
    %get3A = arith.constant 0 : index
    %get3A_0 = arith.constant 0 : index
    %get3A_1 = arith.constant 0 : index
    %get3A_2 = vector.load %arg1[%get3A, %get3A_0, %get3A_1] : memref<2x1000x128xf32, #tpu.memory_space<vmem>>, vector<1x1000x128xf32>
    %get3A_3 = vector.shape_cast %get3A_2 : vector<1x1000x128xf32> to vector<1000x128xf32>
    %get3A_4 = arith.constant 1 : index
    %get3A_5 = arith.constant 0 : index
    %get3A_6 = arith.constant 0 : index
    %get3A_7 = vector.load %arg1[%get3A_4, %get3A_5, %get3A_6] : memref<2x1000x128xf32, #tpu.memory_space<vmem>>, vector<1x1000x128xf32>
    %get3A_8 = vector.shape_cast %get3A_7 : vector<1x1000x128xf32> to vector<1000x128xf32>
    %add3A = arith.addf %get3A_3, %get3A_8 : vector<1000x128xf32>
    %get3A_9 = arith.constant 0 : index
    %get3A_10 = arith.constant 0 : index
    %get3A_11 = vector.load %arg2[%get3A_9, %get3A_10] : memref<1000x128xf32, #tpu.memory_space<vmem>>, vector<1000x128xf32>
    %add3A_12 = arith.addf %add3A, %get3A_11 : vector<1000x128xf32>
    %get3A_13 = arith.constant 0 : index
    %get3A_14 = arith.constant 0 : index
    %get3A_15 = vector.load %arg4[%get3A_13, %get3A_14] : memref<1000x128xf32, #tpu.memory_space<vmem>>, vector<1000x128xf32>
    %mul3A = arith.mulf %add3A_12, %get3A_15 : vector<1000x128xf32>
    %get3A_16 = arith.constant 0 : index
    %get3A_17 = arith.constant 0 : index
    %get3A_18 = vector.load %arg5[%get3A_16, %get3A_17] : memref<128x128xf32, #tpu.memory_space<vmem>>, vector<128x128xf32>
    %dot_general3A = arith.constant dense<0.000000e+00> : vector<1000x128xf32>
    %dot_general3A_19 = tpu.matmul %mul3A, %get3A_18, %dot_general3A {dimension_numbers = #tpu.dot_dimension_numbers<[1], [0], [0], [1], [0, 0, 1, 1], [], []>, transpose_lhs_hint = false} : vector<1000x128xf32>, vector<128x128xf32>, vector<1000x128xf32> -> vector<1000x128xf32>
    %get3A_20 = arith.constant 0 : index
    %get3A_21 = arith.constant 0 : index
    %get3A_22 = vector.load %arg6[%get3A_20, %get3A_21] : memref<1x128xf32, #tpu.memory_space<vmem>>, vector<1x128xf32>
    %add3A_23 = vector.broadcast %get3A_22 : vector<1x128xf32> to vector<1000x128xf32>
    %add3A_24 = arith.addf %dot_general3A_19, %add3A_23 : vector<1000x128xf32>
    %swap3A = arith.constant 0 : index
    %swap3A_25 = arith.constant 0 : index
    %swap3A_26 = vector.load %arg7[%swap3A, %swap3A_25] : memref<1000x128xf32, #tpu.memory_space<vmem>>, vector<1000x128xf32>
    tpu.vector_store %arg7[%swap3A, %swap3A_25], %add3A_24 {strides = array<i32>} : memref<1000x128xf32, #tpu.memory_space<vmem>>, vector<1000x128xf32>,
    return
  }
  func.func @transform_0(%arg0: i32) -> (i32, i32, i32) {
    %c0_i32 = arith.constant 0 : i32
    %c0_i32_0 = arith.constant 0 : i32
    %c0_i32_1 = arith.constant 0 : i32
    return %c0_i32, %arg0, %c0_i32_0 : i32, i32, i32
  }
  func.func @transform_1(%arg0: i32) -> (i32, i32) {
    %c0_i32 = arith.constant 0 : i32
    %c0_i32_0 = arith.constant 0 : i32
    return %arg0, %c0_i32 : i32, i32
  }
  func.func @transform_2(%arg0: i32) -> (i32, i32) {
    %c0_i32 = arith.constant 0 : i32
    %c0_i32_0 = arith.constant 0 : i32
    return %arg0, %c0_i32 : i32, i32
  }
  func.func @transform_3(%arg0: i32) -> (i32, i32) {
    %c0_i32 = arith.constant 0 : i32
    %c0_i32_0 = arith.constant 0 : i32
    return %arg0, %c0_i32 : i32, i32
  }
  func.func @transform_4(%arg0: i32) -> (i32, i32) {
    %c0_i32 = arith.constant 0 : i32
    %c0_i32_0 = arith.constant 0 : i32
    %c0_i32_1 = arith.constant 0 : i32
    return %c0_i32, %c0_i32_0 : i32, i32
  }
  func.func @transform_5(%arg0: i32) -> (i32, i32) {
    %c0_i32 = arith.constant 0 : i32
    %c0_i32_0 = arith.constant 0 : i32
    %c0_i32_1 = arith.constant 0 : i32
    return %c0_i32, %c0_i32_0 : i32, i32
  }
  func.func @transform_6(%arg0: i32) -> (i32, i32) {
    %c0_i32 = arith.constant 0 : i32
    %c0_i32_0 = arith.constant 0 : i32
    return %arg0, %c0_i32 : i32, i32
  }
}

</mosaic_0001>

<sc_bundles>
// kernel: kernel.13.cloned.1.call-start
scs
__scs_entry_jumppad:
0x0: {  	(pc) =	sbr.rel $0x88, $3  }
0x1: {  	(tag) =	ssettag $0x0;
	lr =	simm.s32 $0x1  }
0x2: {  	[smem:$0x3F99] =	sst lr;
	_ =	strace $0xD0000000  }
0x3: {  	_ = 	snop  }
0x4: {  	_ = 	snop  }
0x5: {  	_ = 	snop  }
0x6: {  	_ = 	snop  }
0x7: {  	_ = 	snop  }
__scs_overlays_trampoline_lowered:
0x8: {  	[smem:$0x3FA8] =	sst s0  }
0x9: {  	[smem:$0x3FA9] =	sst s1  }
0xa: {  	[smem:$0x3FAA] =	sst s2  }
0xb: {  	[smem:$0x3FAB] =	sst s3  }
0xc: {  	[smem:$0x3FAC] =	sst s4  }
0xd: {  	[smem:$0x3FAD] =	sst s5  }
0xe: {  	[smem:$0x3FAE] =	sst s6  }
0xf: {  	[smem:$0x3FAF] =	sst s7  }
0x10: {  	[smem:$0x3FB0] =	sst s8  }
0x11: {  	[smem:$0x3FB1] =	sst s9;
	s0 =	simm.s32 @!p0 $0x0  }
0x12: {  	s1 =	sld [smem:$0x3F97];
	s0 =	simm.s32 @p0 $0x1  }
0x13: {  	[smem:$0x3FB2] =	sst s0;
	s0 =	simm.s32 @!p1 $0x0  }
0x14: {  	s2 =	sld [smem:$0x3F96];
	s0 =	simm.s32 @p1 $0x1  }
0x15: {  	[smem:$0x3FB3] =	sst s0;
	s0 =	simm.s32 @!p2 $0x0  }
0x16: {  	s3 =	sld [smem:$0x3FDB];
	s0 =	simm.s32 @p2 $0x1  }
0x17: {  	s4 =	simm.s32 $0x1BF5;
	[smem:$0x3FB5] =	sst s0  }
0x18: {  	s0 =	sld [smem:$0x3F98];
	_ =	swait.ge [sflag:s4], $0x0  }
0x19: {  	s7 =	sld [smem:$0x3F99]  }
0x1a: {  	s8 =	sadd.s32 $0xFFFFE003, lr  }
0x1b: {  	s9 =	sadd.s32 $0xFFFFFEF7, lr;
	s5 =	simm.s32 $0xFFFFFFFF;
	p2 =	slt.u32 s8, $0xFFFFF086  }
0x1c: {  	p1 =	slt.u32 s9, $0xF7A;
	s5 =	simm.s32 @!p2 $0x0  }
0x1d: {  	s5 =	simm.s32 @p1 $0x1;
	p0 =	seq.s32 s7, s2  }
0x1e: {  	s7 =	smul.u32 @!p0 $0xF7A, s2;
	p2 =	seq.s32 @!p0 s5, $0x0  }
0x1f: {  	s9 =	smul.u32 $0xF7A, s1;
	s8 =	simm.s32 @!p0 $0x1BF5;
	p2 =	por !p2, p0  }
0x20: {  	[sflag:s8] =	ssyncset.s32 @!p0 $0xFFFFF086;
	s6 =	sadd.s32 @!p0 s3, s7;
	s7 =	simm.s32 @!p0 $0x108  }
0x21: {  	s3 =	sadd.s32 s3, s9;
	s6 =	sadd.s32 @!p0 $0x88, s6;
	s7 =	simm.s32 @p2 $0x1082  }
0x22: {  	[simem:s7], [sflag:s8] =	dma.local @!p0 [hbm:s6], $0xF7A  }
0x23: {  	s9 =	sor.u32 $0xD0000000, s2;
	s6 =	simm.s32 $0x108;
	_ =	swait.ge @!p0 [sflag:s8], $0x0  }
0x24: {  	s3 =	sadd.s32 $0x88, s3;
	s6 =	simm.s32 @!p1 $0x1082;
	[sflag:s4] =	ssyncset.s32 $0xFFFFF086  }
0x25: {  	[simem:s6], [sflag:s4] =	dma.local [hbm:s3], $0xF7A  }
0x26: {  	[smem:$0x3F99] =	sst s1;
	(tag) =	ssettag s2;
	_ =	strace s9  }
0x27: {  	s1 =	sld [smem:$0x3FA9]  }
0x28: {  	s2 =	sld [smem:$0x3FAA]  }
0x29: {  	s4 =	sld [smem:$0x3FAC]  }
0x2a: {  	p0 =	seq.s32 s5, $0x0;
	s5 =	sld [smem:$0x3FAD]  }
0x2b: {  	s6 =	sld [smem:$0x3FAE]  }
0x2c: {  	s7 =	sld [smem:$0x3FAF]  }
0x2d: {  	s3 =	simm.s32 $0x108;
	s8 =	sld [smem:$0x3FB0]  }
0x2e: {  	s3 =	simm.s32 @!p0 $0x1082;
	s9 =	sld [smem:$0x3FB1]  }
0x2f: {  	lr =	sadd.s32 s0, s3;
	s0 =	sld [smem:$0x3FA8]  }
0x30: {  	s3 =	sld [smem:$0x3FAB]  }
0x31: {  	[smem:$0x3FB4] =	sst s10  }
0x32: {  	s10 =	sld [smem:$0x3FB2];
	_ =	sdelay $0x3  }
0x33: {  	p0 =	seq.s32 s10, $0x1;
	s10 =	sld [smem:$0x3FB4];
	_ =	sdelay $0x3  }
0x34: {  	[smem:$0x3FB4] =	sst s10  }
0x35: {  	s10 =	sld [smem:$0x3FB3];
	_ =	sdelay $0x3  }
0x36: {  	p1 =	seq.s32 s10, $0x1;
	s10 =	sld [smem:$0x3FB4];
	_ =	sdelay $0x3  }
0x37: {  	[smem:$0x3FB4] =	sst s10  }
0x38: {  	s10 =	sld [smem:$0x3FB5]  }
0x39: {  	_ = 	snop;
	(pc) =	sbr.ind lr, $3  }
0x3a: {  	_ = 	snop  }
0x3b: {  	_ = 	snop  }
0x3c: {  	p2 =	seq.s32 s10, $0x1;
	s10 =	sld [smem:$0x3FB4]  }
0x3d: {  	_ =	shalt  }
0x3e: {  	_ =	shalt  }
0x3f: {  	_ =	shalt  }
0x40: {  	_ =	shalt  }
0x41: {  	_ =	shalt  }
0x42: {  	_ =	shalt  }
0x43: {  	_ =	shalt  }
0x44: {  	_ =	shalt  }
0x45: {  	_ =	shalt  }
0x46: {  	_ =	shalt  }
0x47: {  	_ =	shalt  }
0x48: {  	_ =	shalt  }
0x49: {  	_ =	shalt  }
0x4a: {  	_ =	shalt  }
0x4b: {  	_ =	shalt  }
0x4c: {  	_ =	shalt  }
0x4d: {  	_ =	shalt  }
0x4e: {  	_ =	shalt  }
0x4f: {  	_ =	shalt  }
0x50: {  	_ =	shalt  }
0x51: {  	_ =	shalt  }
0x52: {  	_ =	shalt  }
0x53: {  	_ =	shalt  }
0x54: {  	_ =	shalt  }
0x55: {  	_ =	shalt  }
0x56: {  	_ =	shalt  }
0x57: {  	_ =	shalt  }
0x58: {  	_ =	shalt  }
0x59: {  	_ =	shalt  }
0x5a: {  	_ =	shalt  }
0x5b: {  	_ =	shalt  }
0x5c: {  	_ =	shalt  }
0x5d: {  	_ =	shalt  }
0x5e: {  	_ =	shalt  }
0x5f: {  	_ =	shalt  }
0x60: {  	_ =	shalt  }
0x61: {  	_ =	shalt  }
0x62: {  	_ =	shalt  }
0x63: {  	_ =	shalt  }
0x64: {  	_ =	shalt  }
0x65: {  	_ =	shalt  }
0x66: {  	_ =	shalt  }
0x67: {  	_ =	shalt  }
0x68: {  	_ =	shalt  }
0x69: {  	_ =	shalt  }
0x6a: {  	_ =	shalt  }
0x6b: {  	_ =	shalt  }
0x6c: {  	_ =	shalt  }
0x6d: {  	_ =	shalt  }
0x6e: {  	_ =	shalt  }
0x6f: {  	_ =	shalt  }
0x70: {  	_ =	shalt  }
0x71: {  	_ =	shalt  }
0x72: {  	_ =	shalt  }
0x73: {  	_ =	shalt  }
0x74: {  	_ =	shalt  }
0x75: {  	_ =	shalt  }
0x76: {  	_ =	shalt  }
0x77: {  	_ =	shalt  }
0x78: {  	_ =	shalt  }
0x79: {  	_ =	shalt  }
0x7a: {  	_ =	shalt  }
0x7b: {  	_ =	shalt  }
0x7c: {  	_ =	shalt  }
0x7d: {  	_ =	shalt  }
0x7e: {  	_ =	shalt  }
0x7f: {  	_ =	shalt  }
0x80: {  	_ =	shalt  }
0x81: {  	_ =	shalt  }
0x82: {  	_ =	shalt  }
0x83: {  	_ =	shalt  }
0x84: {  	_ =	shalt  }
0x85: {  	_ =	shalt  }
0x86: {  	_ =	shalt  }
0x87: {  	_ =	shalt  }
.Lfunc_end0:
.L_simem_size_0:
called_computation_lowered:
.L_overlay_start_0:
0x88: {  	s2 =	sld [smem:$0x3FD9]  }
0x89: {  	s3 =	sld [smem:$0x3FFE];
	_ =	sdelay $0x1  }
0x8a: {  	s1 =	srdreg.scid  }
0x8b: {  	s0 =	sand.u32 $0x1, s1  }
0x8c: {  	s17 =	sshll.u32 s0, $0xA;
	s2 =	sadd.s32 s3, s2  }
0x8d: {  	s2 =	sadd.s32 s2, s17  }
0x8e: {  	[smem:$0x3FC0] =	sst s2  }
0x8f: {  	_ = 	snop  }
0x90: {  	s2 =	sld [smem:$0x3FD0];
	(tm) =	ssettm $0x1  }
0x91: {  	s18 =	sld [smem:$0x3FFB];
	_ =	sdelay $0x3  }
0x92: {  	_ =	strace s18  }
0x93: {  	s3 =	sld [smem:$0x3FFC];
	_ =	sdelay $0x3  }
0x94: {  	_ =	strace s3  }
0x95: {  	s3 =	sld [smem:$0x3FFD];
	_ =	sdelay $0x3  }
0x96: {  	_ =	strace s3  }
0x97: {  	_ =	strace $0x8FFFFFFF  }
0x98: {  	s19 =	sld [smem:$0x3FDB];
	_ =	sdelay $0x1  }
0x99: {  	s4 =	simm.s32 $_scs_section_size  }
0x9a: {  	s5 =	simm.s32 $_size__tile_overlayer_lowered;
	s6 =	simm.s32 $_tile_overlayer_lowered  }
0x9b: {  	s22 =	simm.s32 $0x1BFF;
	s21 =	sshll.u32 s6, $0x1;
	s3 =	sadd.s32 s4, s19  }
0x9c: {  	s7 =	simm.s32 $0x0;
	s20 =	sshll.u32 s5, $0x1;
	s5 =	sadd.s32 s21, s3  }
0x9d: {  	[timem:s7], [sflag:s22] =	dma.local [hbm:s5], s20  }
0x9e: {  	_ =	swait.ge [sflag:s22], s20  }
0x9f: {  	s4 =	ssub.s32 $0x0, s20;
	[sflag:s22] =	ssyncset.done $0x0  }
0xa0: {  	[sflag:s22] =	ssyncadd.s32 s4;
	_ =	sdelay $0x1  }
0xa1: {  	s23 =	simm.s32 $0x1B8B  }
0xa2: {  	_ =	swait.ge [sflag:s23], $0x1  }
0xa3: {  	[sflag:s23] =	ssyncset.done $0x0  }
0xa4: {  	s25 =	simm.s32 $0x1B8E;
	s24 =	sld [smem:$0x3FFE];
	[sflag:s23] =	ssyncadd.s32 $0xFFFFFFFF  }
0xa5: {  	s26 =	simm.s32 $execute0_lowered;
	[smem:$0x3FD2] =	sst s25  }
0xa6: {  	s5 =	sshll.u32 s26, $0x1;
	_ =	strace $0x80000046;
	[dreg:$0x1] =	wrdreg $0xFFFFFFFF  }
0xa7: {  	s28 =	simm.s32 $_size_execute0_lowered;
	s3 =	sadd.s32 s3, s5;
	[dreg:$0x0] =	wrdreg $0x0  }
0xa8: {  	s5 =	sshll.u32 s28, $0x1;
	[dreg:$0x2] =	wrdreg s3  }
0xa9: {  	[dreg:$0x3] =	wrdreg s5  }
0xaa: {  	[dreg:$0x4] =	wrdreg $0xC0  }
0xab: {  	_ =	task [dreg:s7], $0x5FFFF  }
0xac: {  	[dreg:$0x1] =	wrdreg $0xFFFFFFFF  }
0xad: {  	[dreg:$0x0] =	wrdreg $0x60  }
0xae: {  	[dreg:$0x2] =	wrdreg s24  }
0xaf: {  	[dreg:$0x3] =	wrdreg s2  }
0xb0: {  	[dreg:$0x4] =	wrdreg $0x9  }
0xb1: {  	_ =	task.clear_ibuf [dreg:s7], $0x5FFFF;
	_ =	strace $0x90000046  }
0xb2: {  	s29 =	simm.s32 $0x9;
	_ =	strace $0x80000048  }
0xb3: {  	_ =	swait.ge [sflag:s29], $0x1  }
0xb4: {  	[sflag:s29] =	ssyncadd.s32 $0xFFFFFFFF  }
0xb5: {  	_ =	strace $0x90000048  }
0xb6: {  	_ =	sfence  }
0xb7: {  	s30 =	sld [smem:$0x0];
	_ =	sdelay $0x2  }
0xb8: {  	s31 =	sshll.u32 s1, $0xD;
	s1 =	sshrl.u32 s1, $0x2  }
0xb9: {  	s3 =	sand.u32 $0x4000, s31;
	s1 =	sadd.s32 s1, s30  }
0xba: {  	s0 =	sor.u32 s3, s0;
	s1 =	sshll.u32 s1, $0x11  }
0xbb: {  	s0 =	sor.u32 s1, s0  }
0xbc: {  	s0 =	sadd.s32 $0x8F2B, s0  }
0xbd: {  	[sflag:s0] =	ssyncadd.remote.s32 $0x1  }
0xbe: {  	_ =	sfence.sel $0xFFFF  }
0xbf: {  	[dreg:$0x0] =	wrdreg $0xFFFFFFFF;
	(pc) =	sbr.abs _section_cstart, $3  }
0xc0: {  	[dreg:$0x1] =	wrdreg $0xFFFFFFFF  }
0xc1: {  	_ =	task.clear_ibuf [dreg:s7], $0x2FFFF;
	_ =	strace $0x9FFFFFFF  }
0xc2: {  	(tm) =	ssettm $0x7FFFFFFF  }
0xc3: {  	_ =	shalt  }
tec
execute0_lowered:
.L_overlay_start_1:
0x0: {  	(tag) =	ssettag $0x1  }
0x1: {  	s0 =	srdreg.scid;
	s3 =	rddreg [dreg:$0x0]  }
0x2: {  	s6 =	rddreg [dreg:$0x1];
	s2 =	sand.u32 $0x1, s0  }
0x3: {  	s0 =	stileid.u32;
	s4 =	smul.u32 $0x28000, s2  }
0x4: {  	s1 =	rddreg [dreg:$0x2];
	s9 =	simm.s32 $0x80;
	s5 =	smul.u32 $0x2800, s0  }
0x5: {  	s10 =	simm.s32 $0x100;
	s11 =	simm.s32 $0x180;
	s12 =	simm.s32 $0x0  }
0x6: {  	s7 =	ssub.s32 $0x2, s2;
	s2 =	simm.s32 $0x0;
	s4 =	sadd.s32 s5, s4  }
0x7: {  	s29 =	sshrl.u32 s7, $0x1;
	[smem:$0x7FF] =	sst s2;
	s8 =	sshrl.u32 s4, $0x3  }
0x8: {  	s30 =	ssub.s32 s7, s29;
	_ =	strace $0x80000047;
	s31 =	sadd.s32 s8, s3  }
0x9: {  	s3 =	smax.u32 s30, $0x1;
	s6 =	sadd.s32 s8, s6;
	s8 =	simm.s32 $0x1  }
0xa: {  	s4 =	sadd.s32 $0x18A00, s31;
	s5 =	sadd.s32 $0xE800, s31;
	s7 =	sadd.s32 $0x4600, s31  }
.LBB2_1:
0xb: {  	s13 =	sadd.s32 $0x0, s7  }
0xc: {  	[tilespmem:s2], [sflag:$0x1] =	stream.linear.gather [hbm4b:s13+s2], $0x80, $0x38;
	[tilespmem:$0x200] =	vst v63  }
0xd: {  	_ =	swait.ge [sflag:s8], $0x80  }
0xe: {  	[sflag:s8] =	ssyncset.done $0x0  }
0xf: {  	s31 =	sadd.s32 $0x0, s6;
	[sflag:s8] =	ssyncadd.s32 $0xFFFFFF80  }
0x10: {  	[tilespmem:s9], [sflag:$0x1] =	stream.linear.gather [hbm4b:s31+s2], $0x80, $0x38;
	[tilespmem:$0x200] =	vst v63  }
0x11: {  	_ =	swait.ge [sflag:s8], $0x80  }
0x12: {  	[sflag:s8] =	ssyncset.done $0x0  }
0x13: {  	[sflag:s8] =	ssyncadd.s32 $0xFFFFFF80  }
0x14: {  	v1 =	vld [tilespmem:$0xF0]  }
0x15: {  	v6 =	vld [tilespmem:$0xC0]  }
0x16: {  	v0 =	vld [tilespmem:$0xA0]  }
0x17: {  	v7 =	vld [tilespmem:$0x40]  }
0x18: {  	v2 =	vld [tilespmem:$0x90]  }
0x19: {  	v4 =	vld [tilespmem:$0x50]  }
0x1a: {  	v8 =	vld [tilespmem:$0xD0]  }
0x1b: {  	v3 =	vld [tilespmem:$0x60]  }
0x1c: {  	s14 =	simm.s32 $0x10;
	s13 =	simm.s32 $0x0;
	v5 =	vld [tilespmem:$0xE0]  }
.LBB2_2:
0x1d: {  	p0 =	sne.s32 s14, $0x4F0;
	vm0 =	veq.s32 v7, v6;
	v9 =	vld [tilespmem:$0x70];
	s15 =	smov.u32 s14;
	s14 =	sadd.s32 $0x10, s14  }
0x1e: {  	v10 =	vld [tilespmem:$0x10];
	v7 =	vsel vm0, $0x2710, v7;
	v6 =	vsel vm0, $0x2710, v6  }
0x1f: {  	v11 =	vld [tilespmem:$0x20];
	[tilespmem:$0x1C0] =	vst v6;
	vm0 =	veq.s32 v4, v8  }
0x20: {  	v4 =	vsel vm0, $0x2710, v4;
	v6 =	vsel vm0, $0x2710, v8  }
0x21: {  	[tilespmem:$0x1D0] =	vst v6;
	vm0 =	veq.s32 v3, v5  }
0x22: {  	v6 =	vld [tilespmem:$0x80];
	[tilespmem:$0x140] =	vst v7;
	v3 =	vsel vm0, $0x2710, v3;
	v5 =	vsel vm0, $0x2710, v5;
	vm0 =	veq.s32 v9, v1  }
0x23: {  	v7 =	vld [tilespmem:$0x0];
	vm1 =	veq.s32 v10, v2;
	[tilespmem:$0x1E0] =	vst v5;
	v5 =	vsel vm0, $0x2710, v9;
	v1 =	vsel vm0, $0x2710, v1  }
0x24: {  	v8 =	vsel vm1, $0x2710, v10;
	v2 =	vsel vm1, $0x2710, v2;
	vm0 =	veq.s32 v11, v0;
	[tilespmem:$0x150] =	vst v4  }
0x25: {  	[tilespmem:$0x110] =	vst v8;
	v4 =	vsel vm0, $0x2710, v11;
	v0 =	vsel vm0, $0x2710, v0  }
0x26: {  	[tilespmem:$0x120] =	vst v4;
	v4 =	vld [tilespmem:$0xB0]  }
0x27: {  	[tilespmem:$0x190] =	vst v2;
	v2 =	vld [tilespmem:$0x30]  }
0x28: {  	vm0 =	veq.s32 v7, v6;
	[tilespmem:$0x160] =	vst v3  }
0x29: {  	v3 =	vsel vm0, $0x2710, v7;
	v6 =	vsel vm0, $0x2710, v6;
	[tilespmem:$0x170] =	vst v5  }
0x2a: {  	[tilespmem:$0x1F0] =	vst v1  }
0x2b: {  	[tilespmem:$0x180] =	vst v6  }
0x2c: {  	[tilespmem:$0x1A0] =	vst v0;
	vm0 =	veq.s32 v2, v4  }
0x2d: {  	[tilespmem:$0x100] =	vst v3;
	v0 =	vsel vm0, $0x2710, v2;
	v1 =	vsel vm0, $0x2710, v4  }
0x2e: {  	s16 =	sadd.s32 s13, s5;
	[tilespmem:$0x1B0] =	vst v1  }
0x2f: {  	[tilespmem:$0x130] =	vst v0  }
0x30: {  	[hbm4b:s16+s2] =	stream.linear.scatter [tilespmem:s10], [sflag:$0x1], $0x80, $0x38;
	[tilespmem:$0x200] =	vst v63  }
0x31: {  	_ =	swait.ge [sflag:s8], $0x80  }
0x32: {  	s16 =	sadd.s32 s13, s4;
	s13 =	smov.u32 s15;
	[sflag:s8] =	ssyncset.done $0x0  }
0x33: {  	[sflag:s8] =	ssyncadd.s32 $0xFFFFFF80  }
0x34: {  	[hbm4b:s16+s2] =	stream.linear.scatter [tilespmem:s11], [sflag:$0x1], $0x80, $0x38;
	[tilespmem:$0x200] =	vst v63  }
0x35: {  	_ =	swait.ge [sflag:s8], $0x80  }
0x36: {  	[sflag:s8] =	ssyncset.done $0x0  }
0x37: {  	s15 =	sadd.s32 s13, s7;
	[sflag:s8] =	ssyncadd.s32 $0xFFFFFF80  }
0x38: {  	[tilespmem:s2], [sflag:$0x1] =	stream.linear.gather [hbm4b:s15+s2], $0x80, $0x38;
	[tilespmem:$0x200] =	vst v63  }
0x39: {  	_ =	swait.ge [sflag:s8], $0x80  }
0x3a: {  	[sflag:s8] =	ssyncset.done $0x0  }
0x3b: {  	s15 =	sadd.s32 s13, s6;
	[sflag:s8] =	ssyncadd.s32 $0xFFFFFF80  }
0x3c: {  	[tilespmem:s9], [sflag:$0x1] =	stream.linear.gather [hbm4b:s15+s2], $0x80, $0x38;
	[tilespmem:$0x200] =	vst v63  }
0x3d: {  	_ =	swait.ge [sflag:s8], $0x80  }
0x3e: {  	[sflag:s8] =	ssyncset.done $0x0  }
0x3f: {  	[sflag:s8] =	ssyncadd.s32 $0xFFFFFF80  }
0x40: {  	v1 =	vld [tilespmem:$0xF0]  }
0x41: {  	v6 =	vld [tilespmem:$0xC0]  }
0x42: {  	v0 =	vld [tilespmem:$0xA0]  }
0x43: {  	v7 =	vld [tilespmem:$0x40]  }
.Ltmp0:
0x44: {  	v2 =	vld [tilespmem:$0x90];
	(pc) =	sbr.rel @p0 .LBB2_2-.Ltmp0, $4  }
0x45: {  	v4 =	vld [tilespmem:$0x50]  }
0x46: {  	v8 =	vld [tilespmem:$0xD0]  }
0x47: {  	v3 =	vld [tilespmem:$0x60]  }
0x48: {  	v5 =	vld [tilespmem:$0xE0]  }
0x49: {  	vm0 =	veq.s32 v7, v6  }
0x4a: {  	v9 =	vld [tilespmem:$0x10];
	v6 =	vsel vm0, $0x2710, v6  }
0x4b: {  	v10 =	vld [tilespmem:$0x20];
	v7 =	vsel vm0, $0x2710, v7;
	vm1 =	veq.s32 v4, v8;
	[tilespmem:$0x1C0] =	vst v6  }
0x4c: {  	[tilespmem:$0x140] =	vst v7;
	v52 =	vsel vm1, $0x2710, v8  }
0x4d: {  	v53 =	vld [tilespmem:$0x70];
	v4 =	vsel vm1, $0x2710, v4;
	[tilespmem:$0x1D0] =	vst v52;
	vm11 =	veq.s32 v3, v5  }
0x4e: {  	v54 =	vld [tilespmem:$0x80];
	[tilespmem:$0x150] =	vst v4;
	v5 =	vsel vm11, $0x2710, v5  }
0x4f: {  	v55 =	vld [tilespmem:$0x0];
	vm12 =	veq.s32 v9, v2;
	v3 =	vsel vm11, $0x2710, v3;
	[tilespmem:$0x1E0] =	vst v5  }
0x50: {  	vm2 =	veq.s32 v10, v0;
	v56 =	vsel vm12, $0x2710, v9;
	[tilespmem:$0x160] =	vst v3  }
0x51: {  	v58 =	vld [tilespmem:$0xB0];
	v57 =	vsel vm2, $0x2710, v10;
	[tilespmem:$0x110] =	vst v56  }
0x52: {  	v59 =	vld [tilespmem:$0x30];
	vm13 =	veq.s32 v53, v1;
	v2 =	vsel vm12, $0x2710, v2;
	[tilespmem:$0x120] =	vst v57  }
0x53: {  	v6 =	vsel vm13, $0x2710, v53;
	[tilespmem:$0x190] =	vst v2  }
0x54: {  	vm14 =	veq.s32 v55, v54;
	v1 =	vsel vm13, $0x2710, v1;
	[tilespmem:$0x170] =	vst v6  }
0x55: {  	v60 =	vsel vm14, $0x2710, v54;
	[tilespmem:$0x1F0] =	vst v1  }
0x56: {  	v0 =	vsel vm2, $0x2710, v0;
	[tilespmem:$0x180] =	vst v60  }
0x57: {  	vm15 =	veq.s32 v59, v58;
	v61 =	vsel vm14, $0x2710, v55;
	[tilespmem:$0x1A0] =	vst v0  }
0x58: {  	v62 =	vsel vm15, $0x2710, v58;
	[tilespmem:$0x100] =	vst v61  }
0x59: {  	v63 =	vsel vm15, $0x2710, v59;
	[tilespmem:$0x1B0] =	vst v62  }
0x5a: {  	s14 =	sadd.s32 s13, s5;
	[tilespmem:$0x130] =	vst v63  }
0x5b: {  	[hbm4b:s14+s2] =	stream.linear.scatter [tilespmem:s10], [sflag:$0x1], $0x80, $0x38;
	[tilespmem:$0x200] =	vst v63  }
0x5c: {  	s12 =	sadd.s32 $0x1, s12;
	_ =	swait.ge [sflag:s8], $0x80  }
0x5d: {  	p0 =	sne.s32 s12, s3;
	[sflag:s8] =	ssyncset.done $0x0  }
.Ltmp1:
0x5e: {  	s31 =	sadd.s32 s13, s4;
	[sflag:s8] =	ssyncadd.s32 $0xFFFFFF80;
	(pc) =	sbr.rel @p0 .LBB2_1-.Ltmp1, $4  }
0x5f: {  	[hbm4b:s31+s2] =	stream.linear.scatter [tilespmem:s11], [sflag:$0x1], $0x80, $0x38;
	[tilespmem:$0x200] =	vst v63  }
0x60: {  	_ =	swait.ge [sflag:s8], $0x80  }
0x61: {  	[sflag:s8] =	ssyncset.done $0x0  }
0x62: {  	[sflag:s8] =	ssyncadd.s32 $0xFFFFFF80  }
0x63: {  	_ =	sfence.sel $0x180000  }
0x64: {  	[bflag:$0x0] =	sbarrier.arrive $0xFFFF  }
0x65: {  	p0 =	sne.s32 s0, $0x0;
	_ =	strace $0x90000047  }
0x66: {  	s0 =	sadd.s32 @!p0 $0x100000, s1;
	[bflag:$0x2] =	sbarrier.arrive $0xFFFF  }
0x67: {  	[sflag:s0] =	ssyncadd.tile.s32 @!p0 $0x1;
	_ =	shalt  }
.Lfunc_end2:
_tile_overlayer_lowered:
.L_overlay_start_2:
0x68: {  	(tag) =	ssettag $0x2  }
0x69: {  	s0 =	rddreg [dreg:$0x0];
	s2 =	stileid.u32  }
0x6a: {  	s1 =	rddreg [dreg:$0x1];
	p0 =	sne.s32 s2, $0x0  }
0x6b: {  	s3 =	rddreg [dreg:$0x2];
	[bflag:$0x3] =	sbarrier.arrive $0xFFFF;
	s2 =	simm.s32 @!p0 $0x1C01  }
0x6c: {  	[timem:s3], [sflag:s2] =	dma.local @!p0 [hbm:s0], s1  }
0x6d: {  	s0 =	simm.s32 @!p0 $0x1  }
0x6e: {  	_ =	swait.ge @!p0 [sflag:s0], s1  }
0x6f: {  	s1 =	ssub.s32 @!p0 $0x0, s1;
	[sflag:s0] =	ssyncset.done @!p0 $0x0  }
0x70: {  	[sflag:s0] =	ssyncadd.s32 @!p0 s1  }
0x71: {  	[bflag:$0x3] =	sbarrier.arrive $0xFFFF  }
0x72: {  	_ =	shalt  }

// kernel: kernel.16.cloned.1.call-start
scs
__scs_entry_jumppad:
0x0: {  	(pc) =	sbr.rel $0x88, $3  }
0x1: {  	(tag) =	ssettag $0x0;
	lr =	simm.s32 $0x1  }
0x2: {  	[smem:$0x3F99] =	sst lr;
	_ =	strace $0xD0000000  }
0x3: {  	_ = 	snop  }
0x4: {  	_ = 	snop  }
0x5: {  	_ = 	snop  }
0x6: {  	_ = 	snop  }
0x7: {  	_ = 	snop  }
__scs_overlays_trampoline_lowered:
0x8: {  	[smem:$0x3FA8] =	sst s0  }
0x9: {  	[smem:$0x3FA9] =	sst s1  }
0xa: {  	[smem:$0x3FAA] =	sst s2  }
0xb: {  	[smem:$0x3FAB] =	sst s3  }
0xc: {  	[smem:$0x3FAC] =	sst s4  }
0xd: {  	[smem:$0x3FAD] =	sst s5  }
0xe: {  	[smem:$0x3FAE] =	sst s6  }
0xf: {  	[smem:$0x3FAF] =	sst s7  }
0x10: {  	[smem:$0x3FB0] =	sst s8  }
0x11: {  	[smem:$0x3FB1] =	sst s9;
	s0 =	simm.s32 @!p0 $0x0  }
0x12: {  	s1 =	sld [smem:$0x3F97];
	s0 =	simm.s32 @p0 $0x1  }
0x13: {  	[smem:$0x3FB2] =	sst s0;
	s0 =	simm.s32 @!p1 $0x0  }
0x14: {  	s2 =	sld [smem:$0x3F96];
	s0 =	simm.s32 @p1 $0x1  }
0x15: {  	[smem:$0x3FB3] =	sst s0;
	s0 =	simm.s32 @!p2 $0x0  }
0x16: {  	s3 =	sld [smem:$0x3FDB];
	s0 =	simm.s32 @p2 $0x1  }
0x17: {  	s4 =	simm.s32 $0x1BF5;
	[smem:$0x3FB5] =	sst s0  }
0x18: {  	s0 =	sld [smem:$0x3F98];
	_ =	swait.ge [sflag:s4], $0x0  }
0x19: {  	s7 =	sld [smem:$0x3F99]  }
0x1a: {  	s8 =	sadd.s32 $0xFFFFE003, lr  }
0x1b: {  	s9 =	sadd.s32 $0xFFFFFEF7, lr;
	s5 =	simm.s32 $0xFFFFFFFF;
	p2 =	slt.u32 s8, $0xFFFFF086  }
0x1c: {  	p1 =	slt.u32 s9, $0xF7A;
	s5 =	simm.s32 @!p2 $0x0  }
0x1d: {  	s5 =	simm.s32 @p1 $0x1;
	p0 =	seq.s32 s7, s2  }
0x1e: {  	s7 =	smul.u32 @!p0 $0xF7A, s2;
	p2 =	seq.s32 @!p0 s5, $0x0  }
0x1f: {  	s9 =	smul.u32 $0xF7A, s1;
	s8 =	simm.s32 @!p0 $0x1BF5;
	p2 =	por !p2, p0  }
0x20: {  	[sflag:s8] =	ssyncset.s32 @!p0 $0xFFFFF086;
	s6 =	sadd.s32 @!p0 s3, s7;
	s7 =	simm.s32 @!p0 $0x108  }
0x21: {  	s3 =	sadd.s32 s3, s9;
	s6 =	sadd.s32 @!p0 $0x88, s6;
	s7 =	simm.s32 @p2 $0x1082  }
0x22: {  	[simem:s7], [sflag:s8] =	dma.local @!p0 [hbm:s6], $0xF7A  }
0x23: {  	s9 =	sor.u32 $0xD0000000, s2;
	s6 =	simm.s32 $0x108;
	_ =	swait.ge @!p0 [sflag:s8], $0x0  }
0x24: {  	s3 =	sadd.s32 $0x88, s3;
	s6 =	simm.s32 @!p1 $0x1082;
	[sflag:s4] =	ssyncset.s32 $0xFFFFF086  }
0x25: {  	[simem:s6], [sflag:s4] =	dma.local [hbm:s3], $0xF7A  }
0x26: {  	[smem:$0x3F99] =	sst s1;
	(tag) =	ssettag s2;
	_ =	strace s9  }
0x27: {  	s1 =	sld [smem:$0x3FA9]  }
0x28: {  	s2 =	sld [smem:$0x3FAA]  }
0x29: {  	s4 =	sld [smem:$0x3FAC]  }
0x2a: {  	p0 =	seq.s32 s5, $0x0;
	s5 =	sld [smem:$0x3FAD]  }
0x2b: {  	s6 =	sld [smem:$0x3FAE]  }
0x2c: {  	s7 =	sld [smem:$0x3FAF]  }
0x2d: {  	s3 =	simm.s32 $0x108;
	s8 =	sld [smem:$0x3FB0]  }
0x2e: {  	s3 =	simm.s32 @!p0 $0x1082;
	s9 =	sld [smem:$0x3FB1]  }
0x2f: {  	lr =	sadd.s32 s0, s3;
	s0 =	sld [smem:$0x3FA8]  }
0x30: {  	s3 =	sld [smem:$0x3FAB]  }
0x31: {  	[smem:$0x3FB4] =	sst s10  }
0x32: {  	s10 =	sld [smem:$0x3FB2];
	_ =	sdelay $0x3  }
0x33: {  	p0 =	seq.s32 s10, $0x1;
	s10 =	sld [smem:$0x3FB4];
	_ =	sdelay $0x3  }
0x34: {  	[smem:$0x3FB4] =	sst s10  }
0x35: {  	s10 =	sld [smem:$0x3FB3];
	_ =	sdelay $0x3  }
0x36: {  	p1 =	seq.s32 s10, $0x1;
	s10 =	sld [smem:$0x3FB4];
	_ =	sdelay $0x3  }
0x37: {  	[smem:$0x3FB4] =	sst s10  }
0x38: {  	s10 =	sld [smem:$0x3FB5]  }
0x39: {  	_ = 	snop;
	(pc) =	sbr.ind lr, $3  }
0x3a: {  	_ = 	snop  }
0x3b: {  	_ = 	snop  }
0x3c: {  	p2 =	seq.s32 s10, $0x1;
	s10 =	sld [smem:$0x3FB4]  }
0x3d: {  	_ =	shalt  }
0x3e: {  	_ =	shalt  }
0x3f: {  	_ =	shalt  }
0x40: {  	_ =	shalt  }
0x41: {  	_ =	shalt  }
0x42: {  	_ =	shalt  }
0x43: {  	_ =	shalt  }
0x44: {  	_ =	shalt  }
0x45: {  	_ =	shalt  }
0x46: {  	_ =	shalt  }
0x47: {  	_ =	shalt  }
0x48: {  	_ =	shalt  }
0x49: {  	_ =	shalt  }
0x4a: {  	_ =	shalt  }
0x4b: {  	_ =	shalt  }
0x4c: {  	_ =	shalt  }
0x4d: {  	_ =	shalt  }
0x4e: {  	_ =	shalt  }
0x4f: {  	_ =	shalt  }
0x50: {  	_ =	shalt  }
0x51: {  	_ =	shalt  }
0x52: {  	_ =	shalt  }
0x53: {  	_ =	shalt  }
0x54: {  	_ =	shalt  }
0x55: {  	_ =	shalt  }
0x56: {  	_ =	shalt  }
0x57: {  	_ =	shalt  }
0x58: {  	_ =	shalt  }
0x59: {  	_ =	shalt  }
0x5a: {  	_ =	shalt  }
0x5b: {  	_ =	shalt  }
0x5c: {  	_ =	shalt  }
0x5d: {  	_ =	shalt  }
0x5e: {  	_ =	shalt  }
0x5f: {  	_ =	shalt  }
0x60: {  	_ =	shalt  }
0x61: {  	_ =	shalt  }
0x62: {  	_ =	shalt  }
0x63: {  	_ =	shalt  }
0x64: {  	_ =	shalt  }
0x65: {  	_ =	shalt  }
0x66: {  	_ =	shalt  }
0x67: {  	_ =	shalt  }
0x68: {  	_ =	shalt  }
0x69: {  	_ =	shalt  }
0x6a: {  	_ =	shalt  }
0x6b: {  	_ =	shalt  }
0x6c: {  	_ =	shalt  }
0x6d: {  	_ =	shalt  }
0x6e: {  	_ =	shalt  }
0x6f: {  	_ =	shalt  }
0x70: {  	_ =	shalt  }
0x71: {  	_ =	shalt  }
0x72: {  	_ =	shalt  }
0x73: {  	_ =	shalt  }
0x74: {  	_ =	shalt  }
0x75: {  	_ =	shalt  }
0x76: {  	_ =	shalt  }
0x77: {  	_ =	shalt  }
0x78: {  	_ =	shalt  }
0x79: {  	_ =	shalt  }
0x7a: {  	_ =	shalt  }
0x7b: {  	_ =	shalt  }
0x7c: {  	_ =	shalt  }
0x7d: {  	_ =	shalt  }
0x7e: {  	_ =	shalt  }
0x7f: {  	_ =	shalt  }
0x80: {  	_ =	shalt  }
0x81: {  	_ =	shalt  }
0x82: {  	_ =	shalt  }
0x83: {  	_ =	shalt  }
0x84: {  	_ =	shalt  }
0x85: {  	_ =	shalt  }
0x86: {  	_ =	shalt  }
0x87: {  	_ =	shalt  }
.Lfunc_end0:
.L_simem_size_0:
called_computation.1_lowered:
.L_overlay_start_0:
0x88: {  	s2 =	sld [smem:$0x3FD9]  }
0x89: {  	s3 =	sld [smem:$0x3FFE];
	_ =	sdelay $0x1  }
0x8a: {  	s1 =	srdreg.scid  }
0x8b: {  	s0 =	sand.u32 $0x1, s1  }
0x8c: {  	s17 =	sshll.u32 s0, $0xA;
	s2 =	sadd.s32 s3, s2  }
0x8d: {  	s2 =	sadd.s32 s2, s17  }
0x8e: {  	[smem:$0x3FC0] =	sst s2  }
0x8f: {  	_ = 	snop  }
0x90: {  	s2 =	sld [smem:$0x3FD0];
	(tm) =	ssettm $0x1  }
0x91: {  	s18 =	sld [smem:$0x3FFB];
	_ =	sdelay $0x3  }
0x92: {  	_ =	strace s18  }
0x93: {  	s3 =	sld [smem:$0x3FFC];
	_ =	sdelay $0x3  }
0x94: {  	_ =	strace s3  }
0x95: {  	s3 =	sld [smem:$0x3FFD];
	_ =	sdelay $0x3  }
0x96: {  	_ =	strace s3  }
0x97: {  	_ =	strace $0x8FFFFFFF  }
0x98: {  	s19 =	sld [smem:$0x3FDB];
	_ =	sdelay $0x1  }
0x99: {  	s4 =	simm.s32 $_scs_section_size  }
0x9a: {  	s5 =	simm.s32 $_size__tile_overlayer_lowered;
	s6 =	simm.s32 $_tile_overlayer_lowered  }
0x9b: {  	s22 =	simm.s32 $0x1BFF;
	s21 =	sshll.u32 s6, $0x1;
	s3 =	sadd.s32 s4, s19  }
0x9c: {  	s7 =	simm.s32 $0x0;
	s20 =	sshll.u32 s5, $0x1;
	s5 =	sadd.s32 s21, s3  }
0x9d: {  	[timem:s7], [sflag:s22] =	dma.local [hbm:s5], s20  }
0x9e: {  	_ =	swait.ge [sflag:s22], s20  }
0x9f: {  	s4 =	ssub.s32 $0x0, s20;
	[sflag:s22] =	ssyncset.done $0x0  }
0xa0: {  	[sflag:s22] =	ssyncadd.s32 s4;
	_ =	sdelay $0x1  }
0xa1: {  	s23 =	simm.s32 $0x1B8B  }
0xa2: {  	_ =	swait.ge [sflag:s23], $0x1  }
0xa3: {  	[sflag:s23] =	ssyncset.done $0x0  }
0xa4: {  	s25 =	simm.s32 $0x1B8E;
	s24 =	sld [smem:$0x3FFE];
	[sflag:s23] =	ssyncadd.s32 $0xFFFFFFFF  }
0xa5: {  	s26 =	simm.s32 $execute0_lowered;
	[smem:$0x3FD2] =	sst s25  }
0xa6: {  	s5 =	sshll.u32 s26, $0x1;
	_ =	strace $0x80000049;
	[dreg:$0x1] =	wrdreg $0xFFFFFFFF  }
0xa7: {  	s28 =	simm.s32 $_size_execute0_lowered;
	s3 =	sadd.s32 s3, s5;
	[dreg:$0x0] =	wrdreg $0x0  }
0xa8: {  	s5 =	sshll.u32 s28, $0x1;
	[dreg:$0x2] =	wrdreg s3  }
0xa9: {  	[dreg:$0x3] =	wrdreg s5  }
0xaa: {  	[dreg:$0x4] =	wrdreg $0xC0  }
0xab: {  	_ =	task [dreg:s7], $0x5FFFF  }
0xac: {  	[dreg:$0x1] =	wrdreg $0xFFFFFFFF  }
0xad: {  	[dreg:$0x0] =	wrdreg $0x60  }
0xae: {  	[dreg:$0x2] =	wrdreg s24  }
0xaf: {  	[dreg:$0x3] =	wrdreg s2  }
0xb0: {  	[dreg:$0x4] =	wrdreg $0x40800  }
0xb1: {  	[dreg:$0x5] =	wrdreg $0x9  }
0xb2: {  	_ =	task.clear_ibuf [dreg:s7], $0x6FFFF;
	_ =	strace $0x90000049  }
0xb3: {  	s29 =	simm.s32 $0x9;
	_ =	strace $0x8000004B  }
0xb4: {  	_ =	swait.ge [sflag:s29], $0x1  }
0xb5: {  	[sflag:s29] =	ssyncadd.s32 $0xFFFFFFFF  }
0xb6: {  	_ =	strace $0x9000004B  }
0xb7: {  	_ =	sfence  }
0xb8: {  	s30 =	sld [smem:$0x0];
	_ =	sdelay $0x2  }
0xb9: {  	s31 =	sshll.u32 s1, $0xD;
	s1 =	sshrl.u32 s1, $0x2  }
0xba: {  	s3 =	sand.u32 $0x4000, s31;
	s1 =	sadd.s32 s1, s30  }
0xbb: {  	s0 =	sor.u32 s3, s0;
	s1 =	sshll.u32 s1, $0x11  }
0xbc: {  	s0 =	sor.u32 s1, s0  }
0xbd: {  	s0 =	sadd.s32 $0x8F2B, s0  }
0xbe: {  	[sflag:s0] =	ssyncadd.remote.s32 $0x1  }
0xbf: {  	_ =	sfence.sel $0xFFFF  }
0xc0: {  	[dreg:$0x0] =	wrdreg $0xFFFFFFFF;
	(pc) =	sbr.abs _section_cstart, $3  }
0xc1: {  	[dreg:$0x1] =	wrdreg $0xFFFFFFFF  }
0xc2: {  	_ =	task.clear_ibuf [dreg:s7], $0x2FFFF;
	_ =	strace $0x9FFFFFFF  }
0xc3: {  	(tm) =	ssettm $0x7FFFFFFF  }
tec
execute0_lowered:
.L_overlay_start_1:
0x0: {  	(tag) =	ssettag $0x1  }
0x1: {  	s6 =	rddreg [dreg:$0x0]  }
0x2: {  	s2 =	rddreg [dreg:$0x1]  }
0x3: {  	s0 =	srdreg.scid;
	s3 =	rddreg [dreg:$0x2]  }
0x4: {  	s1 =	rddreg [dreg:$0x3];
	s5 =	sand.u32 $0x1, s0  }
0x5: {  	s0 =	stileid.u32;
	s7 =	smul.u32 $0x28000, s5  }
0x6: {  	s4 =	simm.s32 $0x0;
	s12 =	simm.s32 $0x1;
	s8 =	smul.u32 $0x2800, s0  }
0x7: {  	s15 =	simm.s32 $0x0;
	[smem:$0x7FF] =	sst s4;
	s26 =	smul.u32 $0x140000, s5  }
0x8: {  	s9 =	smul.u32 $0x14000, s0;
	_ =	strace $0x8000004A;
	s29 =	ssub.s32 $0x2, s5  }
0x9: {  	s30 =	smul.u32 $0x50000, s0;
	s5 =	sadd.s32 $0x22C00, s6;
	s13 =	sshll.u32 s0, $0x6  }
0xa: {  	s11 =	sshrl.u32 s29, $0x1;
	s13 =	sor.u32 $0x1C01, s13;
	s7 =	sadd.s32 s8, s7  }
0xb: {  	s28 =	sadd.s32 s9, s26;
	s8 =	ssub.s32 s29, s11;
	s31 =	sshrl.u32 s30, $0x2  }
0xc: {  	s11 =	simm.s32 $0x80;
	s7 =	sshrl.u32 s7, $0x3;
	s14 =	sadd.s32 s31, s3  }
0xd: {  	s8 =	smax.u32 s8, $0x1;
	s10 =	sadd.s32 s7, s6;
	s7 =	sshrl.u32 s28, $0x3  }
0xe: {  	s14 =	sshrl.u32 s14, $0x3;
	s7 =	sadd.s32 s7, s6;
	s9 =	sadd.s32 $0x18A00, s10  }
0xf: {  	s10 =	sadd.s32 $0xE800, s10;
	s6 =	sadd.s32 $0x75400, s7;
	s7 =	sadd.s32 $0x25400, s7  }
.LBB2_1:
0x10: {  	[tilespmem:s11], [sflag:$0x1] =	stream.linear.gather [hbm4b:s2+s4], $0x4000, $0x38;
	[tilespmem:$0x18080] =	vst v63  }
0x11: {  	_ =	swait.ge [sflag:s12], $0x4000  }
0x12: {  	[sflag:s12] =	ssyncset.done $0x0  }
0x13: {  	[sflag:s12] =	ssyncadd.s32 $0xFFFFC000  }
0x14: {  	[spmem:s14], [sflag:s13] =	dma.local [hbm:s5], $0x2800  }
0x15: {  	_ =	swait.ge [sflag:s12], $0x2800  }
0x16: {  	[sflag:s12] =	ssyncset.done $0x0  }
0x17: {  	[sflag:s12] =	ssyncadd.s32 $0xFFFFD800  }
0x18: {  	s16 =	sadd.s32 $0x0, s9;
	[bflag:$0x0] =	sbarrier.arrive $0xFFFF  }
0x19: {  	[tilespmem:s4], [sflag:$0x1] =	stream.linear.gather [hbm4b:s16+s4], $0x80, $0x38;
	[tilespmem:$0x18080] =	vst v63  }
0x1a: {  	_ =	swait.ge [sflag:s12], $0x80  }
0x1b: {  	[sflag:s12] =	ssyncset.done $0x0  }
0x1c: {  	[sflag:s12] =	ssyncadd.s32 $0xFFFFFF80  }
0x1d: {  	[spmem:s3] =	stream.indirect.scatter.add.f32 [tilespmem:s11], [sflag:$0x1], $0x80, s4, s11, $0xb8;
	[tilespmem:$0x18080] =	vst v63  }
0x1e: {  	_ =	swait.ge [sflag:s12], $0x4000  }
0x1f: {  	s17 =	simm.s32 $0x20;
	s16 =	simm.s32 $0x10;
	[sflag:s12] =	ssyncset.done $0x0  }
.LBB2_2:
0x20: {  	s18 =	sadd.s32 s16, s9  }
0x21: {  	[sflag:s12] =	ssyncadd.s32 $0xFFFFC000;
	s16 =	smov.u32 s17;
	s19 =	sadd.s32 $0x10, s17  }
0x22: {  	[tilespmem:s4], [sflag:$0x1] =	stream.linear.gather [hbm4b:s18+s4], $0x80, $0x38;
	[tilespmem:$0x18080] =	vst v63  }
0x23: {  	p0 =	sne.s32 s17, $0x4F0;
	_ =	swait.ge [sflag:s12], $0x80  }
.Ltmp0:
0x24: {  	[sflag:s12] =	ssyncset.done $0x0;
	(pc) =	sbr.rel @p0 .LBB2_2-.Ltmp0, $4  }
0x25: {  	[sflag:s12] =	ssyncadd.s32 $0xFFFFFF80  }
0x26: {  	[spmem:s3] =	stream.indirect.scatter.add.f32 [tilespmem:s11], [sflag:$0x1], $0x80, s4, s11, $0xb8;
	[tilespmem:$0x18080] =	vst v63  }
0x27: {  	_ =	swait.ge [sflag:s12], $0x4000  }
0x28: {  	s17 =	smov.u32 s19;
	[sflag:s12] =	ssyncset.done $0x0  }
0x29: {  	s16 =	sadd.s32 s16, s9;
	[sflag:s12] =	ssyncadd.s32 $0xFFFFC000  }
0x2a: {  	[tilespmem:s4], [sflag:$0x1] =	stream.linear.gather [hbm4b:s16+s4], $0x80, $0x38;
	[tilespmem:$0x18080] =	vst v63  }
0x2b: {  	_ =	swait.ge [sflag:s12], $0x80  }
0x2c: {  	[sflag:s12] =	ssyncset.done $0x0  }
0x2d: {  	[sflag:s12] =	ssyncadd.s32 $0xFFFFFF80  }
0x2e: {  	[spmem:s3] =	stream.indirect.scatter.add.f32 [tilespmem:s11], [sflag:$0x1], $0x80, s4, s11, $0xb8;
	[tilespmem:$0x18080] =	vst v63  }
0x2f: {  	_ =	swait.ge [sflag:s12], $0x4000  }
0x30: {  	[sflag:s12] =	ssyncset.done $0x0  }
0x31: {  	[sflag:s12] =	ssyncadd.s32 $0xFFFFC000  }
0x32: {  	[bflag:$0x0] =	sbarrier.arrive $0xFFFF  }
0x33: {  	[hbm:s6], [sflag:s13] =	dma.local [spmem:s14], $0x2800  }
0x34: {  	_ =	swait.ge [sflag:s12], $0x2800  }
0x35: {  	[sflag:s12] =	ssyncset.done $0x0  }
0x36: {  	[sflag:s12] =	ssyncadd.s32 $0xFFFFD800  }
0x37: {  	[bflag:$0x0] =	sbarrier.arrive $0xFFFF  }
0x38: {  	[spmem:s14], [sflag:s13] =	dma.local [hbm:s5], $0x2800  }
0x39: {  	_ =	swait.ge [sflag:s12], $0x2800  }
0x3a: {  	[sflag:s12] =	ssyncset.done $0x0  }
0x3b: {  	[sflag:s12] =	ssyncadd.s32 $0xFFFFD800  }
0x3c: {  	s31 =	sadd.s32 $0x0, s10;
	[bflag:$0x0] =	sbarrier.arrive $0xFFFF  }
0x3d: {  	[tilespmem:s4], [sflag:$0x1] =	stream.linear.gather [hbm4b:s31+s4], $0x80, $0x38;
	[tilespmem:$0x18080] =	vst v63  }
0x3e: {  	_ =	swait.ge [sflag:s12], $0x80  }
0x3f: {  	[sflag:s12] =	ssyncset.done $0x0  }
0x40: {  	[sflag:s12] =	ssyncadd.s32 $0xFFFFFF80  }
0x41: {  	[spmem:s3] =	stream.indirect.scatter.add.f32 [tilespmem:s11], [sflag:$0x1], $0x80, s4, s11, $0xb8;
	[tilespmem:$0x18080] =	vst v63  }
0x42: {  	_ =	swait.ge [sflag:s12], $0x4000  }
0x43: {  	s17 =	simm.s32 $0x20;
	s16 =	simm.s32 $0x10;
	[sflag:s12] =	ssyncset.done $0x0  }
.LBB2_4:
0x44: {  	s18 =	sadd.s32 s16, s10  }
0x45: {  	[sflag:s12] =	ssyncadd.s32 $0xFFFFC000;
	s16 =	smov.u32 s17;
	s19 =	sadd.s32 $0x10, s17  }
0x46: {  	[tilespmem:s4], [sflag:$0x1] =	stream.linear.gather [hbm4b:s18+s4], $0x80, $0x38;
	[tilespmem:$0x18080] =	vst v63  }
0x47: {  	p0 =	sne.s32 s17, $0x4F0;
	_ =	swait.ge [sflag:s12], $0x80  }
.Ltmp1:
0x48: {  	[sflag:s12] =	ssyncset.done $0x0;
	(pc) =	sbr.rel @p0 .LBB2_4-.Ltmp1, $4  }
0x49: {  	[sflag:s12] =	ssyncadd.s32 $0xFFFFFF80  }
0x4a: {  	[spmem:s3] =	stream.indirect.scatter.add.f32 [tilespmem:s11], [sflag:$0x1], $0x80, s4, s11, $0xb8;
	[tilespmem:$0x18080] =	vst v63  }
0x4b: {  	_ =	swait.ge [sflag:s12], $0x4000  }
0x4c: {  	s17 =	smov.u32 s19;
	[sflag:s12] =	ssyncset.done $0x0  }
0x4d: {  	s16 =	sadd.s32 s16, s10;
	[sflag:s12] =	ssyncadd.s32 $0xFFFFC000  }
0x4e: {  	[tilespmem:s4], [sflag:$0x1] =	stream.linear.gather [hbm4b:s16+s4], $0x80, $0x38;
	[tilespmem:$0x18080] =	vst v63  }
0x4f: {  	_ =	swait.ge [sflag:s12], $0x80  }
0x50: {  	[sflag:s12] =	ssyncset.done $0x0  }
0x51: {  	[sflag:s12] =	ssyncadd.s32 $0xFFFFFF80  }
0x52: {  	[spmem:s3] =	stream.indirect.scatter.add.f32 [tilespmem:s11], [sflag:$0x1], $0x80, s4, s11, $0xb8;
	[tilespmem:$0x18080] =	vst v63  }
0x53: {  	_ =	swait.ge [sflag:s12], $0x4000  }
0x54: {  	[sflag:s12] =	ssyncset.done $0x0  }
0x55: {  	s15 =	sadd.s32 $0x1, s15;
	[sflag:s12] =	ssyncadd.s32 $0xFFFFC000  }
0x56: {  	p0 =	sne.s32 s15, s8;
	[bflag:$0x0] =	sbarrier.arrive $0xFFFF  }
0x57: {  	[hbm:s7], [sflag:s13] =	dma.local [spmem:s14], $0x2800  }
.Ltmp2:
0x58: {  	_ =	swait.ge [sflag:s12], $0x2800;
	(pc) =	sbr.rel @p0 .LBB2_1-.Ltmp2, $3  }
0x59: {  	[sflag:s12] =	ssyncset.done $0x0  }
0x5a: {  	[sflag:s12] =	ssyncadd.s32 $0xFFFFD800  }
0x5b: {  	[bflag:$0x0] =	sbarrier.arrive $0xFFFF;
	_ =	sdelay $0x1  }
0x5c: {  	_ =	sfence.sel $0x180000  }
0x5d: {  	[bflag:$0x0] =	sbarrier.arrive $0xFFFF  }
0x5e: {  	p0 =	sne.s32 s0, $0x0;
	_ =	strace $0x9000004A  }
0x5f: {  	s0 =	sadd.s32 @!p0 $0x100000, s1;
	[bflag:$0x2] =	sbarrier.arrive $0xFFFF  }
0x60: {  	[sflag:s0] =	ssyncadd.tile.s32 @!p0 $0x1;
	_ =	shalt  }
.Lfunc_end2:
_tile_overlayer_lowered:
.L_overlay_start_2:
0x61: {  	(tag) =	ssettag $0x2  }
0x62: {  	s0 =	rddreg [dreg:$0x0];
	s2 =	stileid.u32  }
0x63: {  	s1 =	rddreg [dreg:$0x1];
	p0 =	sne.s32 s2, $0x0  }
0x64: {  	s3 =	rddreg [dreg:$0x2];
	[bflag:$0x3] =	sbarrier.arrive $0xFFFF;
	s2 =	simm.s32 @!p0 $0x1C01  }
0x65: {  	[timem:s3], [sflag:s2] =	dma.local @!p0 [hbm:s0], s1  }
0x66: {  	s0 =	simm.s32 @!p0 $0x1  }
0x67: {  	_ =	swait.ge @!p0 [sflag:s0], s1  }
0x68: {  	s1 =	ssub.s32 @!p0 $0x0, s1;
	[sflag:s0] =	ssyncset.done @!p0 $0x0  }
0x69: {  	[sflag:s0] =	ssyncadd.s32 @!p0 s1  }
0x6a: {  	[bflag:$0x3] =	sbarrier.arrive $0xFFFF  }
0x6b: {  	_ =	shalt  }

// kernel: kernel.19.cloned.1.call-start
scs
__scs_entry_jumppad:
0x0: {  	(pc) =	sbr.rel $0x88, $3  }
0x1: {  	(tag) =	ssettag $0x0;
	lr =	simm.s32 $0x1  }
0x2: {  	[smem:$0x3F99] =	sst lr;
	_ =	strace $0xD0000000  }
0x3: {  	_ = 	snop  }
0x4: {  	_ = 	snop  }
0x5: {  	_ = 	snop  }
0x6: {  	_ = 	snop  }
0x7: {  	_ = 	snop  }
__scs_overlays_trampoline_lowered:
0x8: {  	[smem:$0x3FA8] =	sst s0  }
0x9: {  	[smem:$0x3FA9] =	sst s1  }
0xa: {  	[smem:$0x3FAA] =	sst s2  }
0xb: {  	[smem:$0x3FAB] =	sst s3  }
0xc: {  	[smem:$0x3FAC] =	sst s4  }
0xd: {  	[smem:$0x3FAD] =	sst s5  }
0xe: {  	[smem:$0x3FAE] =	sst s6  }
0xf: {  	[smem:$0x3FAF] =	sst s7  }
0x10: {  	[smem:$0x3FB0] =	sst s8  }
0x11: {  	[smem:$0x3FB1] =	sst s9;
	s0 =	simm.s32 @!p0 $0x0  }
0x12: {  	s1 =	sld [smem:$0x3F97];
	s0 =	simm.s32 @p0 $0x1  }
0x13: {  	[smem:$0x3FB2] =	sst s0;
	s0 =	simm.s32 @!p1 $0x0  }
0x14: {  	s2 =	sld [smem:$0x3F96];
	s0 =	simm.s32 @p1 $0x1  }
0x15: {  	[smem:$0x3FB3] =	sst s0;
	s0 =	simm.s32 @!p2 $0x0  }
0x16: {  	s3 =	sld [smem:$0x3FDB];
	s0 =	simm.s32 @p2 $0x1  }
0x17: {  	s4 =	simm.s32 $0x1BF5;
	[smem:$0x3FB5] =	sst s0  }
0x18: {  	s0 =	sld [smem:$0x3F98];
	_ =	swait.ge [sflag:s4], $0x0  }
0x19: {  	s7 =	sld [smem:$0x3F99]  }
0x1a: {  	s8 =	sadd.s32 $0xFFFFE003, lr  }
0x1b: {  	s9 =	sadd.s32 $0xFFFFFEF7, lr;
	s5 =	simm.s32 $0xFFFFFFFF;
	p2 =	slt.u32 s8, $0xFFFFF086  }
0x1c: {  	p1 =	slt.u32 s9, $0xF7A;
	s5 =	simm.s32 @!p2 $0x0  }
0x1d: {  	s5 =	simm.s32 @p1 $0x1;
	p0 =	seq.s32 s7, s2  }
0x1e: {  	s7 =	smul.u32 @!p0 $0xF7A, s2;
	p2 =	seq.s32 @!p0 s5, $0x0  }
0x1f: {  	s9 =	smul.u32 $0xF7A, s1;
	s8 =	simm.s32 @!p0 $0x1BF5;
	p2 =	por !p2, p0  }
0x20: {  	[sflag:s8] =	ssyncset.s32 @!p0 $0xFFFFF086;
	s6 =	sadd.s32 @!p0 s3, s7;
	s7 =	simm.s32 @!p0 $0x108  }
0x21: {  	s3 =	sadd.s32 s3, s9;
	s6 =	sadd.s32 @!p0 $0x88, s6;
	s7 =	simm.s32 @p2 $0x1082  }
0x22: {  	[simem:s7], [sflag:s8] =	dma.local @!p0 [hbm:s6], $0xF7A  }
0x23: {  	s9 =	sor.u32 $0xD0000000, s2;
	s6 =	simm.s32 $0x108;
	_ =	swait.ge @!p0 [sflag:s8], $0x0  }
0x24: {  	s3 =	sadd.s32 $0x88, s3;
	s6 =	simm.s32 @!p1 $0x1082;
	[sflag:s4] =	ssyncset.s32 $0xFFFFF086  }
0x25: {  	[simem:s6], [sflag:s4] =	dma.local [hbm:s3], $0xF7A  }
0x26: {  	[smem:$0x3F99] =	sst s1;
	(tag) =	ssettag s2;
	_ =	strace s9  }
0x27: {  	s1 =	sld [smem:$0x3FA9]  }
0x28: {  	s2 =	sld [smem:$0x3FAA]  }
0x29: {  	s4 =	sld [smem:$0x3FAC]  }
0x2a: {  	p0 =	seq.s32 s5, $0x0;
	s5 =	sld [smem:$0x3FAD]  }
0x2b: {  	s6 =	sld [smem:$0x3FAE]  }
0x2c: {  	s7 =	sld [smem:$0x3FAF]  }
0x2d: {  	s3 =	simm.s32 $0x108;
	s8 =	sld [smem:$0x3FB0]  }
0x2e: {  	s3 =	simm.s32 @!p0 $0x1082;
	s9 =	sld [smem:$0x3FB1]  }
0x2f: {  	lr =	sadd.s32 s0, s3;
	s0 =	sld [smem:$0x3FA8]  }
0x30: {  	s3 =	sld [smem:$0x3FAB]  }
0x31: {  	[smem:$0x3FB4] =	sst s10  }
0x32: {  	s10 =	sld [smem:$0x3FB2];
	_ =	sdelay $0x3  }
0x33: {  	p0 =	seq.s32 s10, $0x1;
	s10 =	sld [smem:$0x3FB4];
	_ =	sdelay $0x3  }
0x34: {  	[smem:$0x3FB4] =	sst s10  }
0x35: {  	s10 =	sld [smem:$0x3FB3];
	_ =	sdelay $0x3  }
0x36: {  	p1 =	seq.s32 s10, $0x1;
	s10 =	sld [smem:$0x3FB4];
	_ =	sdelay $0x3  }
0x37: {  	[smem:$0x3FB4] =	sst s10  }
0x38: {  	s10 =	sld [smem:$0x3FB5]  }
0x39: {  	_ = 	snop;
	(pc) =	sbr.ind lr, $3  }
0x3a: {  	_ = 	snop  }
0x3b: {  	_ = 	snop  }
0x3c: {  	p2 =	seq.s32 s10, $0x1;
	s10 =	sld [smem:$0x3FB4]  }
0x3d: {  	_ =	shalt  }
0x3e: {  	_ =	shalt  }
0x3f: {  	_ =	shalt  }
0x40: {  	_ =	shalt  }
0x41: {  	_ =	shalt  }
0x42: {  	_ =	shalt  }
0x43: {  	_ =	shalt  }
0x44: {  	_ =	shalt  }
0x45: {  	_ =	shalt  }
0x46: {  	_ =	shalt  }
0x47: {  	_ =	shalt  }
0x48: {  	_ =	shalt  }
0x49: {  	_ =	shalt  }
0x4a: {  	_ =	shalt  }
0x4b: {  	_ =	shalt  }
0x4c: {  	_ =	shalt  }
0x4d: {  	_ =	shalt  }
0x4e: {  	_ =	shalt  }
0x4f: {  	_ =	shalt  }
0x50: {  	_ =	shalt  }
0x51: {  	_ =	shalt  }
0x52: {  	_ =	shalt  }
0x53: {  	_ =	shalt  }
0x54: {  	_ =	shalt  }
0x55: {  	_ =	shalt  }
0x56: {  	_ =	shalt  }
0x57: {  	_ =	shalt  }
0x58: {  	_ =	shalt  }
0x59: {  	_ =	shalt  }
0x5a: {  	_ =	shalt  }
0x5b: {  	_ =	shalt  }
0x5c: {  	_ =	shalt  }
0x5d: {  	_ =	shalt  }
0x5e: {  	_ =	shalt  }
0x5f: {  	_ =	shalt  }
0x60: {  	_ =	shalt  }
0x61: {  	_ =	shalt  }
0x62: {  	_ =	shalt  }
0x63: {  	_ =	shalt  }
0x64: {  	_ =	shalt  }
0x65: {  	_ =	shalt  }
0x66: {  	_ =	shalt  }
0x67: {  	_ =	shalt  }
0x68: {  	_ =	shalt  }
0x69: {  	_ =	shalt  }
0x6a: {  	_ =	shalt  }
0x6b: {  	_ =	shalt  }
0x6c: {  	_ =	shalt  }
0x6d: {  	_ =	shalt  }
0x6e: {  	_ =	shalt  }
0x6f: {  	_ =	shalt  }
0x70: {  	_ =	shalt  }
0x71: {  	_ =	shalt  }
0x72: {  	_ =	shalt  }
0x73: {  	_ =	shalt  }
0x74: {  	_ =	shalt  }
0x75: {  	_ =	shalt  }
0x76: {  	_ =	shalt  }
0x77: {  	_ =	shalt  }
0x78: {  	_ =	shalt  }
0x79: {  	_ =	shalt  }
0x7a: {  	_ =	shalt  }
0x7b: {  	_ =	shalt  }
0x7c: {  	_ =	shalt  }
0x7d: {  	_ =	shalt  }
0x7e: {  	_ =	shalt  }
0x7f: {  	_ =	shalt  }
0x80: {  	_ =	shalt  }
0x81: {  	_ =	shalt  }
0x82: {  	_ =	shalt  }
0x83: {  	_ =	shalt  }
0x84: {  	_ =	shalt  }
0x85: {  	_ =	shalt  }
0x86: {  	_ =	shalt  }
0x87: {  	_ =	shalt  }
.Lfunc_end0:
.L_simem_size_0:
called_computation.2_lowered:
.L_overlay_start_0:
0x88: {  	s2 =	sld [smem:$0x3FD9]  }
0x89: {  	s3 =	sld [smem:$0x3FFE];
	_ =	sdelay $0x1  }
0x8a: {  	s1 =	srdreg.scid  }
0x8b: {  	s0 =	sand.u32 $0x1, s1  }
0x8c: {  	s17 =	sshll.u32 s0, $0xA;
	s2 =	sadd.s32 s3, s2  }
0x8d: {  	s2 =	sadd.s32 s2, s17  }
0x8e: {  	[smem:$0x3FC0] =	sst s2  }
0x8f: {  	_ = 	snop  }
0x90: {  	s2 =	sld [smem:$0x3FD0];
	(tm) =	ssettm $0x1  }
0x91: {  	s18 =	sld [smem:$0x3FFB];
	_ =	sdelay $0x3  }
0x92: {  	_ =	strace s18  }
0x93: {  	s3 =	sld [smem:$0x3FFC];
	_ =	sdelay $0x3  }
0x94: {  	_ =	strace s3  }
0x95: {  	s3 =	sld [smem:$0x3FFD];
	_ =	sdelay $0x3  }
0x96: {  	_ =	strace s3  }
0x97: {  	_ =	strace $0x8FFFFFFF  }
0x98: {  	s19 =	sld [smem:$0x3FDB];
	_ =	sdelay $0x1  }
0x99: {  	s4 =	simm.s32 $_scs_section_size  }
0x9a: {  	s5 =	simm.s32 $_size__tile_overlayer_lowered;
	s6 =	simm.s32 $_tile_overlayer_lowered  }
0x9b: {  	s22 =	simm.s32 $0x1BFF;
	s21 =	sshll.u32 s6, $0x1;
	s3 =	sadd.s32 s4, s19  }
0x9c: {  	s7 =	simm.s32 $0x0;
	s20 =	sshll.u32 s5, $0x1;
	s5 =	sadd.s32 s21, s3  }
0x9d: {  	[timem:s7], [sflag:s22] =	dma.local [hbm:s5], s20  }
0x9e: {  	_ =	swait.ge [sflag:s22], s20  }
0x9f: {  	s4 =	ssub.s32 $0x0, s20;
	[sflag:s22] =	ssyncset.done $0x0  }
0xa0: {  	[sflag:s22] =	ssyncadd.s32 s4;
	_ =	sdelay $0x1  }
0xa1: {  	s23 =	simm.s32 $0x1B8B  }
0xa2: {  	_ =	swait.ge [sflag:s23], $0x1  }
0xa3: {  	[sflag:s23] =	ssyncset.done $0x0  }
0xa4: {  	s25 =	simm.s32 $0x1B8E;
	s24 =	sld [smem:$0x3FFE];
	[sflag:s23] =	ssyncadd.s32 $0xFFFFFFFF  }
0xa5: {  	s26 =	simm.s32 $execute0_lowered;
	[smem:$0x3FD2] =	sst s25  }
0xa6: {  	s5 =	sshll.u32 s26, $0x1;
	_ =	strace $0x8000004C;
	[dreg:$0x1] =	wrdreg $0xFFFFFFFF  }
0xa7: {  	s28 =	simm.s32 $_size_execute0_lowered;
	s3 =	sadd.s32 s3, s5;
	[dreg:$0x0] =	wrdreg $0x0  }
0xa8: {  	s5 =	sshll.u32 s28, $0x1;
	[dreg:$0x2] =	wrdreg s3  }
0xa9: {  	[dreg:$0x3] =	wrdreg s5  }
0xaa: {  	[dreg:$0x4] =	wrdreg $0xC0  }
0xab: {  	_ =	task [dreg:s7], $0x5FFFF  }
0xac: {  	[dreg:$0x1] =	wrdreg $0xFFFFFFFF  }
0xad: {  	[dreg:$0x0] =	wrdreg $0x60  }
0xae: {  	[dreg:$0x2] =	wrdreg s2  }
0xaf: {  	[dreg:$0x3] =	wrdreg s24  }
0xb0: {  	[dreg:$0x4] =	wrdreg $0xA5000  }
0xb1: {  	[dreg:$0x5] =	wrdreg $0x9  }
0xb2: {  	_ =	task.clear_ibuf [dreg:s7], $0x6FFFF;
	_ =	strace $0x9000004C  }
0xb3: {  	s29 =	simm.s32 $0x9;
	_ =	strace $0x8000004E  }
0xb4: {  	_ =	swait.ge [sflag:s29], $0x1  }
0xb5: {  	[sflag:s29] =	ssyncadd.s32 $0xFFFFFFFF  }
0xb6: {  	_ =	strace $0x9000004E  }
0xb7: {  	_ =	sfence  }
0xb8: {  	s30 =	sld [smem:$0x0];
	_ =	sdelay $0x2  }
0xb9: {  	s31 =	sshll.u32 s1, $0xD;
	s1 =	sshrl.u32 s1, $0x2  }
0xba: {  	s3 =	sand.u32 $0x4000, s31;
	s1 =	sadd.s32 s1, s30  }
0xbb: {  	s0 =	sor.u32 s3, s0;
	s1 =	sshll.u32 s1, $0x11  }
0xbc: {  	s0 =	sor.u32 s1, s0  }
0xbd: {  	s0 =	sadd.s32 $0x8F2B, s0  }
0xbe: {  	[sflag:s0] =	ssyncadd.remote.s32 $0x1  }
0xbf: {  	_ =	sfence.sel $0xFFFF  }
0xc0: {  	[dreg:$0x0] =	wrdreg $0xFFFFFFFF;
	(pc) =	sbr.abs _section_cstart, $3  }
0xc1: {  	[dreg:$0x1] =	wrdreg $0xFFFFFFFF  }
0xc2: {  	_ =	task.clear_ibuf [dreg:s7], $0x2FFFF;
	_ =	strace $0x9FFFFFFF  }
0xc3: {  	(tm) =	ssettm $0x7FFFFFFF  }
tec
execute0_lowered:
.L_overlay_start_1:
0x0: {  	(tag) =	ssettag $0x1  }
0x1: {  	s1 =	rddreg [dreg:$0x0]  }
0x2: {  	s0 =	rddreg [dreg:$0x1]  }
0x3: {  	s2 =	rddreg [dreg:$0x2]  }
0x4: {  	s3 =	srdreg.scid;
	s4 =	simm.s32 $0x0;
	s11 =	stileid.u32  }
0x5: {  	s29 =	simm.s32 $0x180;
	s28 =	simm.s32 $0x40;
	s30 =	simm.s32 $0x2  }
0x6: {  	s14 =	simm.s32 $0x4500;
	s13 =	simm.s32 $0x5;
	s12 =	simm.s32 $0x480  }
0x7: {  	s3 =	sand.u32 $0x1, s3;
	[smem:$0x7FF] =	sst s4;
	s6 =	smul.u32 $0x14000, s11  }
0x8: {  	s7 =	sadd.s32 $0x4600, s0;
	s8 =	sadd.s32 $0x18A00, s0;
	s16 =	smul.u32 $0x50000, s11  }
0x9: {  	s9 =	sadd.s32 $0x22C00, s0;
	s10 =	smul.u32 $0xA, s11;
	s19 =	sshll.u32 s11, $0x6  }
0xa: {  	s5 =	smul.u32 $0x140000, s3;
	_ =	strace $0x8000004D;
	[dreg:$0x5] =	wrdreg s9  }
0xb: {  	s15 =	ssub.s32 $0x2, s3;
	s9 =	smul.u32 $0x136, s11;
	p0 =	seq.s32 s3, $0x0  }
0xc: {  	s19 =	sor.u32 $0x1C0B, s19;
	s11 =	simm.s32 $0x2500;
	s17 =	sshrl.u32 s15, $0x1  }
0xd: {  	s18 =	sshrl.u32 s16, $0x2;
	s3 =	sadd.s32 $0x1360, s10;
	s10 =	simm.s32 $0x4  }
0xe: {  	[dreg:$0x6] =	wrdreg s19;
	s16 =	simm.s32 $0xA;
	s5 =	sadd.s32 s6, s5  }
0xf: {  	s6 =	sadd.s32 s18, s2;
	s3 =	smov.u32 @p0 s9;
	s9 =	simm.s32 $0x9B0  }
0x10: {  	s18 =	simm.s32 $0xB;
	s5 =	sshrl.u32 s5, $0x3;
	s9 =	simm.s32 @!p0 $0x50  }
0x11: {  	s3 =	sshll.u32 s3, $0x3;
	s0 =	sadd.s32 s5, s0;
	s5 =	ssub.s32 s15, s17  }
0x12: {  	[dreg:$0x4] =	wrdreg s9;
	s21 =	sadd.s32 s7, s3;
	s20 =	sor.u32 $0x8, s3  }
0x13: {  	s23 =	sadd.s32 s8, s3;
	s24 =	sadd.s32 $0x10, s3;
	s22 =	sadd.s32 s7, s20  }
0x14: {  	s3 =	sadd.s32 $0x18, s3;
	s9 =	sadd.s32 s8, s20;
	[dreg:$0x7] =	wrdreg s22  }
0x15: {  	s15 =	simm.s32 $0x6;
	s25 =	sadd.s32 s7, s24;
	[dreg:$0x8] =	wrdreg s9  }
0x16: {  	s17 =	simm.s32 $0x6500;
	s26 =	sadd.s32 s8, s24;
	[dreg:$0x9] =	wrdreg s25  }
0x17: {  	s7 =	sadd.s32 s7, s3;
	s3 =	sadd.s32 s8, s3;
	[dreg:$0xa] =	wrdreg s26  }
0x18: {  	s0 =	sadd.s32 $0x25400, s0;
	s31 =	smax.u32 s5, $0x1;
	[dreg:$0xb] =	wrdreg s7  }
0x19: {  	s8 =	sshrl.u32 s6, $0x3;
	s20 =	simm.s32 $0x280;
	[dreg:$0xc] =	wrdreg s3  }
0x1a: {  	s24 =	simm.s32 $0x80;
	s5 =	simm.s32 $0x380;
	[dreg:$0xd] =	wrdreg s0  }
0x1b: {  	s6 =	simm.s32 $0x0;
	[dreg:$0xe] =	wrdreg s31;
	s22 =	simm.s32 $0x300  }
0x1c: {  	s25 =	simm.s32 $0x100;
	s9 =	simm.s32 $0x400;
	s26 =	simm.s32 $0x1  }
0x1d: {  	s3 =	simm.s32 $0x500;
	s0 =	simm.s32 $0x3;
	[dreg:$0xf] =	wrdreg s8  }
.LBB2_1:
0x1e: {  	[dreg:$0x10] =	wrdreg s6  }
0x1f: {  	s7 =	rddreg [dreg:$0x5]  }
0x20: {  	[spmem:s8], [sflag:s19] =	dma.local [hbm:s7], $0x2800  }
0x21: {  	_ =	swait.ge [sflag:s18], $0x2800  }
0x22: {  	[sflag:s18] =	ssyncset.done $0x0  }
0x23: {  	[sflag:s18] =	ssyncadd.s32 $0xFFFFD800  }
0x24: {  	[bflag:$0x0] =	sbarrier.arrive $0xFFFF  }
0x25: {  	[tilespmem:s4], [sflag:$0x1] =	stream.linear.gather [hbm4b:s21+s4], $0x40, $0x38;
	[tilespmem:$0x1E500] =	vst v63  }
0x26: {  	_ = 	snop  }
0x27: {  	[tilespmem:s20], [sflag:$0x1] =	stream.linear.gather [hbm4b:s23+s4], $0x40, $0x38;
	[tilespmem:$0x1E500] =	vst v63  }
0x28: {  	s6 =	rddreg [dreg:$0x7]  }
0x29: {  	[tilespmem:s24], [sflag:$0x2] =	stream.linear.gather [hbm4b:s6+s4], $0x40, $0x38;
	[tilespmem:$0x1E500] =	vst v63  }
0x2a: {  	s8 =	rddreg [dreg:$0x8]  }
0x2b: {  	[tilespmem:s22], [sflag:$0x2] =	stream.linear.gather [hbm4b:s8+s4], $0x40, $0x38;
	[tilespmem:$0x1E500] =	vst v63  }
0x2c: {  	s19 =	rddreg [dreg:$0x9]  }
0x2d: {  	[tilespmem:s25], [sflag:$0x3] =	stream.linear.gather [hbm4b:s19+s4], $0x40, $0x38;
	[tilespmem:$0x1E500] =	vst v63  }
0x2e: {  	s20 =	rddreg [dreg:$0xa]  }
0x2f: {  	[tilespmem:s5], [sflag:$0x3] =	stream.linear.gather [hbm4b:s20+s4], $0x40, $0x38;
	[tilespmem:$0x1E500] =	vst v63  }
0x30: {  	s22 =	rddreg [dreg:$0xb]  }
0x31: {  	[tilespmem:s29], [sflag:$0x4] =	stream.linear.gather [hbm4b:s22+s4], $0x40, $0x38;
	[tilespmem:$0x1E500] =	vst v63  }
0x32: {  	s31 =	rddreg [dreg:$0xc]  }
0x33: {  	[tilespmem:s9], [sflag:$0x4] =	stream.linear.gather [hbm4b:s31+s4], $0x40, $0x38;
	[tilespmem:$0x1E500] =	vst v63  }
0x34: {  	_ =	swait.ge [sflag:s26], $0x40  }
0x35: {  	[sflag:s26] =	ssyncset.done $0x0  }
0x36: {  	[sflag:s26] =	ssyncadd.s32 $0xFFFFFFC0  }
0x37: {  	_ =	swait.ge [sflag:s26], $0x40  }
0x38: {  	[sflag:s26] =	ssyncset.done $0x0  }
0x39: {  	[sflag:s26] =	ssyncadd.s32 $0xFFFFFFC0  }
0x3a: {  	[tilespmem:s3], [sflag:$0x6] =	stream.indirect.gather [hbm4b:s1+s28], $0x80, s4, s28, $0xb8;
	[tilespmem:$0x1E500] =	vst v63  }
0x3b: {  	_ =	swait.ge [sflag:s30], $0x40  }
0x3c: {  	[sflag:s30] =	ssyncset.done $0x0  }
0x3d: {  	[sflag:s30] =	ssyncadd.s32 $0xFFFFFFC0  }
0x3e: {  	_ =	swait.ge [sflag:s30], $0x40  }
0x3f: {  	[sflag:s30] =	ssyncset.done $0x0  }
0x40: {  	[sflag:s30] =	ssyncadd.s32 $0xFFFFFFC0  }
0x41: {  	[tilespmem:s11], [sflag:$0x7] =	stream.indirect.gather [hbm4b:s1+s28], $0x80, s24, s28, $0xb8;
	[tilespmem:$0x1E500] =	vst v63  }
0x42: {  	_ =	swait.ge [sflag:s0], $0x40  }
0x43: {  	[sflag:s0] =	ssyncset.done $0x0  }
0x44: {  	[sflag:s0] =	ssyncadd.s32 $0xFFFFFFC0  }
0x45: {  	s7 =	simm.s32 $0x0;
	_ =	swait.ge [sflag:s0], $0x40  }
0x46: {  	s6 =	simm.s32 $0x200;
	s22 =	simm.s32 $0x7;
	[sflag:s0] =	ssyncset.done $0x0  }
0x47: {  	s29 =	simm.s32 $0x8;
	s11 =	simm.s32 $0x2500;
	[sflag:s0] =	ssyncadd.s32 $0xFFFFFFC0  }
0x48: {  	[tilespmem:s14], [sflag:$0x8] =	stream.indirect.gather [hbm4b:s1+s28], $0x80, s25, s28, $0xb8;
	[tilespmem:$0x1E500] =	vst v63  }
0x49: {  	s24 =	simm.s32 $0x9;
	s14 =	simm.s32 $0x4500;
	s25 =	simm.s32 $0x8500  }
.LBB2_2:
0x4a: {  	s8 =	sadd.s32 s7, s21  }
0x4b: {  	s19 =	sadd.s32 $0x20, s8  }
0x4c: {  	[tilespmem:s6], [sflag:$0x5] =	stream.linear.gather [hbm4b:s19+s4], $0x40, $0x38;
	[tilespmem:$0x1E500] =	vst v63  }
0x4d: {  	s19 =	sadd.s32 s7, s23  }
0x4e: {  	s3 =	sadd.s32 $0x20, s19  }
0x4f: {  	[tilespmem:s12], [sflag:$0x5] =	stream.linear.gather [hbm4b:s3+s4], $0x40, $0x38;
	[tilespmem:$0x1E500] =	vst v63  }
0x50: {  	_ =	swait.ge [sflag:s10], $0x40  }
0x51: {  	[sflag:s10] =	ssyncset.done $0x0  }
0x52: {  	[sflag:s10] =	ssyncadd.s32 $0xFFFFFFC0  }
0x53: {  	_ =	swait.ge [sflag:s10], $0x40  }
0x54: {  	[sflag:s10] =	ssyncset.done $0x0  }
0x55: {  	s9 =	simm.s32 $0x180;
	[sflag:s10] =	ssyncadd.s32 $0xFFFFFFC0  }
0x56: {  	[tilespmem:s17], [sflag:$0x9] =	stream.indirect.gather [hbm4b:s1+s28], $0x80, s9, s28, $0xb8;
	[tilespmem:$0x1E500] =	vst v63  }
0x57: {  	_ =	swait.ge [sflag:s15], $0x2000  }
0x58: {  	[sflag:s15] =	ssyncset.done $0x0  }
0x59: {  	s31 =	simm.s32 $0x500;
	s3 =	simm.s32 $0x280;
	[sflag:s15] =	ssyncadd.s32 $0xFFFFE000  }
0x5a: {  	[spmem:s2] =	stream.indirect.scatter.add.f32 [tilespmem:s31], [sflag:$0xB], $0x80, s3, s28, $0xb8;
	[tilespmem:$0x1E500] =	vst v63  }
0x5b: {  	_ =	swait.ge [sflag:s18], $0x2000  }
0x5c: {  	[sflag:s18] =	ssyncset.done $0x0  }
0x5d: {  	s5 =	sadd.s32 $0x28, s8;
	[sflag:s18] =	ssyncadd.s32 $0xFFFFE000  }
0x5e: {  	[tilespmem:s4], [sflag:$0x1] =	stream.linear.gather [hbm4b:s5+s4], $0x40, $0x38;
	[tilespmem:$0x1E500] =	vst v63  }
0x5f: {  	s5 =	sadd.s32 $0x28, s19  }
0x60: {  	[tilespmem:s3], [sflag:$0x1] =	stream.linear.gather [hbm4b:s5+s4], $0x40, $0x38;
	[tilespmem:$0x1E500] =	vst v63  }
0x61: {  	_ =	swait.ge [sflag:s13], $0x40  }
0x62: {  	[sflag:s13] =	ssyncset.done $0x0  }
0x63: {  	[sflag:s13] =	ssyncadd.s32 $0xFFFFFFC0  }
0x64: {  	_ =	swait.ge [sflag:s13], $0x40  }
0x65: {  	[sflag:s13] =	ssyncset.done $0x0  }
0x66: {  	[sflag:s13] =	ssyncadd.s32 $0xFFFFFFC0  }
0x67: {  	[tilespmem:s25], [sflag:$0xA] =	stream.indirect.gather [hbm4b:s1+s28], $0x80, s6, s28, $0xb8;
	[tilespmem:$0x1E500] =	vst v63  }
0x68: {  	_ =	swait.ge [sflag:s22], $0x2000  }
0x69: {  	[sflag:s22] =	ssyncset.done $0x0  }
0x6a: {  	s5 =	simm.s32 $0x300;
	[sflag:s22] =	ssyncadd.s32 $0xFFFFE000  }
0x6b: {  	[spmem:s2] =	stream.indirect.scatter.add.f32 [tilespmem:s11], [sflag:$0xB], $0x80, s5, s28, $0xb8;
	[tilespmem:$0x1E500] =	vst v63  }
0x6c: {  	_ =	swait.ge [sflag:s18], $0x2000  }
0x6d: {  	s20 =	smov.u32 s23;
	s23 =	smov.u32 s21;
	[sflag:s18] =	ssyncset.done $0x0  }
0x6e: {  	s21 =	sadd.s32 $0x30, s8;
	s3 =	simm.s32 $0x80;
	[sflag:s18] =	ssyncadd.s32 $0xFFFFE000  }
0x6f: {  	[tilespmem:s3], [sflag:$0x2] =	stream.linear.gather [hbm4b:s21+s4], $0x40, $0x38;
	[tilespmem:$0x1E500] =	vst v63  }
0x70: {  	s21 =	sadd.s32 $0x30, s19  }
0x71: {  	[tilespmem:s5], [sflag:$0x2] =	stream.linear.gather [hbm4b:s21+s4], $0x40, $0x38;
	[tilespmem:$0x1E500] =	vst v63  }
0x72: {  	_ =	swait.ge [sflag:s26], $0x40  }
0x73: {  	[sflag:s26] =	ssyncset.done $0x0  }
0x74: {  	[sflag:s26] =	ssyncadd.s32 $0xFFFFFFC0  }
0x75: {  	_ =	swait.ge [sflag:s26], $0x40  }
0x76: {  	[sflag:s26] =	ssyncset.done $0x0  }
0x77: {  	[sflag:s26] =	ssyncadd.s32 $0xFFFFFFC0  }
0x78: {  	[tilespmem:s31], [sflag:$0x6] =	stream.indirect.gather [hbm4b:s1+s28], $0x80, s4, s28, $0xb8;
	[tilespmem:$0x1E500] =	vst v63  }
0x79: {  	_ =	swait.ge [sflag:s29], $0x2000  }
0x7a: {  	[sflag:s29] =	ssyncset.done $0x0  }
0x7b: {  	s5 =	simm.s32 $0x380;
	[sflag:s29] =	ssyncadd.s32 $0xFFFFE000  }
0x7c: {  	[spmem:s2] =	stream.indirect.scatter.add.f32 [tilespmem:s14], [sflag:$0xB], $0x80, s5, s28, $0xb8;
	[tilespmem:$0x1E500] =	vst v63  }
0x7d: {  	_ =	swait.ge [sflag:s18], $0x2000  }
0x7e: {  	[sflag:s18] =	ssyncset.done $0x0  }
0x7f: {  	s21 =	sadd.s32 $0x38, s8;
	s31 =	simm.s32 $0x100;
	[sflag:s18] =	ssyncadd.s32 $0xFFFFE000  }
0x80: {  	[tilespmem:s31], [sflag:$0x3] =	stream.linear.gather [hbm4b:s21+s4], $0x40, $0x38;
	[tilespmem:$0x1E500] =	vst v63  }
0x81: {  	s21 =	sadd.s32 $0x38, s19  }
0x82: {  	[tilespmem:s5], [sflag:$0x3] =	stream.linear.gather [hbm4b:s21+s4], $0x40, $0x38;
	[tilespmem:$0x1E500] =	vst v63  }
0x83: {  	_ =	swait.ge [sflag:s30], $0x40  }
0x84: {  	[sflag:s30] =	ssyncset.done $0x0  }
0x85: {  	[sflag:s30] =	ssyncadd.s32 $0xFFFFFFC0  }
0x86: {  	_ =	swait.ge [sflag:s30], $0x40  }
0x87: {  	[sflag:s30] =	ssyncset.done $0x0  }
0x88: {  	[sflag:s30] =	ssyncadd.s32 $0xFFFFFFC0  }
0x89: {  	[tilespmem:s11], [sflag:$0x7] =	stream.indirect.gather [hbm4b:s1+s28], $0x80, s3, s28, $0xb8;
	[tilespmem:$0x1E500] =	vst v63  }
0x8a: {  	_ =	swait.ge [sflag:s24], $0x2000  }
0x8b: {  	[sflag:s24] =	ssyncset.done $0x0  }
0x8c: {  	s3 =	simm.s32 $0x400;
	[sflag:s24] =	ssyncadd.s32 $0xFFFFE000  }
0x8d: {  	[spmem:s2] =	stream.indirect.scatter.add.f32 [tilespmem:s17], [sflag:$0xB], $0x80, s3, s28, $0xb8;
	[tilespmem:$0x1E500] =	vst v63  }
0x8e: {  	_ =	swait.ge [sflag:s18], $0x2000  }
0x8f: {  	[sflag:s18] =	ssyncset.done $0x0  }
0x90: {  	s8 =	sadd.s32 $0x40, s8;
	[sflag:s18] =	ssyncadd.s32 $0xFFFFE000  }
0x91: {  	[tilespmem:s9], [sflag:$0x4] =	stream.linear.gather [hbm4b:s8+s4], $0x40, $0x38;
	[tilespmem:$0x1E500] =	vst v63  }
0x92: {  	s21 =	smov.u32 s23;
	s23 =	smov.u32 s20;
	s20 =	sadd.s32 $0x40, s19  }
0x93: {  	[tilespmem:s3], [sflag:$0x4] =	stream.linear.gather [hbm4b:s20+s4], $0x40, $0x38;
	[tilespmem:$0x1E500] =	vst v63  }
0x94: {  	_ =	swait.ge [sflag:s0], $0x40  }
0x95: {  	[sflag:s0] =	ssyncset.done $0x0  }
0x96: {  	[sflag:s0] =	ssyncadd.s32 $0xFFFFFFC0  }
0x97: {  	_ =	swait.ge [sflag:s0], $0x40  }
0x98: {  	[sflag:s0] =	ssyncset.done $0x0  }
0x99: {  	[sflag:s0] =	ssyncadd.s32 $0xFFFFFFC0  }
0x9a: {  	[tilespmem:s14], [sflag:$0x8] =	stream.indirect.gather [hbm4b:s1+s28], $0x80, s31, s28, $0xb8;
	[tilespmem:$0x1E500] =	vst v63  }
0x9b: {  	_ =	swait.ge [sflag:s16], $0x2000  }
0x9c: {  	[sflag:s16] =	ssyncset.done $0x0  }
0x9d: {  	[sflag:s16] =	ssyncadd.s32 $0xFFFFE000  }
0x9e: {  	[spmem:s2] =	stream.indirect.scatter.add.f32 [tilespmem:s25], [sflag:$0xB], $0x80, s12, s28, $0xb8;
	[tilespmem:$0x1E500] =	vst v63  }
0x9f: {  	_ =	swait.ge [sflag:s18], $0x2000  }
0xa0: {  	s7 =	sadd.s32 $0x28, s7;
	s31 =	rddreg [dreg:$0x4]  }
0xa1: {  	p0 =	sne.s32 s31, s7  }
.Ltmp0:
0xa2: {  	_ = 	snop;
	(pc) =	sbr.rel @p0 .LBB2_2-.Ltmp0, $3  }
0xa3: {  	_ =	sdelay $0x1  }
0xa4: {  	[sflag:s18] =	ssyncset.done $0x0  }
0xa5: {  	[sflag:s18] =	ssyncadd.s32 $0xFFFFE000  }
0xa6: {  	_ =	swait.ge [sflag:s10], $0x40  }
0xa7: {  	[sflag:s10] =	ssyncset.done $0x0  }
0xa8: {  	[sflag:s10] =	ssyncadd.s32 $0xFFFFFFC0  }
0xa9: {  	_ =	swait.ge [sflag:s10], $0x40  }
0xaa: {  	[sflag:s10] =	ssyncset.done $0x0  }
0xab: {  	[sflag:s10] =	ssyncadd.s32 $0xFFFFFFC0  }
0xac: {  	_ =	swait.ge [sflag:s15], $0x2000  }
0xad: {  	[sflag:s15] =	ssyncset.done $0x0  }
0xae: {  	[sflag:s15] =	ssyncadd.s32 $0xFFFFE000  }
0xaf: {  	_ =	swait.ge [sflag:s22], $0x2000  }
0xb0: {  	[sflag:s22] =	ssyncset.done $0x0  }
0xb1: {  	[sflag:s22] =	ssyncadd.s32 $0xFFFFE000  }
0xb2: {  	_ =	swait.ge [sflag:s29], $0x2000  }
0xb3: {  	[sflag:s29] =	ssyncset.done $0x0  }
0xb4: {  	[sflag:s29] =	ssyncadd.s32 $0xFFFFE000  }
0xb5: {  	[bflag:$0x0] =	sbarrier.arrive $0xFFFF  }
0xb6: {  	s19 =	rddreg [dreg:$0x6]  }
0xb7: {  	s7 =	rddreg [dreg:$0xd]  }
0xb8: {  	s8 =	rddreg [dreg:$0xf]  }
0xb9: {  	[hbm:s7], [sflag:s19] =	dma.local [spmem:s8], $0x2800  }
0xba: {  	_ =	swait.ge [sflag:s18], $0x2800  }
0xbb: {  	s6 =	rddreg [dreg:$0x10]  }
0xbc: {  	s31 =	rddreg [dreg:$0xe];
	s6 =	sadd.s32 $0x1, s6  }
0xbd: {  	p0 =	sne.s32 s6, s31  }
.Ltmp1:
0xbe: {  	_ = 	snop;
	(pc) =	sbr.rel @p0 .LBB2_1-.Ltmp1, $4  }
0xbf: {  	s20 =	simm.s32 $0x280;
	s24 =	simm.s32 $0x80;
	s25 =	simm.s32 $0x100  }
0xc0: {  	s5 =	simm.s32 $0x380;
	s9 =	simm.s32 $0x400;
	s3 =	simm.s32 $0x500  }
0xc1: {  	s11 =	simm.s32 $0x2500;
	s14 =	simm.s32 $0x4500;
	[sflag:s18] =	ssyncset.done $0x0  }
0xc2: {  	s22 =	simm.s32 $0x300;
	s29 =	simm.s32 $0x180;
	[sflag:s18] =	ssyncadd.s32 $0xFFFFD800  }
0xc3: {  	_ =	sfence.sel $0x180000  }
0xc4: {  	[bflag:$0x0] =	sbarrier.arrive $0xFFFF  }
0xc5: {  	_ =	strace $0x9000004D  }
0xc6: {  	s0 =	stileid.u32;
	[bflag:$0x2] =	sbarrier.arrive $0xFFFF  }
0xc7: {  	p0 =	sne.s32 s0, $0x0;
	s0 =	rddreg [dreg:$0x3]  }
0xc8: {  	s0 =	sadd.s32 @!p0 $0x100000, s0  }
0xc9: {  	[sflag:s0] =	ssyncadd.tile.s32 @!p0 $0x1;
	_ =	shalt  }
.Lfunc_end2:
_tile_overlayer_lowered:
.L_overlay_start_2:
0xca: {  	(tag) =	ssettag $0x2  }
0xcb: {  	s0 =	rddreg [dreg:$0x0];
	s2 =	stileid.u32  }
0xcc: {  	s1 =	rddreg [dreg:$0x1];
	p0 =	sne.s32 s2, $0x0  }
0xcd: {  	s3 =	rddreg [dreg:$0x2];
	[bflag:$0x3] =	sbarrier.arrive $0xFFFF;
	s2 =	simm.s32 @!p0 $0x1C0B  }
0xce: {  	[timem:s3], [sflag:s2] =	dma.local @!p0 [hbm:s0], s1  }
0xcf: {  	s0 =	simm.s32 @!p0 $0xB  }
0xd0: {  	_ =	swait.ge @!p0 [sflag:s0], s1  }
0xd1: {  	s1 =	ssub.s32 @!p0 $0x0, s1;
	[sflag:s0] =	ssyncset.done @!p0 $0x0  }
0xd2: {  	[sflag:s0] =	ssyncadd.s32 @!p0 s1  }
0xd3: {  	[bflag:$0x3] =	sbarrier.arrive $0xFFFF  }
0xd4: {  	_ =	shalt  }

// kernel: kernel.22.cloned.1.call-start
scs
__scs_entry_jumppad:
0x0: {  	(pc) =	sbr.rel $0x88, $3  }
0x1: {  	(tag) =	ssettag $0x0;
	lr =	simm.s32 $0x1  }
0x2: {  	[smem:$0x3F99] =	sst lr;
	_ =	strace $0xD0000000  }
0x3: {  	_ = 	snop  }
0x4: {  	_ = 	snop  }
0x5: {  	_ = 	snop  }
0x6: {  	_ = 	snop  }
0x7: {  	_ = 	snop  }
__scs_overlays_trampoline_lowered:
0x8: {  	[smem:$0x3FA8] =	sst s0  }
0x9: {  	[smem:$0x3FA9] =	sst s1  }
0xa: {  	[smem:$0x3FAA] =	sst s2  }
0xb: {  	[smem:$0x3FAB] =	sst s3  }
0xc: {  	[smem:$0x3FAC] =	sst s4  }
0xd: {  	[smem:$0x3FAD] =	sst s5  }
0xe: {  	[smem:$0x3FAE] =	sst s6  }
0xf: {  	[smem:$0x3FAF] =	sst s7  }
0x10: {  	[smem:$0x3FB0] =	sst s8  }
0x11: {  	[smem:$0x3FB1] =	sst s9;
	s0 =	simm.s32 @!p0 $0x0  }
0x12: {  	s1 =	sld [smem:$0x3F97];
	s0 =	simm.s32 @p0 $0x1  }
0x13: {  	[smem:$0x3FB2] =	sst s0;
	s0 =	simm.s32 @!p1 $0x0  }
0x14: {  	s2 =	sld [smem:$0x3F96];
	s0 =	simm.s32 @p1 $0x1  }
0x15: {  	[smem:$0x3FB3] =	sst s0;
	s0 =	simm.s32 @!p2 $0x0  }
0x16: {  	s3 =	sld [smem:$0x3FDB];
	s0 =	simm.s32 @p2 $0x1  }
0x17: {  	s4 =	simm.s32 $0x1BF5;
	[smem:$0x3FB5] =	sst s0  }
0x18: {  	s0 =	sld [smem:$0x3F98];
	_ =	swait.ge [sflag:s4], $0x0  }
0x19: {  	s7 =	sld [smem:$0x3F99]  }
0x1a: {  	s8 =	sadd.s32 $0xFFFFE003, lr  }
0x1b: {  	s9 =	sadd.s32 $0xFFFFFEF7, lr;
	s5 =	simm.s32 $0xFFFFFFFF;
	p2 =	slt.u32 s8, $0xFFFFF086  }
0x1c: {  	p1 =	slt.u32 s9, $0xF7A;
	s5 =	simm.s32 @!p2 $0x0  }
0x1d: {  	s5 =	simm.s32 @p1 $0x1;
	p0 =	seq.s32 s7, s2  }
0x1e: {  	s7 =	smul.u32 @!p0 $0xF7A, s2;
	p2 =	seq.s32 @!p0 s5, $0x0  }
0x1f: {  	s9 =	smul.u32 $0xF7A, s1;
	s8 =	simm.s32 @!p0 $0x1BF5;
	p2 =	por !p2, p0  }
0x20: {  	[sflag:s8] =	ssyncset.s32 @!p0 $0xFFFFF086;
	s6 =	sadd.s32 @!p0 s3, s7;
	s7 =	simm.s32 @!p0 $0x108  }
0x21: {  	s3 =	sadd.s32 s3, s9;
	s6 =	sadd.s32 @!p0 $0x88, s6;
	s7 =	simm.s32 @p2 $0x1082  }
0x22: {  	[simem:s7], [sflag:s8] =	dma.local @!p0 [hbm:s6], $0xF7A  }
0x23: {  	s9 =	sor.u32 $0xD0000000, s2;
	s6 =	simm.s32 $0x108;
	_ =	swait.ge @!p0 [sflag:s8], $0x0  }
0x24: {  	s3 =	sadd.s32 $0x88, s3;
	s6 =	simm.s32 @!p1 $0x1082;
	[sflag:s4] =	ssyncset.s32 $0xFFFFF086  }
0x25: {  	[simem:s6], [sflag:s4] =	dma.local [hbm:s3], $0xF7A  }
0x26: {  	[smem:$0x3F99] =	sst s1;
	(tag) =	ssettag s2;
	_ =	strace s9  }
0x27: {  	s1 =	sld [smem:$0x3FA9]  }
0x28: {  	s2 =	sld [smem:$0x3FAA]  }
0x29: {  	s4 =	sld [smem:$0x3FAC]  }
0x2a: {  	p0 =	seq.s32 s5, $0x0;
	s5 =	sld [smem:$0x3FAD]  }
0x2b: {  	s6 =	sld [smem:$0x3FAE]  }
0x2c: {  	s7 =	sld [smem:$0x3FAF]  }
0x2d: {  	s3 =	simm.s32 $0x108;
	s8 =	sld [smem:$0x3FB0]  }
0x2e: {  	s3 =	simm.s32 @!p0 $0x1082;
	s9 =	sld [smem:$0x3FB1]  }
0x2f: {  	lr =	sadd.s32 s0, s3;
	s0 =	sld [smem:$0x3FA8]  }
0x30: {  	s3 =	sld [smem:$0x3FAB]  }
0x31: {  	[smem:$0x3FB4] =	sst s10  }
0x32: {  	s10 =	sld [smem:$0x3FB2];
	_ =	sdelay $0x3  }
0x33: {  	p0 =	seq.s32 s10, $0x1;
	s10 =	sld [smem:$0x3FB4];
	_ =	sdelay $0x3  }
0x34: {  	[smem:$0x3FB4] =	sst s10  }
0x35: {  	s10 =	sld [smem:$0x3FB3];
	_ =	sdelay $0x3  }
0x36: {  	p1 =	seq.s32 s10, $0x1;
	s10 =	sld [smem:$0x3FB4];
	_ =	sdelay $0x3  }
0x37: {  	[smem:$0x3FB4] =	sst s10  }
0x38: {  	s10 =	sld [smem:$0x3FB5]  }
0x39: {  	_ = 	snop;
	(pc) =	sbr.ind lr, $3  }
0x3a: {  	_ = 	snop  }
0x3b: {  	_ = 	snop  }
0x3c: {  	p2 =	seq.s32 s10, $0x1;
	s10 =	sld [smem:$0x3FB4]  }
0x3d: {  	_ =	shalt  }
0x3e: {  	_ =	shalt  }
0x3f: {  	_ =	shalt  }
0x40: {  	_ =	shalt  }
0x41: {  	_ =	shalt  }
0x42: {  	_ =	shalt  }
0x43: {  	_ =	shalt  }
0x44: {  	_ =	shalt  }
0x45: {  	_ =	shalt  }
0x46: {  	_ =	shalt  }
0x47: {  	_ =	shalt  }
0x48: {  	_ =	shalt  }
0x49: {  	_ =	shalt  }
0x4a: {  	_ =	shalt  }
0x4b: {  	_ =	shalt  }
0x4c: {  	_ =	shalt  }
0x4d: {  	_ =	shalt  }
0x4e: {  	_ =	shalt  }
0x4f: {  	_ =	shalt  }
0x50: {  	_ =	shalt  }
0x51: {  	_ =	shalt  }
0x52: {  	_ =	shalt  }
0x53: {  	_ =	shalt  }
0x54: {  	_ =	shalt  }
0x55: {  	_ =	shalt  }
0x56: {  	_ =	shalt  }
0x57: {  	_ =	shalt  }
0x58: {  	_ =	shalt  }
0x59: {  	_ =	shalt  }
0x5a: {  	_ =	shalt  }
0x5b: {  	_ =	shalt  }
0x5c: {  	_ =	shalt  }
0x5d: {  	_ =	shalt  }
0x5e: {  	_ =	shalt  }
0x5f: {  	_ =	shalt  }
0x60: {  	_ =	shalt  }
0x61: {  	_ =	shalt  }
0x62: {  	_ =	shalt  }
0x63: {  	_ =	shalt  }
0x64: {  	_ =	shalt  }
0x65: {  	_ =	shalt  }
0x66: {  	_ =	shalt  }
0x67: {  	_ =	shalt  }
0x68: {  	_ =	shalt  }
0x69: {  	_ =	shalt  }
0x6a: {  	_ =	shalt  }
0x6b: {  	_ =	shalt  }
0x6c: {  	_ =	shalt  }
0x6d: {  	_ =	shalt  }
0x6e: {  	_ =	shalt  }
0x6f: {  	_ =	shalt  }
0x70: {  	_ =	shalt  }
0x71: {  	_ =	shalt  }
0x72: {  	_ =	shalt  }
0x73: {  	_ =	shalt  }
0x74: {  	_ =	shalt  }
0x75: {  	_ =	shalt  }
0x76: {  	_ =	shalt  }
0x77: {  	_ =	shalt  }
0x78: {  	_ =	shalt  }
0x79: {  	_ =	shalt  }
0x7a: {  	_ =	shalt  }
0x7b: {  	_ =	shalt  }
0x7c: {  	_ =	shalt  }
0x7d: {  	_ =	shalt  }
0x7e: {  	_ =	shalt  }
0x7f: {  	_ =	shalt  }
0x80: {  	_ =	shalt  }
0x81: {  	_ =	shalt  }
0x82: {  	_ =	shalt  }
0x83: {  	_ =	shalt  }
0x84: {  	_ =	shalt  }
0x85: {  	_ =	shalt  }
0x86: {  	_ =	shalt  }
0x87: {  	_ =	shalt  }
.Lfunc_end0:
.L_simem_size_0:
called_computation.3_lowered:
.L_overlay_start_0:
0x88: {  	s2 =	sld [smem:$0x3FD9]  }
0x89: {  	s3 =	sld [smem:$0x3FFE];
	_ =	sdelay $0x1  }
0x8a: {  	s1 =	srdreg.scid  }
0x8b: {  	s0 =	sand.u32 $0x1, s1  }
0x8c: {  	s17 =	sshll.u32 s0, $0xA;
	s2 =	sadd.s32 s3, s2  }
0x8d: {  	s2 =	sadd.s32 s2, s17  }
0x8e: {  	[smem:$0x3FC0] =	sst s2  }
0x8f: {  	_ = 	snop  }
0x90: {  	s2 =	sld [smem:$0x3FD0];
	(tm) =	ssettm $0x1  }
0x91: {  	s18 =	sld [smem:$0x3FFB];
	_ =	sdelay $0x3  }
0x92: {  	_ =	strace s18  }
0x93: {  	s3 =	sld [smem:$0x3FFC];
	_ =	sdelay $0x3  }
0x94: {  	_ =	strace s3  }
0x95: {  	s3 =	sld [smem:$0x3FFD];
	_ =	sdelay $0x3  }
0x96: {  	_ =	strace s3  }
0x97: {  	_ =	strace $0x8FFFFFFF  }
0x98: {  	s19 =	sld [smem:$0x3FDB];
	_ =	sdelay $0x1  }
0x99: {  	s4 =	simm.s32 $_scs_section_size  }
0x9a: {  	s5 =	simm.s32 $_size__tile_overlayer_lowered;
	s6 =	simm.s32 $_tile_overlayer_lowered  }
0x9b: {  	s22 =	simm.s32 $0x1BFF;
	s21 =	sshll.u32 s6, $0x1;
	s3 =	sadd.s32 s4, s19  }
0x9c: {  	s7 =	simm.s32 $0x0;
	s20 =	sshll.u32 s5, $0x1;
	s5 =	sadd.s32 s21, s3  }
0x9d: {  	[timem:s7], [sflag:s22] =	dma.local [hbm:s5], s20  }
0x9e: {  	_ =	swait.ge [sflag:s22], s20  }
0x9f: {  	s4 =	ssub.s32 $0x0, s20;
	[sflag:s22] =	ssyncset.done $0x0  }
0xa0: {  	[sflag:s22] =	ssyncadd.s32 s4;
	_ =	sdelay $0x1  }
0xa1: {  	s23 =	simm.s32 $0x1B8B  }
0xa2: {  	_ =	swait.ge [sflag:s23], $0x1  }
0xa3: {  	[sflag:s23] =	ssyncset.done $0x0  }
0xa4: {  	s25 =	simm.s32 $0x1B8E;
	s24 =	sld [smem:$0x3FFE];
	[sflag:s23] =	ssyncadd.s32 $0xFFFFFFFF  }
0xa5: {  	s26 =	simm.s32 $execute0_lowered;
	[smem:$0x3FD2] =	sst s25  }
0xa6: {  	s5 =	sshll.u32 s26, $0x1;
	_ =	strace $0x8000004F;
	[dreg:$0x1] =	wrdreg $0xFFFFFFFF  }
0xa7: {  	s28 =	simm.s32 $_size_execute0_lowered;
	s3 =	sadd.s32 s3, s5;
	[dreg:$0x0] =	wrdreg $0x0  }
0xa8: {  	s5 =	sshll.u32 s28, $0x1;
	[dreg:$0x2] =	wrdreg s3  }
0xa9: {  	[dreg:$0x3] =	wrdreg s5  }
0xaa: {  	[dreg:$0x4] =	wrdreg $0xC0  }
0xab: {  	_ =	task [dreg:s7], $0x5FFFF  }
0xac: {  	[dreg:$0x1] =	wrdreg $0xFFFFFFFF  }
0xad: {  	[dreg:$0x0] =	wrdreg $0x60  }
0xae: {  	[dreg:$0x2] =	wrdreg s2  }
0xaf: {  	[dreg:$0x3] =	wrdreg s24  }
0xb0: {  	[dreg:$0x4] =	wrdreg $0xA5000  }
0xb1: {  	[dreg:$0x5] =	wrdreg $0x9  }
0xb2: {  	_ =	task.clear_ibuf [dreg:s7], $0x6FFFF;
	_ =	strace $0x9000004F  }
0xb3: {  	s29 =	simm.s32 $0x9;
	_ =	strace $0x80000051  }
0xb4: {  	_ =	swait.ge [sflag:s29], $0x1  }
0xb5: {  	[sflag:s29] =	ssyncadd.s32 $0xFFFFFFFF  }
0xb6: {  	_ =	strace $0x90000051  }
0xb7: {  	_ =	sfence  }
0xb8: {  	s30 =	sld [smem:$0x0];
	_ =	sdelay $0x2  }
0xb9: {  	s31 =	sshll.u32 s1, $0xD;
	s1 =	sshrl.u32 s1, $0x2  }
0xba: {  	s3 =	sand.u32 $0x4000, s31;
	s1 =	sadd.s32 s1, s30  }
0xbb: {  	s0 =	sor.u32 s3, s0;
	s1 =	sshll.u32 s1, $0x11  }
0xbc: {  	s0 =	sor.u32 s1, s0  }
0xbd: {  	s0 =	sadd.s32 $0x8F2B, s0  }
0xbe: {  	[sflag:s0] =	ssyncadd.remote.s32 $0x1  }
0xbf: {  	_ =	sfence.sel $0xFFFF  }
0xc0: {  	[dreg:$0x0] =	wrdreg $0xFFFFFFFF;
	(pc) =	sbr.abs _section_cstart, $3  }
0xc1: {  	[dreg:$0x1] =	wrdreg $0xFFFFFFFF  }
0xc2: {  	_ =	task.clear_ibuf [dreg:s7], $0x2FFFF;
	_ =	strace $0x9FFFFFFF  }
0xc3: {  	(tm) =	ssettm $0x7FFFFFFF  }
tec
execute0_lowered:
.L_overlay_start_1:
0x0: {  	(tag) =	ssettag $0x1  }
0x1: {  	s1 =	rddreg [dreg:$0x0]  }
0x2: {  	s0 =	rddreg [dreg:$0x1]  }
0x3: {  	s2 =	rddreg [dreg:$0x2]  }
0x4: {  	s3 =	srdreg.scid;
	s4 =	simm.s32 $0x0;
	s11 =	stileid.u32  }
0x5: {  	s29 =	simm.s32 $0x180;
	s28 =	simm.s32 $0x40;
	s30 =	simm.s32 $0x2  }
0x6: {  	s14 =	simm.s32 $0x4500;
	s13 =	simm.s32 $0x5;
	s12 =	simm.s32 $0x480  }
0x7: {  	s3 =	sand.u32 $0x1, s3;
	[smem:$0x7FF] =	sst s4;
	s6 =	smul.u32 $0x14000, s11  }
0x8: {  	s7 =	sadd.s32 $0x4600, s0;
	s8 =	sadd.s32 $0x18A00, s0;
	s16 =	smul.u32 $0x50000, s11  }
0x9: {  	s9 =	sadd.s32 $0x22C00, s0;
	s10 =	smul.u32 $0xA, s11;
	s19 =	sshll.u32 s11, $0x6  }
0xa: {  	s5 =	smul.u32 $0x140000, s3;
	_ =	strace $0x80000050;
	[dreg:$0x5] =	wrdreg s9  }
0xb: {  	s15 =	ssub.s32 $0x2, s3;
	s9 =	smul.u32 $0x136, s11;
	p0 =	seq.s32 s3, $0x0  }
0xc: {  	s19 =	sor.u32 $0x1C0B, s19;
	s11 =	simm.s32 $0x2500;
	s17 =	sshrl.u32 s15, $0x1  }
0xd: {  	s18 =	sshrl.u32 s16, $0x2;
	s3 =	sadd.s32 $0x1360, s10;
	s10 =	simm.s32 $0x4  }
0xe: {  	[dreg:$0x6] =	wrdreg s19;
	s16 =	simm.s32 $0xA;
	s5 =	sadd.s32 s6, s5  }
0xf: {  	s6 =	sadd.s32 s18, s2;
	s3 =	smov.u32 @p0 s9;
	s9 =	simm.s32 $0x9B0  }
0x10: {  	s18 =	simm.s32 $0xB;
	s5 =	sshrl.u32 s5, $0x3;
	s9 =	simm.s32 @!p0 $0x50  }
0x11: {  	s3 =	sshll.u32 s3, $0x3;
	s0 =	sadd.s32 s5, s0;
	s5 =	ssub.s32 s15, s17  }
0x12: {  	[dreg:$0x4] =	wrdreg s9;
	s21 =	sadd.s32 s7, s3;
	s20 =	sor.u32 $0x8, s3  }
0x13: {  	s23 =	sadd.s32 s8, s3;
	s24 =	sadd.s32 $0x10, s3;
	s22 =	sadd.s32 s7, s20  }
0x14: {  	s3 =	sadd.s32 $0x18, s3;
	s9 =	sadd.s32 s8, s20;
	[dreg:$0x7] =	wrdreg s22  }
0x15: {  	s15 =	simm.s32 $0x6;
	s25 =	sadd.s32 s7, s24;
	[dreg:$0x8] =	wrdreg s9  }
0x16: {  	s17 =	simm.s32 $0x6500;
	s26 =	sadd.s32 s8, s24;
	[dreg:$0x9] =	wrdreg s25  }
0x17: {  	s7 =	sadd.s32 s7, s3;
	s3 =	sadd.s32 s8, s3;
	[dreg:$0xa] =	wrdreg s26  }
0x18: {  	s0 =	sadd.s32 $0x25400, s0;
	s31 =	smax.u32 s5, $0x1;
	[dreg:$0xb] =	wrdreg s7  }
0x19: {  	s8 =	sshrl.u32 s6, $0x3;
	s20 =	simm.s32 $0x280;
	[dreg:$0xc] =	wrdreg s3  }
0x1a: {  	s24 =	simm.s32 $0x80;
	s5 =	simm.s32 $0x380;
	[dreg:$0xd] =	wrdreg s0  }
0x1b: {  	s6 =	simm.s32 $0x0;
	[dreg:$0xe] =	wrdreg s31;
	s22 =	simm.s32 $0x300  }
0x1c: {  	s25 =	simm.s32 $0x100;
	s9 =	simm.s32 $0x400;
	s26 =	simm.s32 $0x1  }
0x1d: {  	s3 =	simm.s32 $0x500;
	s0 =	simm.s32 $0x3;
	[dreg:$0xf] =	wrdreg s8  }
.LBB2_1:
0x1e: {  	[dreg:$0x10] =	wrdreg s6  }
0x1f: {  	s7 =	rddreg [dreg:$0x5]  }
0x20: {  	[spmem:s8], [sflag:s19] =	dma.local [hbm:s7], $0x2800  }
0x21: {  	_ =	swait.ge [sflag:s18], $0x2800  }
0x22: {  	[sflag:s18] =	ssyncset.done $0x0  }
0x23: {  	[sflag:s18] =	ssyncadd.s32 $0xFFFFD800  }
0x24: {  	[bflag:$0x0] =	sbarrier.arrive $0xFFFF  }
0x25: {  	[tilespmem:s4], [sflag:$0x1] =	stream.linear.gather [hbm4b:s21+s4], $0x40, $0x38;
	[tilespmem:$0x1E500] =	vst v63  }
0x26: {  	_ = 	snop  }
0x27: {  	[tilespmem:s20], [sflag:$0x1] =	stream.linear.gather [hbm4b:s23+s4], $0x40, $0x38;
	[tilespmem:$0x1E500] =	vst v63  }
0x28: {  	s6 =	rddreg [dreg:$0x7]  }
0x29: {  	[tilespmem:s24], [sflag:$0x2] =	stream.linear.gather [hbm4b:s6+s4], $0x40, $0x38;
	[tilespmem:$0x1E500] =	vst v63  }
0x2a: {  	s8 =	rddreg [dreg:$0x8]  }
0x2b: {  	[tilespmem:s22], [sflag:$0x2] =	stream.linear.gather [hbm4b:s8+s4], $0x40, $0x38;
	[tilespmem:$0x1E500] =	vst v63  }
0x2c: {  	s19 =	rddreg [dreg:$0x9]  }
0x2d: {  	[tilespmem:s25], [sflag:$0x3] =	stream.linear.gather [hbm4b:s19+s4], $0x40, $0x38;
	[tilespmem:$0x1E500] =	vst v63  }
0x2e: {  	s20 =	rddreg [dreg:$0xa]  }
0x2f: {  	[tilespmem:s5], [sflag:$0x3] =	stream.linear.gather [hbm4b:s20+s4], $0x40, $0x38;
	[tilespmem:$0x1E500] =	vst v63  }
0x30: {  	s22 =	rddreg [dreg:$0xb]  }
0x31: {  	[tilespmem:s29], [sflag:$0x4] =	stream.linear.gather [hbm4b:s22+s4], $0x40, $0x38;
	[tilespmem:$0x1E500] =	vst v63  }
0x32: {  	s31 =	rddreg [dreg:$0xc]  }
0x33: {  	[tilespmem:s9], [sflag:$0x4] =	stream.linear.gather [hbm4b:s31+s4], $0x40, $0x38;
	[tilespmem:$0x1E500] =	vst v63  }
0x34: {  	_ =	swait.ge [sflag:s26], $0x40  }
0x35: {  	[sflag:s26] =	ssyncset.done $0x0  }
0x36: {  	[sflag:s26] =	ssyncadd.s32 $0xFFFFFFC0  }
0x37: {  	_ =	swait.ge [sflag:s26], $0x40  }
0x38: {  	[sflag:s26] =	ssyncset.done $0x0  }
0x39: {  	[sflag:s26] =	ssyncadd.s32 $0xFFFFFFC0  }
0x3a: {  	[tilespmem:s3], [sflag:$0x6] =	stream.indirect.gather [hbm4b:s1+s28], $0x80, s4, s28, $0xb8;
	[tilespmem:$0x1E500] =	vst v63  }
0x3b: {  	_ =	swait.ge [sflag:s30], $0x40  }
0x3c: {  	[sflag:s30] =	ssyncset.done $0x0  }
0x3d: {  	[sflag:s30] =	ssyncadd.s32 $0xFFFFFFC0  }
0x3e: {  	_ =	swait.ge [sflag:s30], $0x40  }
0x3f: {  	[sflag:s30] =	ssyncset.done $0x0  }
0x40: {  	[sflag:s30] =	ssyncadd.s32 $0xFFFFFFC0  }
0x41: {  	[tilespmem:s11], [sflag:$0x7] =	stream.indirect.gather [hbm4b:s1+s28], $0x80, s24, s28, $0xb8;
	[tilespmem:$0x1E500] =	vst v63  }
0x42: {  	_ =	swait.ge [sflag:s0], $0x40  }
0x43: {  	[sflag:s0] =	ssyncset.done $0x0  }
0x44: {  	[sflag:s0] =	ssyncadd.s32 $0xFFFFFFC0  }
0x45: {  	s7 =	simm.s32 $0x0;
	_ =	swait.ge [sflag:s0], $0x40  }
0x46: {  	s6 =	simm.s32 $0x200;
	s22 =	simm.s32 $0x7;
	[sflag:s0] =	ssyncset.done $0x0  }
0x47: {  	s29 =	simm.s32 $0x8;
	s11 =	simm.s32 $0x2500;
	[sflag:s0] =	ssyncadd.s32 $0xFFFFFFC0  }
0x48: {  	[tilespmem:s14], [sflag:$0x8] =	stream.indirect.gather [hbm4b:s1+s28], $0x80, s25, s28, $0xb8;
	[tilespmem:$0x1E500] =	vst v63  }
0x49: {  	s24 =	simm.s32 $0x9;
	s14 =	simm.s32 $0x4500;
	s25 =	simm.s32 $0x8500  }
.LBB2_2:
0x4a: {  	s8 =	sadd.s32 s7, s21  }
0x4b: {  	s19 =	sadd.s32 $0x20, s8  }
0x4c: {  	[tilespmem:s6], [sflag:$0x5] =	stream.linear.gather [hbm4b:s19+s4], $0x40, $0x38;
	[tilespmem:$0x1E500] =	vst v63  }
0x4d: {  	s19 =	sadd.s32 s7, s23  }
0x4e: {  	s3 =	sadd.s32 $0x20, s19  }
0x4f: {  	[tilespmem:s12], [sflag:$0x5] =	stream.linear.gather [hbm4b:s3+s4], $0x40, $0x38;
	[tilespmem:$0x1E500] =	vst v63  }
0x50: {  	_ =	swait.ge [sflag:s10], $0x40  }
0x51: {  	[sflag:s10] =	ssyncset.done $0x0  }
0x52: {  	[sflag:s10] =	ssyncadd.s32 $0xFFFFFFC0  }
0x53: {  	_ =	swait.ge [sflag:s10], $0x40  }
0x54: {  	[sflag:s10] =	ssyncset.done $0x0  }
0x55: {  	s9 =	simm.s32 $0x180;
	[sflag:s10] =	ssyncadd.s32 $0xFFFFFFC0  }
0x56: {  	[tilespmem:s17], [sflag:$0x9] =	stream.indirect.gather [hbm4b:s1+s28], $0x80, s9, s28, $0xb8;
	[tilespmem:$0x1E500] =	vst v63  }
0x57: {  	_ =	swait.ge [sflag:s15], $0x2000  }
0x58: {  	[sflag:s15] =	ssyncset.done $0x0  }
0x59: {  	s31 =	simm.s32 $0x500;
	s3 =	simm.s32 $0x280;
	[sflag:s15] =	ssyncadd.s32 $0xFFFFE000  }
0x5a: {  	[spmem:s2] =	stream.indirect.scatter.add.f32 [tilespmem:s31], [sflag:$0xB], $0x80, s3, s28, $0xb8;
	[tilespmem:$0x1E500] =	vst v63  }
0x5b: {  	_ =	swait.ge [sflag:s18], $0x2000  }
0x5c: {  	[sflag:s18] =	ssyncset.done $0x0  }
0x5d: {  	s5 =	sadd.s32 $0x28, s8;
	[sflag:s18] =	ssyncadd.s32 $0xFFFFE000  }
0x5e: {  	[tilespmem:s4], [sflag:$0x1] =	stream.linear.gather [hbm4b:s5+s4], $0x40, $0x38;
	[tilespmem:$0x1E500] =	vst v63  }
0x5f: {  	s5 =	sadd.s32 $0x28, s19  }
0x60: {  	[tilespmem:s3], [sflag:$0x1] =	stream.linear.gather [hbm4b:s5+s4], $0x40, $0x38;
	[tilespmem:$0x1E500] =	vst v63  }
0x61: {  	_ =	swait.ge [sflag:s13], $0x40  }
0x62: {  	[sflag:s13] =	ssyncset.done $0x0  }
0x63: {  	[sflag:s13] =	ssyncadd.s32 $0xFFFFFFC0  }
0x64: {  	_ =	swait.ge [sflag:s13], $0x40  }
0x65: {  	[sflag:s13] =	ssyncset.done $0x0  }
0x66: {  	[sflag:s13] =	ssyncadd.s32 $0xFFFFFFC0  }
0x67: {  	[tilespmem:s25], [sflag:$0xA] =	stream.indirect.gather [hbm4b:s1+s28], $0x80, s6, s28, $0xb8;
	[tilespmem:$0x1E500] =	vst v63  }
0x68: {  	_ =	swait.ge [sflag:s22], $0x2000  }
0x69: {  	[sflag:s22] =	ssyncset.done $0x0  }
0x6a: {  	s5 =	simm.s32 $0x300;
	[sflag:s22] =	ssyncadd.s32 $0xFFFFE000  }
0x6b: {  	[spmem:s2] =	stream.indirect.scatter.add.f32 [tilespmem:s11], [sflag:$0xB], $0x80, s5, s28, $0xb8;
	[tilespmem:$0x1E500] =	vst v63  }
0x6c: {  	_ =	swait.ge [sflag:s18], $0x2000  }
0x6d: {  	s20 =	smov.u32 s23;
	s23 =	smov.u32 s21;
	[sflag:s18] =	ssyncset.done $0x0  }
0x6e: {  	s21 =	sadd.s32 $0x30, s8;
	s3 =	simm.s32 $0x80;
	[sflag:s18] =	ssyncadd.s32 $0xFFFFE000  }
0x6f: {  	[tilespmem:s3], [sflag:$0x2] =	stream.linear.gather [hbm4b:s21+s4], $0x40, $0x38;
	[tilespmem:$0x1E500] =	vst v63  }
0x70: {  	s21 =	sadd.s32 $0x30, s19  }
0x71: {  	[tilespmem:s5], [sflag:$0x2] =	stream.linear.gather [hbm4b:s21+s4], $0x40, $0x38;
	[tilespmem:$0x1E500] =	vst v63  }
0x72: {  	_ =	swait.ge [sflag:s26], $0x40  }
0x73: {  	[sflag:s26] =	ssyncset.done $0x0  }
0x74: {  	[sflag:s26] =	ssyncadd.s32 $0xFFFFFFC0  }
0x75: {  	_ =	swait.ge [sflag:s26], $0x40  }
0x76: {  	[sflag:s26] =	ssyncset.done $0x0  }
0x77: {  	[sflag:s26] =	ssyncadd.s32 $0xFFFFFFC0  }
0x78: {  	[tilespmem:s31], [sflag:$0x6] =	stream.indirect.gather [hbm4b:s1+s28], $0x80, s4, s28, $0xb8;
	[tilespmem:$0x1E500] =	vst v63  }
0x79: {  	_ =	swait.ge [sflag:s29], $0x2000  }
0x7a: {  	[sflag:s29] =	ssyncset.done $0x0  }
0x7b: {  	s5 =	simm.s32 $0x380;
	[sflag:s29] =	ssyncadd.s32 $0xFFFFE000  }
0x7c: {  	[spmem:s2] =	stream.indirect.scatter.add.f32 [tilespmem:s14], [sflag:$0xB], $0x80, s5, s28, $0xb8;
	[tilespmem:$0x1E500] =	vst v63  }
0x7d: {  	_ =	swait.ge [sflag:s18], $0x2000  }
0x7e: {  	[sflag:s18] =	ssyncset.done $0x0  }
0x7f: {  	s21 =	sadd.s32 $0x38, s8;
	s31 =	simm.s32 $0x100;
	[sflag:s18] =	ssyncadd.s32 $0xFFFFE000  }
0x80: {  	[tilespmem:s31], [sflag:$0x3] =	stream.linear.gather [hbm4b:s21+s4], $0x40, $0x38;
	[tilespmem:$0x1E500] =	vst v63  }
0x81: {  	s21 =	sadd.s32 $0x38, s19  }
0x82: {  	[tilespmem:s5], [sflag:$0x3] =	stream.linear.gather [hbm4b:s21+s4], $0x40, $0x38;
	[tilespmem:$0x1E500] =	vst v63  }
0x83: {  	_ =	swait.ge [sflag:s30], $0x40  }
0x84: {  	[sflag:s30] =	ssyncset.done $0x0  }
0x85: {  	[sflag:s30] =	ssyncadd.s32 $0xFFFFFFC0  }
0x86: {  	_ =	swait.ge [sflag:s30], $0x40  }
0x87: {  	[sflag:s30] =	ssyncset.done $0x0  }
0x88: {  	[sflag:s30] =	ssyncadd.s32 $0xFFFFFFC0  }
0x89: {  	[tilespmem:s11], [sflag:$0x7] =	stream.indirect.gather [hbm4b:s1+s28], $0x80, s3, s28, $0xb8;
	[tilespmem:$0x1E500] =	vst v63  }
0x8a: {  	_ =	swait.ge [sflag:s24], $0x2000  }
0x8b: {  	[sflag:s24] =	ssyncset.done $0x0  }
0x8c: {  	s3 =	simm.s32 $0x400;
	[sflag:s24] =	ssyncadd.s32 $0xFFFFE000  }
0x8d: {  	[spmem:s2] =	stream.indirect.scatter.add.f32 [tilespmem:s17], [sflag:$0xB], $0x80, s3, s28, $0xb8;
	[tilespmem:$0x1E500] =	vst v63  }
0x8e: {  	_ =	swait.ge [sflag:s18], $0x2000  }
0x8f: {  	[sflag:s18] =	ssyncset.done $0x0  }
0x90: {  	s8 =	sadd.s32 $0x40, s8;
	[sflag:s18] =	ssyncadd.s32 $0xFFFFE000  }
0x91: {  	[tilespmem:s9], [sflag:$0x4] =	stream.linear.gather [hbm4b:s8+s4], $0x40, $0x38;
	[tilespmem:$0x1E500] =	vst v63  }
0x92: {  	s21 =	smov.u32 s23;
	s23 =	smov.u32 s20;
	s20 =	sadd.s32 $0x40, s19  }
0x93: {  	[tilespmem:s3], [sflag:$0x4] =	stream.linear.gather [hbm4b:s20+s4], $0x40, $0x38;
	[tilespmem:$0x1E500] =	vst v63  }
0x94: {  	_ =	swait.ge [sflag:s0], $0x40  }
0x95: {  	[sflag:s0] =	ssyncset.done $0x0  }
0x96: {  	[sflag:s0] =	ssyncadd.s32 $0xFFFFFFC0  }
0x97: {  	_ =	swait.ge [sflag:s0], $0x40  }
0x98: {  	[sflag:s0] =	ssyncset.done $0x0  }
0x99: {  	[sflag:s0] =	ssyncadd.s32 $0xFFFFFFC0  }
0x9a: {  	[tilespmem:s14], [sflag:$0x8] =	stream.indirect.gather [hbm4b:s1+s28], $0x80, s31, s28, $0xb8;
	[tilespmem:$0x1E500] =	vst v63  }
0x9b: {  	_ =	swait.ge [sflag:s16], $0x2000  }
0x9c: {  	[sflag:s16] =	ssyncset.done $0x0  }
0x9d: {  	[sflag:s16] =	ssyncadd.s32 $0xFFFFE000  }
0x9e: {  	[spmem:s2] =	stream.indirect.scatter.add.f32 [tilespmem:s25], [sflag:$0xB], $0x80, s12, s28, $0xb8;
	[tilespmem:$0x1E500] =	vst v63  }
0x9f: {  	_ =	swait.ge [sflag:s18], $0x2000  }
0xa0: {  	s7 =	sadd.s32 $0x28, s7;
	s31 =	rddreg [dreg:$0x4]  }
0xa1: {  	p0 =	sne.s32 s31, s7  }
.Ltmp0:
0xa2: {  	_ = 	snop;
	(pc) =	sbr.rel @p0 .LBB2_2-.Ltmp0, $3  }
0xa3: {  	_ =	sdelay $0x1  }
0xa4: {  	[sflag:s18] =	ssyncset.done $0x0  }
0xa5: {  	[sflag:s18] =	ssyncadd.s32 $0xFFFFE000  }
0xa6: {  	_ =	swait.ge [sflag:s10], $0x40  }
0xa7: {  	[sflag:s10] =	ssyncset.done $0x0  }
0xa8: {  	[sflag:s10] =	ssyncadd.s32 $0xFFFFFFC0  }
0xa9: {  	_ =	swait.ge [sflag:s10], $0x40  }
0xaa: {  	[sflag:s10] =	ssyncset.done $0x0  }
0xab: {  	[sflag:s10] =	ssyncadd.s32 $0xFFFFFFC0  }
0xac: {  	_ =	swait.ge [sflag:s15], $0x2000  }
0xad: {  	[sflag:s15] =	ssyncset.done $0x0  }
0xae: {  	[sflag:s15] =	ssyncadd.s32 $0xFFFFE000  }
0xaf: {  	_ =	swait.ge [sflag:s22], $0x2000  }
0xb0: {  	[sflag:s22] =	ssyncset.done $0x0  }
0xb1: {  	[sflag:s22] =	ssyncadd.s32 $0xFFFFE000  }
0xb2: {  	_ =	swait.ge [sflag:s29], $0x2000  }
0xb3: {  	[sflag:s29] =	ssyncset.done $0x0  }
0xb4: {  	[sflag:s29] =	ssyncadd.s32 $0xFFFFE000  }
0xb5: {  	[bflag:$0x0] =	sbarrier.arrive $0xFFFF  }
0xb6: {  	s19 =	rddreg [dreg:$0x6]  }
0xb7: {  	s7 =	rddreg [dreg:$0xd]  }
0xb8: {  	s8 =	rddreg [dreg:$0xf]  }
0xb9: {  	[hbm:s7], [sflag:s19] =	dma.local [spmem:s8], $0x2800  }
0xba: {  	_ =	swait.ge [sflag:s18], $0x2800  }
0xbb: {  	s6 =	rddreg [dreg:$0x10]  }
0xbc: {  	s31 =	rddreg [dreg:$0xe];
	s6 =	sadd.s32 $0x1, s6  }
0xbd: {  	p0 =	sne.s32 s6, s31  }
.Ltmp1:
0xbe: {  	_ = 	snop;
	(pc) =	sbr.rel @p0 .LBB2_1-.Ltmp1, $4  }
0xbf: {  	s20 =	simm.s32 $0x280;
	s24 =	simm.s32 $0x80;
	s25 =	simm.s32 $0x100  }
0xc0: {  	s5 =	simm.s32 $0x380;
	s9 =	simm.s32 $0x400;
	s3 =	simm.s32 $0x500  }
0xc1: {  	s11 =	simm.s32 $0x2500;
	s14 =	simm.s32 $0x4500;
	[sflag:s18] =	ssyncset.done $0x0  }
0xc2: {  	s22 =	simm.s32 $0x300;
	s29 =	simm.s32 $0x180;
	[sflag:s18] =	ssyncadd.s32 $0xFFFFD800  }
0xc3: {  	_ =	sfence.sel $0x180000  }
0xc4: {  	[bflag:$0x0] =	sbarrier.arrive $0xFFFF  }
0xc5: {  	_ =	strace $0x90000050  }
0xc6: {  	s0 =	stileid.u32;
	[bflag:$0x2] =	sbarrier.arrive $0xFFFF  }
0xc7: {  	p0 =	sne.s32 s0, $0x0;
	s0 =	rddreg [dreg:$0x3]  }
0xc8: {  	s0 =	sadd.s32 @!p0 $0x100000, s0  }
0xc9: {  	[sflag:s0] =	ssyncadd.tile.s32 @!p0 $0x1;
	_ =	shalt  }
.Lfunc_end2:
_tile_overlayer_lowered:
.L_overlay_start_2:
0xca: {  	(tag) =	ssettag $0x2  }
0xcb: {  	s0 =	rddreg [dreg:$0x0];
	s2 =	stileid.u32  }
0xcc: {  	s1 =	rddreg [dreg:$0x1];
	p0 =	sne.s32 s2, $0x0  }
0xcd: {  	s3 =	rddreg [dreg:$0x2];
	[bflag:$0x3] =	sbarrier.arrive $0xFFFF;
	s2 =	simm.s32 @!p0 $0x1C0B  }
0xce: {  	[timem:s3], [sflag:s2] =	dma.local @!p0 [hbm:s0], s1  }
0xcf: {  	s0 =	simm.s32 @!p0 $0xB  }
0xd0: {  	_ =	swait.ge @!p0 [sflag:s0], s1  }
0xd1: {  	s1 =	ssub.s32 @!p0 $0x0, s1;
	[sflag:s0] =	ssyncset.done @!p0 $0x0  }
0xd2: {  	[sflag:s0] =	ssyncadd.s32 @!p0 s1  }
0xd3: {  	[bflag:$0x3] =	sbarrier.arrive $0xFFFF  }
0xd4: {  	_ =	shalt  }

// kernel: kernel.25.cloned.1.call-start
scs
__scs_entry_jumppad:
0x0: {  	(pc) =	sbr.rel $0x88, $3  }
0x1: {  	(tag) =	ssettag $0x0;
	lr =	simm.s32 $0x1  }
0x2: {  	[smem:$0x3F99] =	sst lr;
	_ =	strace $0xD0000000  }
0x3: {  	_ = 	snop  }
0x4: {  	_ = 	snop  }
0x5: {  	_ = 	snop  }
0x6: {  	_ = 	snop  }
0x7: {  	_ = 	snop  }
__scs_overlays_trampoline_lowered:
0x8: {  	[smem:$0x3FA8] =	sst s0  }
0x9: {  	[smem:$0x3FA9] =	sst s1  }
0xa: {  	[smem:$0x3FAA] =	sst s2  }
0xb: {  	[smem:$0x3FAB] =	sst s3  }
0xc: {  	[smem:$0x3FAC] =	sst s4  }
0xd: {  	[smem:$0x3FAD] =	sst s5  }
0xe: {  	[smem:$0x3FAE] =	sst s6  }
0xf: {  	[smem:$0x3FAF] =	sst s7  }
0x10: {  	[smem:$0x3FB0] =	sst s8  }
0x11: {  	[smem:$0x3FB1] =	sst s9;
	s0 =	simm.s32 @!p0 $0x0  }
0x12: {  	s1 =	sld [smem:$0x3F97];
	s0 =	simm.s32 @p0 $0x1  }
0x13: {  	[smem:$0x3FB2] =	sst s0;
	s0 =	simm.s32 @!p1 $0x0  }
0x14: {  	s2 =	sld [smem:$0x3F96];
	s0 =	simm.s32 @p1 $0x1  }
0x15: {  	[smem:$0x3FB3] =	sst s0;
	s0 =	simm.s32 @!p2 $0x0  }
0x16: {  	s3 =	sld [smem:$0x3FDB];
	s0 =	simm.s32 @p2 $0x1  }
0x17: {  	s4 =	simm.s32 $0x1BF5;
	[smem:$0x3FB5] =	sst s0  }
0x18: {  	s0 =	sld [smem:$0x3F98];
	_ =	swait.ge [sflag:s4], $0x0  }
0x19: {  	s7 =	sld [smem:$0x3F99]  }
0x1a: {  	s8 =	sadd.s32 $0xFFFFE003, lr  }
0x1b: {  	s9 =	sadd.s32 $0xFFFFFEF7, lr;
	s5 =	simm.s32 $0xFFFFFFFF;
	p2 =	slt.u32 s8, $0xFFFFF086  }
0x1c: {  	p1 =	slt.u32 s9, $0xF7A;
	s5 =	simm.s32 @!p2 $0x0  }
0x1d: {  	s5 =	simm.s32 @p1 $0x1;
	p0 =	seq.s32 s7, s2  }
0x1e: {  	s7 =	smul.u32 @!p0 $0xF7A, s2;
	p2 =	seq.s32 @!p0 s5, $0x0  }
0x1f: {  	s9 =	smul.u32 $0xF7A, s1;
	s8 =	simm.s32 @!p0 $0x1BF5;
	p2 =	por !p2, p0  }
0x20: {  	[sflag:s8] =	ssyncset.s32 @!p0 $0xFFFFF086;
	s6 =	sadd.s32 @!p0 s3, s7;
	s7 =	simm.s32 @!p0 $0x108  }
0x21: {  	s3 =	sadd.s32 s3, s9;
	s6 =	sadd.s32 @!p0 $0x88, s6;
	s7 =	simm.s32 @p2 $0x1082  }
0x22: {  	[simem:s7], [sflag:s8] =	dma.local @!p0 [hbm:s6], $0xF7A  }
0x23: {  	s9 =	sor.u32 $0xD0000000, s2;
	s6 =	simm.s32 $0x108;
	_ =	swait.ge @!p0 [sflag:s8], $0x0  }
0x24: {  	s3 =	sadd.s32 $0x88, s3;
	s6 =	simm.s32 @!p1 $0x1082;
	[sflag:s4] =	ssyncset.s32 $0xFFFFF086  }
0x25: {  	[simem:s6], [sflag:s4] =	dma.local [hbm:s3], $0xF7A  }
0x26: {  	[smem:$0x3F99] =	sst s1;
	(tag) =	ssettag s2;
	_ =	strace s9  }
0x27: {  	s1 =	sld [smem:$0x3FA9]  }
0x28: {  	s2 =	sld [smem:$0x3FAA]  }
0x29: {  	s4 =	sld [smem:$0x3FAC]  }
0x2a: {  	p0 =	seq.s32 s5, $0x0;
	s5 =	sld [smem:$0x3FAD]  }
0x2b: {  	s6 =	sld [smem:$0x3FAE]  }
0x2c: {  	s7 =	sld [smem:$0x3FAF]  }
0x2d: {  	s3 =	simm.s32 $0x108;
	s8 =	sld [smem:$0x3FB0]  }
0x2e: {  	s3 =	simm.s32 @!p0 $0x1082;
	s9 =	sld [smem:$0x3FB1]  }
0x2f: {  	lr =	sadd.s32 s0, s3;
	s0 =	sld [smem:$0x3FA8]  }
0x30: {  	s3 =	sld [smem:$0x3FAB]  }
0x31: {  	[smem:$0x3FB4] =	sst s10  }
0x32: {  	s10 =	sld [smem:$0x3FB2];
	_ =	sdelay $0x3  }
0x33: {  	p0 =	seq.s32 s10, $0x1;
	s10 =	sld [smem:$0x3FB4];
	_ =	sdelay $0x3  }
0x34: {  	[smem:$0x3FB4] =	sst s10  }
0x35: {  	s10 =	sld [smem:$0x3FB3];
	_ =	sdelay $0x3  }
0x36: {  	p1 =	seq.s32 s10, $0x1;
	s10 =	sld [smem:$0x3FB4];
	_ =	sdelay $0x3  }
0x37: {  	[smem:$0x3FB4] =	sst s10  }
0x38: {  	s10 =	sld [smem:$0x3FB5]  }
0x39: {  	_ = 	snop;
	(pc) =	sbr.ind lr, $3  }
0x3a: {  	_ = 	snop  }
0x3b: {  	_ = 	snop  }
0x3c: {  	p2 =	seq.s32 s10, $0x1;
	s10 =	sld [smem:$0x3FB4]  }
0x3d: {  	_ =	shalt  }
0x3e: {  	_ =	shalt  }
0x3f: {  	_ =	shalt  }
0x40: {  	_ =	shalt  }
0x41: {  	_ =	shalt  }
0x42: {  	_ =	shalt  }
0x43: {  	_ =	shalt  }
0x44: {  	_ =	shalt  }
0x45: {  	_ =	shalt  }
0x46: {  	_ =	shalt  }
0x47: {  	_ =	shalt  }
0x48: {  	_ =	shalt  }
0x49: {  	_ =	shalt  }
0x4a: {  	_ =	shalt  }
0x4b: {  	_ =	shalt  }
0x4c: {  	_ =	shalt  }
0x4d: {  	_ =	shalt  }
0x4e: {  	_ =	shalt  }
0x4f: {  	_ =	shalt  }
0x50: {  	_ =	shalt  }
0x51: {  	_ =	shalt  }
0x52: {  	_ =	shalt  }
0x53: {  	_ =	shalt  }
0x54: {  	_ =	shalt  }
0x55: {  	_ =	shalt  }
0x56: {  	_ =	shalt  }
0x57: {  	_ =	shalt  }
0x58: {  	_ =	shalt  }
0x59: {  	_ =	shalt  }
0x5a: {  	_ =	shalt  }
0x5b: {  	_ =	shalt  }
0x5c: {  	_ =	shalt  }
0x5d: {  	_ =	shalt  }
0x5e: {  	_ =	shalt  }
0x5f: {  	_ =	shalt  }
0x60: {  	_ =	shalt  }
0x61: {  	_ =	shalt  }
0x62: {  	_ =	shalt  }
0x63: {  	_ =	shalt  }
0x64: {  	_ =	shalt  }
0x65: {  	_ =	shalt  }
0x66: {  	_ =	shalt  }
0x67: {  	_ =	shalt  }
0x68: {  	_ =	shalt  }
0x69: {  	_ =	shalt  }
0x6a: {  	_ =	shalt  }
0x6b: {  	_ =	shalt  }
0x6c: {  	_ =	shalt  }
0x6d: {  	_ =	shalt  }
0x6e: {  	_ =	shalt  }
0x6f: {  	_ =	shalt  }
0x70: {  	_ =	shalt  }
0x71: {  	_ =	shalt  }
0x72: {  	_ =	shalt  }
0x73: {  	_ =	shalt  }
0x74: {  	_ =	shalt  }
0x75: {  	_ =	shalt  }
0x76: {  	_ =	shalt  }
0x77: {  	_ =	shalt  }
0x78: {  	_ =	shalt  }
0x79: {  	_ =	shalt  }
0x7a: {  	_ =	shalt  }
0x7b: {  	_ =	shalt  }
0x7c: {  	_ =	shalt  }
0x7d: {  	_ =	shalt  }
0x7e: {  	_ =	shalt  }
0x7f: {  	_ =	shalt  }
0x80: {  	_ =	shalt  }
0x81: {  	_ =	shalt  }
0x82: {  	_ =	shalt  }
0x83: {  	_ =	shalt  }
0x84: {  	_ =	shalt  }
0x85: {  	_ =	shalt  }
0x86: {  	_ =	shalt  }
0x87: {  	_ =	shalt  }
.Lfunc_end0:
.L_simem_size_0:
called_computation.4_lowered:
.L_overlay_start_0:
0x88: {  	s2 =	sld [smem:$0x3FD9]  }
0x89: {  	s3 =	sld [smem:$0x3FFE];
	_ =	sdelay $0x1  }
0x8a: {  	s1 =	srdreg.scid  }
0x8b: {  	s0 =	sand.u32 $0x1, s1  }
0x8c: {  	s17 =	sshll.u32 s0, $0xA;
	s2 =	sadd.s32 s3, s2  }
0x8d: {  	s2 =	sadd.s32 s2, s17  }
0x8e: {  	[smem:$0x3FC0] =	sst s2  }
0x8f: {  	_ = 	snop  }
0x90: {  	s2 =	sld [smem:$0x3FD0];
	(tm) =	ssettm $0x1  }
0x91: {  	s18 =	sld [smem:$0x3FFB];
	_ =	sdelay $0x3  }
0x92: {  	_ =	strace s18  }
0x93: {  	s3 =	sld [smem:$0x3FFC];
	_ =	sdelay $0x3  }
0x94: {  	_ =	strace s3  }
0x95: {  	s3 =	sld [smem:$0x3FFD];
	_ =	sdelay $0x3  }
0x96: {  	_ =	strace s3  }
0x97: {  	_ =	strace $0x8FFFFFFF  }
0x98: {  	s19 =	sld [smem:$0x3FDB];
	_ =	sdelay $0x1  }
0x99: {  	s4 =	simm.s32 $_scs_section_size  }
0x9a: {  	s5 =	simm.s32 $_size__tile_overlayer_lowered;
	s6 =	simm.s32 $_tile_overlayer_lowered  }
0x9b: {  	s22 =	simm.s32 $0x1BFF;
	s21 =	sshll.u32 s6, $0x1;
	s3 =	sadd.s32 s4, s19  }
0x9c: {  	s7 =	simm.s32 $0x0;
	s20 =	sshll.u32 s5, $0x1;
	s5 =	sadd.s32 s21, s3  }
0x9d: {  	[timem:s7], [sflag:s22] =	dma.local [hbm:s5], s20  }
0x9e: {  	_ =	swait.ge [sflag:s22], s20  }
0x9f: {  	s4 =	ssub.s32 $0x0, s20;
	[sflag:s22] =	ssyncset.done $0x0  }
0xa0: {  	[sflag:s22] =	ssyncadd.s32 s4;
	_ =	sdelay $0x1  }
0xa1: {  	s23 =	simm.s32 $0x1B8B  }
0xa2: {  	_ =	swait.ge [sflag:s23], $0x1  }
0xa3: {  	[sflag:s23] =	ssyncset.done $0x0  }
0xa4: {  	s25 =	simm.s32 $0x1B8E;
	s24 =	sld [smem:$0x3FFE];
	[sflag:s23] =	ssyncadd.s32 $0xFFFFFFFF  }
0xa5: {  	s26 =	simm.s32 $execute0_lowered;
	[smem:$0x3FD2] =	sst s25  }
0xa6: {  	s5 =	sshll.u32 s26, $0x1;
	_ =	strace $0x80000052;
	[dreg:$0x1] =	wrdreg $0xFFFFFFFF  }
0xa7: {  	s28 =	simm.s32 $_size_execute0_lowered;
	s3 =	sadd.s32 s3, s5;
	[dreg:$0x0] =	wrdreg $0x0  }
0xa8: {  	s5 =	sshll.u32 s28, $0x1;
	[dreg:$0x2] =	wrdreg s3  }
0xa9: {  	[dreg:$0x3] =	wrdreg s5  }
0xaa: {  	[dreg:$0x4] =	wrdreg $0xC0  }
0xab: {  	_ =	task [dreg:s7], $0x5FFFF  }
0xac: {  	[dreg:$0x1] =	wrdreg $0xFFFFFFFF  }
0xad: {  	[dreg:$0x0] =	wrdreg $0x60  }
0xae: {  	[dreg:$0x2] =	wrdreg s2  }
0xaf: {  	[dreg:$0x3] =	wrdreg s24  }
0xb0: {  	[dreg:$0x4] =	wrdreg $0xA5000  }
0xb1: {  	[dreg:$0x5] =	wrdreg $0x9  }
0xb2: {  	_ =	task.clear_ibuf [dreg:s7], $0x6FFFF;
	_ =	strace $0x90000052  }
0xb3: {  	s29 =	simm.s32 $0x9;
	_ =	strace $0x80000054  }
0xb4: {  	_ =	swait.ge [sflag:s29], $0x1  }
0xb5: {  	[sflag:s29] =	ssyncadd.s32 $0xFFFFFFFF  }
0xb6: {  	_ =	strace $0x90000054  }
0xb7: {  	_ =	sfence  }
0xb8: {  	s30 =	sld [smem:$0x0];
	_ =	sdelay $0x2  }
0xb9: {  	s31 =	sshll.u32 s1, $0xD;
	s1 =	sshrl.u32 s1, $0x2  }
0xba: {  	s3 =	sand.u32 $0x4000, s31;
	s1 =	sadd.s32 s1, s30  }
0xbb: {  	s0 =	sor.u32 s3, s0;
	s1 =	sshll.u32 s1, $0x11  }
0xbc: {  	s0 =	sor.u32 s1, s0  }
0xbd: {  	s0 =	sadd.s32 $0x8F2B, s0  }
0xbe: {  	[sflag:s0] =	ssyncadd.remote.s32 $0x1  }
0xbf: {  	_ =	sfence.sel $0xFFFF  }
0xc0: {  	[dreg:$0x0] =	wrdreg $0xFFFFFFFF;
	(pc) =	sbr.abs _section_cstart, $3  }
0xc1: {  	[dreg:$0x1] =	wrdreg $0xFFFFFFFF  }
0xc2: {  	_ =	task.clear_ibuf [dreg:s7], $0x2FFFF;
	_ =	strace $0x9FFFFFFF  }
0xc3: {  	(tm) =	ssettm $0x7FFFFFFF  }
tec
execute0_lowered:
.L_overlay_start_1:
0x0: {  	(tag) =	ssettag $0x1  }
0x1: {  	s1 =	rddreg [dreg:$0x0]  }
0x2: {  	s0 =	rddreg [dreg:$0x1]  }
0x3: {  	s2 =	rddreg [dreg:$0x2]  }
0x4: {  	s3 =	srdreg.scid;
	s4 =	simm.s32 $0x0;
	s11 =	stileid.u32  }
0x5: {  	s29 =	simm.s32 $0x180;
	s28 =	simm.s32 $0x40;
	s30 =	simm.s32 $0x2  }
0x6: {  	s14 =	simm.s32 $0x4500;
	s13 =	simm.s32 $0x5;
	s12 =	simm.s32 $0x480  }
0x7: {  	s3 =	sand.u32 $0x1, s3;
	[smem:$0x7FF] =	sst s4;
	s6 =	smul.u32 $0x14000, s11  }
0x8: {  	s7 =	sadd.s32 $0x4600, s0;
	s8 =	sadd.s32 $0x18A00, s0;
	s16 =	smul.u32 $0x50000, s11  }
0x9: {  	s9 =	sadd.s32 $0x22C00, s0;
	s10 =	smul.u32 $0xA, s11;
	s19 =	sshll.u32 s11, $0x6  }
0xa: {  	s5 =	smul.u32 $0x140000, s3;
	_ =	strace $0x80000053;
	[dreg:$0x5] =	wrdreg s9  }
0xb: {  	s15 =	ssub.s32 $0x2, s3;
	s9 =	smul.u32 $0x136, s11;
	p0 =	seq.s32 s3, $0x0  }
0xc: {  	s19 =	sor.u32 $0x1C0B, s19;
	s11 =	simm.s32 $0x2500;
	s17 =	sshrl.u32 s15, $0x1  }
0xd: {  	s18 =	sshrl.u32 s16, $0x2;
	s3 =	sadd.s32 $0x1360, s10;
	s10 =	simm.s32 $0x4  }
0xe: {  	[dreg:$0x6] =	wrdreg s19;
	s16 =	simm.s32 $0xA;
	s5 =	sadd.s32 s6, s5  }
0xf: {  	s6 =	sadd.s32 s18, s2;
	s3 =	smov.u32 @p0 s9;
	s9 =	simm.s32 $0x9B0  }
0x10: {  	s18 =	simm.s32 $0xB;
	s5 =	sshrl.u32 s5, $0x3;
	s9 =	simm.s32 @!p0 $0x50  }
0x11: {  	s3 =	sshll.u32 s3, $0x3;
	s0 =	sadd.s32 s5, s0;
	s5 =	ssub.s32 s15, s17  }
0x12: {  	[dreg:$0x4] =	wrdreg s9;
	s21 =	sadd.s32 s7, s3;
	s20 =	sor.u32 $0x8, s3  }
0x13: {  	s23 =	sadd.s32 s8, s3;
	s24 =	sadd.s32 $0x10, s3;
	s22 =	sadd.s32 s7, s20  }
0x14: {  	s3 =	sadd.s32 $0x18, s3;
	s9 =	sadd.s32 s8, s20;
	[dreg:$0x7] =	wrdreg s22  }
0x15: {  	s15 =	simm.s32 $0x6;
	s25 =	sadd.s32 s7, s24;
	[dreg:$0x8] =	wrdreg s9  }
0x16: {  	s17 =	simm.s32 $0x6500;
	s26 =	sadd.s32 s8, s24;
	[dreg:$0x9] =	wrdreg s25  }
0x17: {  	s7 =	sadd.s32 s7, s3;
	s3 =	sadd.s32 s8, s3;
	[dreg:$0xa] =	wrdreg s26  }
0x18: {  	s0 =	sadd.s32 $0x25400, s0;
	s31 =	smax.u32 s5, $0x1;
	[dreg:$0xb] =	wrdreg s7  }
0x19: {  	s8 =	sshrl.u32 s6, $0x3;
	s20 =	simm.s32 $0x280;
	[dreg:$0xc] =	wrdreg s3  }
0x1a: {  	s24 =	simm.s32 $0x80;
	s5 =	simm.s32 $0x380;
	[dreg:$0xd] =	wrdreg s0  }
0x1b: {  	s6 =	simm.s32 $0x0;
	[dreg:$0xe] =	wrdreg s31;
	s22 =	simm.s32 $0x300  }
0x1c: {  	s25 =	simm.s32 $0x100;
	s9 =	simm.s32 $0x400;
	s26 =	simm.s32 $0x1  }
0x1d: {  	s3 =	simm.s32 $0x500;
	s0 =	simm.s32 $0x3;
	[dreg:$0xf] =	wrdreg s8  }
.LBB2_1:
0x1e: {  	[dreg:$0x10] =	wrdreg s6  }
0x1f: {  	s7 =	rddreg [dreg:$0x5]  }
0x20: {  	[spmem:s8], [sflag:s19] =	dma.local [hbm:s7], $0x2800  }
0x21: {  	_ =	swait.ge [sflag:s18], $0x2800  }
0x22: {  	[sflag:s18] =	ssyncset.done $0x0  }
0x23: {  	[sflag:s18] =	ssyncadd.s32 $0xFFFFD800  }
0x24: {  	[bflag:$0x0] =	sbarrier.arrive $0xFFFF  }
0x25: {  	[tilespmem:s4], [sflag:$0x1] =	stream.linear.gather [hbm4b:s21+s4], $0x40, $0x38;
	[tilespmem:$0x1E500] =	vst v63  }
0x26: {  	_ = 	snop  }
0x27: {  	[tilespmem:s20], [sflag:$0x1] =	stream.linear.gather [hbm4b:s23+s4], $0x40, $0x38;
	[tilespmem:$0x1E500] =	vst v63  }
0x28: {  	s6 =	rddreg [dreg:$0x7]  }
0x29: {  	[tilespmem:s24], [sflag:$0x2] =	stream.linear.gather [hbm4b:s6+s4], $0x40, $0x38;
	[tilespmem:$0x1E500] =	vst v63  }
0x2a: {  	s8 =	rddreg [dreg:$0x8]  }
0x2b: {  	[tilespmem:s22], [sflag:$0x2] =	stream.linear.gather [hbm4b:s8+s4], $0x40, $0x38;
	[tilespmem:$0x1E500] =	vst v63  }
0x2c: {  	s19 =	rddreg [dreg:$0x9]  }
0x2d: {  	[tilespmem:s25], [sflag:$0x3] =	stream.linear.gather [hbm4b:s19+s4], $0x40, $0x38;
	[tilespmem:$0x1E500] =	vst v63  }
0x2e: {  	s20 =	rddreg [dreg:$0xa]  }
0x2f: {  	[tilespmem:s5], [sflag:$0x3] =	stream.linear.gather [hbm4b:s20+s4], $0x40, $0x38;
	[tilespmem:$0x1E500] =	vst v63  }
0x30: {  	s22 =	rddreg [dreg:$0xb]  }
0x31: {  	[tilespmem:s29], [sflag:$0x4] =	stream.linear.gather [hbm4b:s22+s4], $0x40, $0x38;
	[tilespmem:$0x1E500] =	vst v63  }
0x32: {  	s31 =	rddreg [dreg:$0xc]  }
0x33: {  	[tilespmem:s9], [sflag:$0x4] =	stream.linear.gather [hbm4b:s31+s4], $0x40, $0x38;
	[tilespmem:$0x1E500] =	vst v63  }
0x34: {  	_ =	swait.ge [sflag:s26], $0x40  }
0x35: {  	[sflag:s26] =	ssyncset.done $0x0  }
0x36: {  	[sflag:s26] =	ssyncadd.s32 $0xFFFFFFC0  }
0x37: {  	_ =	swait.ge [sflag:s26], $0x40  }
0x38: {  	[sflag:s26] =	ssyncset.done $0x0  }
0x39: {  	[sflag:s26] =	ssyncadd.s32 $0xFFFFFFC0  }
0x3a: {  	[tilespmem:s3], [sflag:$0x6] =	stream.indirect.gather [hbm4b:s1+s28], $0x80, s4, s28, $0xb8;
	[tilespmem:$0x1E500] =	vst v63  }
0x3b: {  	_ =	swait.ge [sflag:s30], $0x40  }
0x3c: {  	[sflag:s30] =	ssyncset.done $0x0  }
0x3d: {  	[sflag:s30] =	ssyncadd.s32 $0xFFFFFFC0  }
0x3e: {  	_ =	swait.ge [sflag:s30], $0x40  }
0x3f: {  	[sflag:s30] =	ssyncset.done $0x0  }
0x40: {  	[sflag:s30] =	ssyncadd.s32 $0xFFFFFFC0  }
0x41: {  	[tilespmem:s11], [sflag:$0x7] =	stream.indirect.gather [hbm4b:s1+s28], $0x80, s24, s28, $0xb8;
	[tilespmem:$0x1E500] =	vst v63  }
0x42: {  	_ =	swait.ge [sflag:s0], $0x40  }
0x43: {  	[sflag:s0] =	ssyncset.done $0x0  }
0x44: {  	[sflag:s0] =	ssyncadd.s32 $0xFFFFFFC0  }
0x45: {  	s7 =	simm.s32 $0x0;
	_ =	swait.ge [sflag:s0], $0x40  }
0x46: {  	s6 =	simm.s32 $0x200;
	s22 =	simm.s32 $0x7;
	[sflag:s0] =	ssyncset.done $0x0  }
0x47: {  	s29 =	simm.s32 $0x8;
	s11 =	simm.s32 $0x2500;
	[sflag:s0] =	ssyncadd.s32 $0xFFFFFFC0  }
0x48: {  	[tilespmem:s14], [sflag:$0x8] =	stream.indirect.gather [hbm4b:s1+s28], $0x80, s25, s28, $0xb8;
	[tilespmem:$0x1E500] =	vst v63  }
0x49: {  	s24 =	simm.s32 $0x9;
	s14 =	simm.s32 $0x4500;
	s25 =	simm.s32 $0x8500  }
.LBB2_2:
0x4a: {  	s8 =	sadd.s32 s7, s21  }
0x4b: {  	s19 =	sadd.s32 $0x20, s8  }
0x4c: {  	[tilespmem:s6], [sflag:$0x5] =	stream.linear.gather [hbm4b:s19+s4], $0x40, $0x38;
	[tilespmem:$0x1E500] =	vst v63  }
0x4d: {  	s19 =	sadd.s32 s7, s23  }
0x4e: {  	s3 =	sadd.s32 $0x20, s19  }
0x4f: {  	[tilespmem:s12], [sflag:$0x5] =	stream.linear.gather [hbm4b:s3+s4], $0x40, $0x38;
	[tilespmem:$0x1E500] =	vst v63  }
0x50: {  	_ =	swait.ge [sflag:s10], $0x40  }
0x51: {  	[sflag:s10] =	ssyncset.done $0x0  }
0x52: {  	[sflag:s10] =	ssyncadd.s32 $0xFFFFFFC0  }
0x53: {  	_ =	swait.ge [sflag:s10], $0x40  }
0x54: {  	[sflag:s10] =	ssyncset.done $0x0  }
0x55: {  	s9 =	simm.s32 $0x180;
	[sflag:s10] =	ssyncadd.s32 $0xFFFFFFC0  }
0x56: {  	[tilespmem:s17], [sflag:$0x9] =	stream.indirect.gather [hbm4b:s1+s28], $0x80, s9, s28, $0xb8;
	[tilespmem:$0x1E500] =	vst v63  }
0x57: {  	_ =	swait.ge [sflag:s15], $0x2000  }
0x58: {  	[sflag:s15] =	ssyncset.done $0x0  }
0x59: {  	s31 =	simm.s32 $0x500;
	s3 =	simm.s32 $0x280;
	[sflag:s15] =	ssyncadd.s32 $0xFFFFE000  }
0x5a: {  	[spmem:s2] =	stream.indirect.scatter.add.f32 [tilespmem:s31], [sflag:$0xB], $0x80, s3, s28, $0xb8;
	[tilespmem:$0x1E500] =	vst v63  }
0x5b: {  	_ =	swait.ge [sflag:s18], $0x2000  }
0x5c: {  	[sflag:s18] =	ssyncset.done $0x0  }
0x5d: {  	s5 =	sadd.s32 $0x28, s8;
	[sflag:s18] =	ssyncadd.s32 $0xFFFFE000  }
0x5e: {  	[tilespmem:s4], [sflag:$0x1] =	stream.linear.gather [hbm4b:s5+s4], $0x40, $0x38;
	[tilespmem:$0x1E500] =	vst v63  }
0x5f: {  	s5 =	sadd.s32 $0x28, s19  }
0x60: {  	[tilespmem:s3], [sflag:$0x1] =	stream.linear.gather [hbm4b:s5+s4], $0x40, $0x38;
	[tilespmem:$0x1E500] =	vst v63  }
0x61: {  	_ =	swait.ge [sflag:s13], $0x40  }
0x62: {  	[sflag:s13] =	ssyncset.done $0x0  }
0x63: {  	[sflag:s13] =	ssyncadd.s32 $0xFFFFFFC0  }
0x64: {  	_ =	swait.ge [sflag:s13], $0x40  }
0x65: {  	[sflag:s13] =	ssyncset.done $0x0  }
0x66: {  	[sflag:s13] =	ssyncadd.s32 $0xFFFFFFC0  }
0x67: {  	[tilespmem:s25], [sflag:$0xA] =	stream.indirect.gather [hbm4b:s1+s28], $0x80, s6, s28, $0xb8;
	[tilespmem:$0x1E500] =	vst v63  }
0x68: {  	_ =	swait.ge [sflag:s22], $0x2000  }
0x69: {  	[sflag:s22] =	ssyncset.done $0x0  }
0x6a: {  	s5 =	simm.s32 $0x300;
	[sflag:s22] =	ssyncadd.s32 $0xFFFFE000  }
0x6b: {  	[spmem:s2] =	stream.indirect.scatter.add.f32 [tilespmem:s11], [sflag:$0xB], $0x80, s5, s28, $0xb8;
	[tilespmem:$0x1E500] =	vst v63  }
0x6c: {  	_ =	swait.ge [sflag:s18], $0x2000  }
0x6d: {  	s20 =	smov.u32 s23;
	s23 =	smov.u32 s21;
	[sflag:s18] =	ssyncset.done $0x0  }
0x6e: {  	s21 =	sadd.s32 $0x30, s8;
	s3 =	simm.s32 $0x80;
	[sflag:s18] =	ssyncadd.s32 $0xFFFFE000  }
0x6f: {  	[tilespmem:s3], [sflag:$0x2] =	stream.linear.gather [hbm4b:s21+s4], $0x40, $0x38;
	[tilespmem:$0x1E500] =	vst v63  }
0x70: {  	s21 =	sadd.s32 $0x30, s19  }
0x71: {  	[tilespmem:s5], [sflag:$0x2] =	stream.linear.gather [hbm4b:s21+s4], $0x40, $0x38;
	[tilespmem:$0x1E500] =	vst v63  }
0x72: {  	_ =	swait.ge [sflag:s26], $0x40  }
0x73: {  	[sflag:s26] =	ssyncset.done $0x0  }
0x74: {  	[sflag:s26] =	ssyncadd.s32 $0xFFFFFFC0  }
0x75: {  	_ =	swait.ge [sflag:s26], $0x40  }
0x76: {  	[sflag:s26] =	ssyncset.done $0x0  }
0x77: {  	[sflag:s26] =	ssyncadd.s32 $0xFFFFFFC0  }
0x78: {  	[tilespmem:s31], [sflag:$0x6] =	stream.indirect.gather [hbm4b:s1+s28], $0x80, s4, s28, $0xb8;
	[tilespmem:$0x1E500] =	vst v63  }
0x79: {  	_ =	swait.ge [sflag:s29], $0x2000  }
0x7a: {  	[sflag:s29] =	ssyncset.done $0x0  }
0x7b: {  	s5 =	simm.s32 $0x380;
	[sflag:s29] =	ssyncadd.s32 $0xFFFFE000  }
0x7c: {  	[spmem:s2] =	stream.indirect.scatter.add.f32 [tilespmem:s14], [sflag:$0xB], $0x80, s5, s28, $0xb8;
	[tilespmem:$0x1E500] =	vst v63  }
0x7d: {  	_ =	swait.ge [sflag:s18], $0x2000  }
0x7e: {  	[sflag:s18] =	ssyncset.done $0x0  }
0x7f: {  	s21 =	sadd.s32 $0x38, s8;
	s31 =	simm.s32 $0x100;
	[sflag:s18] =	ssyncadd.s32 $0xFFFFE000  }
0x80: {  	[tilespmem:s31], [sflag:$0x3] =	stream.linear.gather [hbm4b:s21+s4], $0x40, $0x38;
	[tilespmem:$0x1E500] =	vst v63  }
0x81: {  	s21 =	sadd.s32 $0x38, s19  }
0x82: {  	[tilespmem:s5], [sflag:$0x3] =	stream.linear.gather [hbm4b:s21+s4], $0x40, $0x38;
	[tilespmem:$0x1E500] =	vst v63  }
0x83: {  	_ =	swait.ge [sflag:s30], $0x40  }
0x84: {  	[sflag:s30] =	ssyncset.done $0x0  }
0x85: {  	[sflag:s30] =	ssyncadd.s32 $0xFFFFFFC0  }
0x86: {  	_ =	swait.ge [sflag:s30], $0x40  }
0x87: {  	[sflag:s30] =	ssyncset.done $0x0  }
0x88: {  	[sflag:s30] =	ssyncadd.s32 $0xFFFFFFC0  }
0x89: {  	[tilespmem:s11], [sflag:$0x7] =	stream.indirect.gather [hbm4b:s1+s28], $0x80, s3, s28, $0xb8;
	[tilespmem:$0x1E500] =	vst v63  }
0x8a: {  	_ =	swait.ge [sflag:s24], $0x2000  }
0x8b: {  	[sflag:s24] =	ssyncset.done $0x0  }
0x8c: {  	s3 =	simm.s32 $0x400;
	[sflag:s24] =	ssyncadd.s32 $0xFFFFE000  }
0x8d: {  	[spmem:s2] =	stream.indirect.scatter.add.f32 [tilespmem:s17], [sflag:$0xB], $0x80, s3, s28, $0xb8;
	[tilespmem:$0x1E500] =	vst v63  }
0x8e: {  	_ =	swait.ge [sflag:s18], $0x2000  }
0x8f: {  	[sflag:s18] =	ssyncset.done $0x0  }
0x90: {  	s8 =	sadd.s32 $0x40, s8;
	[sflag:s18] =	ssyncadd.s32 $0xFFFFE000  }
0x91: {  	[tilespmem:s9], [sflag:$0x4] =	stream.linear.gather [hbm4b:s8+s4], $0x40, $0x38;
	[tilespmem:$0x1E500] =	vst v63  }
0x92: {  	s21 =	smov.u32 s23;
	s23 =	smov.u32 s20;
	s20 =	sadd.s32 $0x40, s19  }
0x93: {  	[tilespmem:s3], [sflag:$0x4] =	stream.linear.gather [hbm4b:s20+s4], $0x40, $0x38;
	[tilespmem:$0x1E500] =	vst v63  }
0x94: {  	_ =	swait.ge [sflag:s0], $0x40  }
0x95: {  	[sflag:s0] =	ssyncset.done $0x0  }
0x96: {  	[sflag:s0] =	ssyncadd.s32 $0xFFFFFFC0  }
0x97: {  	_ =	swait.ge [sflag:s0], $0x40  }
0x98: {  	[sflag:s0] =	ssyncset.done $0x0  }
0x99: {  	[sflag:s0] =	ssyncadd.s32 $0xFFFFFFC0  }
0x9a: {  	[tilespmem:s14], [sflag:$0x8] =	stream.indirect.gather [hbm4b:s1+s28], $0x80, s31, s28, $0xb8;
	[tilespmem:$0x1E500] =	vst v63  }
0x9b: {  	_ =	swait.ge [sflag:s16], $0x2000  }
0x9c: {  	[sflag:s16] =	ssyncset.done $0x0  }
0x9d: {  	[sflag:s16] =	ssyncadd.s32 $0xFFFFE000  }
0x9e: {  	[spmem:s2] =	stream.indirect.scatter.add.f32 [tilespmem:s25], [sflag:$0xB], $0x80, s12, s28, $0xb8;
	[tilespmem:$0x1E500] =	vst v63  }
0x9f: {  	_ =	swait.ge [sflag:s18], $0x2000  }
0xa0: {  	s7 =	sadd.s32 $0x28, s7;
	s31 =	rddreg [dreg:$0x4]  }
0xa1: {  	p0 =	sne.s32 s31, s7  }
.Ltmp0:
0xa2: {  	_ = 	snop;
	(pc) =	sbr.rel @p0 .LBB2_2-.Ltmp0, $3  }
0xa3: {  	_ =	sdelay $0x1  }
0xa4: {  	[sflag:s18] =	ssyncset.done $0x0  }
0xa5: {  	[sflag:s18] =	ssyncadd.s32 $0xFFFFE000  }
0xa6: {  	_ =	swait.ge [sflag:s10], $0x40  }
0xa7: {  	[sflag:s10] =	ssyncset.done $0x0  }
0xa8: {  	[sflag:s10] =	ssyncadd.s32 $0xFFFFFFC0  }
0xa9: {  	_ =	swait.ge [sflag:s10], $0x40  }
0xaa: {  	[sflag:s10] =	ssyncset.done $0x0  }
0xab: {  	[sflag:s10] =	ssyncadd.s32 $0xFFFFFFC0  }
0xac: {  	_ =	swait.ge [sflag:s15], $0x2000  }
0xad: {  	[sflag:s15] =	ssyncset.done $0x0  }
0xae: {  	[sflag:s15] =	ssyncadd.s32 $0xFFFFE000  }
0xaf: {  	_ =	swait.ge [sflag:s22], $0x2000  }
0xb0: {  	[sflag:s22] =	ssyncset.done $0x0  }
0xb1: {  	[sflag:s22] =	ssyncadd.s32 $0xFFFFE000  }
0xb2: {  	_ =	swait.ge [sflag:s29], $0x2000  }
0xb3: {  	[sflag:s29] =	ssyncset.done $0x0  }
0xb4: {  	[sflag:s29] =	ssyncadd.s32 $0xFFFFE000  }
0xb5: {  	[bflag:$0x0] =	sbarrier.arrive $0xFFFF  }
0xb6: {  	s19 =	rddreg [dreg:$0x6]  }
0xb7: {  	s7 =	rddreg [dreg:$0xd]  }
0xb8: {  	s8 =	rddreg [dreg:$0xf]  }
0xb9: {  	[hbm:s7], [sflag:s19] =	dma.local [spmem:s8], $0x2800  }
0xba: {  	_ =	swait.ge [sflag:s18], $0x2800  }
0xbb: {  	s6 =	rddreg [dreg:$0x10]  }
0xbc: {  	s31 =	rddreg [dreg:$0xe];
	s6 =	sadd.s32 $0x1, s6  }
0xbd: {  	p0 =	sne.s32 s6, s31  }
.Ltmp1:
0xbe: {  	_ = 	snop;
	(pc) =	sbr.rel @p0 .LBB2_1-.Ltmp1, $4  }
0xbf: {  	s20 =	simm.s32 $0x280;
	s24 =	simm.s32 $0x80;
	s25 =	simm.s32 $0x100  }
0xc0: {  	s5 =	simm.s32 $0x380;
	s9 =	simm.s32 $0x400;
	s3 =	simm.s32 $0x500  }
0xc1: {  	s11 =	simm.s32 $0x2500;
	s14 =	simm.s32 $0x4500;
	[sflag:s18] =	ssyncset.done $0x0  }
0xc2: {  	s22 =	simm.s32 $0x300;
	s29 =	simm.s32 $0x180;
	[sflag:s18] =	ssyncadd.s32 $0xFFFFD800  }
0xc3: {  	_ =	sfence.sel $0x180000  }
0xc4: {  	[bflag:$0x0] =	sbarrier.arrive $0xFFFF  }
0xc5: {  	_ =	strace $0x90000053  }
0xc6: {  	s0 =	stileid.u32;
	[bflag:$0x2] =	sbarrier.arrive $0xFFFF  }
0xc7: {  	p0 =	sne.s32 s0, $0x0;
	s0 =	rddreg [dreg:$0x3]  }
0xc8: {  	s0 =	sadd.s32 @!p0 $0x100000, s0  }
0xc9: {  	[sflag:s0] =	ssyncadd.tile.s32 @!p0 $0x1;
	_ =	shalt  }
.Lfunc_end2:
_tile_overlayer_lowered:
.L_overlay_start_2:
0xca: {  	(tag) =	ssettag $0x2  }
0xcb: {  	s0 =	rddreg [dreg:$0x0];
	s2 =	stileid.u32  }
0xcc: {  	s1 =	rddreg [dreg:$0x1];
	p0 =	sne.s32 s2, $0x0  }
0xcd: {  	s3 =	rddreg [dreg:$0x2];
	[bflag:$0x3] =	sbarrier.arrive $0xFFFF;
	s2 =	simm.s32 @!p0 $0x1C0B  }
0xce: {  	[timem:s3], [sflag:s2] =	dma.local @!p0 [hbm:s0], s1  }
0xcf: {  	s0 =	simm.s32 @!p0 $0xB  }
0xd0: {  	_ =	swait.ge @!p0 [sflag:s0], s1  }
0xd1: {  	s1 =	ssub.s32 @!p0 $0x0, s1;
	[sflag:s0] =	ssyncset.done @!p0 $0x0  }
0xd2: {  	[sflag:s0] =	ssyncadd.s32 @!p0 s1  }
0xd3: {  	[bflag:$0x3] =	sbarrier.arrive $0xFFFF  }
0xd4: {  	_ =	shalt  }

</sc_bundles>
